<compile_context>
chip_gen: v7x
topology: tpu7x:2x2x1
jax: 0.10.2.dev20260603
libtpu: 0.0.44.dev20260713+nightly
codegen_flags: <defaults>
</compile_context>

<pallas_src>
import functools

import jax
import jax.numpy as jnp
from jax import lax
from jax.experimental import pallas as pl
from jax.experimental.pallas import tpu as pltpu
from jax.experimental.pallas import tpu_sc as plsc

D = 128
G = 128
LANES = 16
NC = 2
NS = 16
NW = NC * NS
SEGS_PER_W = G // NW
TILE = 256
NBUF = 3
UNROLL = 4
STARTS_PAD = 144
NEG_INF = float("-inf")
NB = D // LANES
SB = STARTS_PAD // LANES


def _scan_boundaries(n_rows, batch_hbm, sid, idbuf, lstarts, shared, merged,
                     starts_v):
    chunk = n_rows // NS
    bufp = idbuf.shape[0]
    iota = lax.iota(jnp.int32, LANES)

    for b in range(SB):
        lstarts[pl.ds(b * LANES, LANES)] = jnp.full((LANES,), n_rows,
                                                    jnp.int32)
    lo_i = jnp.maximum(sid * chunk, 1)
    hi_i = (sid + 1) * chunk
    ab = jnp.minimum(((lo_i - 1) // 8) * 8, n_rows - bufp)
    pltpu.sync_copy(batch_hbm.at[pl.ds(ab, bufp)], idbuf)

    @pl.when(sid == 0)
    def _():
        v0 = idbuf[pl.ds(0, LANES)]
        plsc.store_scatter(lstarts, [v0], jnp.zeros((LANES,), jnp.int32),
                           mask=iota == 0)

    n_iter = -(-chunk // (2 * LANES))

    def scan_step(it, carry):
        for h in range(2):
            i0 = lo_i + (2 * it + h) * LANES
            li = i0 - ab
            v = idbuf[pl.ds(li, LANES)]
            vp = idbuf[pl.ds(li - 1, LANES)]
            changed = (v != vp) & (iota + i0 < hi_i)
            plsc.store_scatter(lstarts, [v], iota + i0, mask=changed)
        return carry

    lax.fori_loop(0, n_iter, scan_step, 0)

    pltpu.sync_copy(lstarts, shared.at[sid])
    plsc.subcore_barrier()
    pltpu.sync_copy(shared, merged)
    mins = [merged[0, pl.ds(b * LANES, LANES)] for b in range(SB)]
    for r in range(1, NS):
        for b in range(SB):
            mins[b] = jnp.minimum(mins[b], merged[r, pl.ds(b * LANES, LANES)])

    carry = jnp.int32(n_rows)
    for b in reversed(range(SB)):
        r = lax.rev(mins[b], (0,))
        sm = lax.rev(jnp.negative(plsc.cummax(jnp.negative(r))), (0,))
        sm = jnp.minimum(sm, carry)
        starts_v[pl.ds(b * LANES, LANES)] = sm
        carry = sm[0]


def _seg_max_body(n_rows, x_hbm, batch_hbm, out_hbm, idbuf, lstarts, shared,
                  merged, starts_v, buf0, buf1, buf2, arow, sem0, sem1, sem2):
    cid = lax.axis_index("c")
    sid = lax.axis_index("s")
    wid = sid * NC + cid

    _scan_boundaries(n_rows, batch_hbm, sid, idbuf, lstarts, shared, merged,
                     starts_v)

    bufs = (buf0, buf1, buf2)
    sems = (sem0, sem1, sem2)
    g0 = wid * SEGS_PER_W

    sv = [starts_v[pl.ds(g0 + k, LANES)][0] for k in range(SEGS_PER_W + 1)]
    lo_all = sv[0]
    nt = (sv[SEGS_PER_W] - lo_all + TILE - 1) // TILE

    def tbase_of(t):
        return jnp.minimum(lo_all + t * TILE, n_rows - TILE)

    for k in range(SEGS_PER_W):
        for j in range(NB):
            arow[k, pl.ds(j * LANES, LANES)] = jnp.full((LANES,), NEG_INF,
                                                        jnp.float32)

    for b in range(NBUF - 1):
        @pl.when(b < nt)
        def _():
            pltpu.async_copy(x_hbm.at[pl.ds(tbase_of(b), TILE)], bufs[b],
                             sems[b])

    def tile_step(parity, t):
        buf, sem = bufs[parity], sems[parity]
        pltpu.make_async_copy(
            x_hbm.at[pl.ds(tbase_of(t), TILE)], buf, sem).wait()

        nparity = (parity + NBUF - 1) % NBUF

        @pl.when(t + NBUF - 1 < nt)
        def _():
            pltpu.async_copy(
                x_hbm.at[pl.ds(tbase_of(t + NBUF - 1), TILE)],
                bufs[nparity], sems[nparity])

        tbase = tbase_of(t)
        neg = jnp.full((LANES,), NEG_INF, jnp.float32)

        def seg_body(k, carry):
            lo = jnp.maximum(
                starts_v[pl.ds(g0 + k, LANES)][0] - tbase, 0)
            hi = jnp.minimum(
                starts_v[pl.ds(g0 + k + 1, LANES)][0] - tbase, TILE)

            @pl.when(hi > lo)
            def _():
                acc = [arow[k, pl.ds(j * LANES, LANES)] for j in range(NB)]

                def rows(rr, acc):
                    out = list(acc)
                    for u in range(UNROLL):
                        i = rr * UNROLL + u
                        m = (i >= lo) & (i < hi)
                        for j in range(NB):
                            v = jnp.where(m, buf[i, pl.ds(j * LANES, LANES)],
                                          neg)
                            out[j] = jnp.maximum(out[j], v)
                    return out

                acc = lax.fori_loop(0, TILE // UNROLL, rows, acc)
                for j in range(NB):
                    arow[k, pl.ds(j * LANES, LANES)] = acc[j]

            return carry

        lax.fori_loop(0, SEGS_PER_W, seg_body, 0)

    def ring_body(p, carry):
        for b in range(NBUF):
            t = NBUF * p + b

            @pl.when(t < nt)
            def _():
                tile_step(b, t)
        return carry

    lax.fori_loop(0, (nt + NBUF - 1) // NBUF, ring_body, 0)
    for k in range(SEGS_PER_W):
        pltpu.sync_copy(arow.at[k], out_hbm.at[g0 + k])


@jax.jit
def kernel(x, batch):
    n_rows = x.shape[0]
    chunk = n_rows // NS
    bufp = ((chunk + 2 * LANES + 14) // 8) * 8
    mesh = plsc.VectorSubcoreMesh(core_axis_name="c", subcore_axis_name="s")
    return pl.kernel(
        functools.partial(_seg_max_body, n_rows),
        out_type=jax.ShapeDtypeStruct((G, D), jnp.float32),
        mesh=mesh,
        compiler_params=pltpu.CompilerParams(
            use_tc_tiling_on_sc=False, needs_layout_passes=False),
        scratch_types=[
            pltpu.VMEM((bufp,), jnp.int32),
            pltpu.VMEM((STARTS_PAD,), jnp.int32),
            pltpu.VMEM_SHARED((NS, STARTS_PAD), jnp.int32),
            pltpu.VMEM((NS, STARTS_PAD), jnp.int32),
            pltpu.VMEM((STARTS_PAD,), jnp.int32),
            pltpu.VMEM((TILE, D), jnp.float32),
            pltpu.VMEM((TILE, D), jnp.float32),
            pltpu.VMEM((TILE, D), jnp.float32),
            pltpu.VMEM((SEGS_PER_W, D), jnp.float32),
            pltpu.SemaphoreType.DMA,
            pltpu.SemaphoreType.DMA,
            pltpu.SemaphoreType.DMA,
        ],
    )(x, batch)

# --- scband reference (transcript-rebuilt; emitter-appended) ---
"""Pipeline reference for scband-max-read-out-81527069212752 (READ-ONLY COPY).

The authoritative reference and input builder live on the scoring server;
editing this copy changes nothing except your own understanding.
"""

import jax, jax.numpy as jnp
import numpy as np

N = 100000
D = 128
NUM_GRAPHS = 128

def setup_inputs(seed: int = 0) -> dict:
    key = jax.random.key(seed)
    k1, k2 = jax.random.split(key)
    x = jax.random.normal(k1, (N, D), dtype=jnp.float32)
    batch = jnp.sort(jax.random.randint(k2, (N,), 0, NUM_GRAPHS, dtype=jnp.int32))
    return {"x": x, "batch": batch}

def reference(x, batch):
    # global_max_pool: segment-wise max over nodes grouped by graph id
    return jax.ops.segment_max(x, batch, num_segments=NUM_GRAPHS)

if __name__ == "__main__":
    import jax
    _d = setup_inputs()
    print(jax.jit(kernel)(*tuple(_d.values())))

</pallas_src>

<mosaic_0001>
#map = affine_map<(d0, d1) -> (0, 0)>
#map1 = affine_map<(d0, d1) -> (0)>
module attributes {stable_mosaic.version = 14 : i64} {
  func.func @_seg_max_body(%arg0: i32, %arg1: i32, %arg2: memref<100000x128xf32, #tpu.memory_space<hbm>>, %arg3: memref<100000xi32, #tpu.memory_space<hbm>>, %arg4: memref<128x128xf32, #tpu.memory_space<hbm>>, %arg5: memref<6296xi32, #tpu.memory_space<vmem>>, %arg6: memref<144xi32, #tpu.memory_space<vmem>>, %arg7: memref<16x144xi32, #tpu.memory_space<vmem_shared>>, %arg8: memref<16x144xi32, #tpu.memory_space<vmem>>, %arg9: memref<144xi32, #tpu.memory_space<vmem>>, %arg10: memref<256x128xf32, #tpu.memory_space<vmem>>, %arg11: memref<256x128xf32, #tpu.memory_space<vmem>>, %arg12: memref<256x128xf32, #tpu.memory_space<vmem>>, %arg13: memref<4x128xf32, #tpu.memory_space<vmem>>, %arg14: memref<!tpu.dma_semaphore, #tpu.memory_space<semaphore_mem>>, %arg15: memref<!tpu.dma_semaphore, #tpu.memory_space<semaphore_mem>>, %arg16: memref<!tpu.dma_semaphore, #tpu.memory_space<semaphore_mem>>) attributes {dimension_semantics = [#tpu.dimension_semantics<core_parallel>, #tpu.dimension_semantics<subcore_parallel>], iteration_bounds = array<i64: 2, 16>, scalar_prefetch = 0 : i64, scratch_operands = 12 : i64, tpu.core_type = #tpu.core_type<sc_vector_subcore>, window_params = [{transform_indices = #map}, {transform_indices = #map1}, {transform_indices = #map}]} {
    %mul3A = arith.constant 2 : i32
    %mul3A_0 = arith.muli %arg1, %mul3A : i32
    %add3A = arith.addi %mul3A_0, %arg0 : i32
    %iota3A = tpu.iota {dimensions = array<i32: 0>} : vector<16xi32>
    %broadcast_in_dim3A = arith.constant 100000 : i32
    %broadcast_in_dim3A_1 = vector.broadcast %broadcast_in_dim3A : i32 to vector<16xi32>
    %swap3A = arith.constant 0 : index
    %swap3A_2 = tpu.vector_load %arg6[%swap3A] {strides = array<i32>} : memref<144xi32, #tpu.memory_space<vmem>>, vector<16xi32>,
    tpu.vector_store %arg6[%swap3A], %broadcast_in_dim3A_1 {strides = array<i32>} : memref<144xi32, #tpu.memory_space<vmem>>, vector<16xi32>,
    %broadcast_in_dim3A_3 = arith.constant 100000 : i32
    %broadcast_in_dim3A_4 = vector.broadcast %broadcast_in_dim3A_3 : i32 to vector<16xi32>
    %swap3A_5 = arith.constant 16 : index
    %swap3A_6 = tpu.vector_load %arg6[%swap3A_5] {strides = array<i32>} : memref<144xi32, #tpu.memory_space<vmem>>, vector<16xi32>,
    tpu.vector_store %arg6[%swap3A_5], %broadcast_in_dim3A_4 {strides = array<i32>} : memref<144xi32, #tpu.memory_space<vmem>>, vector<16xi32>,
    %broadcast_in_dim3A_7 = arith.constant 100000 : i32
    %broadcast_in_dim3A_8 = vector.broadcast %broadcast_in_dim3A_7 : i32 to vector<16xi32>
    %swap3A_9 = arith.constant 32 : index
    %swap3A_10 = tpu.vector_load %arg6[%swap3A_9] {strides = array<i32>} : memref<144xi32, #tpu.memory_space<vmem>>, vector<16xi32>,
    tpu.vector_store %arg6[%swap3A_9], %broadcast_in_dim3A_8 {strides = array<i32>} : memref<144xi32, #tpu.memory_space<vmem>>, vector<16xi32>,
    %broadcast_in_dim3A_11 = arith.constant 100000 : i32
    %broadcast_in_dim3A_12 = vector.broadcast %broadcast_in_dim3A_11 : i32 to vector<16xi32>
    %swap3A_13 = arith.constant 48 : index
    %swap3A_14 = tpu.vector_load %arg6[%swap3A_13] {strides = array<i32>} : memref<144xi32, #tpu.memory_space<vmem>>, vector<16xi32>,
    tpu.vector_store %arg6[%swap3A_13], %broadcast_in_dim3A_12 {strides = array<i32>} : memref<144xi32, #tpu.memory_space<vmem>>, vector<16xi32>,
    %broadcast_in_dim3A_15 = arith.constant 100000 : i32
    %broadcast_in_dim3A_16 = vector.broadcast %broadcast_in_dim3A_15 : i32 to vector<16xi32>
    %swap3A_17 = arith.constant 64 : index
    %swap3A_18 = tpu.vector_load %arg6[%swap3A_17] {strides = array<i32>} : memref<144xi32, #tpu.memory_space<vmem>>, vector<16xi32>,
    tpu.vector_store %arg6[%swap3A_17], %broadcast_in_dim3A_16 {strides = array<i32>} : memref<144xi32, #tpu.memory_space<vmem>>, vector<16xi32>,
    %broadcast_in_dim3A_19 = arith.constant 100000 : i32
    %broadcast_in_dim3A_20 = vector.broadcast %broadcast_in_dim3A_19 : i32 to vector<16xi32>
    %swap3A_21 = arith.constant 80 : index
    %swap3A_22 = tpu.vector_load %arg6[%swap3A_21] {strides = array<i32>} : memref<144xi32, #tpu.memory_space<vmem>>, vector<16xi32>,
    tpu.vector_store %arg6[%swap3A_21], %broadcast_in_dim3A_20 {strides = array<i32>} : memref<144xi32, #tpu.memory_space<vmem>>, vector<16xi32>,
    %broadcast_in_dim3A_23 = arith.constant 100000 : i32
    %broadcast_in_dim3A_24 = vector.broadcast %broadcast_in_dim3A_23 : i32 to vector<16xi32>
    %swap3A_25 = arith.constant 96 : index
    %swap3A_26 = tpu.vector_load %arg6[%swap3A_25] {strides = array<i32>} : memref<144xi32, #tpu.memory_space<vmem>>, vector<16xi32>,
    tpu.vector_store %arg6[%swap3A_25], %broadcast_in_dim3A_24 {strides = array<i32>} : memref<144xi32, #tpu.memory_space<vmem>>, vector<16xi32>,
    %broadcast_in_dim3A_27 = arith.constant 100000 : i32
    %broadcast_in_dim3A_28 = vector.broadcast %broadcast_in_dim3A_27 : i32 to vector<16xi32>
    %swap3A_29 = arith.constant 112 : index
    %swap3A_30 = tpu.vector_load %arg6[%swap3A_29] {strides = array<i32>} : memref<144xi32, #tpu.memory_space<vmem>>, vector<16xi32>,
    tpu.vector_store %arg6[%swap3A_29], %broadcast_in_dim3A_28 {strides = array<i32>} : memref<144xi32, #tpu.memory_space<vmem>>, vector<16xi32>,
    %broadcast_in_dim3A_31 = arith.constant 100000 : i32
    %broadcast_in_dim3A_32 = vector.broadcast %broadcast_in_dim3A_31 : i32 to vector<16xi32>
    %swap3A_33 = arith.constant 128 : index
    %swap3A_34 = tpu.vector_load %arg6[%swap3A_33] {strides = array<i32>} : memref<144xi32, #tpu.memory_space<vmem>>, vector<16xi32>,
    tpu.vector_store %arg6[%swap3A_33], %broadcast_in_dim3A_32 {strides = array<i32>} : memref<144xi32, #tpu.memory_space<vmem>>, vector<16xi32>,
    %mul3A_35 = arith.constant 6250 : i32
    %mul3A_36 = arith.muli %arg1, %mul3A_35 : i32
    %max3A = arith.constant 1 : i32
    %max3A_37 = arith.maxsi %mul3A_36, %max3A : i32
    %add3A_38 = arith.constant 1 : i32
    %add3A_39 = arith.addi %arg1, %add3A_38 : i32
    %mul3A_40 = arith.constant 6250 : i32
    %mul3A_41 = arith.muli %add3A_39, %mul3A_40 : i32
    %sub3A = arith.constant 1 : i32
    %sub3A_42 = arith.subi %max3A_37, %sub3A : i32
    %jit3A = arith.constant 8 : i32
    %div3A = arith.divsi %sub3A_42, %jit3A : i32
    %sign3A = arith.constant 0 : i32
    %sign3A_43 = arith.cmpi sgt, %sub3A_42, %sign3A : i32
    %sign3A_44 = arith.extui %sign3A_43 : i1 to i32
    %sign3A_45 = arith.constant 0 : i32
    %sign3A_46 = arith.cmpi slt, %sub3A_42, %sign3A_45 : i32
    %sign3A_47 = arith.extui %sign3A_46 : i1 to i32
    %sign3A_48 = arith.subi %sign3A_44, %sign3A_47 : i32
    %sign3A_49 = arith.constant 0 : i32
    %sign3A_50 = arith.cmpi sgt, %jit3A, %sign3A_49 : i32
    %sign3A_51 = arith.extui %sign3A_50 : i1 to i32
    %sign3A_52 = arith.constant 0 : i32
    %sign3A_53 = arith.cmpi slt, %jit3A, %sign3A_52 : i32
    %sign3A_54 = arith.extui %sign3A_53 : i1 to i32
    %sign3A_55 = arith.subi %sign3A_51, %sign3A_54 : i32
    %ne3A = arith.cmpi ne, %sign3A_48, %sign3A_55 : i32
    %rem3A = arith.remsi %sub3A_42, %jit3A : i32
    %ne3A_56 = arith.constant 0 : i32
    %ne3A_57 = arith.cmpi ne, %rem3A, %ne3A_56 : i32
    %and3A = arith.andi %ne3A, %ne3A_57 : i1
    %sub3A_58 = arith.constant 1 : i32
    %sub3A_59 = arith.subi %div3A, %sub3A_58 : i32
    %select_n3A = arith.select %and3A, %sub3A_59, %div3A : i32
    %mul3A_60 = arith.constant 8 : i32
    %mul3A_61 = arith.muli %select_n3A, %mul3A_60 : i32
    %min3A = arith.constant 93704 : i32
    %min3A_62 = arith.minsi %mul3A_61, %min3A : i32
    "tpu.region"() ({
      %run_scoped3A_1347 = tpu.sem_alloc : memref<!tpu.dma_semaphore, #tpu.memory_space<semaphore_mem>>
      %dma_start3A = tpu.memref_slice %arg3[%min3A_62] : memref<100000xi32, #tpu.memory_space<hbm>> -> memref<6296xi32, #tpu.memory_space<hbm>>
      %dma_start3A_1348 = tpu.memref_slice %arg3[%min3A_62] : memref<100000xi32, #tpu.memory_space<hbm>> -> memref<6296xi32, #tpu.memory_space<hbm>>
      tpu.enqueue_dma source(%dma_start3A_1348 : memref<6296xi32, #tpu.memory_space<hbm>>) target(%arg5 : memref<6296xi32, #tpu.memory_space<vmem>>) target_semaphore(%run_scoped3A_1347 : memref<!tpu.dma_semaphore, #tpu.memory_space<semaphore_mem>>)
      %dma_wait3A = tpu.memref_slice %arg3[%min3A_62] : memref<100000xi32, #tpu.memory_space<hbm>> -> memref<6296xi32, #tpu.memory_space<hbm>>
      %dma_wait3A_1349 = tpu.memref_slice %arg3[%min3A_62] : memref<100000xi32, #tpu.memory_space<hbm>> -> memref<6296xi32, #tpu.memory_space<hbm>>
      tpu.wait_dma2 semaphore(%run_scoped3A_1347 : memref<!tpu.dma_semaphore, #tpu.memory_space<semaphore_mem>>) src(%dma_wait3A_1349 : memref<6296xi32, #tpu.memory_space<hbm>>) dst(%arg5 : memref<6296xi32, #tpu.memory_space<vmem>>)
      tpu.yield
    }) : () -> ()
    %eq3A = arith.constant 0 : i32
    %eq3A_63 = arith.cmpi eq, %arg1, %eq3A : i32
    %convert_element_type3A = arith.extui %eq3A_63 : i1 to i32
    %cond3A = arith.constant 0 : i32
    %cond3A_64 = arith.cmpi ne, %convert_element_type3A, %cond3A : i32
    scf.if %cond3A_64 {
      %get3A_1347 = arith.constant 0 : index
      %get3A_1348 = tpu.vector_load %arg5[%get3A_1347] {strides = array<i32>} : memref<6296xi32, #tpu.memory_space<vmem>>, vector<16xi32>,
      %broadcast_in_dim3A_1349 = arith.constant 0 : i32
      %broadcast_in_dim3A_1350 = vector.broadcast %broadcast_in_dim3A_1349 : i32 to vector<16xi32>
      %eq3A_1351 = arith.constant 0 : i32
      %eq3A_1352 = vector.broadcast %eq3A_1351 : i32 to vector<16xi32>
      %eq3A_1353 = arith.cmpi eq, %iota3A, %eq3A_1352 : vector<16xi32>
      tpu.vector_store_idx %arg6[%get3A_1348], %broadcast_in_dim3A_1350 masked %eq3A_1353 : memref<144xi32, #tpu.memory_space<vmem>>[vector<16xi32>], vector<16xi32>, vector<16xi1>
    } else {
    }
    %scan3A = arith.constant 0 : i32
    %scan3A_65 = arith.constant 0 : i32
    %scan3A_66 = arith.constant 196 : i32
    %scan3A_67 = arith.addi %scan3A_65, %scan3A_66 : i32
    %scan3A_68 = arith.constant 1 : i32
    scf.for %scan3A_1347 = %scan3A_65 to %scan3A_67 step %scan3A_68  : i32 {
      %mul3A_1348 = arith.constant 2 : i32
      %mul3A_1349 = arith.muli %mul3A_1348, %scan3A_1347 : i32
      %add3A_1350 = arith.constant 0 : i32
      %add3A_1351 = arith.addi %mul3A_1349, %add3A_1350 : i32
      %mul3A_1352 = arith.constant 16 : i32
      %mul3A_1353 = arith.muli %add3A_1351, %mul3A_1352 : i32
      %add3A_1354 = arith.addi %max3A_37, %mul3A_1353 : i32
      %sub3A_1355 = arith.subi %add3A_1354, %min3A_62 : i32
      %get3A_1356 = arith.index_cast %sub3A_1355 : i32 to index
      %get3A_1357 = tpu.vector_load %arg5[%get3A_1356] {strides = array<i32>} : memref<6296xi32, #tpu.memory_space<vmem>>, vector<16xi32>,
      %sub3A_1358 = arith.constant 1 : i32
      %sub3A_1359 = arith.subi %sub3A_1355, %sub3A_1358 : i32
      %get3A_1360 = arith.index_cast %sub3A_1359 : i32 to index
      %get3A_1361 = tpu.vector_load %arg5[%get3A_1360] {strides = array<i32>} : memref<6296xi32, #tpu.memory_space<vmem>>, vector<16xi32>,
      %ne3A_1362 = arith.cmpi ne, %get3A_1357, %get3A_1361 : vector<16xi32>
      %add3A_1363 = vector.broadcast %add3A_1354 : i32 to vector<16xi32>
      %add3A_1364 = arith.addi %iota3A, %add3A_1363 : vector<16xi32>
      %lt3A = vector.broadcast %mul3A_41 : i32 to vector<16xi32>
      %lt3A_1365 = arith.cmpi slt, %add3A_1364, %lt3A : vector<16xi32>
      %and3A_1366 = arith.andi %ne3A_1362, %lt3A_1365 : vector<16xi1>
      %add3A_1367 = vector.broadcast %add3A_1354 : i32 to vector<16xi32>
      %add3A_1368 = arith.addi %iota3A, %add3A_1367 : vector<16xi32>
      tpu.vector_store_idx %arg6[%get3A_1357], %add3A_1368 masked %and3A_1366 : memref<144xi32, #tpu.memory_space<vmem>>[vector<16xi32>], vector<16xi32>, vector<16xi1>
      %mul3A_1369 = arith.constant 2 : i32
      %mul3A_1370 = arith.muli %mul3A_1369, %scan3A_1347 : i32
      %add3A_1371 = arith.constant 1 : i32
      %add3A_1372 = arith.addi %mul3A_1370, %add3A_1371 : i32
      %mul3A_1373 = arith.constant 16 : i32
      %mul3A_1374 = arith.muli %add3A_1372, %mul3A_1373 : i32
      %add3A_1375 = arith.addi %max3A_37, %mul3A_1374 : i32
      %sub3A_1376 = arith.subi %add3A_1375, %min3A_62 : i32
      %get3A_1377 = arith.index_cast %sub3A_1376 : i32 to index
      %get3A_1378 = tpu.vector_load %arg5[%get3A_1377] {strides = array<i32>} : memref<6296xi32, #tpu.memory_space<vmem>>, vector<16xi32>,
      %sub3A_1379 = arith.constant 1 : i32
      %sub3A_1380 = arith.subi %sub3A_1376, %sub3A_1379 : i32
      %get3A_1381 = arith.index_cast %sub3A_1380 : i32 to index
      %get3A_1382 = tpu.vector_load %arg5[%get3A_1381] {strides = array<i32>} : memref<6296xi32, #tpu.memory_space<vmem>>, vector<16xi32>,
      %ne3A_1383 = arith.cmpi ne, %get3A_1378, %get3A_1382 : vector<16xi32>
      %add3A_1384 = vector.broadcast %add3A_1375 : i32 to vector<16xi32>
      %add3A_1385 = arith.addi %iota3A, %add3A_1384 : vector<16xi32>
      %lt3A_1386 = vector.broadcast %mul3A_41 : i32 to vector<16xi32>
      %lt3A_1387 = arith.cmpi slt, %add3A_1385, %lt3A_1386 : vector<16xi32>
      %and3A_1388 = arith.andi %ne3A_1383, %lt3A_1387 : vector<16xi1>
      %add3A_1389 = vector.broadcast %add3A_1375 : i32 to vector<16xi32>
      %add3A_1390 = arith.addi %iota3A, %add3A_1389 : vector<16xi32>
      tpu.vector_store_idx %arg6[%get3A_1378], %add3A_1390 masked %and3A_1388 : memref<144xi32, #tpu.memory_space<vmem>>[vector<16xi32>], vector<16xi32>, vector<16xi1>
    }
    %scan3A_69 = arith.constant 196 : i32
    "tpu.region"() ({
      %run_scoped3A_1347 = tpu.sem_alloc : memref<!tpu.dma_semaphore, #tpu.memory_space<semaphore_mem>>
      %dma_start3A = arith.constant 0 : i32
      %dma_start3A_1348 = tpu.memref_slice %arg7[%arg1, %dma_start3A] : memref<16x144xi32, #tpu.memory_space<vmem_shared>> -> memref<1x144xi32, #tpu.memory_space<vmem_shared>>
      %dma_start3A_1349 = tpu.memref_squeeze %dma_start3A_1348 : memref<1x144xi32, #tpu.memory_space<vmem_shared>> -> memref<144xi32, #tpu.memory_space<vmem_shared>>
      %dma_start3A_1350 = arith.constant 0 : i32
      %dma_start3A_1351 = tpu.memref_slice %arg7[%arg1, %dma_start3A_1350] : memref<16x144xi32, #tpu.memory_space<vmem_shared>> -> memref<1x144xi32, #tpu.memory_space<vmem_shared>>
      %dma_start3A_1352 = tpu.memref_squeeze %dma_start3A_1351 : memref<1x144xi32, #tpu.memory_space<vmem_shared>> -> memref<144xi32, #tpu.memory_space<vmem_shared>>
      tpu.enqueue_dma source(%arg6 : memref<144xi32, #tpu.memory_space<vmem>>) target(%dma_start3A_1352 : memref<144xi32, #tpu.memory_space<vmem_shared>>) target_semaphore(%run_scoped3A_1347 : memref<!tpu.dma_semaphore, #tpu.memory_space<semaphore_mem>>)
      %dma_wait3A = arith.constant 0 : i32
      %dma_wait3A_1353 = tpu.memref_slice %arg7[%arg1, %dma_wait3A] : memref<16x144xi32, #tpu.memory_space<vmem_shared>> -> memref<1x144xi32, #tpu.memory_space<vmem_shared>>
      %dma_wait3A_1354 = tpu.memref_squeeze %dma_wait3A_1353 : memref<1x144xi32, #tpu.memory_space<vmem_shared>> -> memref<144xi32, #tpu.memory_space<vmem_shared>>
      %dma_wait3A_1355 = arith.constant 0 : i32
      %dma_wait3A_1356 = tpu.memref_slice %arg7[%arg1, %dma_wait3A_1355] : memref<16x144xi32, #tpu.memory_space<vmem_shared>> -> memref<1x144xi32, #tpu.memory_space<vmem_shared>>
      %dma_wait3A_1357 = tpu.memref_squeeze %dma_wait3A_1356 : memref<1x144xi32, #tpu.memory_space<vmem_shared>> -> memref<144xi32, #tpu.memory_space<vmem_shared>>
      tpu.wait_dma2 semaphore(%run_scoped3A_1347 : memref<!tpu.dma_semaphore, #tpu.memory_space<semaphore_mem>>) src(%arg6 : memref<144xi32, #tpu.memory_space<vmem>>) dst(%dma_wait3A_1357 : memref<144xi32, #tpu.memory_space<vmem_shared>>)
      tpu.yield
    }) : () -> ()
    %barrier3A = arith.constant 0 : index
    tpu.barrier barrier_id(%barrier3A)
    "tpu.region"() ({
      %run_scoped3A_1347 = tpu.sem_alloc : memref<!tpu.dma_semaphore, #tpu.memory_space<semaphore_mem>>
      tpu.enqueue_dma source(%arg7 : memref<16x144xi32, #tpu.memory_space<vmem_shared>>) target(%arg8 : memref<16x144xi32, #tpu.memory_space<vmem>>) target_semaphore(%run_scoped3A_1347 : memref<!tpu.dma_semaphore, #tpu.memory_space<semaphore_mem>>)
      tpu.wait_dma2 semaphore(%run_scoped3A_1347 : memref<!tpu.dma_semaphore, #tpu.memory_space<semaphore_mem>>) src(%arg7 : memref<16x144xi32, #tpu.memory_space<vmem_shared>>) dst(%arg8 : memref<16x144xi32, #tpu.memory_space<vmem>>)
      tpu.yield
    }) : () -> ()
    %get3A = arith.constant 0 : i32
    %get3A_70 = arith.index_cast %get3A : i32 to index
    %get3A_71 = arith.constant 0 : index
    %get3A_72 = tpu.vector_load %arg8[%get3A_70, %get3A_71] {strides = array<i32>} : memref<16x144xi32, #tpu.memory_space<vmem>>, vector<16xi32>,
    %get3A_73 = arith.constant 0 : i32
    %get3A_74 = arith.index_cast %get3A_73 : i32 to index
    %get3A_75 = arith.constant 16 : index
    %get3A_76 = tpu.vector_load %arg8[%get3A_74, %get3A_75] {strides = array<i32>} : memref<16x144xi32, #tpu.memory_space<vmem>>, vector<16xi32>,
    %get3A_77 = arith.constant 0 : i32
    %get3A_78 = arith.index_cast %get3A_77 : i32 to index
    %get3A_79 = arith.constant 32 : index
    %get3A_80 = tpu.vector_load %arg8[%get3A_78, %get3A_79] {strides = array<i32>} : memref<16x144xi32, #tpu.memory_space<vmem>>, vector<16xi32>,
    %get3A_81 = arith.constant 0 : i32
    %get3A_82 = arith.index_cast %get3A_81 : i32 to index
    %get3A_83 = arith.constant 48 : index
    %get3A_84 = tpu.vector_load %arg8[%get3A_82, %get3A_83] {strides = array<i32>} : memref<16x144xi32, #tpu.memory_space<vmem>>, vector<16xi32>,
    %get3A_85 = arith.constant 0 : i32
    %get3A_86 = arith.index_cast %get3A_85 : i32 to index
    %get3A_87 = arith.constant 64 : index
    %get3A_88 = tpu.vector_load %arg8[%get3A_86, %get3A_87] {strides = array<i32>} : memref<16x144xi32, #tpu.memory_space<vmem>>, vector<16xi32>,
    %get3A_89 = arith.constant 0 : i32
    %get3A_90 = arith.index_cast %get3A_89 : i32 to index
    %get3A_91 = arith.constant 80 : index
    %get3A_92 = tpu.vector_load %arg8[%get3A_90, %get3A_91] {strides = array<i32>} : memref<16x144xi32, #tpu.memory_space<vmem>>, vector<16xi32>,
    %get3A_93 = arith.constant 0 : i32
    %get3A_94 = arith.index_cast %get3A_93 : i32 to index
    %get3A_95 = arith.constant 96 : index
    %get3A_96 = tpu.vector_load %arg8[%get3A_94, %get3A_95] {strides = array<i32>} : memref<16x144xi32, #tpu.memory_space<vmem>>, vector<16xi32>,
    %get3A_97 = arith.constant 0 : i32
    %get3A_98 = arith.index_cast %get3A_97 : i32 to index
    %get3A_99 = arith.constant 112 : index
    %get3A_100 = tpu.vector_load %arg8[%get3A_98, %get3A_99] {strides = array<i32>} : memref<16x144xi32, #tpu.memory_space<vmem>>, vector<16xi32>,
    %get3A_101 = arith.constant 0 : i32
    %get3A_102 = arith.index_cast %get3A_101 : i32 to index
    %get3A_103 = arith.constant 128 : index
    %get3A_104 = tpu.vector_load %arg8[%get3A_102, %get3A_103] {strides = array<i32>} : memref<16x144xi32, #tpu.memory_space<vmem>>, vector<16xi32>,
    %get3A_105 = arith.constant 1 : i32
    %get3A_106 = arith.index_cast %get3A_105 : i32 to index
    %get3A_107 = arith.constant 0 : index
    %get3A_108 = tpu.vector_load %arg8[%get3A_106, %get3A_107] {strides = array<i32>} : memref<16x144xi32, #tpu.memory_space<vmem>>, vector<16xi32>,
    %min3A_109 = arith.minsi %get3A_72, %get3A_108 : vector<16xi32>
    %get3A_110 = arith.constant 1 : i32
    %get3A_111 = arith.index_cast %get3A_110 : i32 to index
    %get3A_112 = arith.constant 16 : index
    %get3A_113 = tpu.vector_load %arg8[%get3A_111, %get3A_112] {strides = array<i32>} : memref<16x144xi32, #tpu.memory_space<vmem>>, vector<16xi32>,
    %min3A_114 = arith.minsi %get3A_76, %get3A_113 : vector<16xi32>
    %get3A_115 = arith.constant 1 : i32
    %get3A_116 = arith.index_cast %get3A_115 : i32 to index
    %get3A_117 = arith.constant 32 : index
    %get3A_118 = tpu.vector_load %arg8[%get3A_116, %get3A_117] {strides = array<i32>} : memref<16x144xi32, #tpu.memory_space<vmem>>, vector<16xi32>,
    %min3A_119 = arith.minsi %get3A_80, %get3A_118 : vector<16xi32>
    %get3A_120 = arith.constant 1 : i32
    %get3A_121 = arith.index_cast %get3A_120 : i32 to index
    %get3A_122 = arith.constant 48 : index
    %get3A_123 = tpu.vector_load %arg8[%get3A_121, %get3A_122] {strides = array<i32>} : memref<16x144xi32, #tpu.memory_space<vmem>>, vector<16xi32>,
    %min3A_124 = arith.minsi %get3A_84, %get3A_123 : vector<16xi32>
    %get3A_125 = arith.constant 1 : i32
    %get3A_126 = arith.index_cast %get3A_125 : i32 to index
    %get3A_127 = arith.constant 64 : index
    %get3A_128 = tpu.vector_load %arg8[%get3A_126, %get3A_127] {strides = array<i32>} : memref<16x144xi32, #tpu.memory_space<vmem>>, vector<16xi32>,
    %min3A_129 = arith.minsi %get3A_88, %get3A_128 : vector<16xi32>
    %get3A_130 = arith.constant 1 : i32
    %get3A_131 = arith.index_cast %get3A_130 : i32 to index
    %get3A_132 = arith.constant 80 : index
    %get3A_133 = tpu.vector_load %arg8[%get3A_131, %get3A_132] {strides = array<i32>} : memref<16x144xi32, #tpu.memory_space<vmem>>, vector<16xi32>,
    %min3A_134 = arith.minsi %get3A_92, %get3A_133 : vector<16xi32>
    %get3A_135 = arith.constant 1 : i32
    %get3A_136 = arith.index_cast %get3A_135 : i32 to index
    %get3A_137 = arith.constant 96 : index
    %get3A_138 = tpu.vector_load %arg8[%get3A_136, %get3A_137] {strides = array<i32>} : memref<16x144xi32, #tpu.memory_space<vmem>>, vector<16xi32>,
    %min3A_139 = arith.minsi %get3A_96, %get3A_138 : vector<16xi32>
    %get3A_140 = arith.constant 1 : i32
    %get3A_141 = arith.index_cast %get3A_140 : i32 to index
    %get3A_142 = arith.constant 112 : index
    %get3A_143 = tpu.vector_load %arg8[%get3A_141, %get3A_142] {strides = array<i32>} : memref<16x144xi32, #tpu.memory_space<vmem>>, vector<16xi32>,
    %min3A_144 = arith.minsi %get3A_100, %get3A_143 : vector<16xi32>
    %get3A_145 = arith.constant 1 : i32
    %get3A_146 = arith.index_cast %get3A_145 : i32 to index
    %get3A_147 = arith.constant 128 : index
    %get3A_148 = tpu.vector_load %arg8[%get3A_146, %get3A_147] {strides = array<i32>} : memref<16x144xi32, #tpu.memory_space<vmem>>, vector<16xi32>,
    %min3A_149 = arith.minsi %get3A_104, %get3A_148 : vector<16xi32>
    %get3A_150 = arith.constant 2 : i32
    %get3A_151 = arith.index_cast %get3A_150 : i32 to index
    %get3A_152 = arith.constant 0 : index
    %get3A_153 = tpu.vector_load %arg8[%get3A_151, %get3A_152] {strides = array<i32>} : memref<16x144xi32, #tpu.memory_space<vmem>>, vector<16xi32>,
    %min3A_154 = arith.minsi %min3A_109, %get3A_153 : vector<16xi32>
    %get3A_155 = arith.constant 2 : i32
    %get3A_156 = arith.index_cast %get3A_155 : i32 to index
    %get3A_157 = arith.constant 16 : index
    %get3A_158 = tpu.vector_load %arg8[%get3A_156, %get3A_157] {strides = array<i32>} : memref<16x144xi32, #tpu.memory_space<vmem>>, vector<16xi32>,
    %min3A_159 = arith.minsi %min3A_114, %get3A_158 : vector<16xi32>
    %get3A_160 = arith.constant 2 : i32
    %get3A_161 = arith.index_cast %get3A_160 : i32 to index
    %get3A_162 = arith.constant 32 : index
    %get3A_163 = tpu.vector_load %arg8[%get3A_161, %get3A_162] {strides = array<i32>} : memref<16x144xi32, #tpu.memory_space<vmem>>, vector<16xi32>,
    %min3A_164 = arith.minsi %min3A_119, %get3A_163 : vector<16xi32>
    %get3A_165 = arith.constant 2 : i32
    %get3A_166 = arith.index_cast %get3A_165 : i32 to index
    %get3A_167 = arith.constant 48 : index
    %get3A_168 = tpu.vector_load %arg8[%get3A_166, %get3A_167] {strides = array<i32>} : memref<16x144xi32, #tpu.memory_space<vmem>>, vector<16xi32>,
    %min3A_169 = arith.minsi %min3A_124, %get3A_168 : vector<16xi32>
    %get3A_170 = arith.constant 2 : i32
    %get3A_171 = arith.index_cast %get3A_170 : i32 to index
    %get3A_172 = arith.constant 64 : index
    %get3A_173 = tpu.vector_load %arg8[%get3A_171, %get3A_172] {strides = array<i32>} : memref<16x144xi32, #tpu.memory_space<vmem>>, vector<16xi32>,
    %min3A_174 = arith.minsi %min3A_129, %get3A_173 : vector<16xi32>
    %get3A_175 = arith.constant 2 : i32
    %get3A_176 = arith.index_cast %get3A_175 : i32 to index
    %get3A_177 = arith.constant 80 : index
    %get3A_178 = tpu.vector_load %arg8[%get3A_176, %get3A_177] {strides = array<i32>} : memref<16x144xi32, #tpu.memory_space<vmem>>, vector<16xi32>,
    %min3A_179 = arith.minsi %min3A_134, %get3A_178 : vector<16xi32>
    %get3A_180 = arith.constant 2 : i32
    %get3A_181 = arith.index_cast %get3A_180 : i32 to index
    %get3A_182 = arith.constant 96 : index
    %get3A_183 = tpu.vector_load %arg8[%get3A_181, %get3A_182] {strides = array<i32>} : memref<16x144xi32, #tpu.memory_space<vmem>>, vector<16xi32>,
    %min3A_184 = arith.minsi %min3A_139, %get3A_183 : vector<16xi32>
    %get3A_185 = arith.constant 2 : i32
    %get3A_186 = arith.index_cast %get3A_185 : i32 to index
    %get3A_187 = arith.constant 112 : index
    %get3A_188 = tpu.vector_load %arg8[%get3A_186, %get3A_187] {strides = array<i32>} : memref<16x144xi32, #tpu.memory_space<vmem>>, vector<16xi32>,
    %min3A_189 = arith.minsi %min3A_144, %get3A_188 : vector<16xi32>
    %get3A_190 = arith.constant 2 : i32
    %get3A_191 = arith.index_cast %get3A_190 : i32 to index
    %get3A_192 = arith.constant 128 : index
    %get3A_193 = tpu.vector_load %arg8[%get3A_191, %get3A_192] {strides = array<i32>} : memref<16x144xi32, #tpu.memory_space<vmem>>, vector<16xi32>,
    %min3A_194 = arith.minsi %min3A_149, %get3A_193 : vector<16xi32>
    %get3A_195 = arith.constant 3 : i32
    %get3A_196 = arith.index_cast %get3A_195 : i32 to index
    %get3A_197 = arith.constant 0 : index
    %get3A_198 = tpu.vector_load %arg8[%get3A_196, %get3A_197] {strides = array<i32>} : memref<16x144xi32, #tpu.memory_space<vmem>>, vector<16xi32>,
    %min3A_199 = arith.minsi %min3A_154, %get3A_198 : vector<16xi32>
    %get3A_200 = arith.constant 3 : i32
    %get3A_201 = arith.index_cast %get3A_200 : i32 to index
    %get3A_202 = arith.constant 16 : index
    %get3A_203 = tpu.vector_load %arg8[%get3A_201, %get3A_202] {strides = array<i32>} : memref<16x144xi32, #tpu.memory_space<vmem>>, vector<16xi32>,
    %min3A_204 = arith.minsi %min3A_159, %get3A_203 : vector<16xi32>
    %get3A_205 = arith.constant 3 : i32
    %get3A_206 = arith.index_cast %get3A_205 : i32 to index
    %get3A_207 = arith.constant 32 : index
    %get3A_208 = tpu.vector_load %arg8[%get3A_206, %get3A_207] {strides = array<i32>} : memref<16x144xi32, #tpu.memory_space<vmem>>, vector<16xi32>,
    %min3A_209 = arith.minsi %min3A_164, %get3A_208 : vector<16xi32>
    %get3A_210 = arith.constant 3 : i32
    %get3A_211 = arith.index_cast %get3A_210 : i32 to index
    %get3A_212 = arith.constant 48 : index
    %get3A_213 = tpu.vector_load %arg8[%get3A_211, %get3A_212] {strides = array<i32>} : memref<16x144xi32, #tpu.memory_space<vmem>>, vector<16xi32>,
    %min3A_214 = arith.minsi %min3A_169, %get3A_213 : vector<16xi32>
    %get3A_215 = arith.constant 3 : i32
    %get3A_216 = arith.index_cast %get3A_215 : i32 to index
    %get3A_217 = arith.constant 64 : index
    %get3A_218 = tpu.vector_load %arg8[%get3A_216, %get3A_217] {strides = array<i32>} : memref<16x144xi32, #tpu.memory_space<vmem>>, vector<16xi32>,
    %min3A_219 = arith.minsi %min3A_174, %get3A_218 : vector<16xi32>
    %get3A_220 = arith.constant 3 : i32
    %get3A_221 = arith.index_cast %get3A_220 : i32 to index
    %get3A_222 = arith.constant 80 : index
    %get3A_223 = tpu.vector_load %arg8[%get3A_221, %get3A_222] {strides = array<i32>} : memref<16x144xi32, #tpu.memory_space<vmem>>, vector<16xi32>,
    %min3A_224 = arith.minsi %min3A_179, %get3A_223 : vector<16xi32>
    %get3A_225 = arith.constant 3 : i32
    %get3A_226 = arith.index_cast %get3A_225 : i32 to index
    %get3A_227 = arith.constant 96 : index
    %get3A_228 = tpu.vector_load %arg8[%get3A_226, %get3A_227] {strides = array<i32>} : memref<16x144xi32, #tpu.memory_space<vmem>>, vector<16xi32>,
    %min3A_229 = arith.minsi %min3A_184, %get3A_228 : vector<16xi32>
    %get3A_230 = arith.constant 3 : i32
    %get3A_231 = arith.index_cast %get3A_230 : i32 to index
    %get3A_232 = arith.constant 112 : index
    %get3A_233 = tpu.vector_load %arg8[%get3A_231, %get3A_232] {strides = array<i32>} : memref<16x144xi32, #tpu.memory_space<vmem>>, vector<16xi32>,
    %min3A_234 = arith.minsi %min3A_189, %get3A_233 : vector<16xi32>
    %get3A_235 = arith.constant 3 : i32
    %get3A_236 = arith.index_cast %get3A_235 : i32 to index
    %get3A_237 = arith.constant 128 : index
    %get3A_238 = tpu.vector_load %arg8[%get3A_236, %get3A_237] {strides = array<i32>} : memref<16x144xi32, #tpu.memory_space<vmem>>, vector<16xi32>,
    %min3A_239 = arith.minsi %min3A_194, %get3A_238 : vector<16xi32>
    %get3A_240 = arith.constant 4 : i32
    %get3A_241 = arith.index_cast %get3A_240 : i32 to index
    %get3A_242 = arith.constant 0 : index
    %get3A_243 = tpu.vector_load %arg8[%get3A_241, %get3A_242] {strides = array<i32>} : memref<16x144xi32, #tpu.memory_space<vmem>>, vector<16xi32>,
    %min3A_244 = arith.minsi %min3A_199, %get3A_243 : vector<16xi32>
    %get3A_245 = arith.constant 4 : i32
    %get3A_246 = arith.index_cast %get3A_245 : i32 to index
    %get3A_247 = arith.constant 16 : index
    %get3A_248 = tpu.vector_load %arg8[%get3A_246, %get3A_247] {strides = array<i32>} : memref<16x144xi32, #tpu.memory_space<vmem>>, vector<16xi32>,
    %min3A_249 = arith.minsi %min3A_204, %get3A_248 : vector<16xi32>
    %get3A_250 = arith.constant 4 : i32
    %get3A_251 = arith.index_cast %get3A_250 : i32 to index
    %get3A_252 = arith.constant 32 : index
    %get3A_253 = tpu.vector_load %arg8[%get3A_251, %get3A_252] {strides = array<i32>} : memref<16x144xi32, #tpu.memory_space<vmem>>, vector<16xi32>,
    %min3A_254 = arith.minsi %min3A_209, %get3A_253 : vector<16xi32>
    %get3A_255 = arith.constant 4 : i32
    %get3A_256 = arith.index_cast %get3A_255 : i32 to index
    %get3A_257 = arith.constant 48 : index
    %get3A_258 = tpu.vector_load %arg8[%get3A_256, %get3A_257] {strides = array<i32>} : memref<16x144xi32, #tpu.memory_space<vmem>>, vector<16xi32>,
    %min3A_259 = arith.minsi %min3A_214, %get3A_258 : vector<16xi32>
    %get3A_260 = arith.constant 4 : i32
    %get3A_261 = arith.index_cast %get3A_260 : i32 to index
    %get3A_262 = arith.constant 64 : index
    %get3A_263 = tpu.vector_load %arg8[%get3A_261, %get3A_262] {strides = array<i32>} : memref<16x144xi32, #tpu.memory_space<vmem>>, vector<16xi32>,
    %min3A_264 = arith.minsi %min3A_219, %get3A_263 : vector<16xi32>
    %get3A_265 = arith.constant 4 : i32
    %get3A_266 = arith.index_cast %get3A_265 : i32 to index
    %get3A_267 = arith.constant 80 : index
    %get3A_268 = tpu.vector_load %arg8[%get3A_266, %get3A_267] {strides = array<i32>} : memref<16x144xi32, #tpu.memory_space<vmem>>, vector<16xi32>,
    %min3A_269 = arith.minsi %min3A_224, %get3A_268 : vector<16xi32>
    %get3A_270 = arith.constant 4 : i32
    %get3A_271 = arith.index_cast %get3A_270 : i32 to index
    %get3A_272 = arith.constant 96 : index
    %get3A_273 = tpu.vector_load %arg8[%get3A_271, %get3A_272] {strides = array<i32>} : memref<16x144xi32, #tpu.memory_space<vmem>>, vector<16xi32>,
    %min3A_274 = arith.minsi %min3A_229, %get3A_273 : vector<16xi32>
    %get3A_275 = arith.constant 4 : i32
    %get3A_276 = arith.index_cast %get3A_275 : i32 to index
    %get3A_277 = arith.constant 112 : index
    %get3A_278 = tpu.vector_load %arg8[%get3A_276, %get3A_277] {strides = array<i32>} : memref<16x144xi32, #tpu.memory_space<vmem>>, vector<16xi32>,
    %min3A_279 = arith.minsi %min3A_234, %get3A_278 : vector<16xi32>
    %get3A_280 = arith.constant 4 : i32
    %get3A_281 = arith.index_cast %get3A_280 : i32 to index
    %get3A_282 = arith.constant 128 : index
    %get3A_283 = tpu.vector_load %arg8[%get3A_281, %get3A_282] {strides = array<i32>} : memref<16x144xi32, #tpu.memory_space<vmem>>, vector<16xi32>,
    %min3A_284 = arith.minsi %min3A_239, %get3A_283 : vector<16xi32>
    %get3A_285 = arith.constant 5 : i32
    %get3A_286 = arith.index_cast %get3A_285 : i32 to index
    %get3A_287 = arith.constant 0 : index
    %get3A_288 = tpu.vector_load %arg8[%get3A_286, %get3A_287] {strides = array<i32>} : memref<16x144xi32, #tpu.memory_space<vmem>>, vector<16xi32>,
    %min3A_289 = arith.minsi %min3A_244, %get3A_288 : vector<16xi32>
    %get3A_290 = arith.constant 5 : i32
    %get3A_291 = arith.index_cast %get3A_290 : i32 to index
    %get3A_292 = arith.constant 16 : index
    %get3A_293 = tpu.vector_load %arg8[%get3A_291, %get3A_292] {strides = array<i32>} : memref<16x144xi32, #tpu.memory_space<vmem>>, vector<16xi32>,
    %min3A_294 = arith.minsi %min3A_249, %get3A_293 : vector<16xi32>
    %get3A_295 = arith.constant 5 : i32
    %get3A_296 = arith.index_cast %get3A_295 : i32 to index
    %get3A_297 = arith.constant 32 : index
    %get3A_298 = tpu.vector_load %arg8[%get3A_296, %get3A_297] {strides = array<i32>} : memref<16x144xi32, #tpu.memory_space<vmem>>, vector<16xi32>,
    %min3A_299 = arith.minsi %min3A_254, %get3A_298 : vector<16xi32>
    %get3A_300 = arith.constant 5 : i32
    %get3A_301 = arith.index_cast %get3A_300 : i32 to index
    %get3A_302 = arith.constant 48 : index
    %get3A_303 = tpu.vector_load %arg8[%get3A_301, %get3A_302] {strides = array<i32>} : memref<16x144xi32, #tpu.memory_space<vmem>>, vector<16xi32>,
    %min3A_304 = arith.minsi %min3A_259, %get3A_303 : vector<16xi32>
    %get3A_305 = arith.constant 5 : i32
    %get3A_306 = arith.index_cast %get3A_305 : i32 to index
    %get3A_307 = arith.constant 64 : index
    %get3A_308 = tpu.vector_load %arg8[%get3A_306, %get3A_307] {strides = array<i32>} : memref<16x144xi32, #tpu.memory_space<vmem>>, vector<16xi32>,
    %min3A_309 = arith.minsi %min3A_264, %get3A_308 : vector<16xi32>
    %get3A_310 = arith.constant 5 : i32
    %get3A_311 = arith.index_cast %get3A_310 : i32 to index
    %get3A_312 = arith.constant 80 : index
    %get3A_313 = tpu.vector_load %arg8[%get3A_311, %get3A_312] {strides = array<i32>} : memref<16x144xi32, #tpu.memory_space<vmem>>, vector<16xi32>,
    %min3A_314 = arith.minsi %min3A_269, %get3A_313 : vector<16xi32>
    %get3A_315 = arith.constant 5 : i32
    %get3A_316 = arith.index_cast %get3A_315 : i32 to index
    %get3A_317 = arith.constant 96 : index
    %get3A_318 = tpu.vector_load %arg8[%get3A_316, %get3A_317] {strides = array<i32>} : memref<16x144xi32, #tpu.memory_space<vmem>>, vector<16xi32>,
    %min3A_319 = arith.minsi %min3A_274, %get3A_318 : vector<16xi32>
    %get3A_320 = arith.constant 5 : i32
    %get3A_321 = arith.index_cast %get3A_320 : i32 to index
    %get3A_322 = arith.constant 112 : index
    %get3A_323 = tpu.vector_load %arg8[%get3A_321, %get3A_322] {strides = array<i32>} : memref<16x144xi32, #tpu.memory_space<vmem>>, vector<16xi32>,
    %min3A_324 = arith.minsi %min3A_279, %get3A_323 : vector<16xi32>
    %get3A_325 = arith.constant 5 : i32
    %get3A_326 = arith.index_cast %get3A_325 : i32 to index
    %get3A_327 = arith.constant 128 : index
    %get3A_328 = tpu.vector_load %arg8[%get3A_326, %get3A_327] {strides = array<i32>} : memref<16x144xi32, #tpu.memory_space<vmem>>, vector<16xi32>,
    %min3A_329 = arith.minsi %min3A_284, %get3A_328 : vector<16xi32>
    %get3A_330 = arith.constant 6 : i32
    %get3A_331 = arith.index_cast %get3A_330 : i32 to index
    %get3A_332 = arith.constant 0 : index
    %get3A_333 = tpu.vector_load %arg8[%get3A_331, %get3A_332] {strides = array<i32>} : memref<16x144xi32, #tpu.memory_space<vmem>>, vector<16xi32>,
    %min3A_334 = arith.minsi %min3A_289, %get3A_333 : vector<16xi32>
    %get3A_335 = arith.constant 6 : i32
    %get3A_336 = arith.index_cast %get3A_335 : i32 to index
    %get3A_337 = arith.constant 16 : index
    %get3A_338 = tpu.vector_load %arg8[%get3A_336, %get3A_337] {strides = array<i32>} : memref<16x144xi32, #tpu.memory_space<vmem>>, vector<16xi32>,
    %min3A_339 = arith.minsi %min3A_294, %get3A_338 : vector<16xi32>
    %get3A_340 = arith.constant 6 : i32
    %get3A_341 = arith.index_cast %get3A_340 : i32 to index
    %get3A_342 = arith.constant 32 : index
    %get3A_343 = tpu.vector_load %arg8[%get3A_341, %get3A_342] {strides = array<i32>} : memref<16x144xi32, #tpu.memory_space<vmem>>, vector<16xi32>,
    %min3A_344 = arith.minsi %min3A_299, %get3A_343 : vector<16xi32>
    %get3A_345 = arith.constant 6 : i32
    %get3A_346 = arith.index_cast %get3A_345 : i32 to index
    %get3A_347 = arith.constant 48 : index
    %get3A_348 = tpu.vector_load %arg8[%get3A_346, %get3A_347] {strides = array<i32>} : memref<16x144xi32, #tpu.memory_space<vmem>>, vector<16xi32>,
    %min3A_349 = arith.minsi %min3A_304, %get3A_348 : vector<16xi32>
    %get3A_350 = arith.constant 6 : i32
    %get3A_351 = arith.index_cast %get3A_350 : i32 to index
    %get3A_352 = arith.constant 64 : index
    %get3A_353 = tpu.vector_load %arg8[%get3A_351, %get3A_352] {strides = array<i32>} : memref<16x144xi32, #tpu.memory_space<vmem>>, vector<16xi32>,
    %min3A_354 = arith.minsi %min3A_309, %get3A_353 : vector<16xi32>
    %get3A_355 = arith.constant 6 : i32
    %get3A_356 = arith.index_cast %get3A_355 : i32 to index
    %get3A_357 = arith.constant 80 : index
    %get3A_358 = tpu.vector_load %arg8[%get3A_356, %get3A_357] {strides = array<i32>} : memref<16x144xi32, #tpu.memory_space<vmem>>, vector<16xi32>,
    %min3A_359 = arith.minsi %min3A_314, %get3A_358 : vector<16xi32>
    %get3A_360 = arith.constant 6 : i32
    %get3A_361 = arith.index_cast %get3A_360 : i32 to index
    %get3A_362 = arith.constant 96 : index
    %get3A_363 = tpu.vector_load %arg8[%get3A_361, %get3A_362] {strides = array<i32>} : memref<16x144xi32, #tpu.memory_space<vmem>>, vector<16xi32>,
    %min3A_364 = arith.minsi %min3A_319, %get3A_363 : vector<16xi32>
    %get3A_365 = arith.constant 6 : i32
    %get3A_366 = arith.index_cast %get3A_365 : i32 to index
    %get3A_367 = arith.constant 112 : index
    %get3A_368 = tpu.vector_load %arg8[%get3A_366, %get3A_367] {strides = array<i32>} : memref<16x144xi32, #tpu.memory_space<vmem>>, vector<16xi32>,
    %min3A_369 = arith.minsi %min3A_324, %get3A_368 : vector<16xi32>
    %get3A_370 = arith.constant 6 : i32
    %get3A_371 = arith.index_cast %get3A_370 : i32 to index
    %get3A_372 = arith.constant 128 : index
    %get3A_373 = tpu.vector_load %arg8[%get3A_371, %get3A_372] {strides = array<i32>} : memref<16x144xi32, #tpu.memory_space<vmem>>, vector<16xi32>,
    %min3A_374 = arith.minsi %min3A_329, %get3A_373 : vector<16xi32>
    %get3A_375 = arith.constant 7 : i32
    %get3A_376 = arith.index_cast %get3A_375 : i32 to index
    %get3A_377 = arith.constant 0 : index
    %get3A_378 = tpu.vector_load %arg8[%get3A_376, %get3A_377] {strides = array<i32>} : memref<16x144xi32, #tpu.memory_space<vmem>>, vector<16xi32>,
    %min3A_379 = arith.minsi %min3A_334, %get3A_378 : vector<16xi32>
    %get3A_380 = arith.constant 7 : i32
    %get3A_381 = arith.index_cast %get3A_380 : i32 to index
    %get3A_382 = arith.constant 16 : index
    %get3A_383 = tpu.vector_load %arg8[%get3A_381, %get3A_382] {strides = array<i32>} : memref<16x144xi32, #tpu.memory_space<vmem>>, vector<16xi32>,
    %min3A_384 = arith.minsi %min3A_339, %get3A_383 : vector<16xi32>
    %get3A_385 = arith.constant 7 : i32
    %get3A_386 = arith.index_cast %get3A_385 : i32 to index
    %get3A_387 = arith.constant 32 : index
    %get3A_388 = tpu.vector_load %arg8[%get3A_386, %get3A_387] {strides = array<i32>} : memref<16x144xi32, #tpu.memory_space<vmem>>, vector<16xi32>,
    %min3A_389 = arith.minsi %min3A_344, %get3A_388 : vector<16xi32>
    %get3A_390 = arith.constant 7 : i32
    %get3A_391 = arith.index_cast %get3A_390 : i32 to index
    %get3A_392 = arith.constant 48 : index
    %get3A_393 = tpu.vector_load %arg8[%get3A_391, %get3A_392] {strides = array<i32>} : memref<16x144xi32, #tpu.memory_space<vmem>>, vector<16xi32>,
    %min3A_394 = arith.minsi %min3A_349, %get3A_393 : vector<16xi32>
    %get3A_395 = arith.constant 7 : i32
    %get3A_396 = arith.index_cast %get3A_395 : i32 to index
    %get3A_397 = arith.constant 64 : index
    %get3A_398 = tpu.vector_load %arg8[%get3A_396, %get3A_397] {strides = array<i32>} : memref<16x144xi32, #tpu.memory_space<vmem>>, vector<16xi32>,
    %min3A_399 = arith.minsi %min3A_354, %get3A_398 : vector<16xi32>
    %get3A_400 = arith.constant 7 : i32
    %get3A_401 = arith.index_cast %get3A_400 : i32 to index
    %get3A_402 = arith.constant 80 : index
    %get3A_403 = tpu.vector_load %arg8[%get3A_401, %get3A_402] {strides = array<i32>} : memref<16x144xi32, #tpu.memory_space<vmem>>, vector<16xi32>,
    %min3A_404 = arith.minsi %min3A_359, %get3A_403 : vector<16xi32>
    %get3A_405 = arith.constant 7 : i32
    %get3A_406 = arith.index_cast %get3A_405 : i32 to index
    %get3A_407 = arith.constant 96 : index
    %get3A_408 = tpu.vector_load %arg8[%get3A_406, %get3A_407] {strides = array<i32>} : memref<16x144xi32, #tpu.memory_space<vmem>>, vector<16xi32>,
    %min3A_409 = arith.minsi %min3A_364, %get3A_408 : vector<16xi32>
    %get3A_410 = arith.constant 7 : i32
    %get3A_411 = arith.index_cast %get3A_410 : i32 to index
    %get3A_412 = arith.constant 112 : index
    %get3A_413 = tpu.vector_load %arg8[%get3A_411, %get3A_412] {strides = array<i32>} : memref<16x144xi32, #tpu.memory_space<vmem>>, vector<16xi32>,
    %min3A_414 = arith.minsi %min3A_369, %get3A_413 : vector<16xi32>
    %get3A_415 = arith.constant 7 : i32
    %get3A_416 = arith.index_cast %get3A_415 : i32 to index
    %get3A_417 = arith.constant 128 : index
    %get3A_418 = tpu.vector_load %arg8[%get3A_416, %get3A_417] {strides = array<i32>} : memref<16x144xi32, #tpu.memory_space<vmem>>, vector<16xi32>,
    %min3A_419 = arith.minsi %min3A_374, %get3A_418 : vector<16xi32>
    %get3A_420 = arith.constant 8 : i32
    %get3A_421 = arith.index_cast %get3A_420 : i32 to index
    %get3A_422 = arith.constant 0 : index
    %get3A_423 = tpu.vector_load %arg8[%get3A_421, %get3A_422] {strides = array<i32>} : memref<16x144xi32, #tpu.memory_space<vmem>>, vector<16xi32>,
    %min3A_424 = arith.minsi %min3A_379, %get3A_423 : vector<16xi32>
    %get3A_425 = arith.constant 8 : i32
    %get3A_426 = arith.index_cast %get3A_425 : i32 to index
    %get3A_427 = arith.constant 16 : index
    %get3A_428 = tpu.vector_load %arg8[%get3A_426, %get3A_427] {strides = array<i32>} : memref<16x144xi32, #tpu.memory_space<vmem>>, vector<16xi32>,
    %min3A_429 = arith.minsi %min3A_384, %get3A_428 : vector<16xi32>
    %get3A_430 = arith.constant 8 : i32
    %get3A_431 = arith.index_cast %get3A_430 : i32 to index
    %get3A_432 = arith.constant 32 : index
    %get3A_433 = tpu.vector_load %arg8[%get3A_431, %get3A_432] {strides = array<i32>} : memref<16x144xi32, #tpu.memory_space<vmem>>, vector<16xi32>,
    %min3A_434 = arith.minsi %min3A_389, %get3A_433 : vector<16xi32>
    %get3A_435 = arith.constant 8 : i32
    %get3A_436 = arith.index_cast %get3A_435 : i32 to index
    %get3A_437 = arith.constant 48 : index
    %get3A_438 = tpu.vector_load %arg8[%get3A_436, %get3A_437] {strides = array<i32>} : memref<16x144xi32, #tpu.memory_space<vmem>>, vector<16xi32>,
    %min3A_439 = arith.minsi %min3A_394, %get3A_438 : vector<16xi32>
    %get3A_440 = arith.constant 8 : i32
    %get3A_441 = arith.index_cast %get3A_440 : i32 to index
    %get3A_442 = arith.constant 64 : index
    %get3A_443 = tpu.vector_load %arg8[%get3A_441, %get3A_442] {strides = array<i32>} : memref<16x144xi32, #tpu.memory_space<vmem>>, vector<16xi32>,
    %min3A_444 = arith.minsi %min3A_399, %get3A_443 : vector<16xi32>
    %get3A_445 = arith.constant 8 : i32
    %get3A_446 = arith.index_cast %get3A_445 : i32 to index
    %get3A_447 = arith.constant 80 : index
    %get3A_448 = tpu.vector_load %arg8[%get3A_446, %get3A_447] {strides = array<i32>} : memref<16x144xi32, #tpu.memory_space<vmem>>, vector<16xi32>,
    %min3A_449 = arith.minsi %min3A_404, %get3A_448 : vector<16xi32>
    %get3A_450 = arith.constant 8 : i32
    %get3A_451 = arith.index_cast %get3A_450 : i32 to index
    %get3A_452 = arith.constant 96 : index
    %get3A_453 = tpu.vector_load %arg8[%get3A_451, %get3A_452] {strides = array<i32>} : memref<16x144xi32, #tpu.memory_space<vmem>>, vector<16xi32>,
    %min3A_454 = arith.minsi %min3A_409, %get3A_453 : vector<16xi32>
    %get3A_455 = arith.constant 8 : i32
    %get3A_456 = arith.index_cast %get3A_455 : i32 to index
    %get3A_457 = arith.constant 112 : index
    %get3A_458 = tpu.vector_load %arg8[%get3A_456, %get3A_457] {strides = array<i32>} : memref<16x144xi32, #tpu.memory_space<vmem>>, vector<16xi32>,
    %min3A_459 = arith.minsi %min3A_414, %get3A_458 : vector<16xi32>
    %get3A_460 = arith.constant 8 : i32
    %get3A_461 = arith.index_cast %get3A_460 : i32 to index
    %get3A_462 = arith.constant 128 : index
    %get3A_463 = tpu.vector_load %arg8[%get3A_461, %get3A_462] {strides = array<i32>} : memref<16x144xi32, #tpu.memory_space<vmem>>, vector<16xi32>,
    %min3A_464 = arith.minsi %min3A_419, %get3A_463 : vector<16xi32>
    %get3A_465 = arith.constant 9 : i32
    %get3A_466 = arith.index_cast %get3A_465 : i32 to index
    %get3A_467 = arith.constant 0 : index
    %get3A_468 = tpu.vector_load %arg8[%get3A_466, %get3A_467] {strides = array<i32>} : memref<16x144xi32, #tpu.memory_space<vmem>>, vector<16xi32>,
    %min3A_469 = arith.minsi %min3A_424, %get3A_468 : vector<16xi32>
    %get3A_470 = arith.constant 9 : i32
    %get3A_471 = arith.index_cast %get3A_470 : i32 to index
    %get3A_472 = arith.constant 16 : index
    %get3A_473 = tpu.vector_load %arg8[%get3A_471, %get3A_472] {strides = array<i32>} : memref<16x144xi32, #tpu.memory_space<vmem>>, vector<16xi32>,
    %min3A_474 = arith.minsi %min3A_429, %get3A_473 : vector<16xi32>
    %get3A_475 = arith.constant 9 : i32
    %get3A_476 = arith.index_cast %get3A_475 : i32 to index
    %get3A_477 = arith.constant 32 : index
    %get3A_478 = tpu.vector_load %arg8[%get3A_476, %get3A_477] {strides = array<i32>} : memref<16x144xi32, #tpu.memory_space<vmem>>, vector<16xi32>,
    %min3A_479 = arith.minsi %min3A_434, %get3A_478 : vector<16xi32>
    %get3A_480 = arith.constant 9 : i32
    %get3A_481 = arith.index_cast %get3A_480 : i32 to index
    %get3A_482 = arith.constant 48 : index
    %get3A_483 = tpu.vector_load %arg8[%get3A_481, %get3A_482] {strides = array<i32>} : memref<16x144xi32, #tpu.memory_space<vmem>>, vector<16xi32>,
    %min3A_484 = arith.minsi %min3A_439, %get3A_483 : vector<16xi32>
    %get3A_485 = arith.constant 9 : i32
    %get3A_486 = arith.index_cast %get3A_485 : i32 to index
    %get3A_487 = arith.constant 64 : index
    %get3A_488 = tpu.vector_load %arg8[%get3A_486, %get3A_487] {strides = array<i32>} : memref<16x144xi32, #tpu.memory_space<vmem>>, vector<16xi32>,
    %min3A_489 = arith.minsi %min3A_444, %get3A_488 : vector<16xi32>
    %get3A_490 = arith.constant 9 : i32
    %get3A_491 = arith.index_cast %get3A_490 : i32 to index
    %get3A_492 = arith.constant 80 : index
    %get3A_493 = tpu.vector_load %arg8[%get3A_491, %get3A_492] {strides = array<i32>} : memref<16x144xi32, #tpu.memory_space<vmem>>, vector<16xi32>,
    %min3A_494 = arith.minsi %min3A_449, %get3A_493 : vector<16xi32>
    %get3A_495 = arith.constant 9 : i32
    %get3A_496 = arith.index_cast %get3A_495 : i32 to index
    %get3A_497 = arith.constant 96 : index
    %get3A_498 = tpu.vector_load %arg8[%get3A_496, %get3A_497] {strides = array<i32>} : memref<16x144xi32, #tpu.memory_space<vmem>>, vector<16xi32>,
    %min3A_499 = arith.minsi %min3A_454, %get3A_498 : vector<16xi32>
    %get3A_500 = arith.constant 9 : i32
    %get3A_501 = arith.index_cast %get3A_500 : i32 to index
    %get3A_502 = arith.constant 112 : index
    %get3A_503 = tpu.vector_load %arg8[%get3A_501, %get3A_502] {strides = array<i32>} : memref<16x144xi32, #tpu.memory_space<vmem>>, vector<16xi32>,
    %min3A_504 = arith.minsi %min3A_459, %get3A_503 : vector<16xi32>
    %get3A_505 = arith.constant 9 : i32
    %get3A_506 = arith.index_cast %get3A_505 : i32 to index
    %get3A_507 = arith.constant 128 : index
    %get3A_508 = tpu.vector_load %arg8[%get3A_506, %get3A_507] {strides = array<i32>} : memref<16x144xi32, #tpu.memory_space<vmem>>, vector<16xi32>,
    %min3A_509 = arith.minsi %min3A_464, %get3A_508 : vector<16xi32>
    %get3A_510 = arith.constant 10 : i32
    %get3A_511 = arith.index_cast %get3A_510 : i32 to index
    %get3A_512 = arith.constant 0 : index
    %get3A_513 = tpu.vector_load %arg8[%get3A_511, %get3A_512] {strides = array<i32>} : memref<16x144xi32, #tpu.memory_space<vmem>>, vector<16xi32>,
    %min3A_514 = arith.minsi %min3A_469, %get3A_513 : vector<16xi32>
    %get3A_515 = arith.constant 10 : i32
    %get3A_516 = arith.index_cast %get3A_515 : i32 to index
    %get3A_517 = arith.constant 16 : index
    %get3A_518 = tpu.vector_load %arg8[%get3A_516, %get3A_517] {strides = array<i32>} : memref<16x144xi32, #tpu.memory_space<vmem>>, vector<16xi32>,
    %min3A_519 = arith.minsi %min3A_474, %get3A_518 : vector<16xi32>
    %get3A_520 = arith.constant 10 : i32
    %get3A_521 = arith.index_cast %get3A_520 : i32 to index
    %get3A_522 = arith.constant 32 : index
    %get3A_523 = tpu.vector_load %arg8[%get3A_521, %get3A_522] {strides = array<i32>} : memref<16x144xi32, #tpu.memory_space<vmem>>, vector<16xi32>,
    %min3A_524 = arith.minsi %min3A_479, %get3A_523 : vector<16xi32>
    %get3A_525 = arith.constant 10 : i32
    %get3A_526 = arith.index_cast %get3A_525 : i32 to index
    %get3A_527 = arith.constant 48 : index
    %get3A_528 = tpu.vector_load %arg8[%get3A_526, %get3A_527] {strides = array<i32>} : memref<16x144xi32, #tpu.memory_space<vmem>>, vector<16xi32>,
    %min3A_529 = arith.minsi %min3A_484, %get3A_528 : vector<16xi32>
    %get3A_530 = arith.constant 10 : i32
    %get3A_531 = arith.index_cast %get3A_530 : i32 to index
    %get3A_532 = arith.constant 64 : index
    %get3A_533 = tpu.vector_load %arg8[%get3A_531, %get3A_532] {strides = array<i32>} : memref<16x144xi32, #tpu.memory_space<vmem>>, vector<16xi32>,
    %min3A_534 = arith.minsi %min3A_489, %get3A_533 : vector<16xi32>
    %get3A_535 = arith.constant 10 : i32
    %get3A_536 = arith.index_cast %get3A_535 : i32 to index
    %get3A_537 = arith.constant 80 : index
    %get3A_538 = tpu.vector_load %arg8[%get3A_536, %get3A_537] {strides = array<i32>} : memref<16x144xi32, #tpu.memory_space<vmem>>, vector<16xi32>,
    %min3A_539 = arith.minsi %min3A_494, %get3A_538 : vector<16xi32>
    %get3A_540 = arith.constant 10 : i32
    %get3A_541 = arith.index_cast %get3A_540 : i32 to index
    %get3A_542 = arith.constant 96 : index
    %get3A_543 = tpu.vector_load %arg8[%get3A_541, %get3A_542] {strides = array<i32>} : memref<16x144xi32, #tpu.memory_space<vmem>>, vector<16xi32>,
    %min3A_544 = arith.minsi %min3A_499, %get3A_543 : vector<16xi32>
    %get3A_545 = arith.constant 10 : i32
    %get3A_546 = arith.index_cast %get3A_545 : i32 to index
    %get3A_547 = arith.constant 112 : index
    %get3A_548 = tpu.vector_load %arg8[%get3A_546, %get3A_547] {strides = array<i32>} : memref<16x144xi32, #tpu.memory_space<vmem>>, vector<16xi32>,
    %min3A_549 = arith.minsi %min3A_504, %get3A_548 : vector<16xi32>
    %get3A_550 = arith.constant 10 : i32
    %get3A_551 = arith.index_cast %get3A_550 : i32 to index
    %get3A_552 = arith.constant 128 : index
    %get3A_553 = tpu.vector_load %arg8[%get3A_551, %get3A_552] {strides = array<i32>} : memref<16x144xi32, #tpu.memory_space<vmem>>, vector<16xi32>,
    %min3A_554 = arith.minsi %min3A_509, %get3A_553 : vector<16xi32>
    %get3A_555 = arith.constant 11 : i32
    %get3A_556 = arith.index_cast %get3A_555 : i32 to index
    %get3A_557 = arith.constant 0 : index
    %get3A_558 = tpu.vector_load %arg8[%get3A_556, %get3A_557] {strides = array<i32>} : memref<16x144xi32, #tpu.memory_space<vmem>>, vector<16xi32>,
    %min3A_559 = arith.minsi %min3A_514, %get3A_558 : vector<16xi32>
    %get3A_560 = arith.constant 11 : i32
    %get3A_561 = arith.index_cast %get3A_560 : i32 to index
    %get3A_562 = arith.constant 16 : index
    %get3A_563 = tpu.vector_load %arg8[%get3A_561, %get3A_562] {strides = array<i32>} : memref<16x144xi32, #tpu.memory_space<vmem>>, vector<16xi32>,
    %min3A_564 = arith.minsi %min3A_519, %get3A_563 : vector<16xi32>
    %get3A_565 = arith.constant 11 : i32
    %get3A_566 = arith.index_cast %get3A_565 : i32 to index
    %get3A_567 = arith.constant 32 : index
    %get3A_568 = tpu.vector_load %arg8[%get3A_566, %get3A_567] {strides = array<i32>} : memref<16x144xi32, #tpu.memory_space<vmem>>, vector<16xi32>,
    %min3A_569 = arith.minsi %min3A_524, %get3A_568 : vector<16xi32>
    %get3A_570 = arith.constant 11 : i32
    %get3A_571 = arith.index_cast %get3A_570 : i32 to index
    %get3A_572 = arith.constant 48 : index
    %get3A_573 = tpu.vector_load %arg8[%get3A_571, %get3A_572] {strides = array<i32>} : memref<16x144xi32, #tpu.memory_space<vmem>>, vector<16xi32>,
    %min3A_574 = arith.minsi %min3A_529, %get3A_573 : vector<16xi32>
    %get3A_575 = arith.constant 11 : i32
    %get3A_576 = arith.index_cast %get3A_575 : i32 to index
    %get3A_577 = arith.constant 64 : index
    %get3A_578 = tpu.vector_load %arg8[%get3A_576, %get3A_577] {strides = array<i32>} : memref<16x144xi32, #tpu.memory_space<vmem>>, vector<16xi32>,
    %min3A_579 = arith.minsi %min3A_534, %get3A_578 : vector<16xi32>
    %get3A_580 = arith.constant 11 : i32
    %get3A_581 = arith.index_cast %get3A_580 : i32 to index
    %get3A_582 = arith.constant 80 : index
    %get3A_583 = tpu.vector_load %arg8[%get3A_581, %get3A_582] {strides = array<i32>} : memref<16x144xi32, #tpu.memory_space<vmem>>, vector<16xi32>,
    %min3A_584 = arith.minsi %min3A_539, %get3A_583 : vector<16xi32>
    %get3A_585 = arith.constant 11 : i32
    %get3A_586 = arith.index_cast %get3A_585 : i32 to index
    %get3A_587 = arith.constant 96 : index
    %get3A_588 = tpu.vector_load %arg8[%get3A_586, %get3A_587] {strides = array<i32>} : memref<16x144xi32, #tpu.memory_space<vmem>>, vector<16xi32>,
    %min3A_589 = arith.minsi %min3A_544, %get3A_588 : vector<16xi32>
    %get3A_590 = arith.constant 11 : i32
    %get3A_591 = arith.index_cast %get3A_590 : i32 to index
    %get3A_592 = arith.constant 112 : index
    %get3A_593 = tpu.vector_load %arg8[%get3A_591, %get3A_592] {strides = array<i32>} : memref<16x144xi32, #tpu.memory_space<vmem>>, vector<16xi32>,
    %min3A_594 = arith.minsi %min3A_549, %get3A_593 : vector<16xi32>
    %get3A_595 = arith.constant 11 : i32
    %get3A_596 = arith.index_cast %get3A_595 : i32 to index
    %get3A_597 = arith.constant 128 : index
    %get3A_598 = tpu.vector_load %arg8[%get3A_596, %get3A_597] {strides = array<i32>} : memref<16x144xi32, #tpu.memory_space<vmem>>, vector<16xi32>,
    %min3A_599 = arith.minsi %min3A_554, %get3A_598 : vector<16xi32>
    %get3A_600 = arith.constant 12 : i32
    %get3A_601 = arith.index_cast %get3A_600 : i32 to index
    %get3A_602 = arith.constant 0 : index
    %get3A_603 = tpu.vector_load %arg8[%get3A_601, %get3A_602] {strides = array<i32>} : memref<16x144xi32, #tpu.memory_space<vmem>>, vector<16xi32>,
    %min3A_604 = arith.minsi %min3A_559, %get3A_603 : vector<16xi32>
    %get3A_605 = arith.constant 12 : i32
    %get3A_606 = arith.index_cast %get3A_605 : i32 to index
    %get3A_607 = arith.constant 16 : index
    %get3A_608 = tpu.vector_load %arg8[%get3A_606, %get3A_607] {strides = array<i32>} : memref<16x144xi32, #tpu.memory_space<vmem>>, vector<16xi32>,
    %min3A_609 = arith.minsi %min3A_564, %get3A_608 : vector<16xi32>
    %get3A_610 = arith.constant 12 : i32
    %get3A_611 = arith.index_cast %get3A_610 : i32 to index
    %get3A_612 = arith.constant 32 : index
    %get3A_613 = tpu.vector_load %arg8[%get3A_611, %get3A_612] {strides = array<i32>} : memref<16x144xi32, #tpu.memory_space<vmem>>, vector<16xi32>,
    %min3A_614 = arith.minsi %min3A_569, %get3A_613 : vector<16xi32>
    %get3A_615 = arith.constant 12 : i32
    %get3A_616 = arith.index_cast %get3A_615 : i32 to index
    %get3A_617 = arith.constant 48 : index
    %get3A_618 = tpu.vector_load %arg8[%get3A_616, %get3A_617] {strides = array<i32>} : memref<16x144xi32, #tpu.memory_space<vmem>>, vector<16xi32>,
    %min3A_619 = arith.minsi %min3A_574, %get3A_618 : vector<16xi32>
    %get3A_620 = arith.constant 12 : i32
    %get3A_621 = arith.index_cast %get3A_620 : i32 to index
    %get3A_622 = arith.constant 64 : index
    %get3A_623 = tpu.vector_load %arg8[%get3A_621, %get3A_622] {strides = array<i32>} : memref<16x144xi32, #tpu.memory_space<vmem>>, vector<16xi32>,
    %min3A_624 = arith.minsi %min3A_579, %get3A_623 : vector<16xi32>
    %get3A_625 = arith.constant 12 : i32
    %get3A_626 = arith.index_cast %get3A_625 : i32 to index
    %get3A_627 = arith.constant 80 : index
    %get3A_628 = tpu.vector_load %arg8[%get3A_626, %get3A_627] {strides = array<i32>} : memref<16x144xi32, #tpu.memory_space<vmem>>, vector<16xi32>,
    %min3A_629 = arith.minsi %min3A_584, %get3A_628 : vector<16xi32>
    %get3A_630 = arith.constant 12 : i32
    %get3A_631 = arith.index_cast %get3A_630 : i32 to index
    %get3A_632 = arith.constant 96 : index
    %get3A_633 = tpu.vector_load %arg8[%get3A_631, %get3A_632] {strides = array<i32>} : memref<16x144xi32, #tpu.memory_space<vmem>>, vector<16xi32>,
    %min3A_634 = arith.minsi %min3A_589, %get3A_633 : vector<16xi32>
    %get3A_635 = arith.constant 12 : i32
    %get3A_636 = arith.index_cast %get3A_635 : i32 to index
    %get3A_637 = arith.constant 112 : index
    %get3A_638 = tpu.vector_load %arg8[%get3A_636, %get3A_637] {strides = array<i32>} : memref<16x144xi32, #tpu.memory_space<vmem>>, vector<16xi32>,
    %min3A_639 = arith.minsi %min3A_594, %get3A_638 : vector<16xi32>
    %get3A_640 = arith.constant 12 : i32
    %get3A_641 = arith.index_cast %get3A_640 : i32 to index
    %get3A_642 = arith.constant 128 : index
    %get3A_643 = tpu.vector_load %arg8[%get3A_641, %get3A_642] {strides = array<i32>} : memref<16x144xi32, #tpu.memory_space<vmem>>, vector<16xi32>,
    %min3A_644 = arith.minsi %min3A_599, %get3A_643 : vector<16xi32>
    %get3A_645 = arith.constant 13 : i32
    %get3A_646 = arith.index_cast %get3A_645 : i32 to index
    %get3A_647 = arith.constant 0 : index
    %get3A_648 = tpu.vector_load %arg8[%get3A_646, %get3A_647] {strides = array<i32>} : memref<16x144xi32, #tpu.memory_space<vmem>>, vector<16xi32>,
    %min3A_649 = arith.minsi %min3A_604, %get3A_648 : vector<16xi32>
    %get3A_650 = arith.constant 13 : i32
    %get3A_651 = arith.index_cast %get3A_650 : i32 to index
    %get3A_652 = arith.constant 16 : index
    %get3A_653 = tpu.vector_load %arg8[%get3A_651, %get3A_652] {strides = array<i32>} : memref<16x144xi32, #tpu.memory_space<vmem>>, vector<16xi32>,
    %min3A_654 = arith.minsi %min3A_609, %get3A_653 : vector<16xi32>
    %get3A_655 = arith.constant 13 : i32
    %get3A_656 = arith.index_cast %get3A_655 : i32 to index
    %get3A_657 = arith.constant 32 : index
    %get3A_658 = tpu.vector_load %arg8[%get3A_656, %get3A_657] {strides = array<i32>} : memref<16x144xi32, #tpu.memory_space<vmem>>, vector<16xi32>,
    %min3A_659 = arith.minsi %min3A_614, %get3A_658 : vector<16xi32>
    %get3A_660 = arith.constant 13 : i32
    %get3A_661 = arith.index_cast %get3A_660 : i32 to index
    %get3A_662 = arith.constant 48 : index
    %get3A_663 = tpu.vector_load %arg8[%get3A_661, %get3A_662] {strides = array<i32>} : memref<16x144xi32, #tpu.memory_space<vmem>>, vector<16xi32>,
    %min3A_664 = arith.minsi %min3A_619, %get3A_663 : vector<16xi32>
    %get3A_665 = arith.constant 13 : i32
    %get3A_666 = arith.index_cast %get3A_665 : i32 to index
    %get3A_667 = arith.constant 64 : index
    %get3A_668 = tpu.vector_load %arg8[%get3A_666, %get3A_667] {strides = array<i32>} : memref<16x144xi32, #tpu.memory_space<vmem>>, vector<16xi32>,
    %min3A_669 = arith.minsi %min3A_624, %get3A_668 : vector<16xi32>
    %get3A_670 = arith.constant 13 : i32
    %get3A_671 = arith.index_cast %get3A_670 : i32 to index
    %get3A_672 = arith.constant 80 : index
    %get3A_673 = tpu.vector_load %arg8[%get3A_671, %get3A_672] {strides = array<i32>} : memref<16x144xi32, #tpu.memory_space<vmem>>, vector<16xi32>,
    %min3A_674 = arith.minsi %min3A_629, %get3A_673 : vector<16xi32>
    %get3A_675 = arith.constant 13 : i32
    %get3A_676 = arith.index_cast %get3A_675 : i32 to index
    %get3A_677 = arith.constant 96 : index
    %get3A_678 = tpu.vector_load %arg8[%get3A_676, %get3A_677] {strides = array<i32>} : memref<16x144xi32, #tpu.memory_space<vmem>>, vector<16xi32>,
    %min3A_679 = arith.minsi %min3A_634, %get3A_678 : vector<16xi32>
    %get3A_680 = arith.constant 13 : i32
    %get3A_681 = arith.index_cast %get3A_680 : i32 to index
    %get3A_682 = arith.constant 112 : index
    %get3A_683 = tpu.vector_load %arg8[%get3A_681, %get3A_682] {strides = array<i32>} : memref<16x144xi32, #tpu.memory_space<vmem>>, vector<16xi32>,
    %min3A_684 = arith.minsi %min3A_639, %get3A_683 : vector<16xi32>
    %get3A_685 = arith.constant 13 : i32
    %get3A_686 = arith.index_cast %get3A_685 : i32 to index
    %get3A_687 = arith.constant 128 : index
    %get3A_688 = tpu.vector_load %arg8[%get3A_686, %get3A_687] {strides = array<i32>} : memref<16x144xi32, #tpu.memory_space<vmem>>, vector<16xi32>,
    %min3A_689 = arith.minsi %min3A_644, %get3A_688 : vector<16xi32>
    %get3A_690 = arith.constant 14 : i32
    %get3A_691 = arith.index_cast %get3A_690 : i32 to index
    %get3A_692 = arith.constant 0 : index
    %get3A_693 = tpu.vector_load %arg8[%get3A_691, %get3A_692] {strides = array<i32>} : memref<16x144xi32, #tpu.memory_space<vmem>>, vector<16xi32>,
    %min3A_694 = arith.minsi %min3A_649, %get3A_693 : vector<16xi32>
    %get3A_695 = arith.constant 14 : i32
    %get3A_696 = arith.index_cast %get3A_695 : i32 to index
    %get3A_697 = arith.constant 16 : index
    %get3A_698 = tpu.vector_load %arg8[%get3A_696, %get3A_697] {strides = array<i32>} : memref<16x144xi32, #tpu.memory_space<vmem>>, vector<16xi32>,
    %min3A_699 = arith.minsi %min3A_654, %get3A_698 : vector<16xi32>
    %get3A_700 = arith.constant 14 : i32
    %get3A_701 = arith.index_cast %get3A_700 : i32 to index
    %get3A_702 = arith.constant 32 : index
    %get3A_703 = tpu.vector_load %arg8[%get3A_701, %get3A_702] {strides = array<i32>} : memref<16x144xi32, #tpu.memory_space<vmem>>, vector<16xi32>,
    %min3A_704 = arith.minsi %min3A_659, %get3A_703 : vector<16xi32>
    %get3A_705 = arith.constant 14 : i32
    %get3A_706 = arith.index_cast %get3A_705 : i32 to index
    %get3A_707 = arith.constant 48 : index
    %get3A_708 = tpu.vector_load %arg8[%get3A_706, %get3A_707] {strides = array<i32>} : memref<16x144xi32, #tpu.memory_space<vmem>>, vector<16xi32>,
    %min3A_709 = arith.minsi %min3A_664, %get3A_708 : vector<16xi32>
    %get3A_710 = arith.constant 14 : i32
    %get3A_711 = arith.index_cast %get3A_710 : i32 to index
    %get3A_712 = arith.constant 64 : index
    %get3A_713 = tpu.vector_load %arg8[%get3A_711, %get3A_712] {strides = array<i32>} : memref<16x144xi32, #tpu.memory_space<vmem>>, vector<16xi32>,
    %min3A_714 = arith.minsi %min3A_669, %get3A_713 : vector<16xi32>
    %get3A_715 = arith.constant 14 : i32
    %get3A_716 = arith.index_cast %get3A_715 : i32 to index
    %get3A_717 = arith.constant 80 : index
    %get3A_718 = tpu.vector_load %arg8[%get3A_716, %get3A_717] {strides = array<i32>} : memref<16x144xi32, #tpu.memory_space<vmem>>, vector<16xi32>,
    %min3A_719 = arith.minsi %min3A_674, %get3A_718 : vector<16xi32>
    %get3A_720 = arith.constant 14 : i32
    %get3A_721 = arith.index_cast %get3A_720 : i32 to index
    %get3A_722 = arith.constant 96 : index
    %get3A_723 = tpu.vector_load %arg8[%get3A_721, %get3A_722] {strides = array<i32>} : memref<16x144xi32, #tpu.memory_space<vmem>>, vector<16xi32>,
    %min3A_724 = arith.minsi %min3A_679, %get3A_723 : vector<16xi32>
    %get3A_725 = arith.constant 14 : i32
    %get3A_726 = arith.index_cast %get3A_725 : i32 to index
    %get3A_727 = arith.constant 112 : index
    %get3A_728 = tpu.vector_load %arg8[%get3A_726, %get3A_727] {strides = array<i32>} : memref<16x144xi32, #tpu.memory_space<vmem>>, vector<16xi32>,
    %min3A_729 = arith.minsi %min3A_684, %get3A_728 : vector<16xi32>
    %get3A_730 = arith.constant 14 : i32
    %get3A_731 = arith.index_cast %get3A_730 : i32 to index
    %get3A_732 = arith.constant 128 : index
    %get3A_733 = tpu.vector_load %arg8[%get3A_731, %get3A_732] {strides = array<i32>} : memref<16x144xi32, #tpu.memory_space<vmem>>, vector<16xi32>,
    %min3A_734 = arith.minsi %min3A_689, %get3A_733 : vector<16xi32>
    %get3A_735 = arith.constant 15 : i32
    %get3A_736 = arith.index_cast %get3A_735 : i32 to index
    %get3A_737 = arith.constant 0 : index
    %get3A_738 = tpu.vector_load %arg8[%get3A_736, %get3A_737] {strides = array<i32>} : memref<16x144xi32, #tpu.memory_space<vmem>>, vector<16xi32>,
    %min3A_739 = arith.minsi %min3A_694, %get3A_738 : vector<16xi32>
    %get3A_740 = arith.constant 15 : i32
    %get3A_741 = arith.index_cast %get3A_740 : i32 to index
    %get3A_742 = arith.constant 16 : index
    %get3A_743 = tpu.vector_load %arg8[%get3A_741, %get3A_742] {strides = array<i32>} : memref<16x144xi32, #tpu.memory_space<vmem>>, vector<16xi32>,
    %min3A_744 = arith.minsi %min3A_699, %get3A_743 : vector<16xi32>
    %get3A_745 = arith.constant 15 : i32
    %get3A_746 = arith.index_cast %get3A_745 : i32 to index
    %get3A_747 = arith.constant 32 : index
    %get3A_748 = tpu.vector_load %arg8[%get3A_746, %get3A_747] {strides = array<i32>} : memref<16x144xi32, #tpu.memory_space<vmem>>, vector<16xi32>,
    %min3A_749 = arith.minsi %min3A_704, %get3A_748 : vector<16xi32>
    %get3A_750 = arith.constant 15 : i32
    %get3A_751 = arith.index_cast %get3A_750 : i32 to index
    %get3A_752 = arith.constant 48 : index
    %get3A_753 = tpu.vector_load %arg8[%get3A_751, %get3A_752] {strides = array<i32>} : memref<16x144xi32, #tpu.memory_space<vmem>>, vector<16xi32>,
    %min3A_754 = arith.minsi %min3A_709, %get3A_753 : vector<16xi32>
    %get3A_755 = arith.constant 15 : i32
    %get3A_756 = arith.index_cast %get3A_755 : i32 to index
    %get3A_757 = arith.constant 64 : index
    %get3A_758 = tpu.vector_load %arg8[%get3A_756, %get3A_757] {strides = array<i32>} : memref<16x144xi32, #tpu.memory_space<vmem>>, vector<16xi32>,
    %min3A_759 = arith.minsi %min3A_714, %get3A_758 : vector<16xi32>
    %get3A_760 = arith.constant 15 : i32
    %get3A_761 = arith.index_cast %get3A_760 : i32 to index
    %get3A_762 = arith.constant 80 : index
    %get3A_763 = tpu.vector_load %arg8[%get3A_761, %get3A_762] {strides = array<i32>} : memref<16x144xi32, #tpu.memory_space<vmem>>, vector<16xi32>,
    %min3A_764 = arith.minsi %min3A_719, %get3A_763 : vector<16xi32>
    %get3A_765 = arith.constant 15 : i32
    %get3A_766 = arith.index_cast %get3A_765 : i32 to index
    %get3A_767 = arith.constant 96 : index
    %get3A_768 = tpu.vector_load %arg8[%get3A_766, %get3A_767] {strides = array<i32>} : memref<16x144xi32, #tpu.memory_space<vmem>>, vector<16xi32>,
    %min3A_769 = arith.minsi %min3A_724, %get3A_768 : vector<16xi32>
    %get3A_770 = arith.constant 15 : i32
    %get3A_771 = arith.index_cast %get3A_770 : i32 to index
    %get3A_772 = arith.constant 112 : index
    %get3A_773 = tpu.vector_load %arg8[%get3A_771, %get3A_772] {strides = array<i32>} : memref<16x144xi32, #tpu.memory_space<vmem>>, vector<16xi32>,
    %min3A_774 = arith.minsi %min3A_729, %get3A_773 : vector<16xi32>
    %get3A_775 = arith.constant 15 : i32
    %get3A_776 = arith.index_cast %get3A_775 : i32 to index
    %get3A_777 = arith.constant 128 : index
    %get3A_778 = tpu.vector_load %arg8[%get3A_776, %get3A_777] {strides = array<i32>} : memref<16x144xi32, #tpu.memory_space<vmem>>, vector<16xi32>,
    %min3A_779 = arith.minsi %min3A_734, %get3A_778 : vector<16xi32>
    %rev3A = arith.constant 15 : i32
    %rev3A_780 = vector.broadcast %rev3A : i32 to vector<16xi32>
    %rev3A_781 = tpu.iota {dimensions = array<i32: 0>} : vector<16xi32>
    %rev3A_782 = arith.subi %rev3A_780, %rev3A_781 : vector<16xi32>
    %rev3A_783 = tpu.dynamic_gather %min3A_779[%rev3A_782] in [0] : vector<16xi32>, vector<16xi32> -> vector<16xi32>
    %neg3A = arith.constant 0 : i32
    %neg3A_784 = vector.broadcast %neg3A : i32 to vector<16xi32>
    %neg3A_785 = arith.subi %neg3A_784, %rev3A_783 : vector<16xi32>
    %broadcast_in_dim3A_786 = arith.constant true
    %broadcast_in_dim3A_787 = vector.broadcast %broadcast_in_dim3A_786 : i1 to vector<16xi1>
    %masked_cummax3A = arith.constant -2147483648 : i32
    %masked_cummax3A_788 = vector.broadcast %masked_cummax3A : i32 to vector<16xi32>
    %masked_cummax3A_789 = arith.xori %neg3A_785, %masked_cummax3A_788 : vector<16xi32>
    %masked_cummax3A_790 = tpu.scan <max>, %masked_cummax3A_789 masked %broadcast_in_dim3A_787 : vector<16xi32>, vector<16xi1> -> vector<16xi32>
    %masked_cummax3A_791 = arith.xori %masked_cummax3A_790, %masked_cummax3A_788 : vector<16xi32>
    %neg3A_792 = arith.constant 0 : i32
    %neg3A_793 = vector.broadcast %neg3A_792 : i32 to vector<16xi32>
    %neg3A_794 = arith.subi %neg3A_793, %masked_cummax3A_791 : vector<16xi32>
    %rev3A_795 = arith.constant 15 : i32
    %rev3A_796 = vector.broadcast %rev3A_795 : i32 to vector<16xi32>
    %rev3A_797 = tpu.iota {dimensions = array<i32: 0>} : vector<16xi32>
    %rev3A_798 = arith.subi %rev3A_796, %rev3A_797 : vector<16xi32>
    %rev3A_799 = tpu.dynamic_gather %neg3A_794[%rev3A_798] in [0] : vector<16xi32>, vector<16xi32> -> vector<16xi32>
    %min3A_800 = arith.constant 100000 : i32
    %min3A_801 = vector.broadcast %min3A_800 : i32 to vector<16xi32>
    %min3A_802 = arith.minsi %rev3A_799, %min3A_801 : vector<16xi32>
    %swap3A_803 = arith.constant 128 : index
    %swap3A_804 = tpu.vector_load %arg9[%swap3A_803] {strides = array<i32>} : memref<144xi32, #tpu.memory_space<vmem>>, vector<16xi32>,
    tpu.vector_store %arg9[%swap3A_803], %min3A_802 {strides = array<i32>} : memref<144xi32, #tpu.memory_space<vmem>>, vector<16xi32>,
    %slice3A = vector.extract_strided_slice %min3A_802 {offsets = [0], sizes = [1], strides = [1]} : vector<16xi32> to vector<1xi32>
    %squeeze3A = vector.extract %slice3A[0] : i32 from vector<1xi32>
    %rev3A_805 = arith.constant 15 : i32
    %rev3A_806 = vector.broadcast %rev3A_805 : i32 to vector<16xi32>
    %rev3A_807 = tpu.iota {dimensions = array<i32: 0>} : vector<16xi32>
    %rev3A_808 = arith.subi %rev3A_806, %rev3A_807 : vector<16xi32>
    %rev3A_809 = tpu.dynamic_gather %min3A_774[%rev3A_808] in [0] : vector<16xi32>, vector<16xi32> -> vector<16xi32>
    %neg3A_810 = arith.constant 0 : i32
    %neg3A_811 = vector.broadcast %neg3A_810 : i32 to vector<16xi32>
    %neg3A_812 = arith.subi %neg3A_811, %rev3A_809 : vector<16xi32>
    %broadcast_in_dim3A_813 = arith.constant true
    %broadcast_in_dim3A_814 = vector.broadcast %broadcast_in_dim3A_813 : i1 to vector<16xi1>
    %masked_cummax3A_815 = arith.constant -2147483648 : i32
    %masked_cummax3A_816 = vector.broadcast %masked_cummax3A_815 : i32 to vector<16xi32>
    %masked_cummax3A_817 = arith.xori %neg3A_812, %masked_cummax3A_816 : vector<16xi32>
    %masked_cummax3A_818 = tpu.scan <max>, %masked_cummax3A_817 masked %broadcast_in_dim3A_814 : vector<16xi32>, vector<16xi1> -> vector<16xi32>
    %masked_cummax3A_819 = arith.xori %masked_cummax3A_818, %masked_cummax3A_816 : vector<16xi32>
    %neg3A_820 = arith.constant 0 : i32
    %neg3A_821 = vector.broadcast %neg3A_820 : i32 to vector<16xi32>
    %neg3A_822 = arith.subi %neg3A_821, %masked_cummax3A_819 : vector<16xi32>
    %rev3A_823 = arith.constant 15 : i32
    %rev3A_824 = vector.broadcast %rev3A_823 : i32 to vector<16xi32>
    %rev3A_825 = tpu.iota {dimensions = array<i32: 0>} : vector<16xi32>
    %rev3A_826 = arith.subi %rev3A_824, %rev3A_825 : vector<16xi32>
    %rev3A_827 = tpu.dynamic_gather %neg3A_822[%rev3A_826] in [0] : vector<16xi32>, vector<16xi32> -> vector<16xi32>
    %min3A_828 = vector.broadcast %squeeze3A : i32 to vector<16xi32>
    %min3A_829 = arith.minsi %rev3A_827, %min3A_828 : vector<16xi32>
    %swap3A_830 = arith.constant 112 : index
    %swap3A_831 = tpu.vector_load %arg9[%swap3A_830] {strides = array<i32>} : memref<144xi32, #tpu.memory_space<vmem>>, vector<16xi32>,
    tpu.vector_store %arg9[%swap3A_830], %min3A_829 {strides = array<i32>} : memref<144xi32, #tpu.memory_space<vmem>>, vector<16xi32>,
    %slice3A_832 = vector.extract_strided_slice %min3A_829 {offsets = [0], sizes = [1], strides = [1]} : vector<16xi32> to vector<1xi32>
    %squeeze3A_833 = vector.extract %slice3A_832[0] : i32 from vector<1xi32>
    %rev3A_834 = arith.constant 15 : i32
    %rev3A_835 = vector.broadcast %rev3A_834 : i32 to vector<16xi32>
    %rev3A_836 = tpu.iota {dimensions = array<i32: 0>} : vector<16xi32>
    %rev3A_837 = arith.subi %rev3A_835, %rev3A_836 : vector<16xi32>
    %rev3A_838 = tpu.dynamic_gather %min3A_769[%rev3A_837] in [0] : vector<16xi32>, vector<16xi32> -> vector<16xi32>
    %neg3A_839 = arith.constant 0 : i32
    %neg3A_840 = vector.broadcast %neg3A_839 : i32 to vector<16xi32>
    %neg3A_841 = arith.subi %neg3A_840, %rev3A_838 : vector<16xi32>
    %broadcast_in_dim3A_842 = arith.constant true
    %broadcast_in_dim3A_843 = vector.broadcast %broadcast_in_dim3A_842 : i1 to vector<16xi1>
    %masked_cummax3A_844 = arith.constant -2147483648 : i32
    %masked_cummax3A_845 = vector.broadcast %masked_cummax3A_844 : i32 to vector<16xi32>
    %masked_cummax3A_846 = arith.xori %neg3A_841, %masked_cummax3A_845 : vector<16xi32>
    %masked_cummax3A_847 = tpu.scan <max>, %masked_cummax3A_846 masked %broadcast_in_dim3A_843 : vector<16xi32>, vector<16xi1> -> vector<16xi32>
    %masked_cummax3A_848 = arith.xori %masked_cummax3A_847, %masked_cummax3A_845 : vector<16xi32>
    %neg3A_849 = arith.constant 0 : i32
    %neg3A_850 = vector.broadcast %neg3A_849 : i32 to vector<16xi32>
    %neg3A_851 = arith.subi %neg3A_850, %masked_cummax3A_848 : vector<16xi32>
    %rev3A_852 = arith.constant 15 : i32
    %rev3A_853 = vector.broadcast %rev3A_852 : i32 to vector<16xi32>
    %rev3A_854 = tpu.iota {dimensions = array<i32: 0>} : vector<16xi32>
    %rev3A_855 = arith.subi %rev3A_853, %rev3A_854 : vector<16xi32>
    %rev3A_856 = tpu.dynamic_gather %neg3A_851[%rev3A_855] in [0] : vector<16xi32>, vector<16xi32> -> vector<16xi32>
    %min3A_857 = vector.broadcast %squeeze3A_833 : i32 to vector<16xi32>
    %min3A_858 = arith.minsi %rev3A_856, %min3A_857 : vector<16xi32>
    %swap3A_859 = arith.constant 96 : index
    %swap3A_860 = tpu.vector_load %arg9[%swap3A_859] {strides = array<i32>} : memref<144xi32, #tpu.memory_space<vmem>>, vector<16xi32>,
    tpu.vector_store %arg9[%swap3A_859], %min3A_858 {strides = array<i32>} : memref<144xi32, #tpu.memory_space<vmem>>, vector<16xi32>,
    %slice3A_861 = vector.extract_strided_slice %min3A_858 {offsets = [0], sizes = [1], strides = [1]} : vector<16xi32> to vector<1xi32>
    %squeeze3A_862 = vector.extract %slice3A_861[0] : i32 from vector<1xi32>
    %rev3A_863 = arith.constant 15 : i32
    %rev3A_864 = vector.broadcast %rev3A_863 : i32 to vector<16xi32>
    %rev3A_865 = tpu.iota {dimensions = array<i32: 0>} : vector<16xi32>
    %rev3A_866 = arith.subi %rev3A_864, %rev3A_865 : vector<16xi32>
    %rev3A_867 = tpu.dynamic_gather %min3A_764[%rev3A_866] in [0] : vector<16xi32>, vector<16xi32> -> vector<16xi32>
    %neg3A_868 = arith.constant 0 : i32
    %neg3A_869 = vector.broadcast %neg3A_868 : i32 to vector<16xi32>
    %neg3A_870 = arith.subi %neg3A_869, %rev3A_867 : vector<16xi32>
    %broadcast_in_dim3A_871 = arith.constant true
    %broadcast_in_dim3A_872 = vector.broadcast %broadcast_in_dim3A_871 : i1 to vector<16xi1>
    %masked_cummax3A_873 = arith.constant -2147483648 : i32
    %masked_cummax3A_874 = vector.broadcast %masked_cummax3A_873 : i32 to vector<16xi32>
    %masked_cummax3A_875 = arith.xori %neg3A_870, %masked_cummax3A_874 : vector<16xi32>
    %masked_cummax3A_876 = tpu.scan <max>, %masked_cummax3A_875 masked %broadcast_in_dim3A_872 : vector<16xi32>, vector<16xi1> -> vector<16xi32>
    %masked_cummax3A_877 = arith.xori %masked_cummax3A_876, %masked_cummax3A_874 : vector<16xi32>
    %neg3A_878 = arith.constant 0 : i32
    %neg3A_879 = vector.broadcast %neg3A_878 : i32 to vector<16xi32>
    %neg3A_880 = arith.subi %neg3A_879, %masked_cummax3A_877 : vector<16xi32>
    %rev3A_881 = arith.constant 15 : i32
    %rev3A_882 = vector.broadcast %rev3A_881 : i32 to vector<16xi32>
    %rev3A_883 = tpu.iota {dimensions = array<i32: 0>} : vector<16xi32>
    %rev3A_884 = arith.subi %rev3A_882, %rev3A_883 : vector<16xi32>
    %rev3A_885 = tpu.dynamic_gather %neg3A_880[%rev3A_884] in [0] : vector<16xi32>, vector<16xi32> -> vector<16xi32>
    %min3A_886 = vector.broadcast %squeeze3A_862 : i32 to vector<16xi32>
    %min3A_887 = arith.minsi %rev3A_885, %min3A_886 : vector<16xi32>
    %swap3A_888 = arith.constant 80 : index
    %swap3A_889 = tpu.vector_load %arg9[%swap3A_888] {strides = array<i32>} : memref<144xi32, #tpu.memory_space<vmem>>, vector<16xi32>,
    tpu.vector_store %arg9[%swap3A_888], %min3A_887 {strides = array<i32>} : memref<144xi32, #tpu.memory_space<vmem>>, vector<16xi32>,
    %slice3A_890 = vector.extract_strided_slice %min3A_887 {offsets = [0], sizes = [1], strides = [1]} : vector<16xi32> to vector<1xi32>
    %squeeze3A_891 = vector.extract %slice3A_890[0] : i32 from vector<1xi32>
    %rev3A_892 = arith.constant 15 : i32
    %rev3A_893 = vector.broadcast %rev3A_892 : i32 to vector<16xi32>
    %rev3A_894 = tpu.iota {dimensions = array<i32: 0>} : vector<16xi32>
    %rev3A_895 = arith.subi %rev3A_893, %rev3A_894 : vector<16xi32>
    %rev3A_896 = tpu.dynamic_gather %min3A_759[%rev3A_895] in [0] : vector<16xi32>, vector<16xi32> -> vector<16xi32>
    %neg3A_897 = arith.constant 0 : i32
    %neg3A_898 = vector.broadcast %neg3A_897 : i32 to vector<16xi32>
    %neg3A_899 = arith.subi %neg3A_898, %rev3A_896 : vector<16xi32>
    %broadcast_in_dim3A_900 = arith.constant true
    %broadcast_in_dim3A_901 = vector.broadcast %broadcast_in_dim3A_900 : i1 to vector<16xi1>
    %masked_cummax3A_902 = arith.constant -2147483648 : i32
    %masked_cummax3A_903 = vector.broadcast %masked_cummax3A_902 : i32 to vector<16xi32>
    %masked_cummax3A_904 = arith.xori %neg3A_899, %masked_cummax3A_903 : vector<16xi32>
    %masked_cummax3A_905 = tpu.scan <max>, %masked_cummax3A_904 masked %broadcast_in_dim3A_901 : vector<16xi32>, vector<16xi1> -> vector<16xi32>
    %masked_cummax3A_906 = arith.xori %masked_cummax3A_905, %masked_cummax3A_903 : vector<16xi32>
    %neg3A_907 = arith.constant 0 : i32
    %neg3A_908 = vector.broadcast %neg3A_907 : i32 to vector<16xi32>
    %neg3A_909 = arith.subi %neg3A_908, %masked_cummax3A_906 : vector<16xi32>
    %rev3A_910 = arith.constant 15 : i32
    %rev3A_911 = vector.broadcast %rev3A_910 : i32 to vector<16xi32>
    %rev3A_912 = tpu.iota {dimensions = array<i32: 0>} : vector<16xi32>
    %rev3A_913 = arith.subi %rev3A_911, %rev3A_912 : vector<16xi32>
    %rev3A_914 = tpu.dynamic_gather %neg3A_909[%rev3A_913] in [0] : vector<16xi32>, vector<16xi32> -> vector<16xi32>
    %min3A_915 = vector.broadcast %squeeze3A_891 : i32 to vector<16xi32>
    %min3A_916 = arith.minsi %rev3A_914, %min3A_915 : vector<16xi32>
    %swap3A_917 = arith.constant 64 : index
    %swap3A_918 = tpu.vector_load %arg9[%swap3A_917] {strides = array<i32>} : memref<144xi32, #tpu.memory_space<vmem>>, vector<16xi32>,
    tpu.vector_store %arg9[%swap3A_917], %min3A_916 {strides = array<i32>} : memref<144xi32, #tpu.memory_space<vmem>>, vector<16xi32>,
    %slice3A_919 = vector.extract_strided_slice %min3A_916 {offsets = [0], sizes = [1], strides = [1]} : vector<16xi32> to vector<1xi32>
    %squeeze3A_920 = vector.extract %slice3A_919[0] : i32 from vector<1xi32>
    %rev3A_921 = arith.constant 15 : i32
    %rev3A_922 = vector.broadcast %rev3A_921 : i32 to vector<16xi32>
    %rev3A_923 = tpu.iota {dimensions = array<i32: 0>} : vector<16xi32>
    %rev3A_924 = arith.subi %rev3A_922, %rev3A_923 : vector<16xi32>
    %rev3A_925 = tpu.dynamic_gather %min3A_754[%rev3A_924] in [0] : vector<16xi32>, vector<16xi32> -> vector<16xi32>
    %neg3A_926 = arith.constant 0 : i32
    %neg3A_927 = vector.broadcast %neg3A_926 : i32 to vector<16xi32>
    %neg3A_928 = arith.subi %neg3A_927, %rev3A_925 : vector<16xi32>
    %broadcast_in_dim3A_929 = arith.constant true
    %broadcast_in_dim3A_930 = vector.broadcast %broadcast_in_dim3A_929 : i1 to vector<16xi1>
    %masked_cummax3A_931 = arith.constant -2147483648 : i32
    %masked_cummax3A_932 = vector.broadcast %masked_cummax3A_931 : i32 to vector<16xi32>
    %masked_cummax3A_933 = arith.xori %neg3A_928, %masked_cummax3A_932 : vector<16xi32>
    %masked_cummax3A_934 = tpu.scan <max>, %masked_cummax3A_933 masked %broadcast_in_dim3A_930 : vector<16xi32>, vector<16xi1> -> vector<16xi32>
    %masked_cummax3A_935 = arith.xori %masked_cummax3A_934, %masked_cummax3A_932 : vector<16xi32>
    %neg3A_936 = arith.constant 0 : i32
    %neg3A_937 = vector.broadcast %neg3A_936 : i32 to vector<16xi32>
    %neg3A_938 = arith.subi %neg3A_937, %masked_cummax3A_935 : vector<16xi32>
    %rev3A_939 = arith.constant 15 : i32
    %rev3A_940 = vector.broadcast %rev3A_939 : i32 to vector<16xi32>
    %rev3A_941 = tpu.iota {dimensions = array<i32: 0>} : vector<16xi32>
    %rev3A_942 = arith.subi %rev3A_940, %rev3A_941 : vector<16xi32>
    %rev3A_943 = tpu.dynamic_gather %neg3A_938[%rev3A_942] in [0] : vector<16xi32>, vector<16xi32> -> vector<16xi32>
    %min3A_944 = vector.broadcast %squeeze3A_920 : i32 to vector<16xi32>
    %min3A_945 = arith.minsi %rev3A_943, %min3A_944 : vector<16xi32>
    %swap3A_946 = arith.constant 48 : index
    %swap3A_947 = tpu.vector_load %arg9[%swap3A_946] {strides = array<i32>} : memref<144xi32, #tpu.memory_space<vmem>>, vector<16xi32>,
    tpu.vector_store %arg9[%swap3A_946], %min3A_945 {strides = array<i32>} : memref<144xi32, #tpu.memory_space<vmem>>, vector<16xi32>,
    %slice3A_948 = vector.extract_strided_slice %min3A_945 {offsets = [0], sizes = [1], strides = [1]} : vector<16xi32> to vector<1xi32>
    %squeeze3A_949 = vector.extract %slice3A_948[0] : i32 from vector<1xi32>
    %rev3A_950 = arith.constant 15 : i32
    %rev3A_951 = vector.broadcast %rev3A_950 : i32 to vector<16xi32>
    %rev3A_952 = tpu.iota {dimensions = array<i32: 0>} : vector<16xi32>
    %rev3A_953 = arith.subi %rev3A_951, %rev3A_952 : vector<16xi32>
    %rev3A_954 = tpu.dynamic_gather %min3A_749[%rev3A_953] in [0] : vector<16xi32>, vector<16xi32> -> vector<16xi32>
    %neg3A_955 = arith.constant 0 : i32
    %neg3A_956 = vector.broadcast %neg3A_955 : i32 to vector<16xi32>
    %neg3A_957 = arith.subi %neg3A_956, %rev3A_954 : vector<16xi32>
    %broadcast_in_dim3A_958 = arith.constant true
    %broadcast_in_dim3A_959 = vector.broadcast %broadcast_in_dim3A_958 : i1 to vector<16xi1>
    %masked_cummax3A_960 = arith.constant -2147483648 : i32
    %masked_cummax3A_961 = vector.broadcast %masked_cummax3A_960 : i32 to vector<16xi32>
    %masked_cummax3A_962 = arith.xori %neg3A_957, %masked_cummax3A_961 : vector<16xi32>
    %masked_cummax3A_963 = tpu.scan <max>, %masked_cummax3A_962 masked %broadcast_in_dim3A_959 : vector<16xi32>, vector<16xi1> -> vector<16xi32>
    %masked_cummax3A_964 = arith.xori %masked_cummax3A_963, %masked_cummax3A_961 : vector<16xi32>
    %neg3A_965 = arith.constant 0 : i32
    %neg3A_966 = vector.broadcast %neg3A_965 : i32 to vector<16xi32>
    %neg3A_967 = arith.subi %neg3A_966, %masked_cummax3A_964 : vector<16xi32>
    %rev3A_968 = arith.constant 15 : i32
    %rev3A_969 = vector.broadcast %rev3A_968 : i32 to vector<16xi32>
    %rev3A_970 = tpu.iota {dimensions = array<i32: 0>} : vector<16xi32>
    %rev3A_971 = arith.subi %rev3A_969, %rev3A_970 : vector<16xi32>
    %rev3A_972 = tpu.dynamic_gather %neg3A_967[%rev3A_971] in [0] : vector<16xi32>, vector<16xi32> -> vector<16xi32>
    %min3A_973 = vector.broadcast %squeeze3A_949 : i32 to vector<16xi32>
    %min3A_974 = arith.minsi %rev3A_972, %min3A_973 : vector<16xi32>
    %swap3A_975 = arith.constant 32 : index
    %swap3A_976 = tpu.vector_load %arg9[%swap3A_975] {strides = array<i32>} : memref<144xi32, #tpu.memory_space<vmem>>, vector<16xi32>,
    tpu.vector_store %arg9[%swap3A_975], %min3A_974 {strides = array<i32>} : memref<144xi32, #tpu.memory_space<vmem>>, vector<16xi32>,
    %slice3A_977 = vector.extract_strided_slice %min3A_974 {offsets = [0], sizes = [1], strides = [1]} : vector<16xi32> to vector<1xi32>
    %squeeze3A_978 = vector.extract %slice3A_977[0] : i32 from vector<1xi32>
    %rev3A_979 = arith.constant 15 : i32
    %rev3A_980 = vector.broadcast %rev3A_979 : i32 to vector<16xi32>
    %rev3A_981 = tpu.iota {dimensions = array<i32: 0>} : vector<16xi32>
    %rev3A_982 = arith.subi %rev3A_980, %rev3A_981 : vector<16xi32>
    %rev3A_983 = tpu.dynamic_gather %min3A_744[%rev3A_982] in [0] : vector<16xi32>, vector<16xi32> -> vector<16xi32>
    %neg3A_984 = arith.constant 0 : i32
    %neg3A_985 = vector.broadcast %neg3A_984 : i32 to vector<16xi32>
    %neg3A_986 = arith.subi %neg3A_985, %rev3A_983 : vector<16xi32>
    %broadcast_in_dim3A_987 = arith.constant true
    %broadcast_in_dim3A_988 = vector.broadcast %broadcast_in_dim3A_987 : i1 to vector<16xi1>
    %masked_cummax3A_989 = arith.constant -2147483648 : i32
    %masked_cummax3A_990 = vector.broadcast %masked_cummax3A_989 : i32 to vector<16xi32>
    %masked_cummax3A_991 = arith.xori %neg3A_986, %masked_cummax3A_990 : vector<16xi32>
    %masked_cummax3A_992 = tpu.scan <max>, %masked_cummax3A_991 masked %broadcast_in_dim3A_988 : vector<16xi32>, vector<16xi1> -> vector<16xi32>
    %masked_cummax3A_993 = arith.xori %masked_cummax3A_992, %masked_cummax3A_990 : vector<16xi32>
    %neg3A_994 = arith.constant 0 : i32
    %neg3A_995 = vector.broadcast %neg3A_994 : i32 to vector<16xi32>
    %neg3A_996 = arith.subi %neg3A_995, %masked_cummax3A_993 : vector<16xi32>
    %rev3A_997 = arith.constant 15 : i32
    %rev3A_998 = vector.broadcast %rev3A_997 : i32 to vector<16xi32>
    %rev3A_999 = tpu.iota {dimensions = array<i32: 0>} : vector<16xi32>
    %rev3A_1000 = arith.subi %rev3A_998, %rev3A_999 : vector<16xi32>
    %rev3A_1001 = tpu.dynamic_gather %neg3A_996[%rev3A_1000] in [0] : vector<16xi32>, vector<16xi32> -> vector<16xi32>
    %min3A_1002 = vector.broadcast %squeeze3A_978 : i32 to vector<16xi32>
    %min3A_1003 = arith.minsi %rev3A_1001, %min3A_1002 : vector<16xi32>
    %swap3A_1004 = arith.constant 16 : index
    %swap3A_1005 = tpu.vector_load %arg9[%swap3A_1004] {strides = array<i32>} : memref<144xi32, #tpu.memory_space<vmem>>, vector<16xi32>,
    tpu.vector_store %arg9[%swap3A_1004], %min3A_1003 {strides = array<i32>} : memref<144xi32, #tpu.memory_space<vmem>>, vector<16xi32>,
    %slice3A_1006 = vector.extract_strided_slice %min3A_1003 {offsets = [0], sizes = [1], strides = [1]} : vector<16xi32> to vector<1xi32>
    %squeeze3A_1007 = vector.extract %slice3A_1006[0] : i32 from vector<1xi32>
    %rev3A_1008 = arith.constant 15 : i32
    %rev3A_1009 = vector.broadcast %rev3A_1008 : i32 to vector<16xi32>
    %rev3A_1010 = tpu.iota {dimensions = array<i32: 0>} : vector<16xi32>
    %rev3A_1011 = arith.subi %rev3A_1009, %rev3A_1010 : vector<16xi32>
    %rev3A_1012 = tpu.dynamic_gather %min3A_739[%rev3A_1011] in [0] : vector<16xi32>, vector<16xi32> -> vector<16xi32>
    %neg3A_1013 = arith.constant 0 : i32
    %neg3A_1014 = vector.broadcast %neg3A_1013 : i32 to vector<16xi32>
    %neg3A_1015 = arith.subi %neg3A_1014, %rev3A_1012 : vector<16xi32>
    %broadcast_in_dim3A_1016 = arith.constant true
    %broadcast_in_dim3A_1017 = vector.broadcast %broadcast_in_dim3A_1016 : i1 to vector<16xi1>
    %masked_cummax3A_1018 = arith.constant -2147483648 : i32
    %masked_cummax3A_1019 = vector.broadcast %masked_cummax3A_1018 : i32 to vector<16xi32>
    %masked_cummax3A_1020 = arith.xori %neg3A_1015, %masked_cummax3A_1019 : vector<16xi32>
    %masked_cummax3A_1021 = tpu.scan <max>, %masked_cummax3A_1020 masked %broadcast_in_dim3A_1017 : vector<16xi32>, vector<16xi1> -> vector<16xi32>
    %masked_cummax3A_1022 = arith.xori %masked_cummax3A_1021, %masked_cummax3A_1019 : vector<16xi32>
    %neg3A_1023 = arith.constant 0 : i32
    %neg3A_1024 = vector.broadcast %neg3A_1023 : i32 to vector<16xi32>
    %neg3A_1025 = arith.subi %neg3A_1024, %masked_cummax3A_1022 : vector<16xi32>
    %rev3A_1026 = arith.constant 15 : i32
    %rev3A_1027 = vector.broadcast %rev3A_1026 : i32 to vector<16xi32>
    %rev3A_1028 = tpu.iota {dimensions = array<i32: 0>} : vector<16xi32>
    %rev3A_1029 = arith.subi %rev3A_1027, %rev3A_1028 : vector<16xi32>
    %rev3A_1030 = tpu.dynamic_gather %neg3A_1025[%rev3A_1029] in [0] : vector<16xi32>, vector<16xi32> -> vector<16xi32>
    %min3A_1031 = vector.broadcast %squeeze3A_1007 : i32 to vector<16xi32>
    %min3A_1032 = arith.minsi %rev3A_1030, %min3A_1031 : vector<16xi32>
    %swap3A_1033 = arith.constant 0 : index
    %swap3A_1034 = tpu.vector_load %arg9[%swap3A_1033] {strides = array<i32>} : memref<144xi32, #tpu.memory_space<vmem>>, vector<16xi32>,
    tpu.vector_store %arg9[%swap3A_1033], %min3A_1032 {strides = array<i32>} : memref<144xi32, #tpu.memory_space<vmem>>, vector<16xi32>,
    %slice3A_1035 = vector.extract_strided_slice %min3A_1032 {offsets = [0], sizes = [1], strides = [1]} : vector<16xi32> to vector<1xi32>
    %squeeze3A_1036 = vector.extract %slice3A_1035[0] : i32 from vector<1xi32>
    %mul3A_1037 = arith.constant 4 : i32
    %mul3A_1038 = arith.muli %add3A, %mul3A_1037 : i32
    %add3A_1039 = arith.constant 0 : i32
    %add3A_1040 = arith.addi %mul3A_1038, %add3A_1039 : i32
    %get3A_1041 = arith.index_cast %add3A_1040 : i32 to index
    %get3A_1042 = tpu.vector_load %arg9[%get3A_1041] {strides = array<i32>} : memref<144xi32, #tpu.memory_space<vmem>>, vector<16xi32>,
    %slice3A_1043 = vector.extract_strided_slice %get3A_1042 {offsets = [0], sizes = [1], strides = [1]} : vector<16xi32> to vector<1xi32>
    %squeeze3A_1044 = vector.extract %slice3A_1043[0] : i32 from vector<1xi32>
    %add3A_1045 = arith.constant 1 : i32
    %add3A_1046 = arith.addi %mul3A_1038, %add3A_1045 : i32
    %get3A_1047 = arith.index_cast %add3A_1046 : i32 to index
    %get3A_1048 = tpu.vector_load %arg9[%get3A_1047] {strides = array<i32>} : memref<144xi32, #tpu.memory_space<vmem>>, vector<16xi32>,
    %slice3A_1049 = vector.extract_strided_slice %get3A_1048 {offsets = [0], sizes = [1], strides = [1]} : vector<16xi32> to vector<1xi32>
    %squeeze3A_1050 = vector.extract %slice3A_1049[0] : i32 from vector<1xi32>
    %add3A_1051 = arith.constant 2 : i32
    %add3A_1052 = arith.addi %mul3A_1038, %add3A_1051 : i32
    %get3A_1053 = arith.index_cast %add3A_1052 : i32 to index
    %get3A_1054 = tpu.vector_load %arg9[%get3A_1053] {strides = array<i32>} : memref<144xi32, #tpu.memory_space<vmem>>, vector<16xi32>,
    %slice3A_1055 = vector.extract_strided_slice %get3A_1054 {offsets = [0], sizes = [1], strides = [1]} : vector<16xi32> to vector<1xi32>
    %squeeze3A_1056 = vector.extract %slice3A_1055[0] : i32 from vector<1xi32>
    %add3A_1057 = arith.constant 3 : i32
    %add3A_1058 = arith.addi %mul3A_1038, %add3A_1057 : i32
    %get3A_1059 = arith.index_cast %add3A_1058 : i32 to index
    %get3A_1060 = tpu.vector_load %arg9[%get3A_1059] {strides = array<i32>} : memref<144xi32, #tpu.memory_space<vmem>>, vector<16xi32>,
    %slice3A_1061 = vector.extract_strided_slice %get3A_1060 {offsets = [0], sizes = [1], strides = [1]} : vector<16xi32> to vector<1xi32>
    %squeeze3A_1062 = vector.extract %slice3A_1061[0] : i32 from vector<1xi32>
    %add3A_1063 = arith.constant 4 : i32
    %add3A_1064 = arith.addi %mul3A_1038, %add3A_1063 : i32
    %get3A_1065 = arith.index_cast %add3A_1064 : i32 to index
    %get3A_1066 = tpu.vector_load %arg9[%get3A_1065] {strides = array<i32>} : memref<144xi32, #tpu.memory_space<vmem>>, vector<16xi32>,
    %slice3A_1067 = vector.extract_strided_slice %get3A_1066 {offsets = [0], sizes = [1], strides = [1]} : vector<16xi32> to vector<1xi32>
    %squeeze3A_1068 = vector.extract %slice3A_1067[0] : i32 from vector<1xi32>
    %sub3A_1069 = arith.subi %squeeze3A_1068, %squeeze3A_1044 : i32
    %add3A_1070 = arith.constant 256 : i32
    %add3A_1071 = arith.addi %sub3A_1069, %add3A_1070 : i32
    %sub3A_1072 = arith.constant 1 : i32
    %sub3A_1073 = arith.subi %add3A_1071, %sub3A_1072 : i32
    %jit3A_1074 = arith.constant 256 : i32
    %div3A_1075 = arith.divsi %sub3A_1073, %jit3A_1074 : i32
    %sign3A_1076 = arith.constant 0 : i32
    %sign3A_1077 = arith.cmpi sgt, %sub3A_1073, %sign3A_1076 : i32
    %sign3A_1078 = arith.extui %sign3A_1077 : i1 to i32
    %sign3A_1079 = arith.constant 0 : i32
    %sign3A_1080 = arith.cmpi slt, %sub3A_1073, %sign3A_1079 : i32
    %sign3A_1081 = arith.extui %sign3A_1080 : i1 to i32
    %sign3A_1082 = arith.subi %sign3A_1078, %sign3A_1081 : i32
    %sign3A_1083 = arith.constant 0 : i32
    %sign3A_1084 = arith.cmpi sgt, %jit3A_1074, %sign3A_1083 : i32
    %sign3A_1085 = arith.extui %sign3A_1084 : i1 to i32
    %sign3A_1086 = arith.constant 0 : i32
    %sign3A_1087 = arith.cmpi slt, %jit3A_1074, %sign3A_1086 : i32
    %sign3A_1088 = arith.extui %sign3A_1087 : i1 to i32
    %sign3A_1089 = arith.subi %sign3A_1085, %sign3A_1088 : i32
    %ne3A_1090 = arith.cmpi ne, %sign3A_1082, %sign3A_1089 : i32
    %rem3A_1091 = arith.remsi %sub3A_1073, %jit3A_1074 : i32
    %ne3A_1092 = arith.constant 0 : i32
    %ne3A_1093 = arith.cmpi ne, %rem3A_1091, %ne3A_1092 : i32
    %and3A_1094 = arith.andi %ne3A_1090, %ne3A_1093 : i1
    %sub3A_1095 = arith.constant 1 : i32
    %sub3A_1096 = arith.subi %div3A_1075, %sub3A_1095 : i32
    %select_n3A_1097 = arith.select %and3A_1094, %sub3A_1096, %div3A_1075 : i32
    %broadcast_in_dim3A_1098 = arith.constant 0xFF800000 : f32
    %broadcast_in_dim3A_1099 = vector.broadcast %broadcast_in_dim3A_1098 : f32 to vector<16xf32>
    %swap3A_1100 = arith.constant 0 : i32
    %swap3A_1101 = arith.index_cast %swap3A_1100 : i32 to index
    %swap3A_1102 = arith.constant 0 : index
    %swap3A_1103 = tpu.vector_load %arg13[%swap3A_1101, %swap3A_1102] {strides = array<i32>} : memref<4x128xf32, #tpu.memory_space<vmem>>, vector<16xf32>,
    tpu.vector_store %arg13[%swap3A_1101, %swap3A_1102], %broadcast_in_dim3A_1099 {strides = array<i32>} : memref<4x128xf32, #tpu.memory_space<vmem>>, vector<16xf32>,
    %broadcast_in_dim3A_1104 = arith.constant 0xFF800000 : f32
    %broadcast_in_dim3A_1105 = vector.broadcast %broadcast_in_dim3A_1104 : f32 to vector<16xf32>
    %swap3A_1106 = arith.constant 0 : i32
    %swap3A_1107 = arith.index_cast %swap3A_1106 : i32 to index
    %swap3A_1108 = arith.constant 16 : index
    %swap3A_1109 = tpu.vector_load %arg13[%swap3A_1107, %swap3A_1108] {strides = array<i32>} : memref<4x128xf32, #tpu.memory_space<vmem>>, vector<16xf32>,
    tpu.vector_store %arg13[%swap3A_1107, %swap3A_1108], %broadcast_in_dim3A_1105 {strides = array<i32>} : memref<4x128xf32, #tpu.memory_space<vmem>>, vector<16xf32>,
    %broadcast_in_dim3A_1110 = arith.constant 0xFF800000 : f32
    %broadcast_in_dim3A_1111 = vector.broadcast %broadcast_in_dim3A_1110 : f32 to vector<16xf32>
    %swap3A_1112 = arith.constant 0 : i32
    %swap3A_1113 = arith.index_cast %swap3A_1112 : i32 to index
    %swap3A_1114 = arith.constant 32 : index
    %swap3A_1115 = tpu.vector_load %arg13[%swap3A_1113, %swap3A_1114] {strides = array<i32>} : memref<4x128xf32, #tpu.memory_space<vmem>>, vector<16xf32>,
    tpu.vector_store %arg13[%swap3A_1113, %swap3A_1114], %broadcast_in_dim3A_1111 {strides = array<i32>} : memref<4x128xf32, #tpu.memory_space<vmem>>, vector<16xf32>,
    %broadcast_in_dim3A_1116 = arith.constant 0xFF800000 : f32
    %broadcast_in_dim3A_1117 = vector.broadcast %broadcast_in_dim3A_1116 : f32 to vector<16xf32>
    %swap3A_1118 = arith.constant 0 : i32
    %swap3A_1119 = arith.index_cast %swap3A_1118 : i32 to index
    %swap3A_1120 = arith.constant 48 : index
    %swap3A_1121 = tpu.vector_load %arg13[%swap3A_1119, %swap3A_1120] {strides = array<i32>} : memref<4x128xf32, #tpu.memory_space<vmem>>, vector<16xf32>,
    tpu.vector_store %arg13[%swap3A_1119, %swap3A_1120], %broadcast_in_dim3A_1117 {strides = array<i32>} : memref<4x128xf32, #tpu.memory_space<vmem>>, vector<16xf32>,
    %broadcast_in_dim3A_1122 = arith.constant 0xFF800000 : f32
    %broadcast_in_dim3A_1123 = vector.broadcast %broadcast_in_dim3A_1122 : f32 to vector<16xf32>
    %swap3A_1124 = arith.constant 0 : i32
    %swap3A_1125 = arith.index_cast %swap3A_1124 : i32 to index
    %swap3A_1126 = arith.constant 64 : index
    %swap3A_1127 = tpu.vector_load %arg13[%swap3A_1125, %swap3A_1126] {strides = array<i32>} : memref<4x128xf32, #tpu.memory_space<vmem>>, vector<16xf32>,
    tpu.vector_store %arg13[%swap3A_1125, %swap3A_1126], %broadcast_in_dim3A_1123 {strides = array<i32>} : memref<4x128xf32, #tpu.memory_space<vmem>>, vector<16xf32>,
    %broadcast_in_dim3A_1128 = arith.constant 0xFF800000 : f32
    %broadcast_in_dim3A_1129 = vector.broadcast %broadcast_in_dim3A_1128 : f32 to vector<16xf32>
    %swap3A_1130 = arith.constant 0 : i32
    %swap3A_1131 = arith.index_cast %swap3A_1130 : i32 to index
    %swap3A_1132 = arith.constant 80 : index
    %swap3A_1133 = tpu.vector_load %arg13[%swap3A_1131, %swap3A_1132] {strides = array<i32>} : memref<4x128xf32, #tpu.memory_space<vmem>>, vector<16xf32>,
    tpu.vector_store %arg13[%swap3A_1131, %swap3A_1132], %broadcast_in_dim3A_1129 {strides = array<i32>} : memref<4x128xf32, #tpu.memory_space<vmem>>, vector<16xf32>,
    %broadcast_in_dim3A_1134 = arith.constant 0xFF800000 : f32
    %broadcast_in_dim3A_1135 = vector.broadcast %broadcast_in_dim3A_1134 : f32 to vector<16xf32>
    %swap3A_1136 = arith.constant 0 : i32
    %swap3A_1137 = arith.index_cast %swap3A_1136 : i32 to index
    %swap3A_1138 = arith.constant 96 : index
    %swap3A_1139 = tpu.vector_load %arg13[%swap3A_1137, %swap3A_1138] {strides = array<i32>} : memref<4x128xf32, #tpu.memory_space<vmem>>, vector<16xf32>,
    tpu.vector_store %arg13[%swap3A_1137, %swap3A_1138], %broadcast_in_dim3A_1135 {strides = array<i32>} : memref<4x128xf32, #tpu.memory_space<vmem>>, vector<16xf32>,
    %broadcast_in_dim3A_1140 = arith.constant 0xFF800000 : f32
    %broadcast_in_dim3A_1141 = vector.broadcast %broadcast_in_dim3A_1140 : f32 to vector<16xf32>
    %swap3A_1142 = arith.constant 0 : i32
    %swap3A_1143 = arith.index_cast %swap3A_1142 : i32 to index
    %swap3A_1144 = arith.constant 112 : index
    %swap3A_1145 = tpu.vector_load %arg13[%swap3A_1143, %swap3A_1144] {strides = array<i32>} : memref<4x128xf32, #tpu.memory_space<vmem>>, vector<16xf32>,
    tpu.vector_store %arg13[%swap3A_1143, %swap3A_1144], %broadcast_in_dim3A_1141 {strides = array<i32>} : memref<4x128xf32, #tpu.memory_space<vmem>>, vector<16xf32>,
    %broadcast_in_dim3A_1146 = arith.constant 0xFF800000 : f32
    %broadcast_in_dim3A_1147 = vector.broadcast %broadcast_in_dim3A_1146 : f32 to vector<16xf32>
    %swap3A_1148 = arith.constant 1 : i32
    %swap3A_1149 = arith.index_cast %swap3A_1148 : i32 to index
    %swap3A_1150 = arith.constant 0 : index
    %swap3A_1151 = tpu.vector_load %arg13[%swap3A_1149, %swap3A_1150] {strides = array<i32>} : memref<4x128xf32, #tpu.memory_space<vmem>>, vector<16xf32>,
    tpu.vector_store %arg13[%swap3A_1149, %swap3A_1150], %broadcast_in_dim3A_1147 {strides = array<i32>} : memref<4x128xf32, #tpu.memory_space<vmem>>, vector<16xf32>,
    %broadcast_in_dim3A_1152 = arith.constant 0xFF800000 : f32
    %broadcast_in_dim3A_1153 = vector.broadcast %broadcast_in_dim3A_1152 : f32 to vector<16xf32>
    %swap3A_1154 = arith.constant 1 : i32
    %swap3A_1155 = arith.index_cast %swap3A_1154 : i32 to index
    %swap3A_1156 = arith.constant 16 : index
    %swap3A_1157 = tpu.vector_load %arg13[%swap3A_1155, %swap3A_1156] {strides = array<i32>} : memref<4x128xf32, #tpu.memory_space<vmem>>, vector<16xf32>,
    tpu.vector_store %arg13[%swap3A_1155, %swap3A_1156], %broadcast_in_dim3A_1153 {strides = array<i32>} : memref<4x128xf32, #tpu.memory_space<vmem>>, vector<16xf32>,
    %broadcast_in_dim3A_1158 = arith.constant 0xFF800000 : f32
    %broadcast_in_dim3A_1159 = vector.broadcast %broadcast_in_dim3A_1158 : f32 to vector<16xf32>
    %swap3A_1160 = arith.constant 1 : i32
    %swap3A_1161 = arith.index_cast %swap3A_1160 : i32 to index
    %swap3A_1162 = arith.constant 32 : index
    %swap3A_1163 = tpu.vector_load %arg13[%swap3A_1161, %swap3A_1162] {strides = array<i32>} : memref<4x128xf32, #tpu.memory_space<vmem>>, vector<16xf32>,
    tpu.vector_store %arg13[%swap3A_1161, %swap3A_1162], %broadcast_in_dim3A_1159 {strides = array<i32>} : memref<4x128xf32, #tpu.memory_space<vmem>>, vector<16xf32>,
    %broadcast_in_dim3A_1164 = arith.constant 0xFF800000 : f32
    %broadcast_in_dim3A_1165 = vector.broadcast %broadcast_in_dim3A_1164 : f32 to vector<16xf32>
    %swap3A_1166 = arith.constant 1 : i32
    %swap3A_1167 = arith.index_cast %swap3A_1166 : i32 to index
    %swap3A_1168 = arith.constant 48 : index
    %swap3A_1169 = tpu.vector_load %arg13[%swap3A_1167, %swap3A_1168] {strides = array<i32>} : memref<4x128xf32, #tpu.memory_space<vmem>>, vector<16xf32>,
    tpu.vector_store %arg13[%swap3A_1167, %swap3A_1168], %broadcast_in_dim3A_1165 {strides = array<i32>} : memref<4x128xf32, #tpu.memory_space<vmem>>, vector<16xf32>,
    %broadcast_in_dim3A_1170 = arith.constant 0xFF800000 : f32
    %broadcast_in_dim3A_1171 = vector.broadcast %broadcast_in_dim3A_1170 : f32 to vector<16xf32>
    %swap3A_1172 = arith.constant 1 : i32
    %swap3A_1173 = arith.index_cast %swap3A_1172 : i32 to index
    %swap3A_1174 = arith.constant 64 : index
    %swap3A_1175 = tpu.vector_load %arg13[%swap3A_1173, %swap3A_1174] {strides = array<i32>} : memref<4x128xf32, #tpu.memory_space<vmem>>, vector<16xf32>,
    tpu.vector_store %arg13[%swap3A_1173, %swap3A_1174], %broadcast_in_dim3A_1171 {strides = array<i32>} : memref<4x128xf32, #tpu.memory_space<vmem>>, vector<16xf32>,
    %broadcast_in_dim3A_1176 = arith.constant 0xFF800000 : f32
    %broadcast_in_dim3A_1177 = vector.broadcast %broadcast_in_dim3A_1176 : f32 to vector<16xf32>
    %swap3A_1178 = arith.constant 1 : i32
    %swap3A_1179 = arith.index_cast %swap3A_1178 : i32 to index
    %swap3A_1180 = arith.constant 80 : index
    %swap3A_1181 = tpu.vector_load %arg13[%swap3A_1179, %swap3A_1180] {strides = array<i32>} : memref<4x128xf32, #tpu.memory_space<vmem>>, vector<16xf32>,
    tpu.vector_store %arg13[%swap3A_1179, %swap3A_1180], %broadcast_in_dim3A_1177 {strides = array<i32>} : memref<4x128xf32, #tpu.memory_space<vmem>>, vector<16xf32>,
    %broadcast_in_dim3A_1182 = arith.constant 0xFF800000 : f32
    %broadcast_in_dim3A_1183 = vector.broadcast %broadcast_in_dim3A_1182 : f32 to vector<16xf32>
    %swap3A_1184 = arith.constant 1 : i32
    %swap3A_1185 = arith.index_cast %swap3A_1184 : i32 to index
    %swap3A_1186 = arith.constant 96 : index
    %swap3A_1187 = tpu.vector_load %arg13[%swap3A_1185, %swap3A_1186] {strides = array<i32>} : memref<4x128xf32, #tpu.memory_space<vmem>>, vector<16xf32>,
    tpu.vector_store %arg13[%swap3A_1185, %swap3A_1186], %broadcast_in_dim3A_1183 {strides = array<i32>} : memref<4x128xf32, #tpu.memory_space<vmem>>, vector<16xf32>,
    %broadcast_in_dim3A_1188 = arith.constant 0xFF800000 : f32
    %broadcast_in_dim3A_1189 = vector.broadcast %broadcast_in_dim3A_1188 : f32 to vector<16xf32>
    %swap3A_1190 = arith.constant 1 : i32
    %swap3A_1191 = arith.index_cast %swap3A_1190 : i32 to index
    %swap3A_1192 = arith.constant 112 : index
    %swap3A_1193 = tpu.vector_load %arg13[%swap3A_1191, %swap3A_1192] {strides = array<i32>} : memref<4x128xf32, #tpu.memory_space<vmem>>, vector<16xf32>,
    tpu.vector_store %arg13[%swap3A_1191, %swap3A_1192], %broadcast_in_dim3A_1189 {strides = array<i32>} : memref<4x128xf32, #tpu.memory_space<vmem>>, vector<16xf32>,
    %broadcast_in_dim3A_1194 = arith.constant 0xFF800000 : f32
    %broadcast_in_dim3A_1195 = vector.broadcast %broadcast_in_dim3A_1194 : f32 to vector<16xf32>
    %swap3A_1196 = arith.constant 2 : i32
    %swap3A_1197 = arith.index_cast %swap3A_1196 : i32 to index
    %swap3A_1198 = arith.constant 0 : index
    %swap3A_1199 = tpu.vector_load %arg13[%swap3A_1197, %swap3A_1198] {strides = array<i32>} : memref<4x128xf32, #tpu.memory_space<vmem>>, vector<16xf32>,
    tpu.vector_store %arg13[%swap3A_1197, %swap3A_1198], %broadcast_in_dim3A_1195 {strides = array<i32>} : memref<4x128xf32, #tpu.memory_space<vmem>>, vector<16xf32>,
    %broadcast_in_dim3A_1200 = arith.constant 0xFF800000 : f32
    %broadcast_in_dim3A_1201 = vector.broadcast %broadcast_in_dim3A_1200 : f32 to vector<16xf32>
    %swap3A_1202 = arith.constant 2 : i32
    %swap3A_1203 = arith.index_cast %swap3A_1202 : i32 to index
    %swap3A_1204 = arith.constant 16 : index
    %swap3A_1205 = tpu.vector_load %arg13[%swap3A_1203, %swap3A_1204] {strides = array<i32>} : memref<4x128xf32, #tpu.memory_space<vmem>>, vector<16xf32>,
    tpu.vector_store %arg13[%swap3A_1203, %swap3A_1204], %broadcast_in_dim3A_1201 {strides = array<i32>} : memref<4x128xf32, #tpu.memory_space<vmem>>, vector<16xf32>,
    %broadcast_in_dim3A_1206 = arith.constant 0xFF800000 : f32
    %broadcast_in_dim3A_1207 = vector.broadcast %broadcast_in_dim3A_1206 : f32 to vector<16xf32>
    %swap3A_1208 = arith.constant 2 : i32
    %swap3A_1209 = arith.index_cast %swap3A_1208 : i32 to index
    %swap3A_1210 = arith.constant 32 : index
    %swap3A_1211 = tpu.vector_load %arg13[%swap3A_1209, %swap3A_1210] {strides = array<i32>} : memref<4x128xf32, #tpu.memory_space<vmem>>, vector<16xf32>,
    tpu.vector_store %arg13[%swap3A_1209, %swap3A_1210], %broadcast_in_dim3A_1207 {strides = array<i32>} : memref<4x128xf32, #tpu.memory_space<vmem>>, vector<16xf32>,
    %broadcast_in_dim3A_1212 = arith.constant 0xFF800000 : f32
    %broadcast_in_dim3A_1213 = vector.broadcast %broadcast_in_dim3A_1212 : f32 to vector<16xf32>
    %swap3A_1214 = arith.constant 2 : i32
    %swap3A_1215 = arith.index_cast %swap3A_1214 : i32 to index
    %swap3A_1216 = arith.constant 48 : index
    %swap3A_1217 = tpu.vector_load %arg13[%swap3A_1215, %swap3A_1216] {strides = array<i32>} : memref<4x128xf32, #tpu.memory_space<vmem>>, vector<16xf32>,
    tpu.vector_store %arg13[%swap3A_1215, %swap3A_1216], %broadcast_in_dim3A_1213 {strides = array<i32>} : memref<4x128xf32, #tpu.memory_space<vmem>>, vector<16xf32>,
    %broadcast_in_dim3A_1218 = arith.constant 0xFF800000 : f32
    %broadcast_in_dim3A_1219 = vector.broadcast %broadcast_in_dim3A_1218 : f32 to vector<16xf32>
    %swap3A_1220 = arith.constant 2 : i32
    %swap3A_1221 = arith.index_cast %swap3A_1220 : i32 to index
    %swap3A_1222 = arith.constant 64 : index
    %swap3A_1223 = tpu.vector_load %arg13[%swap3A_1221, %swap3A_1222] {strides = array<i32>} : memref<4x128xf32, #tpu.memory_space<vmem>>, vector<16xf32>,
    tpu.vector_store %arg13[%swap3A_1221, %swap3A_1222], %broadcast_in_dim3A_1219 {strides = array<i32>} : memref<4x128xf32, #tpu.memory_space<vmem>>, vector<16xf32>,
    %broadcast_in_dim3A_1224 = arith.constant 0xFF800000 : f32
    %broadcast_in_dim3A_1225 = vector.broadcast %broadcast_in_dim3A_1224 : f32 to vector<16xf32>
    %swap3A_1226 = arith.constant 2 : i32
    %swap3A_1227 = arith.index_cast %swap3A_1226 : i32 to index
    %swap3A_1228 = arith.constant 80 : index
    %swap3A_1229 = tpu.vector_load %arg13[%swap3A_1227, %swap3A_1228] {strides = array<i32>} : memref<4x128xf32, #tpu.memory_space<vmem>>, vector<16xf32>,
    tpu.vector_store %arg13[%swap3A_1227, %swap3A_1228], %broadcast_in_dim3A_1225 {strides = array<i32>} : memref<4x128xf32, #tpu.memory_space<vmem>>, vector<16xf32>,
    %broadcast_in_dim3A_1230 = arith.constant 0xFF800000 : f32
    %broadcast_in_dim3A_1231 = vector.broadcast %broadcast_in_dim3A_1230 : f32 to vector<16xf32>
    %swap3A_1232 = arith.constant 2 : i32
    %swap3A_1233 = arith.index_cast %swap3A_1232 : i32 to index
    %swap3A_1234 = arith.constant 96 : index
    %swap3A_1235 = tpu.vector_load %arg13[%swap3A_1233, %swap3A_1234] {strides = array<i32>} : memref<4x128xf32, #tpu.memory_space<vmem>>, vector<16xf32>,
    tpu.vector_store %arg13[%swap3A_1233, %swap3A_1234], %broadcast_in_dim3A_1231 {strides = array<i32>} : memref<4x128xf32, #tpu.memory_space<vmem>>, vector<16xf32>,
    %broadcast_in_dim3A_1236 = arith.constant 0xFF800000 : f32
    %broadcast_in_dim3A_1237 = vector.broadcast %broadcast_in_dim3A_1236 : f32 to vector<16xf32>
    %swap3A_1238 = arith.constant 2 : i32
    %swap3A_1239 = arith.index_cast %swap3A_1238 : i32 to index
    %swap3A_1240 = arith.constant 112 : index
    %swap3A_1241 = tpu.vector_load %arg13[%swap3A_1239, %swap3A_1240] {strides = array<i32>} : memref<4x128xf32, #tpu.memory_space<vmem>>, vector<16xf32>,
    tpu.vector_store %arg13[%swap3A_1239, %swap3A_1240], %broadcast_in_dim3A_1237 {strides = array<i32>} : memref<4x128xf32, #tpu.memory_space<vmem>>, vector<16xf32>,
    %broadcast_in_dim3A_1242 = arith.constant 0xFF800000 : f32
    %broadcast_in_dim3A_1243 = vector.broadcast %broadcast_in_dim3A_1242 : f32 to vector<16xf32>
    %swap3A_1244 = arith.constant 3 : i32
    %swap3A_1245 = arith.index_cast %swap3A_1244 : i32 to index
    %swap3A_1246 = arith.constant 0 : index
    %swap3A_1247 = tpu.vector_load %arg13[%swap3A_1245, %swap3A_1246] {strides = array<i32>} : memref<4x128xf32, #tpu.memory_space<vmem>>, vector<16xf32>,
    tpu.vector_store %arg13[%swap3A_1245, %swap3A_1246], %broadcast_in_dim3A_1243 {strides = array<i32>} : memref<4x128xf32, #tpu.memory_space<vmem>>, vector<16xf32>,
    %broadcast_in_dim3A_1248 = arith.constant 0xFF800000 : f32
    %broadcast_in_dim3A_1249 = vector.broadcast %broadcast_in_dim3A_1248 : f32 to vector<16xf32>
    %swap3A_1250 = arith.constant 3 : i32
    %swap3A_1251 = arith.index_cast %swap3A_1250 : i32 to index
    %swap3A_1252 = arith.constant 16 : index
    %swap3A_1253 = tpu.vector_load %arg13[%swap3A_1251, %swap3A_1252] {strides = array<i32>} : memref<4x128xf32, #tpu.memory_space<vmem>>, vector<16xf32>,
    tpu.vector_store %arg13[%swap3A_1251, %swap3A_1252], %broadcast_in_dim3A_1249 {strides = array<i32>} : memref<4x128xf32, #tpu.memory_space<vmem>>, vector<16xf32>,
    %broadcast_in_dim3A_1254 = arith.constant 0xFF800000 : f32
    %broadcast_in_dim3A_1255 = vector.broadcast %broadcast_in_dim3A_1254 : f32 to vector<16xf32>
    %swap3A_1256 = arith.constant 3 : i32
    %swap3A_1257 = arith.index_cast %swap3A_1256 : i32 to index
    %swap3A_1258 = arith.constant 32 : index
    %swap3A_1259 = tpu.vector_load %arg13[%swap3A_1257, %swap3A_1258] {strides = array<i32>} : memref<4x128xf32, #tpu.memory_space<vmem>>, vector<16xf32>,
    tpu.vector_store %arg13[%swap3A_1257, %swap3A_1258], %broadcast_in_dim3A_1255 {strides = array<i32>} : memref<4x128xf32, #tpu.memory_space<vmem>>, vector<16xf32>,
    %broadcast_in_dim3A_1260 = arith.constant 0xFF800000 : f32
    %broadcast_in_dim3A_1261 = vector.broadcast %broadcast_in_dim3A_1260 : f32 to vector<16xf32>
    %swap3A_1262 = arith.constant 3 : i32
    %swap3A_1263 = arith.index_cast %swap3A_1262 : i32 to index
    %swap3A_1264 = arith.constant 48 : index
    %swap3A_1265 = tpu.vector_load %arg13[%swap3A_1263, %swap3A_1264] {strides = array<i32>} : memref<4x128xf32, #tpu.memory_space<vmem>>, vector<16xf32>,
    tpu.vector_store %arg13[%swap3A_1263, %swap3A_1264], %broadcast_in_dim3A_1261 {strides = array<i32>} : memref<4x128xf32, #tpu.memory_space<vmem>>, vector<16xf32>,
    %broadcast_in_dim3A_1266 = arith.constant 0xFF800000 : f32
    %broadcast_in_dim3A_1267 = vector.broadcast %broadcast_in_dim3A_1266 : f32 to vector<16xf32>
    %swap3A_1268 = arith.constant 3 : i32
    %swap3A_1269 = arith.index_cast %swap3A_1268 : i32 to index
    %swap3A_1270 = arith.constant 64 : index
    %swap3A_1271 = tpu.vector_load %arg13[%swap3A_1269, %swap3A_1270] {strides = array<i32>} : memref<4x128xf32, #tpu.memory_space<vmem>>, vector<16xf32>,
    tpu.vector_store %arg13[%swap3A_1269, %swap3A_1270], %broadcast_in_dim3A_1267 {strides = array<i32>} : memref<4x128xf32, #tpu.memory_space<vmem>>, vector<16xf32>,
    %broadcast_in_dim3A_1272 = arith.constant 0xFF800000 : f32
    %broadcast_in_dim3A_1273 = vector.broadcast %broadcast_in_dim3A_1272 : f32 to vector<16xf32>
    %swap3A_1274 = arith.constant 3 : i32
    %swap3A_1275 = arith.index_cast %swap3A_1274 : i32 to index
    %swap3A_1276 = arith.constant 80 : index
    %swap3A_1277 = tpu.vector_load %arg13[%swap3A_1275, %swap3A_1276] {strides = array<i32>} : memref<4x128xf32, #tpu.memory_space<vmem>>, vector<16xf32>,
    tpu.vector_store %arg13[%swap3A_1275, %swap3A_1276], %broadcast_in_dim3A_1273 {strides = array<i32>} : memref<4x128xf32, #tpu.memory_space<vmem>>, vector<16xf32>,
    %broadcast_in_dim3A_1278 = arith.constant 0xFF800000 : f32
    %broadcast_in_dim3A_1279 = vector.broadcast %broadcast_in_dim3A_1278 : f32 to vector<16xf32>
    %swap3A_1280 = arith.constant 3 : i32
    %swap3A_1281 = arith.index_cast %swap3A_1280 : i32 to index
    %swap3A_1282 = arith.constant 96 : index
    %swap3A_1283 = tpu.vector_load %arg13[%swap3A_1281, %swap3A_1282] {strides = array<i32>} : memref<4x128xf32, #tpu.memory_space<vmem>>, vector<16xf32>,
    tpu.vector_store %arg13[%swap3A_1281, %swap3A_1282], %broadcast_in_dim3A_1279 {strides = array<i32>} : memref<4x128xf32, #tpu.memory_space<vmem>>, vector<16xf32>,
    %broadcast_in_dim3A_1284 = arith.constant 0xFF800000 : f32
    %broadcast_in_dim3A_1285 = vector.broadcast %broadcast_in_dim3A_1284 : f32 to vector<16xf32>
    %swap3A_1286 = arith.constant 3 : i32
    %swap3A_1287 = arith.index_cast %swap3A_1286 : i32 to index
    %swap3A_1288 = arith.constant 112 : index
    %swap3A_1289 = tpu.vector_load %arg13[%swap3A_1287, %swap3A_1288] {strides = array<i32>} : memref<4x128xf32, #tpu.memory_space<vmem>>, vector<16xf32>,
    tpu.vector_store %arg13[%swap3A_1287, %swap3A_1288], %broadcast_in_dim3A_1285 {strides = array<i32>} : memref<4x128xf32, #tpu.memory_space<vmem>>, vector<16xf32>,
    %gt3A = arith.constant 0 : i32
    %gt3A_1290 = arith.cmpi sgt, %select_n3A_1097, %gt3A : i32
    %convert_element_type3A_1291 = arith.extui %gt3A_1290 : i1 to i32
    %cond3A_1292 = arith.constant 0 : i32
    %cond3A_1293 = arith.cmpi ne, %convert_element_type3A_1291, %cond3A_1292 : i32
    scf.if %cond3A_1293 {
      %add3A_1347 = arith.constant 0 : i32
      %add3A_1348 = arith.addi %squeeze3A_1044, %add3A_1347 : i32
      %min3A_1349 = arith.constant 99744 : i32
      %min3A_1350 = arith.minsi %add3A_1348, %min3A_1349 : i32
      %dma_start3A = arith.constant 0 : i32
      %dma_start3A_1351 = tpu.memref_slice %arg2[%min3A_1350, %dma_start3A] : memref<100000x128xf32, #tpu.memory_space<hbm>> -> memref<256x128xf32, #tpu.memory_space<hbm>>
      %dma_start3A_1352 = arith.constant 0 : i32
      %dma_start3A_1353 = tpu.memref_slice %arg2[%min3A_1350, %dma_start3A_1352] : memref<100000x128xf32, #tpu.memory_space<hbm>> -> memref<256x128xf32, #tpu.memory_space<hbm>>
      tpu.enqueue_dma source(%dma_start3A_1353 : memref<256x128xf32, #tpu.memory_space<hbm>>) target(%arg10 : memref<256x128xf32, #tpu.memory_space<vmem>>) target_semaphore(%arg14 : memref<!tpu.dma_semaphore, #tpu.memory_space<semaphore_mem>>)
    } else {
    }
    %gt3A_1294 = arith.constant 1 : i32
    %gt3A_1295 = arith.cmpi sgt, %select_n3A_1097, %gt3A_1294 : i32
    %convert_element_type3A_1296 = arith.extui %gt3A_1295 : i1 to i32
    %cond3A_1297 = arith.constant 0 : i32
    %cond3A_1298 = arith.cmpi ne, %convert_element_type3A_1296, %cond3A_1297 : i32
    scf.if %cond3A_1298 {
      %add3A_1347 = arith.constant 256 : i32
      %add3A_1348 = arith.addi %squeeze3A_1044, %add3A_1347 : i32
      %min3A_1349 = arith.constant 99744 : i32
      %min3A_1350 = arith.minsi %add3A_1348, %min3A_1349 : i32
      %dma_start3A = arith.constant 0 : i32
      %dma_start3A_1351 = tpu.memref_slice %arg2[%min3A_1350, %dma_start3A] : memref<100000x128xf32, #tpu.memory_space<hbm>> -> memref<256x128xf32, #tpu.memory_space<hbm>>
      %dma_start3A_1352 = arith.constant 0 : i32
      %dma_start3A_1353 = tpu.memref_slice %arg2[%min3A_1350, %dma_start3A_1352] : memref<100000x128xf32, #tpu.memory_space<hbm>> -> memref<256x128xf32, #tpu.memory_space<hbm>>
      tpu.enqueue_dma source(%dma_start3A_1353 : memref<256x128xf32, #tpu.memory_space<hbm>>) target(%arg11 : memref<256x128xf32, #tpu.memory_space<vmem>>) target_semaphore(%arg15 : memref<!tpu.dma_semaphore, #tpu.memory_space<semaphore_mem>>)
    } else {
    }
    %add3A_1299 = arith.constant 3 : i32
    %add3A_1300 = arith.addi %select_n3A_1097, %add3A_1299 : i32
    %sub3A_1301 = arith.constant 1 : i32
    %sub3A_1302 = arith.subi %add3A_1300, %sub3A_1301 : i32
    %jit3A_1303 = arith.constant 3 : i32
    %div3A_1304 = arith.divsi %sub3A_1302, %jit3A_1303 : i32
    %sign3A_1305 = arith.constant 0 : i32
    %sign3A_1306 = arith.cmpi sgt, %sub3A_1302, %sign3A_1305 : i32
    %sign3A_1307 = arith.extui %sign3A_1306 : i1 to i32
    %sign3A_1308 = arith.constant 0 : i32
    %sign3A_1309 = arith.cmpi slt, %sub3A_1302, %sign3A_1308 : i32
    %sign3A_1310 = arith.extui %sign3A_1309 : i1 to i32
    %sign3A_1311 = arith.subi %sign3A_1307, %sign3A_1310 : i32
    %sign3A_1312 = arith.constant 0 : i32
    %sign3A_1313 = arith.cmpi sgt, %jit3A_1303, %sign3A_1312 : i32
    %sign3A_1314 = arith.extui %sign3A_1313 : i1 to i32
    %sign3A_1315 = arith.constant 0 : i32
    %sign3A_1316 = arith.cmpi slt, %jit3A_1303, %sign3A_1315 : i32
    %sign3A_1317 = arith.extui %sign3A_1316 : i1 to i32
    %sign3A_1318 = arith.subi %sign3A_1314, %sign3A_1317 : i32
    %ne3A_1319 = arith.cmpi ne, %sign3A_1311, %sign3A_1318 : i32
    %rem3A_1320 = arith.remsi %sub3A_1302, %jit3A_1303 : i32
    %ne3A_1321 = arith.constant 0 : i32
    %ne3A_1322 = arith.cmpi ne, %rem3A_1320, %ne3A_1321 : i32
    %and3A_1323 = arith.andi %ne3A_1319, %ne3A_1322 : i1
    %sub3A_1324 = arith.constant 1 : i32
    %sub3A_1325 = arith.subi %div3A_1304, %sub3A_1324 : i32
    %select_n3A_1326 = arith.select %and3A_1323, %sub3A_1325, %div3A_1304 : i32
    %while3A = arith.constant 0 : i32
    %while3A_1327 = arith.constant 0 : i32
    %while3A_1328 = arith.subi %select_n3A_1326, %while3A_1327 : i32
    %while3A_1329 = arith.addi %while3A_1327, %while3A_1328 : i32
    %while3A_1330 = arith.constant 1 : i32
    %while3A_1331 = arith.divsi %while3A_1328, %while3A_1330 : i32
    %while3A_1332 = arith.muli %while3A_1331, %while3A_1330 : i32
    %while3A_1333 = arith.addi %while3A_1327, %while3A_1332 : i32
    %while3A_1334 = arith.constant 1 : i32
    scf.for %while3A_1347 = %while3A_1327 to %while3A_1333 step %while3A_1334  : i32 {
      %mul3A_1348 = arith.constant 3 : i32
      %mul3A_1349 = arith.muli %mul3A_1348, %while3A_1347 : i32
      %add3A_1350 = arith.constant 0 : i32
      %add3A_1351 = arith.addi %mul3A_1349, %add3A_1350 : i32
      %lt3A = arith.cmpi slt, %add3A_1351, %select_n3A_1097 : i32
      %convert_element_type3A_1352 = arith.extui %lt3A : i1 to i32
      %cond3A_1353 = arith.constant 0 : i32
      %cond3A_1354 = arith.cmpi ne, %convert_element_type3A_1352, %cond3A_1353 : i32
      scf.if %cond3A_1354 {
        %mul3A_1371 = arith.constant 256 : i32
        %mul3A_1372 = arith.muli %add3A_1351, %mul3A_1371 : i32
        %add3A_1373 = arith.addi %squeeze3A_1044, %mul3A_1372 : i32
        %min3A_1374 = arith.constant 99744 : i32
        %min3A_1375 = arith.minsi %add3A_1373, %min3A_1374 : i32
        %dma_wait3A = arith.constant 0 : i32
        %dma_wait3A_1376 = tpu.memref_slice %arg2[%min3A_1375, %dma_wait3A] : memref<100000x128xf32, #tpu.memory_space<hbm>> -> memref<256x128xf32, #tpu.memory_space<hbm>>
        %dma_wait3A_1377 = arith.constant 0 : i32
        %dma_wait3A_1378 = tpu.memref_slice %arg2[%min3A_1375, %dma_wait3A_1377] : memref<100000x128xf32, #tpu.memory_space<hbm>> -> memref<256x128xf32, #tpu.memory_space<hbm>>
        tpu.wait_dma2 semaphore(%arg14 : memref<!tpu.dma_semaphore, #tpu.memory_space<semaphore_mem>>) src(%dma_wait3A_1378 : memref<256x128xf32, #tpu.memory_space<hbm>>) dst(%arg10 : memref<256x128xf32, #tpu.memory_space<vmem>>)
        %add3A_1379 = arith.constant 3 : i32
        %add3A_1380 = arith.addi %add3A_1351, %add3A_1379 : i32
        %sub3A_1381 = arith.constant 1 : i32
        %sub3A_1382 = arith.subi %add3A_1380, %sub3A_1381 : i32
        %lt3A_1383 = arith.cmpi slt, %sub3A_1382, %select_n3A_1097 : i32
        %convert_element_type3A_1384 = arith.extui %lt3A_1383 : i1 to i32
        %cond3A_1385 = arith.constant 0 : i32
        %cond3A_1386 = arith.cmpi ne, %convert_element_type3A_1384, %cond3A_1385 : i32
        scf.if %cond3A_1386 {
          %add3A_1400 = arith.constant 3 : i32
          %add3A_1401 = arith.addi %add3A_1351, %add3A_1400 : i32
          %sub3A_1402 = arith.constant 1 : i32
          %sub3A_1403 = arith.subi %add3A_1401, %sub3A_1402 : i32
          %mul3A_1404 = arith.constant 256 : i32
          %mul3A_1405 = arith.muli %sub3A_1403, %mul3A_1404 : i32
          %add3A_1406 = arith.addi %squeeze3A_1044, %mul3A_1405 : i32
          %min3A_1407 = arith.constant 99744 : i32
          %min3A_1408 = arith.minsi %add3A_1406, %min3A_1407 : i32
          %dma_start3A = arith.constant 0 : i32
          %dma_start3A_1409 = tpu.memref_slice %arg2[%min3A_1408, %dma_start3A] : memref<100000x128xf32, #tpu.memory_space<hbm>> -> memref<256x128xf32, #tpu.memory_space<hbm>>
          %dma_start3A_1410 = arith.constant 0 : i32
          %dma_start3A_1411 = tpu.memref_slice %arg2[%min3A_1408, %dma_start3A_1410] : memref<100000x128xf32, #tpu.memory_space<hbm>> -> memref<256x128xf32, #tpu.memory_space<hbm>>
          tpu.enqueue_dma source(%dma_start3A_1411 : memref<256x128xf32, #tpu.memory_space<hbm>>) target(%arg12 : memref<256x128xf32, #tpu.memory_space<vmem>>) target_semaphore(%arg16 : memref<!tpu.dma_semaphore, #tpu.memory_space<semaphore_mem>>)
        } else {
        }
        %mul3A_1387 = arith.constant 256 : i32
        %mul3A_1388 = arith.muli %add3A_1351, %mul3A_1387 : i32
        %add3A_1389 = arith.addi %squeeze3A_1044, %mul3A_1388 : i32
        %min3A_1390 = arith.constant 99744 : i32
        %min3A_1391 = arith.minsi %add3A_1389, %min3A_1390 : i32
        %broadcast_in_dim3A_1392 = arith.constant 0xFF800000 : f32
        %broadcast_in_dim3A_1393 = vector.broadcast %broadcast_in_dim3A_1392 : f32 to vector<16xf32>
        %scan3A_1394 = arith.constant 0 : i32
        %scan3A_1395 = arith.constant 0 : i32
        %scan3A_1396 = arith.constant 4 : i32
        %scan3A_1397 = arith.addi %scan3A_1395, %scan3A_1396 : i32
        %scan3A_1398 = arith.constant 1 : i32
        scf.for %scan3A_1400 = %scan3A_1395 to %scan3A_1397 step %scan3A_1398  : i32 {
          %add3A_1401 = arith.addi %mul3A_1038, %scan3A_1400 : i32
          %get3A_1402 = arith.index_cast %add3A_1401 : i32 to index
          %get3A_1403 = tpu.vector_load %arg9[%get3A_1402] {strides = array<i32>} : memref<144xi32, #tpu.memory_space<vmem>>, vector<16xi32>,
          %slice3A_1404 = vector.extract_strided_slice %get3A_1403 {offsets = [0], sizes = [1], strides = [1]} : vector<16xi32> to vector<1xi32>
          %squeeze3A_1405 = vector.extract %slice3A_1404[0] : i32 from vector<1xi32>
          %sub3A_1406 = arith.subi %squeeze3A_1405, %min3A_1391 : i32
          %max3A_1407 = arith.constant 0 : i32
          %max3A_1408 = arith.maxsi %sub3A_1406, %max3A_1407 : i32
          %add3A_1409 = arith.addi %mul3A_1038, %scan3A_1400 : i32
          %add3A_1410 = arith.constant 1 : i32
          %add3A_1411 = arith.addi %add3A_1409, %add3A_1410 : i32
          %get3A_1412 = arith.index_cast %add3A_1411 : i32 to index
          %get3A_1413 = tpu.vector_load %arg9[%get3A_1412] {strides = array<i32>} : memref<144xi32, #tpu.memory_space<vmem>>, vector<16xi32>,
          %slice3A_1414 = vector.extract_strided_slice %get3A_1413 {offsets = [0], sizes = [1], strides = [1]} : vector<16xi32> to vector<1xi32>
          %squeeze3A_1415 = vector.extract %slice3A_1414[0] : i32 from vector<1xi32>
          %sub3A_1416 = arith.subi %squeeze3A_1415, %min3A_1391 : i32
          %min3A_1417 = arith.constant 256 : i32
          %min3A_1418 = arith.minsi %sub3A_1416, %min3A_1417 : i32
          %gt3A_1419 = arith.cmpi sgt, %min3A_1418, %max3A_1408 : i32
          %convert_element_type3A_1420 = arith.extui %gt3A_1419 : i1 to i32
          %cond3A_1421 = arith.constant 0 : i32
          %cond3A_1422 = arith.cmpi ne, %convert_element_type3A_1420, %cond3A_1421 : i32
          scf.if %cond3A_1422 {
            %get3A_1423 = arith.index_cast %scan3A_1400 : i32 to index
            %get3A_1424 = arith.constant 0 : index
            %get3A_1425 = tpu.vector_load %arg13[%get3A_1423, %get3A_1424] {strides = array<i32>} : memref<4x128xf32, #tpu.memory_space<vmem>>, vector<16xf32>,
            %get3A_1426 = arith.index_cast %scan3A_1400 : i32 to index
            %get3A_1427 = arith.constant 16 : index
            %get3A_1428 = tpu.vector_load %arg13[%get3A_1426, %get3A_1427] {strides = array<i32>} : memref<4x128xf32, #tpu.memory_space<vmem>>, vector<16xf32>,
            %get3A_1429 = arith.index_cast %scan3A_1400 : i32 to index
            %get3A_1430 = arith.constant 32 : index
            %get3A_1431 = tpu.vector_load %arg13[%get3A_1429, %get3A_1430] {strides = array<i32>} : memref<4x128xf32, #tpu.memory_space<vmem>>, vector<16xf32>,
            %get3A_1432 = arith.index_cast %scan3A_1400 : i32 to index
            %get3A_1433 = arith.constant 48 : index
            %get3A_1434 = tpu.vector_load %arg13[%get3A_1432, %get3A_1433] {strides = array<i32>} : memref<4x128xf32, #tpu.memory_space<vmem>>, vector<16xf32>,
            %get3A_1435 = arith.index_cast %scan3A_1400 : i32 to index
            %get3A_1436 = arith.constant 64 : index
            %get3A_1437 = tpu.vector_load %arg13[%get3A_1435, %get3A_1436] {strides = array<i32>} : memref<4x128xf32, #tpu.memory_space<vmem>>, vector<16xf32>,
            %get3A_1438 = arith.index_cast %scan3A_1400 : i32 to index
            %get3A_1439 = arith.constant 80 : index
            %get3A_1440 = tpu.vector_load %arg13[%get3A_1438, %get3A_1439] {strides = array<i32>} : memref<4x128xf32, #tpu.memory_space<vmem>>, vector<16xf32>,
            %get3A_1441 = arith.index_cast %scan3A_1400 : i32 to index
            %get3A_1442 = arith.constant 96 : index
            %get3A_1443 = tpu.vector_load %arg13[%get3A_1441, %get3A_1442] {strides = array<i32>} : memref<4x128xf32, #tpu.memory_space<vmem>>, vector<16xf32>,
            %get3A_1444 = arith.index_cast %scan3A_1400 : i32 to index
            %get3A_1445 = arith.constant 112 : index
            %get3A_1446 = tpu.vector_load %arg13[%get3A_1444, %get3A_1445] {strides = array<i32>} : memref<4x128xf32, #tpu.memory_space<vmem>>, vector<16xf32>,
            %scan3A_1447 = arith.constant 0 : i32
            %scan3A_1448 = arith.constant 64 : i32
            %scan3A_1449 = arith.addi %scan3A_1447, %scan3A_1448 : i32
            %scan3A_1450 = arith.constant 1 : i32
            %scan3A_1451:8 = scf.for %scan3A_1477 = %scan3A_1447 to %scan3A_1449 step %scan3A_1450 iter_args(%scan3A_1478 = %get3A_1425, %scan3A_1479 = %get3A_1428, %scan3A_1480 = %get3A_1431, %scan3A_1481 = %get3A_1434, %scan3A_1482 = %get3A_1437, %scan3A_1483 = %get3A_1440, %scan3A_1484 = %get3A_1443, %scan3A_1485 = %get3A_1446) -> (vector<16xf32>, vector<16xf32>, vector<16xf32>, vector<16xf32>, vector<16xf32>, vector<16xf32>, vector<16xf32>, vector<16xf32>)  : i32 {
              %mul3A_1486 = arith.constant 4 : i32
              %mul3A_1487 = arith.muli %scan3A_1477, %mul3A_1486 : i32
              %add3A_1488 = arith.constant 0 : i32
              %add3A_1489 = arith.addi %mul3A_1487, %add3A_1488 : i32
              %ge3A = arith.cmpi sge, %add3A_1489, %max3A_1408 : i32
              %lt3A_1490 = arith.cmpi slt, %add3A_1489, %min3A_1418 : i32
              %and3A_1491 = arith.andi %ge3A, %lt3A_1490 : i1
              %get3A_1492 = arith.index_cast %add3A_1489 : i32 to index
              %get3A_1493 = arith.constant 0 : index
              %get3A_1494 = tpu.vector_load %arg10[%get3A_1492, %get3A_1493] {strides = array<i32>} : memref<256x128xf32, #tpu.memory_space<vmem>>, vector<16xf32>,
              %select_n3A_1495 = arith.select %and3A_1491, %get3A_1494, %broadcast_in_dim3A_1393 : vector<16xf32>
              %max3A_1496 = arith.maximumf %scan3A_1478, %select_n3A_1495 : vector<16xf32>
              %get3A_1497 = arith.index_cast %add3A_1489 : i32 to index
              %get3A_1498 = arith.constant 16 : index
              %get3A_1499 = tpu.vector_load %arg10[%get3A_1497, %get3A_1498] {strides = array<i32>} : memref<256x128xf32, #tpu.memory_space<vmem>>, vector<16xf32>,
              %select_n3A_1500 = arith.select %and3A_1491, %get3A_1499, %broadcast_in_dim3A_1393 : vector<16xf32>
              %max3A_1501 = arith.maximumf %scan3A_1479, %select_n3A_1500 : vector<16xf32>
              %get3A_1502 = arith.index_cast %add3A_1489 : i32 to index
              %get3A_1503 = arith.constant 32 : index
              %get3A_1504 = tpu.vector_load %arg10[%get3A_1502, %get3A_1503] {strides = array<i32>} : memref<256x128xf32, #tpu.memory_space<vmem>>, vector<16xf32>,
              %select_n3A_1505 = arith.select %and3A_1491, %get3A_1504, %broadcast_in_dim3A_1393 : vector<16xf32>
              %max3A_1506 = arith.maximumf %scan3A_1480, %select_n3A_1505 : vector<16xf32>
              %get3A_1507 = arith.index_cast %add3A_1489 : i32 to index
              %get3A_1508 = arith.constant 48 : index
              %get3A_1509 = tpu.vector_load %arg10[%get3A_1507, %get3A_1508] {strides = array<i32>} : memref<256x128xf32, #tpu.memory_space<vmem>>, vector<16xf32>,
              %select_n3A_1510 = arith.select %and3A_1491, %get3A_1509, %broadcast_in_dim3A_1393 : vector<16xf32>
              %max3A_1511 = arith.maximumf %scan3A_1481, %select_n3A_1510 : vector<16xf32>
              %get3A_1512 = arith.index_cast %add3A_1489 : i32 to index
              %get3A_1513 = arith.constant 64 : index
              %get3A_1514 = tpu.vector_load %arg10[%get3A_1512, %get3A_1513] {strides = array<i32>} : memref<256x128xf32, #tpu.memory_space<vmem>>, vector<16xf32>,
              %select_n3A_1515 = arith.select %and3A_1491, %get3A_1514, %broadcast_in_dim3A_1393 : vector<16xf32>
              %max3A_1516 = arith.maximumf %scan3A_1482, %select_n3A_1515 : vector<16xf32>
              %get3A_1517 = arith.index_cast %add3A_1489 : i32 to index
              %get3A_1518 = arith.constant 80 : index
              %get3A_1519 = tpu.vector_load %arg10[%get3A_1517, %get3A_1518] {strides = array<i32>} : memref<256x128xf32, #tpu.memory_space<vmem>>, vector<16xf32>,
              %select_n3A_1520 = arith.select %and3A_1491, %get3A_1519, %broadcast_in_dim3A_1393 : vector<16xf32>
              %max3A_1521 = arith.maximumf %scan3A_1483, %select_n3A_1520 : vector<16xf32>
              %get3A_1522 = arith.index_cast %add3A_1489 : i32 to index
              %get3A_1523 = arith.constant 96 : index
              %get3A_1524 = tpu.vector_load %arg10[%get3A_1522, %get3A_1523] {strides = array<i32>} : memref<256x128xf32, #tpu.memory_space<vmem>>, vector<16xf32>,
              %select_n3A_1525 = arith.select %and3A_1491, %get3A_1524, %broadcast_in_dim3A_1393 : vector<16xf32>
              %max3A_1526 = arith.maximumf %scan3A_1484, %select_n3A_1525 : vector<16xf32>
              %get3A_1527 = arith.index_cast %add3A_1489 : i32 to index
              %get3A_1528 = arith.constant 112 : index
              %get3A_1529 = tpu.vector_load %arg10[%get3A_1527, %get3A_1528] {strides = array<i32>} : memref<256x128xf32, #tpu.memory_space<vmem>>, vector<16xf32>,
              %select_n3A_1530 = arith.select %and3A_1491, %get3A_1529, %broadcast_in_dim3A_1393 : vector<16xf32>
              %max3A_1531 = arith.maximumf %scan3A_1485, %select_n3A_1530 : vector<16xf32>
              %mul3A_1532 = arith.constant 4 : i32
              %mul3A_1533 = arith.muli %scan3A_1477, %mul3A_1532 : i32
              %add3A_1534 = arith.constant 1 : i32
              %add3A_1535 = arith.addi %mul3A_1533, %add3A_1534 : i32
              %ge3A_1536 = arith.cmpi sge, %add3A_1535, %max3A_1408 : i32
              %lt3A_1537 = arith.cmpi slt, %add3A_1535, %min3A_1418 : i32
              %and3A_1538 = arith.andi %ge3A_1536, %lt3A_1537 : i1
              %get3A_1539 = arith.index_cast %add3A_1535 : i32 to index
              %get3A_1540 = arith.constant 0 : index
              %get3A_1541 = tpu.vector_load %arg10[%get3A_1539, %get3A_1540] {strides = array<i32>} : memref<256x128xf32, #tpu.memory_space<vmem>>, vector<16xf32>,
              %select_n3A_1542 = arith.select %and3A_1538, %get3A_1541, %broadcast_in_dim3A_1393 : vector<16xf32>
              %max3A_1543 = arith.maximumf %max3A_1496, %select_n3A_1542 : vector<16xf32>
              %get3A_1544 = arith.index_cast %add3A_1535 : i32 to index
              %get3A_1545 = arith.constant 16 : index
              %get3A_1546 = tpu.vector_load %arg10[%get3A_1544, %get3A_1545] {strides = array<i32>} : memref<256x128xf32, #tpu.memory_space<vmem>>, vector<16xf32>,
              %select_n3A_1547 = arith.select %and3A_1538, %get3A_1546, %broadcast_in_dim3A_1393 : vector<16xf32>
              %max3A_1548 = arith.maximumf %max3A_1501, %select_n3A_1547 : vector<16xf32>
              %get3A_1549 = arith.index_cast %add3A_1535 : i32 to index
              %get3A_1550 = arith.constant 32 : index
              %get3A_1551 = tpu.vector_load %arg10[%get3A_1549, %get3A_1550] {strides = array<i32>} : memref<256x128xf32, #tpu.memory_space<vmem>>, vector<16xf32>,
              %select_n3A_1552 = arith.select %and3A_1538, %get3A_1551, %broadcast_in_dim3A_1393 : vector<16xf32>
              %max3A_1553 = arith.maximumf %max3A_1506, %select_n3A_1552 : vector<16xf32>
              %get3A_1554 = arith.index_cast %add3A_1535 : i32 to index
              %get3A_1555 = arith.constant 48 : index
              %get3A_1556 = tpu.vector_load %arg10[%get3A_1554, %get3A_1555] {strides = array<i32>} : memref<256x128xf32, #tpu.memory_space<vmem>>, vector<16xf32>,
              %select_n3A_1557 = arith.select %and3A_1538, %get3A_1556, %broadcast_in_dim3A_1393 : vector<16xf32>
              %max3A_1558 = arith.maximumf %max3A_1511, %select_n3A_1557 : vector<16xf32>
              %get3A_1559 = arith.index_cast %add3A_1535 : i32 to index
              %get3A_1560 = arith.constant 64 : index
              %get3A_1561 = tpu.vector_load %arg10[%get3A_1559, %get3A_1560] {strides = array<i32>} : memref<256x128xf32, #tpu.memory_space<vmem>>, vector<16xf32>,
              %select_n3A_1562 = arith.select %and3A_1538, %get3A_1561, %broadcast_in_dim3A_1393 : vector<16xf32>
              %max3A_1563 = arith.maximumf %max3A_1516, %select_n3A_1562 : vector<16xf32>
              %get3A_1564 = arith.index_cast %add3A_1535 : i32 to index
              %get3A_1565 = arith.constant 80 : index
              %get3A_1566 = tpu.vector_load %arg10[%get3A_1564, %get3A_1565] {strides = array<i32>} : memref<256x128xf32, #tpu.memory_space<vmem>>, vector<16xf32>,
              %select_n3A_1567 = arith.select %and3A_1538, %get3A_1566, %broadcast_in_dim3A_1393 : vector<16xf32>
              %max3A_1568 = arith.maximumf %max3A_1521, %select_n3A_1567 : vector<16xf32>
              %get3A_1569 = arith.index_cast %add3A_1535 : i32 to index
              %get3A_1570 = arith.constant 96 : index
              %get3A_1571 = tpu.vector_load %arg10[%get3A_1569, %get3A_1570] {strides = array<i32>} : memref<256x128xf32, #tpu.memory_space<vmem>>, vector<16xf32>,
              %select_n3A_1572 = arith.select %and3A_1538, %get3A_1571, %broadcast_in_dim3A_1393 : vector<16xf32>
              %max3A_1573 = arith.maximumf %max3A_1526, %select_n3A_1572 : vector<16xf32>
              %get3A_1574 = arith.index_cast %add3A_1535 : i32 to index
              %get3A_1575 = arith.constant 112 : index
              %get3A_1576 = tpu.vector_load %arg10[%get3A_1574, %get3A_1575] {strides = array<i32>} : memref<256x128xf32, #tpu.memory_space<vmem>>, vector<16xf32>,
              %select_n3A_1577 = arith.select %and3A_1538, %get3A_1576, %broadcast_in_dim3A_1393 : vector<16xf32>
              %max3A_1578 = arith.maximumf %max3A_1531, %select_n3A_1577 : vector<16xf32>
              %mul3A_1579 = arith.constant 4 : i32
              %mul3A_1580 = arith.muli %scan3A_1477, %mul3A_1579 : i32
              %add3A_1581 = arith.constant 2 : i32
              %add3A_1582 = arith.addi %mul3A_1580, %add3A_1581 : i32
              %ge3A_1583 = arith.cmpi sge, %add3A_1582, %max3A_1408 : i32
              %lt3A_1584 = arith.cmpi slt, %add3A_1582, %min3A_1418 : i32
              %and3A_1585 = arith.andi %ge3A_1583, %lt3A_1584 : i1
              %get3A_1586 = arith.index_cast %add3A_1582 : i32 to index
              %get3A_1587 = arith.constant 0 : index
              %get3A_1588 = tpu.vector_load %arg10[%get3A_1586, %get3A_1587] {strides = array<i32>} : memref<256x128xf32, #tpu.memory_space<vmem>>, vector<16xf32>,
              %select_n3A_1589 = arith.select %and3A_1585, %get3A_1588, %broadcast_in_dim3A_1393 : vector<16xf32>
              %max3A_1590 = arith.maximumf %max3A_1543, %select_n3A_1589 : vector<16xf32>
              %get3A_1591 = arith.index_cast %add3A_1582 : i32 to index
              %get3A_1592 = arith.constant 16 : index
              %get3A_1593 = tpu.vector_load %arg10[%get3A_1591, %get3A_1592] {strides = array<i32>} : memref<256x128xf32, #tpu.memory_space<vmem>>, vector<16xf32>,
              %select_n3A_1594 = arith.select %and3A_1585, %get3A_1593, %broadcast_in_dim3A_1393 : vector<16xf32>
              %max3A_1595 = arith.maximumf %max3A_1548, %select_n3A_1594 : vector<16xf32>
              %get3A_1596 = arith.index_cast %add3A_1582 : i32 to index
              %get3A_1597 = arith.constant 32 : index
              %get3A_1598 = tpu.vector_load %arg10[%get3A_1596, %get3A_1597] {strides = array<i32>} : memref<256x128xf32, #tpu.memory_space<vmem>>, vector<16xf32>,
              %select_n3A_1599 = arith.select %and3A_1585, %get3A_1598, %broadcast_in_dim3A_1393 : vector<16xf32>
              %max3A_1600 = arith.maximumf %max3A_1553, %select_n3A_1599 : vector<16xf32>
              %get3A_1601 = arith.index_cast %add3A_1582 : i32 to index
              %get3A_1602 = arith.constant 48 : index
              %get3A_1603 = tpu.vector_load %arg10[%get3A_1601, %get3A_1602] {strides = array<i32>} : memref<256x128xf32, #tpu.memory_space<vmem>>, vector<16xf32>,
              %select_n3A_1604 = arith.select %and3A_1585, %get3A_1603, %broadcast_in_dim3A_1393 : vector<16xf32>
              %max3A_1605 = arith.maximumf %max3A_1558, %select_n3A_1604 : vector<16xf32>
              %get3A_1606 = arith.index_cast %add3A_1582 : i32 to index
              %get3A_1607 = arith.constant 64 : index
              %get3A_1608 = tpu.vector_load %arg10[%get3A_1606, %get3A_1607] {strides = array<i32>} : memref<256x128xf32, #tpu.memory_space<vmem>>, vector<16xf32>,
              %select_n3A_1609 = arith.select %and3A_1585, %get3A_1608, %broadcast_in_dim3A_1393 : vector<16xf32>
              %max3A_1610 = arith.maximumf %max3A_1563, %select_n3A_1609 : vector<16xf32>
              %get3A_1611 = arith.index_cast %add3A_1582 : i32 to index
              %get3A_1612 = arith.constant 80 : index
              %get3A_1613 = tpu.vector_load %arg10[%get3A_1611, %get3A_1612] {strides = array<i32>} : memref<256x128xf32, #tpu.memory_space<vmem>>, vector<16xf32>,
              %select_n3A_1614 = arith.select %and3A_1585, %get3A_1613, %broadcast_in_dim3A_1393 : vector<16xf32>
              %max3A_1615 = arith.maximumf %max3A_1568, %select_n3A_1614 : vector<16xf32>
              %get3A_1616 = arith.index_cast %add3A_1582 : i32 to index
              %get3A_1617 = arith.constant 96 : index
              %get3A_1618 = tpu.vector_load %arg10[%get3A_1616, %get3A_1617] {strides = array<i32>} : memref<256x128xf32, #tpu.memory_space<vmem>>, vector<16xf32>,
              %select_n3A_1619 = arith.select %and3A_1585, %get3A_1618, %broadcast_in_dim3A_1393 : vector<16xf32>
              %max3A_1620 = arith.maximumf %max3A_1573, %select_n3A_1619 : vector<16xf32>
              %get3A_1621 = arith.index_cast %add3A_1582 : i32 to index
              %get3A_1622 = arith.constant 112 : index
              %get3A_1623 = tpu.vector_load %arg10[%get3A_1621, %get3A_1622] {strides = array<i32>} : memref<256x128xf32, #tpu.memory_space<vmem>>, vector<16xf32>,
              %select_n3A_1624 = arith.select %and3A_1585, %get3A_1623, %broadcast_in_dim3A_1393 : vector<16xf32>
              %max3A_1625 = arith.maximumf %max3A_1578, %select_n3A_1624 : vector<16xf32>
              %mul3A_1626 = arith.constant 4 : i32
              %mul3A_1627 = arith.muli %scan3A_1477, %mul3A_1626 : i32
              %add3A_1628 = arith.constant 3 : i32
              %add3A_1629 = arith.addi %mul3A_1627, %add3A_1628 : i32
              %ge3A_1630 = arith.cmpi sge, %add3A_1629, %max3A_1408 : i32
              %lt3A_1631 = arith.cmpi slt, %add3A_1629, %min3A_1418 : i32
              %and3A_1632 = arith.andi %ge3A_1630, %lt3A_1631 : i1
              %get3A_1633 = arith.index_cast %add3A_1629 : i32 to index
              %get3A_1634 = arith.constant 0 : index
              %get3A_1635 = tpu.vector_load %arg10[%get3A_1633, %get3A_1634] {strides = array<i32>} : memref<256x128xf32, #tpu.memory_space<vmem>>, vector<16xf32>,
              %select_n3A_1636 = arith.select %and3A_1632, %get3A_1635, %broadcast_in_dim3A_1393 : vector<16xf32>
              %max3A_1637 = arith.maximumf %max3A_1590, %select_n3A_1636 : vector<16xf32>
              %get3A_1638 = arith.index_cast %add3A_1629 : i32 to index
              %get3A_1639 = arith.constant 16 : index
              %get3A_1640 = tpu.vector_load %arg10[%get3A_1638, %get3A_1639] {strides = array<i32>} : memref<256x128xf32, #tpu.memory_space<vmem>>, vector<16xf32>,
              %select_n3A_1641 = arith.select %and3A_1632, %get3A_1640, %broadcast_in_dim3A_1393 : vector<16xf32>
              %max3A_1642 = arith.maximumf %max3A_1595, %select_n3A_1641 : vector<16xf32>
              %get3A_1643 = arith.index_cast %add3A_1629 : i32 to index
              %get3A_1644 = arith.constant 32 : index
              %get3A_1645 = tpu.vector_load %arg10[%get3A_1643, %get3A_1644] {strides = array<i32>} : memref<256x128xf32, #tpu.memory_space<vmem>>, vector<16xf32>,
              %select_n3A_1646 = arith.select %and3A_1632, %get3A_1645, %broadcast_in_dim3A_1393 : vector<16xf32>
              %max3A_1647 = arith.maximumf %max3A_1600, %select_n3A_1646 : vector<16xf32>
              %get3A_1648 = arith.index_cast %add3A_1629 : i32 to index
              %get3A_1649 = arith.constant 48 : index
              %get3A_1650 = tpu.vector_load %arg10[%get3A_1648, %get3A_1649] {strides = array<i32>} : memref<256x128xf32, #tpu.memory_space<vmem>>, vector<16xf32>,
              %select_n3A_1651 = arith.select %and3A_1632, %get3A_1650, %broadcast_in_dim3A_1393 : vector<16xf32>
              %max3A_1652 = arith.maximumf %max3A_1605, %select_n3A_1651 : vector<16xf32>
              %get3A_1653 = arith.index_cast %add3A_1629 : i32 to index
              %get3A_1654 = arith.constant 64 : index
              %get3A_1655 = tpu.vector_load %arg10[%get3A_1653, %get3A_1654] {strides = array<i32>} : memref<256x128xf32, #tpu.memory_space<vmem>>, vector<16xf32>,
              %select_n3A_1656 = arith.select %and3A_1632, %get3A_1655, %broadcast_in_dim3A_1393 : vector<16xf32>
              %max3A_1657 = arith.maximumf %max3A_1610, %select_n3A_1656 : vector<16xf32>
              %get3A_1658 = arith.index_cast %add3A_1629 : i32 to index
              %get3A_1659 = arith.constant 80 : index
              %get3A_1660 = tpu.vector_load %arg10[%get3A_1658, %get3A_1659] {strides = array<i32>} : memref<256x128xf32, #tpu.memory_space<vmem>>, vector<16xf32>,
              %select_n3A_1661 = arith.select %and3A_1632, %get3A_1660, %broadcast_in_dim3A_1393 : vector<16xf32>
              %max3A_1662 = arith.maximumf %max3A_1615, %select_n3A_1661 : vector<16xf32>
              %get3A_1663 = arith.index_cast %add3A_1629 : i32 to index
              %get3A_1664 = arith.constant 96 : index
              %get3A_1665 = tpu.vector_load %arg10[%get3A_1663, %get3A_1664] {strides = array<i32>} : memref<256x128xf32, #tpu.memory_space<vmem>>, vector<16xf32>,
              %select_n3A_1666 = arith.select %and3A_1632, %get3A_1665, %broadcast_in_dim3A_1393 : vector<16xf32>
              %max3A_1667 = arith.maximumf %max3A_1620, %select_n3A_1666 : vector<16xf32>
              %get3A_1668 = arith.index_cast %add3A_1629 : i32 to index
              %get3A_1669 = arith.constant 112 : index
              %get3A_1670 = tpu.vector_load %arg10[%get3A_1668, %get3A_1669] {strides = array<i32>} : memref<256x128xf32, #tpu.memory_space<vmem>>, vector<16xf32>,
              %select_n3A_1671 = arith.select %and3A_1632, %get3A_1670, %broadcast_in_dim3A_1393 : vector<16xf32>
              %max3A_1672 = arith.maximumf %max3A_1625, %select_n3A_1671 : vector<16xf32>
              scf.yield %max3A_1637, %max3A_1642, %max3A_1647, %max3A_1652, %max3A_1657, %max3A_1662, %max3A_1667, %max3A_1672 : vector<16xf32>, vector<16xf32>, vector<16xf32>, vector<16xf32>, vector<16xf32>, vector<16xf32>, vector<16xf32>, vector<16xf32>
            }
            %scan3A_1452 = arith.constant 64 : i32
            %swap3A_1453 = arith.index_cast %scan3A_1400 : i32 to index
            %swap3A_1454 = arith.constant 0 : index
            %swap3A_1455 = tpu.vector_load %arg13[%swap3A_1453, %swap3A_1454] {strides = array<i32>} : memref<4x128xf32, #tpu.memory_space<vmem>>, vector<16xf32>,
            tpu.vector_store %arg13[%swap3A_1453, %swap3A_1454], %scan3A_1451#0 {strides = array<i32>} : memref<4x128xf32, #tpu.memory_space<vmem>>, vector<16xf32>,
            %swap3A_1456 = arith.index_cast %scan3A_1400 : i32 to index
            %swap3A_1457 = arith.constant 16 : index
            %swap3A_1458 = tpu.vector_load %arg13[%swap3A_1456, %swap3A_1457] {strides = array<i32>} : memref<4x128xf32, #tpu.memory_space<vmem>>, vector<16xf32>,
            tpu.vector_store %arg13[%swap3A_1456, %swap3A_1457], %scan3A_1451#1 {strides = array<i32>} : memref<4x128xf32, #tpu.memory_space<vmem>>, vector<16xf32>,
            %swap3A_1459 = arith.index_cast %scan3A_1400 : i32 to index
            %swap3A_1460 = arith.constant 32 : index
            %swap3A_1461 = tpu.vector_load %arg13[%swap3A_1459, %swap3A_1460] {strides = array<i32>} : memref<4x128xf32, #tpu.memory_space<vmem>>, vector<16xf32>,
            tpu.vector_store %arg13[%swap3A_1459, %swap3A_1460], %scan3A_1451#2 {strides = array<i32>} : memref<4x128xf32, #tpu.memory_space<vmem>>, vector<16xf32>,
            %swap3A_1462 = arith.index_cast %scan3A_1400 : i32 to index
            %swap3A_1463 = arith.constant 48 : index
            %swap3A_1464 = tpu.vector_load %arg13[%swap3A_1462, %swap3A_1463] {strides = array<i32>} : memref<4x128xf32, #tpu.memory_space<vmem>>, vector<16xf32>,
            tpu.vector_store %arg13[%swap3A_1462, %swap3A_1463], %scan3A_1451#3 {strides = array<i32>} : memref<4x128xf32, #tpu.memory_space<vmem>>, vector<16xf32>,
            %swap3A_1465 = arith.index_cast %scan3A_1400 : i32 to index
            %swap3A_1466 = arith.constant 64 : index
            %swap3A_1467 = tpu.vector_load %arg13[%swap3A_1465, %swap3A_1466] {strides = array<i32>} : memref<4x128xf32, #tpu.memory_space<vmem>>, vector<16xf32>,
            tpu.vector_store %arg13[%swap3A_1465, %swap3A_1466], %scan3A_1451#4 {strides = array<i32>} : memref<4x128xf32, #tpu.memory_space<vmem>>, vector<16xf32>,
            %swap3A_1468 = arith.index_cast %scan3A_1400 : i32 to index
            %swap3A_1469 = arith.constant 80 : index
            %swap3A_1470 = tpu.vector_load %arg13[%swap3A_1468, %swap3A_1469] {strides = array<i32>} : memref<4x128xf32, #tpu.memory_space<vmem>>, vector<16xf32>,
            tpu.vector_store %arg13[%swap3A_1468, %swap3A_1469], %scan3A_1451#5 {strides = array<i32>} : memref<4x128xf32, #tpu.memory_space<vmem>>, vector<16xf32>,
            %swap3A_1471 = arith.index_cast %scan3A_1400 : i32 to index
            %swap3A_1472 = arith.constant 96 : index
            %swap3A_1473 = tpu.vector_load %arg13[%swap3A_1471, %swap3A_1472] {strides = array<i32>} : memref<4x128xf32, #tpu.memory_space<vmem>>, vector<16xf32>,
            tpu.vector_store %arg13[%swap3A_1471, %swap3A_1472], %scan3A_1451#6 {strides = array<i32>} : memref<4x128xf32, #tpu.memory_space<vmem>>, vector<16xf32>,
            %swap3A_1474 = arith.index_cast %scan3A_1400 : i32 to index
            %swap3A_1475 = arith.constant 112 : index
            %swap3A_1476 = tpu.vector_load %arg13[%swap3A_1474, %swap3A_1475] {strides = array<i32>} : memref<4x128xf32, #tpu.memory_space<vmem>>, vector<16xf32>,
            tpu.vector_store %arg13[%swap3A_1474, %swap3A_1475], %scan3A_1451#7 {strides = array<i32>} : memref<4x128xf32, #tpu.memory_space<vmem>>, vector<16xf32>,
          } else {
          }
        }
        %scan3A_1399 = arith.constant 4 : i32
      } else {
      }
      %mul3A_1355 = arith.constant 3 : i32
      %mul3A_1356 = arith.muli %mul3A_1355, %while3A_1347 : i32
      %add3A_1357 = arith.constant 1 : i32
      %add3A_1358 = arith.addi %mul3A_1356, %add3A_1357 : i32
      %lt3A_1359 = arith.cmpi slt, %add3A_1358, %select_n3A_1097 : i32
      %convert_element_type3A_1360 = arith.extui %lt3A_1359 : i1 to i32
      %cond3A_1361 = arith.constant 0 : i32
      %cond3A_1362 = arith.cmpi ne, %convert_element_type3A_1360, %cond3A_1361 : i32
      scf.if %cond3A_1362 {
        %mul3A_1371 = arith.constant 256 : i32
        %mul3A_1372 = arith.muli %add3A_1358, %mul3A_1371 : i32
        %add3A_1373 = arith.addi %squeeze3A_1044, %mul3A_1372 : i32
        %min3A_1374 = arith.constant 99744 : i32
        %min3A_1375 = arith.minsi %add3A_1373, %min3A_1374 : i32
        %dma_wait3A = arith.constant 0 : i32
        %dma_wait3A_1376 = tpu.memref_slice %arg2[%min3A_1375, %dma_wait3A] : memref<100000x128xf32, #tpu.memory_space<hbm>> -> memref<256x128xf32, #tpu.memory_space<hbm>>
        %dma_wait3A_1377 = arith.constant 0 : i32
        %dma_wait3A_1378 = tpu.memref_slice %arg2[%min3A_1375, %dma_wait3A_1377] : memref<100000x128xf32, #tpu.memory_space<hbm>> -> memref<256x128xf32, #tpu.memory_space<hbm>>
        tpu.wait_dma2 semaphore(%arg15 : memref<!tpu.dma_semaphore, #tpu.memory_space<semaphore_mem>>) src(%dma_wait3A_1378 : memref<256x128xf32, #tpu.memory_space<hbm>>) dst(%arg11 : memref<256x128xf32, #tpu.memory_space<vmem>>)
        %add3A_1379 = arith.constant 3 : i32
        %add3A_1380 = arith.addi %add3A_1358, %add3A_1379 : i32
        %sub3A_1381 = arith.constant 1 : i32
        %sub3A_1382 = arith.subi %add3A_1380, %sub3A_1381 : i32
        %lt3A_1383 = arith.cmpi slt, %sub3A_1382, %select_n3A_1097 : i32
        %convert_element_type3A_1384 = arith.extui %lt3A_1383 : i1 to i32
        %cond3A_1385 = arith.constant 0 : i32
        %cond3A_1386 = arith.cmpi ne, %convert_element_type3A_1384, %cond3A_1385 : i32
        scf.if %cond3A_1386 {
          %add3A_1400 = arith.constant 3 : i32
          %add3A_1401 = arith.addi %add3A_1358, %add3A_1400 : i32
          %sub3A_1402 = arith.constant 1 : i32
          %sub3A_1403 = arith.subi %add3A_1401, %sub3A_1402 : i32
          %mul3A_1404 = arith.constant 256 : i32
          %mul3A_1405 = arith.muli %sub3A_1403, %mul3A_1404 : i32
          %add3A_1406 = arith.addi %squeeze3A_1044, %mul3A_1405 : i32
          %min3A_1407 = arith.constant 99744 : i32
          %min3A_1408 = arith.minsi %add3A_1406, %min3A_1407 : i32
          %dma_start3A = arith.constant 0 : i32
          %dma_start3A_1409 = tpu.memref_slice %arg2[%min3A_1408, %dma_start3A] : memref<100000x128xf32, #tpu.memory_space<hbm>> -> memref<256x128xf32, #tpu.memory_space<hbm>>
          %dma_start3A_1410 = arith.constant 0 : i32
          %dma_start3A_1411 = tpu.memref_slice %arg2[%min3A_1408, %dma_start3A_1410] : memref<100000x128xf32, #tpu.memory_space<hbm>> -> memref<256x128xf32, #tpu.memory_space<hbm>>
          tpu.enqueue_dma source(%dma_start3A_1411 : memref<256x128xf32, #tpu.memory_space<hbm>>) target(%arg10 : memref<256x128xf32, #tpu.memory_space<vmem>>) target_semaphore(%arg14 : memref<!tpu.dma_semaphore, #tpu.memory_space<semaphore_mem>>)
        } else {
        }
        %mul3A_1387 = arith.constant 256 : i32
        %mul3A_1388 = arith.muli %add3A_1358, %mul3A_1387 : i32
        %add3A_1389 = arith.addi %squeeze3A_1044, %mul3A_1388 : i32
        %min3A_1390 = arith.constant 99744 : i32
        %min3A_1391 = arith.minsi %add3A_1389, %min3A_1390 : i32
        %broadcast_in_dim3A_1392 = arith.constant 0xFF800000 : f32
        %broadcast_in_dim3A_1393 = vector.broadcast %broadcast_in_dim3A_1392 : f32 to vector<16xf32>
        %scan3A_1394 = arith.constant 0 : i32
        %scan3A_1395 = arith.constant 0 : i32
        %scan3A_1396 = arith.constant 4 : i32
        %scan3A_1397 = arith.addi %scan3A_1395, %scan3A_1396 : i32
        %scan3A_1398 = arith.constant 1 : i32
        scf.for %scan3A_1400 = %scan3A_1395 to %scan3A_1397 step %scan3A_1398  : i32 {
          %add3A_1401 = arith.addi %mul3A_1038, %scan3A_1400 : i32
          %get3A_1402 = arith.index_cast %add3A_1401 : i32 to index
          %get3A_1403 = tpu.vector_load %arg9[%get3A_1402] {strides = array<i32>} : memref<144xi32, #tpu.memory_space<vmem>>, vector<16xi32>,
          %slice3A_1404 = vector.extract_strided_slice %get3A_1403 {offsets = [0], sizes = [1], strides = [1]} : vector<16xi32> to vector<1xi32>
          %squeeze3A_1405 = vector.extract %slice3A_1404[0] : i32 from vector<1xi32>
          %sub3A_1406 = arith.subi %squeeze3A_1405, %min3A_1391 : i32
          %max3A_1407 = arith.constant 0 : i32
          %max3A_1408 = arith.maxsi %sub3A_1406, %max3A_1407 : i32
          %add3A_1409 = arith.addi %mul3A_1038, %scan3A_1400 : i32
          %add3A_1410 = arith.constant 1 : i32
          %add3A_1411 = arith.addi %add3A_1409, %add3A_1410 : i32
          %get3A_1412 = arith.index_cast %add3A_1411 : i32 to index
          %get3A_1413 = tpu.vector_load %arg9[%get3A_1412] {strides = array<i32>} : memref<144xi32, #tpu.memory_space<vmem>>, vector<16xi32>,
          %slice3A_1414 = vector.extract_strided_slice %get3A_1413 {offsets = [0], sizes = [1], strides = [1]} : vector<16xi32> to vector<1xi32>
          %squeeze3A_1415 = vector.extract %slice3A_1414[0] : i32 from vector<1xi32>
          %sub3A_1416 = arith.subi %squeeze3A_1415, %min3A_1391 : i32
          %min3A_1417 = arith.constant 256 : i32
          %min3A_1418 = arith.minsi %sub3A_1416, %min3A_1417 : i32
          %gt3A_1419 = arith.cmpi sgt, %min3A_1418, %max3A_1408 : i32
          %convert_element_type3A_1420 = arith.extui %gt3A_1419 : i1 to i32
          %cond3A_1421 = arith.constant 0 : i32
          %cond3A_1422 = arith.cmpi ne, %convert_element_type3A_1420, %cond3A_1421 : i32
          scf.if %cond3A_1422 {
            %get3A_1423 = arith.index_cast %scan3A_1400 : i32 to index
            %get3A_1424 = arith.constant 0 : index
            %get3A_1425 = tpu.vector_load %arg13[%get3A_1423, %get3A_1424] {strides = array<i32>} : memref<4x128xf32, #tpu.memory_space<vmem>>, vector<16xf32>,
            %get3A_1426 = arith.index_cast %scan3A_1400 : i32 to index
            %get3A_1427 = arith.constant 16 : index
            %get3A_1428 = tpu.vector_load %arg13[%get3A_1426, %get3A_1427] {strides = array<i32>} : memref<4x128xf32, #tpu.memory_space<vmem>>, vector<16xf32>,
            %get3A_1429 = arith.index_cast %scan3A_1400 : i32 to index
            %get3A_1430 = arith.constant 32 : index
            %get3A_1431 = tpu.vector_load %arg13[%get3A_1429, %get3A_1430] {strides = array<i32>} : memref<4x128xf32, #tpu.memory_space<vmem>>, vector<16xf32>,
            %get3A_1432 = arith.index_cast %scan3A_1400 : i32 to index
            %get3A_1433 = arith.constant 48 : index
            %get3A_1434 = tpu.vector_load %arg13[%get3A_1432, %get3A_1433] {strides = array<i32>} : memref<4x128xf32, #tpu.memory_space<vmem>>, vector<16xf32>,
            %get3A_1435 = arith.index_cast %scan3A_1400 : i32 to index
            %get3A_1436 = arith.constant 64 : index
            %get3A_1437 = tpu.vector_load %arg13[%get3A_1435, %get3A_1436] {strides = array<i32>} : memref<4x128xf32, #tpu.memory_space<vmem>>, vector<16xf32>,
            %get3A_1438 = arith.index_cast %scan3A_1400 : i32 to index
            %get3A_1439 = arith.constant 80 : index
            %get3A_1440 = tpu.vector_load %arg13[%get3A_1438, %get3A_1439] {strides = array<i32>} : memref<4x128xf32, #tpu.memory_space<vmem>>, vector<16xf32>,
            %get3A_1441 = arith.index_cast %scan3A_1400 : i32 to index
            %get3A_1442 = arith.constant 96 : index
            %get3A_1443 = tpu.vector_load %arg13[%get3A_1441, %get3A_1442] {strides = array<i32>} : memref<4x128xf32, #tpu.memory_space<vmem>>, vector<16xf32>,
            %get3A_1444 = arith.index_cast %scan3A_1400 : i32 to index
            %get3A_1445 = arith.constant 112 : index
            %get3A_1446 = tpu.vector_load %arg13[%get3A_1444, %get3A_1445] {strides = array<i32>} : memref<4x128xf32, #tpu.memory_space<vmem>>, vector<16xf32>,
            %scan3A_1447 = arith.constant 0 : i32
            %scan3A_1448 = arith.constant 64 : i32
            %scan3A_1449 = arith.addi %scan3A_1447, %scan3A_1448 : i32
            %scan3A_1450 = arith.constant 1 : i32
            %scan3A_1451:8 = scf.for %scan3A_1477 = %scan3A_1447 to %scan3A_1449 step %scan3A_1450 iter_args(%scan3A_1478 = %get3A_1425, %scan3A_1479 = %get3A_1428, %scan3A_1480 = %get3A_1431, %scan3A_1481 = %get3A_1434, %scan3A_1482 = %get3A_1437, %scan3A_1483 = %get3A_1440, %scan3A_1484 = %get3A_1443, %scan3A_1485 = %get3A_1446) -> (vector<16xf32>, vector<16xf32>, vector<16xf32>, vector<16xf32>, vector<16xf32>, vector<16xf32>, vector<16xf32>, vector<16xf32>)  : i32 {
              %mul3A_1486 = arith.constant 4 : i32
              %mul3A_1487 = arith.muli %scan3A_1477, %mul3A_1486 : i32
              %add3A_1488 = arith.constant 0 : i32
              %add3A_1489 = arith.addi %mul3A_1487, %add3A_1488 : i32
              %ge3A = arith.cmpi sge, %add3A_1489, %max3A_1408 : i32
              %lt3A_1490 = arith.cmpi slt, %add3A_1489, %min3A_1418 : i32
              %and3A_1491 = arith.andi %ge3A, %lt3A_1490 : i1
              %get3A_1492 = arith.index_cast %add3A_1489 : i32 to index
              %get3A_1493 = arith.constant 0 : index
              %get3A_1494 = tpu.vector_load %arg11[%get3A_1492, %get3A_1493] {strides = array<i32>} : memref<256x128xf32, #tpu.memory_space<vmem>>, vector<16xf32>,
              %select_n3A_1495 = arith.select %and3A_1491, %get3A_1494, %broadcast_in_dim3A_1393 : vector<16xf32>
              %max3A_1496 = arith.maximumf %scan3A_1478, %select_n3A_1495 : vector<16xf32>
              %get3A_1497 = arith.index_cast %add3A_1489 : i32 to index
              %get3A_1498 = arith.constant 16 : index
              %get3A_1499 = tpu.vector_load %arg11[%get3A_1497, %get3A_1498] {strides = array<i32>} : memref<256x128xf32, #tpu.memory_space<vmem>>, vector<16xf32>,
              %select_n3A_1500 = arith.select %and3A_1491, %get3A_1499, %broadcast_in_dim3A_1393 : vector<16xf32>
              %max3A_1501 = arith.maximumf %scan3A_1479, %select_n3A_1500 : vector<16xf32>
              %get3A_1502 = arith.index_cast %add3A_1489 : i32 to index
              %get3A_1503 = arith.constant 32 : index
              %get3A_1504 = tpu.vector_load %arg11[%get3A_1502, %get3A_1503] {strides = array<i32>} : memref<256x128xf32, #tpu.memory_space<vmem>>, vector<16xf32>,
              %select_n3A_1505 = arith.select %and3A_1491, %get3A_1504, %broadcast_in_dim3A_1393 : vector<16xf32>
              %max3A_1506 = arith.maximumf %scan3A_1480, %select_n3A_1505 : vector<16xf32>
              %get3A_1507 = arith.index_cast %add3A_1489 : i32 to index
              %get3A_1508 = arith.constant 48 : index
              %get3A_1509 = tpu.vector_load %arg11[%get3A_1507, %get3A_1508] {strides = array<i32>} : memref<256x128xf32, #tpu.memory_space<vmem>>, vector<16xf32>,
              %select_n3A_1510 = arith.select %and3A_1491, %get3A_1509, %broadcast_in_dim3A_1393 : vector<16xf32>
              %max3A_1511 = arith.maximumf %scan3A_1481, %select_n3A_1510 : vector<16xf32>
              %get3A_1512 = arith.index_cast %add3A_1489 : i32 to index
              %get3A_1513 = arith.constant 64 : index
              %get3A_1514 = tpu.vector_load %arg11[%get3A_1512, %get3A_1513] {strides = array<i32>} : memref<256x128xf32, #tpu.memory_space<vmem>>, vector<16xf32>,
              %select_n3A_1515 = arith.select %and3A_1491, %get3A_1514, %broadcast_in_dim3A_1393 : vector<16xf32>
              %max3A_1516 = arith.maximumf %scan3A_1482, %select_n3A_1515 : vector<16xf32>
              %get3A_1517 = arith.index_cast %add3A_1489 : i32 to index
              %get3A_1518 = arith.constant 80 : index
              %get3A_1519 = tpu.vector_load %arg11[%get3A_1517, %get3A_1518] {strides = array<i32>} : memref<256x128xf32, #tpu.memory_space<vmem>>, vector<16xf32>,
              %select_n3A_1520 = arith.select %and3A_1491, %get3A_1519, %broadcast_in_dim3A_1393 : vector<16xf32>
              %max3A_1521 = arith.maximumf %scan3A_1483, %select_n3A_1520 : vector<16xf32>
              %get3A_1522 = arith.index_cast %add3A_1489 : i32 to index
              %get3A_1523 = arith.constant 96 : index
              %get3A_1524 = tpu.vector_load %arg11[%get3A_1522, %get3A_1523] {strides = array<i32>} : memref<256x128xf32, #tpu.memory_space<vmem>>, vector<16xf32>,
              %select_n3A_1525 = arith.select %and3A_1491, %get3A_1524, %broadcast_in_dim3A_1393 : vector<16xf32>
              %max3A_1526 = arith.maximumf %scan3A_1484, %select_n3A_1525 : vector<16xf32>
              %get3A_1527 = arith.index_cast %add3A_1489 : i32 to index
              %get3A_1528 = arith.constant 112 : index
              %get3A_1529 = tpu.vector_load %arg11[%get3A_1527, %get3A_1528] {strides = array<i32>} : memref<256x128xf32, #tpu.memory_space<vmem>>, vector<16xf32>,
              %select_n3A_1530 = arith.select %and3A_1491, %get3A_1529, %broadcast_in_dim3A_1393 : vector<16xf32>
              %max3A_1531 = arith.maximumf %scan3A_1485, %select_n3A_1530 : vector<16xf32>
              %mul3A_1532 = arith.constant 4 : i32
              %mul3A_1533 = arith.muli %scan3A_1477, %mul3A_1532 : i32
              %add3A_1534 = arith.constant 1 : i32
              %add3A_1535 = arith.addi %mul3A_1533, %add3A_1534 : i32
              %ge3A_1536 = arith.cmpi sge, %add3A_1535, %max3A_1408 : i32
              %lt3A_1537 = arith.cmpi slt, %add3A_1535, %min3A_1418 : i32
              %and3A_1538 = arith.andi %ge3A_1536, %lt3A_1537 : i1
              %get3A_1539 = arith.index_cast %add3A_1535 : i32 to index
              %get3A_1540 = arith.constant 0 : index
              %get3A_1541 = tpu.vector_load %arg11[%get3A_1539, %get3A_1540] {strides = array<i32>} : memref<256x128xf32, #tpu.memory_space<vmem>>, vector<16xf32>,
              %select_n3A_1542 = arith.select %and3A_1538, %get3A_1541, %broadcast_in_dim3A_1393 : vector<16xf32>
              %max3A_1543 = arith.maximumf %max3A_1496, %select_n3A_1542 : vector<16xf32>
              %get3A_1544 = arith.index_cast %add3A_1535 : i32 to index
              %get3A_1545 = arith.constant 16 : index
              %get3A_1546 = tpu.vector_load %arg11[%get3A_1544, %get3A_1545] {strides = array<i32>} : memref<256x128xf32, #tpu.memory_space<vmem>>, vector<16xf32>,
              %select_n3A_1547 = arith.select %and3A_1538, %get3A_1546, %broadcast_in_dim3A_1393 : vector<16xf32>
              %max3A_1548 = arith.maximumf %max3A_1501, %select_n3A_1547 : vector<16xf32>
              %get3A_1549 = arith.index_cast %add3A_1535 : i32 to index
              %get3A_1550 = arith.constant 32 : index
              %get3A_1551 = tpu.vector_load %arg11[%get3A_1549, %get3A_1550] {strides = array<i32>} : memref<256x128xf32, #tpu.memory_space<vmem>>, vector<16xf32>,
              %select_n3A_1552 = arith.select %and3A_1538, %get3A_1551, %broadcast_in_dim3A_1393 : vector<16xf32>
              %max3A_1553 = arith.maximumf %max3A_1506, %select_n3A_1552 : vector<16xf32>
              %get3A_1554 = arith.index_cast %add3A_1535 : i32 to index
              %get3A_1555 = arith.constant 48 : index
              %get3A_1556 = tpu.vector_load %arg11[%get3A_1554, %get3A_1555] {strides = array<i32>} : memref<256x128xf32, #tpu.memory_space<vmem>>, vector<16xf32>,
              %select_n3A_1557 = arith.select %and3A_1538, %get3A_1556, %broadcast_in_dim3A_1393 : vector<16xf32>
              %max3A_1558 = arith.maximumf %max3A_1511, %select_n3A_1557 : vector<16xf32>
              %get3A_1559 = arith.index_cast %add3A_1535 : i32 to index
              %get3A_1560 = arith.constant 64 : index
              %get3A_1561 = tpu.vector_load %arg11[%get3A_1559, %get3A_1560] {strides = array<i32>} : memref<256x128xf32, #tpu.memory_space<vmem>>, vector<16xf32>,
              %select_n3A_1562 = arith.select %and3A_1538, %get3A_1561, %broadcast_in_dim3A_1393 : vector<16xf32>
              %max3A_1563 = arith.maximumf %max3A_1516, %select_n3A_1562 : vector<16xf32>
              %get3A_1564 = arith.index_cast %add3A_1535 : i32 to index
              %get3A_1565 = arith.constant 80 : index
              %get3A_1566 = tpu.vector_load %arg11[%get3A_1564, %get3A_1565] {strides = array<i32>} : memref<256x128xf32, #tpu.memory_space<vmem>>, vector<16xf32>,
              %select_n3A_1567 = arith.select %and3A_1538, %get3A_1566, %broadcast_in_dim3A_1393 : vector<16xf32>
              %max3A_1568 = arith.maximumf %max3A_1521, %select_n3A_1567 : vector<16xf32>
              %get3A_1569 = arith.index_cast %add3A_1535 : i32 to index
              %get3A_1570 = arith.constant 96 : index
              %get3A_1571 = tpu.vector_load %arg11[%get3A_1569, %get3A_1570] {strides = array<i32>} : memref<256x128xf32, #tpu.memory_space<vmem>>, vector<16xf32>,
              %select_n3A_1572 = arith.select %and3A_1538, %get3A_1571, %broadcast_in_dim3A_1393 : vector<16xf32>
              %max3A_1573 = arith.maximumf %max3A_1526, %select_n3A_1572 : vector<16xf32>
              %get3A_1574 = arith.index_cast %add3A_1535 : i32 to index
              %get3A_1575 = arith.constant 112 : index
              %get3A_1576 = tpu.vector_load %arg11[%get3A_1574, %get3A_1575] {strides = array<i32>} : memref<256x128xf32, #tpu.memory_space<vmem>>, vector<16xf32>,
              %select_n3A_1577 = arith.select %and3A_1538, %get3A_1576, %broadcast_in_dim3A_1393 : vector<16xf32>
              %max3A_1578 = arith.maximumf %max3A_1531, %select_n3A_1577 : vector<16xf32>
              %mul3A_1579 = arith.constant 4 : i32
              %mul3A_1580 = arith.muli %scan3A_1477, %mul3A_1579 : i32
              %add3A_1581 = arith.constant 2 : i32
              %add3A_1582 = arith.addi %mul3A_1580, %add3A_1581 : i32
              %ge3A_1583 = arith.cmpi sge, %add3A_1582, %max3A_1408 : i32
              %lt3A_1584 = arith.cmpi slt, %add3A_1582, %min3A_1418 : i32
              %and3A_1585 = arith.andi %ge3A_1583, %lt3A_1584 : i1
              %get3A_1586 = arith.index_cast %add3A_1582 : i32 to index
              %get3A_1587 = arith.constant 0 : index
              %get3A_1588 = tpu.vector_load %arg11[%get3A_1586, %get3A_1587] {strides = array<i32>} : memref<256x128xf32, #tpu.memory_space<vmem>>, vector<16xf32>,
              %select_n3A_1589 = arith.select %and3A_1585, %get3A_1588, %broadcast_in_dim3A_1393 : vector<16xf32>
              %max3A_1590 = arith.maximumf %max3A_1543, %select_n3A_1589 : vector<16xf32>
              %get3A_1591 = arith.index_cast %add3A_1582 : i32 to index
              %get3A_1592 = arith.constant 16 : index
              %get3A_1593 = tpu.vector_load %arg11[%get3A_1591, %get3A_1592] {strides = array<i32>} : memref<256x128xf32, #tpu.memory_space<vmem>>, vector<16xf32>,
              %select_n3A_1594 = arith.select %and3A_1585, %get3A_1593, %broadcast_in_dim3A_1393 : vector<16xf32>
              %max3A_1595 = arith.maximumf %max3A_1548, %select_n3A_1594 : vector<16xf32>
              %get3A_1596 = arith.index_cast %add3A_1582 : i32 to index
              %get3A_1597 = arith.constant 32 : index
              %get3A_1598 = tpu.vector_load %arg11[%get3A_1596, %get3A_1597] {strides = array<i32>} : memref<256x128xf32, #tpu.memory_space<vmem>>, vector<16xf32>,
              %select_n3A_1599 = arith.select %and3A_1585, %get3A_1598, %broadcast_in_dim3A_1393 : vector<16xf32>
              %max3A_1600 = arith.maximumf %max3A_1553, %select_n3A_1599 : vector<16xf32>
              %get3A_1601 = arith.index_cast %add3A_1582 : i32 to index
              %get3A_1602 = arith.constant 48 : index
              %get3A_1603 = tpu.vector_load %arg11[%get3A_1601, %get3A_1602] {strides = array<i32>} : memref<256x128xf32, #tpu.memory_space<vmem>>, vector<16xf32>,
              %select_n3A_1604 = arith.select %and3A_1585, %get3A_1603, %broadcast_in_dim3A_1393 : vector<16xf32>
              %max3A_1605 = arith.maximumf %max3A_1558, %select_n3A_1604 : vector<16xf32>
              %get3A_1606 = arith.index_cast %add3A_1582 : i32 to index
              %get3A_1607 = arith.constant 64 : index
              %get3A_1608 = tpu.vector_load %arg11[%get3A_1606, %get3A_1607] {strides = array<i32>} : memref<256x128xf32, #tpu.memory_space<vmem>>, vector<16xf32>,
              %select_n3A_1609 = arith.select %and3A_1585, %get3A_1608, %broadcast_in_dim3A_1393 : vector<16xf32>
              %max3A_1610 = arith.maximumf %max3A_1563, %select_n3A_1609 : vector<16xf32>
              %get3A_1611 = arith.index_cast %add3A_1582 : i32 to index
              %get3A_1612 = arith.constant 80 : index
              %get3A_1613 = tpu.vector_load %arg11[%get3A_1611, %get3A_1612] {strides = array<i32>} : memref<256x128xf32, #tpu.memory_space<vmem>>, vector<16xf32>,
              %select_n3A_1614 = arith.select %and3A_1585, %get3A_1613, %broadcast_in_dim3A_1393 : vector<16xf32>
              %max3A_1615 = arith.maximumf %max3A_1568, %select_n3A_1614 : vector<16xf32>
              %get3A_1616 = arith.index_cast %add3A_1582 : i32 to index
              %get3A_1617 = arith.constant 96 : index
              %get3A_1618 = tpu.vector_load %arg11[%get3A_1616, %get3A_1617] {strides = array<i32>} : memref<256x128xf32, #tpu.memory_space<vmem>>, vector<16xf32>,
              %select_n3A_1619 = arith.select %and3A_1585, %get3A_1618, %broadcast_in_dim3A_1393 : vector<16xf32>
              %max3A_1620 = arith.maximumf %max3A_1573, %select_n3A_1619 : vector<16xf32>
              %get3A_1621 = arith.index_cast %add3A_1582 : i32 to index
              %get3A_1622 = arith.constant 112 : index
              %get3A_1623 = tpu.vector_load %arg11[%get3A_1621, %get3A_1622] {strides = array<i32>} : memref<256x128xf32, #tpu.memory_space<vmem>>, vector<16xf32>,
              %select_n3A_1624 = arith.select %and3A_1585, %get3A_1623, %broadcast_in_dim3A_1393 : vector<16xf32>
              %max3A_1625 = arith.maximumf %max3A_1578, %select_n3A_1624 : vector<16xf32>
              %mul3A_1626 = arith.constant 4 : i32
              %mul3A_1627 = arith.muli %scan3A_1477, %mul3A_1626 : i32
              %add3A_1628 = arith.constant 3 : i32
              %add3A_1629 = arith.addi %mul3A_1627, %add3A_1628 : i32
              %ge3A_1630 = arith.cmpi sge, %add3A_1629, %max3A_1408 : i32
              %lt3A_1631 = arith.cmpi slt, %add3A_1629, %min3A_1418 : i32
              %and3A_1632 = arith.andi %ge3A_1630, %lt3A_1631 : i1
              %get3A_1633 = arith.index_cast %add3A_1629 : i32 to index
              %get3A_1634 = arith.constant 0 : index
              %get3A_1635 = tpu.vector_load %arg11[%get3A_1633, %get3A_1634] {strides = array<i32>} : memref<256x128xf32, #tpu.memory_space<vmem>>, vector<16xf32>,
              %select_n3A_1636 = arith.select %and3A_1632, %get3A_1635, %broadcast_in_dim3A_1393 : vector<16xf32>
              %max3A_1637 = arith.maximumf %max3A_1590, %select_n3A_1636 : vector<16xf32>
              %get3A_1638 = arith.index_cast %add3A_1629 : i32 to index
              %get3A_1639 = arith.constant 16 : index
              %get3A_1640 = tpu.vector_load %arg11[%get3A_1638, %get3A_1639] {strides = array<i32>} : memref<256x128xf32, #tpu.memory_space<vmem>>, vector<16xf32>,
              %select_n3A_1641 = arith.select %and3A_1632, %get3A_1640, %broadcast_in_dim3A_1393 : vector<16xf32>
              %max3A_1642 = arith.maximumf %max3A_1595, %select_n3A_1641 : vector<16xf32>
              %get3A_1643 = arith.index_cast %add3A_1629 : i32 to index
              %get3A_1644 = arith.constant 32 : index
              %get3A_1645 = tpu.vector_load %arg11[%get3A_1643, %get3A_1644] {strides = array<i32>} : memref<256x128xf32, #tpu.memory_space<vmem>>, vector<16xf32>,
              %select_n3A_1646 = arith.select %and3A_1632, %get3A_1645, %broadcast_in_dim3A_1393 : vector<16xf32>
              %max3A_1647 = arith.maximumf %max3A_1600, %select_n3A_1646 : vector<16xf32>
              %get3A_1648 = arith.index_cast %add3A_1629 : i32 to index
              %get3A_1649 = arith.constant 48 : index
              %get3A_1650 = tpu.vector_load %arg11[%get3A_1648, %get3A_1649] {strides = array<i32>} : memref<256x128xf32, #tpu.memory_space<vmem>>, vector<16xf32>,
              %select_n3A_1651 = arith.select %and3A_1632, %get3A_1650, %broadcast_in_dim3A_1393 : vector<16xf32>
              %max3A_1652 = arith.maximumf %max3A_1605, %select_n3A_1651 : vector<16xf32>
              %get3A_1653 = arith.index_cast %add3A_1629 : i32 to index
              %get3A_1654 = arith.constant 64 : index
              %get3A_1655 = tpu.vector_load %arg11[%get3A_1653, %get3A_1654] {strides = array<i32>} : memref<256x128xf32, #tpu.memory_space<vmem>>, vector<16xf32>,
              %select_n3A_1656 = arith.select %and3A_1632, %get3A_1655, %broadcast_in_dim3A_1393 : vector<16xf32>
              %max3A_1657 = arith.maximumf %max3A_1610, %select_n3A_1656 : vector<16xf32>
              %get3A_1658 = arith.index_cast %add3A_1629 : i32 to index
              %get3A_1659 = arith.constant 80 : index
              %get3A_1660 = tpu.vector_load %arg11[%get3A_1658, %get3A_1659] {strides = array<i32>} : memref<256x128xf32, #tpu.memory_space<vmem>>, vector<16xf32>,
              %select_n3A_1661 = arith.select %and3A_1632, %get3A_1660, %broadcast_in_dim3A_1393 : vector<16xf32>
              %max3A_1662 = arith.maximumf %max3A_1615, %select_n3A_1661 : vector<16xf32>
              %get3A_1663 = arith.index_cast %add3A_1629 : i32 to index
              %get3A_1664 = arith.constant 96 : index
              %get3A_1665 = tpu.vector_load %arg11[%get3A_1663, %get3A_1664] {strides = array<i32>} : memref<256x128xf32, #tpu.memory_space<vmem>>, vector<16xf32>,
              %select_n3A_1666 = arith.select %and3A_1632, %get3A_1665, %broadcast_in_dim3A_1393 : vector<16xf32>
              %max3A_1667 = arith.maximumf %max3A_1620, %select_n3A_1666 : vector<16xf32>
              %get3A_1668 = arith.index_cast %add3A_1629 : i32 to index
              %get3A_1669 = arith.constant 112 : index
              %get3A_1670 = tpu.vector_load %arg11[%get3A_1668, %get3A_1669] {strides = array<i32>} : memref<256x128xf32, #tpu.memory_space<vmem>>, vector<16xf32>,
              %select_n3A_1671 = arith.select %and3A_1632, %get3A_1670, %broadcast_in_dim3A_1393 : vector<16xf32>
              %max3A_1672 = arith.maximumf %max3A_1625, %select_n3A_1671 : vector<16xf32>
              scf.yield %max3A_1637, %max3A_1642, %max3A_1647, %max3A_1652, %max3A_1657, %max3A_1662, %max3A_1667, %max3A_1672 : vector<16xf32>, vector<16xf32>, vector<16xf32>, vector<16xf32>, vector<16xf32>, vector<16xf32>, vector<16xf32>, vector<16xf32>
            }
            %scan3A_1452 = arith.constant 64 : i32
            %swap3A_1453 = arith.index_cast %scan3A_1400 : i32 to index
            %swap3A_1454 = arith.constant 0 : index
            %swap3A_1455 = tpu.vector_load %arg13[%swap3A_1453, %swap3A_1454] {strides = array<i32>} : memref<4x128xf32, #tpu.memory_space<vmem>>, vector<16xf32>,
            tpu.vector_store %arg13[%swap3A_1453, %swap3A_1454], %scan3A_1451#0 {strides = array<i32>} : memref<4x128xf32, #tpu.memory_space<vmem>>, vector<16xf32>,
            %swap3A_1456 = arith.index_cast %scan3A_1400 : i32 to index
            %swap3A_1457 = arith.constant 16 : index
            %swap3A_1458 = tpu.vector_load %arg13[%swap3A_1456, %swap3A_1457] {strides = array<i32>} : memref<4x128xf32, #tpu.memory_space<vmem>>, vector<16xf32>,
            tpu.vector_store %arg13[%swap3A_1456, %swap3A_1457], %scan3A_1451#1 {strides = array<i32>} : memref<4x128xf32, #tpu.memory_space<vmem>>, vector<16xf32>,
            %swap3A_1459 = arith.index_cast %scan3A_1400 : i32 to index
            %swap3A_1460 = arith.constant 32 : index
            %swap3A_1461 = tpu.vector_load %arg13[%swap3A_1459, %swap3A_1460] {strides = array<i32>} : memref<4x128xf32, #tpu.memory_space<vmem>>, vector<16xf32>,
            tpu.vector_store %arg13[%swap3A_1459, %swap3A_1460], %scan3A_1451#2 {strides = array<i32>} : memref<4x128xf32, #tpu.memory_space<vmem>>, vector<16xf32>,
            %swap3A_1462 = arith.index_cast %scan3A_1400 : i32 to index
            %swap3A_1463 = arith.constant 48 : index
            %swap3A_1464 = tpu.vector_load %arg13[%swap3A_1462, %swap3A_1463] {strides = array<i32>} : memref<4x128xf32, #tpu.memory_space<vmem>>, vector<16xf32>,
            tpu.vector_store %arg13[%swap3A_1462, %swap3A_1463], %scan3A_1451#3 {strides = array<i32>} : memref<4x128xf32, #tpu.memory_space<vmem>>, vector<16xf32>,
            %swap3A_1465 = arith.index_cast %scan3A_1400 : i32 to index
            %swap3A_1466 = arith.constant 64 : index
            %swap3A_1467 = tpu.vector_load %arg13[%swap3A_1465, %swap3A_1466] {strides = array<i32>} : memref<4x128xf32, #tpu.memory_space<vmem>>, vector<16xf32>,
            tpu.vector_store %arg13[%swap3A_1465, %swap3A_1466], %scan3A_1451#4 {strides = array<i32>} : memref<4x128xf32, #tpu.memory_space<vmem>>, vector<16xf32>,
            %swap3A_1468 = arith.index_cast %scan3A_1400 : i32 to index
            %swap3A_1469 = arith.constant 80 : index
            %swap3A_1470 = tpu.vector_load %arg13[%swap3A_1468, %swap3A_1469] {strides = array<i32>} : memref<4x128xf32, #tpu.memory_space<vmem>>, vector<16xf32>,
            tpu.vector_store %arg13[%swap3A_1468, %swap3A_1469], %scan3A_1451#5 {strides = array<i32>} : memref<4x128xf32, #tpu.memory_space<vmem>>, vector<16xf32>,
            %swap3A_1471 = arith.index_cast %scan3A_1400 : i32 to index
            %swap3A_1472 = arith.constant 96 : index
            %swap3A_1473 = tpu.vector_load %arg13[%swap3A_1471, %swap3A_1472] {strides = array<i32>} : memref<4x128xf32, #tpu.memory_space<vmem>>, vector<16xf32>,
            tpu.vector_store %arg13[%swap3A_1471, %swap3A_1472], %scan3A_1451#6 {strides = array<i32>} : memref<4x128xf32, #tpu.memory_space<vmem>>, vector<16xf32>,
            %swap3A_1474 = arith.index_cast %scan3A_1400 : i32 to index
            %swap3A_1475 = arith.constant 112 : index
            %swap3A_1476 = tpu.vector_load %arg13[%swap3A_1474, %swap3A_1475] {strides = array<i32>} : memref<4x128xf32, #tpu.memory_space<vmem>>, vector<16xf32>,
            tpu.vector_store %arg13[%swap3A_1474, %swap3A_1475], %scan3A_1451#7 {strides = array<i32>} : memref<4x128xf32, #tpu.memory_space<vmem>>, vector<16xf32>,
          } else {
          }
        }
        %scan3A_1399 = arith.constant 4 : i32
      } else {
      }
      %mul3A_1363 = arith.constant 3 : i32
      %mul3A_1364 = arith.muli %mul3A_1363, %while3A_1347 : i32
      %add3A_1365 = arith.constant 2 : i32
      %add3A_1366 = arith.addi %mul3A_1364, %add3A_1365 : i32
      %lt3A_1367 = arith.cmpi slt, %add3A_1366, %select_n3A_1097 : i32
      %convert_element_type3A_1368 = arith.extui %lt3A_1367 : i1 to i32
      %cond3A_1369 = arith.constant 0 : i32
      %cond3A_1370 = arith.cmpi ne, %convert_element_type3A_1368, %cond3A_1369 : i32
      scf.if %cond3A_1370 {
        %mul3A_1371 = arith.constant 256 : i32
        %mul3A_1372 = arith.muli %add3A_1366, %mul3A_1371 : i32
        %add3A_1373 = arith.addi %squeeze3A_1044, %mul3A_1372 : i32
        %min3A_1374 = arith.constant 99744 : i32
        %min3A_1375 = arith.minsi %add3A_1373, %min3A_1374 : i32
        %dma_wait3A = arith.constant 0 : i32
        %dma_wait3A_1376 = tpu.memref_slice %arg2[%min3A_1375, %dma_wait3A] : memref<100000x128xf32, #tpu.memory_space<hbm>> -> memref<256x128xf32, #tpu.memory_space<hbm>>
        %dma_wait3A_1377 = arith.constant 0 : i32
        %dma_wait3A_1378 = tpu.memref_slice %arg2[%min3A_1375, %dma_wait3A_1377] : memref<100000x128xf32, #tpu.memory_space<hbm>> -> memref<256x128xf32, #tpu.memory_space<hbm>>
        tpu.wait_dma2 semaphore(%arg16 : memref<!tpu.dma_semaphore, #tpu.memory_space<semaphore_mem>>) src(%dma_wait3A_1378 : memref<256x128xf32, #tpu.memory_space<hbm>>) dst(%arg12 : memref<256x128xf32, #tpu.memory_space<vmem>>)
        %add3A_1379 = arith.constant 3 : i32
        %add3A_1380 = arith.addi %add3A_1366, %add3A_1379 : i32
        %sub3A_1381 = arith.constant 1 : i32
        %sub3A_1382 = arith.subi %add3A_1380, %sub3A_1381 : i32
        %lt3A_1383 = arith.cmpi slt, %sub3A_1382, %select_n3A_1097 : i32
        %convert_element_type3A_1384 = arith.extui %lt3A_1383 : i1 to i32
        %cond3A_1385 = arith.constant 0 : i32
        %cond3A_1386 = arith.cmpi ne, %convert_element_type3A_1384, %cond3A_1385 : i32
        scf.if %cond3A_1386 {
          %add3A_1400 = arith.constant 3 : i32
          %add3A_1401 = arith.addi %add3A_1366, %add3A_1400 : i32
          %sub3A_1402 = arith.constant 1 : i32
          %sub3A_1403 = arith.subi %add3A_1401, %sub3A_1402 : i32
          %mul3A_1404 = arith.constant 256 : i32
          %mul3A_1405 = arith.muli %sub3A_1403, %mul3A_1404 : i32
          %add3A_1406 = arith.addi %squeeze3A_1044, %mul3A_1405 : i32
          %min3A_1407 = arith.constant 99744 : i32
          %min3A_1408 = arith.minsi %add3A_1406, %min3A_1407 : i32
          %dma_start3A = arith.constant 0 : i32
          %dma_start3A_1409 = tpu.memref_slice %arg2[%min3A_1408, %dma_start3A] : memref<100000x128xf32, #tpu.memory_space<hbm>> -> memref<256x128xf32, #tpu.memory_space<hbm>>
          %dma_start3A_1410 = arith.constant 0 : i32
          %dma_start3A_1411 = tpu.memref_slice %arg2[%min3A_1408, %dma_start3A_1410] : memref<100000x128xf32, #tpu.memory_space<hbm>> -> memref<256x128xf32, #tpu.memory_space<hbm>>
          tpu.enqueue_dma source(%dma_start3A_1411 : memref<256x128xf32, #tpu.memory_space<hbm>>) target(%arg11 : memref<256x128xf32, #tpu.memory_space<vmem>>) target_semaphore(%arg15 : memref<!tpu.dma_semaphore, #tpu.memory_space<semaphore_mem>>)
        } else {
        }
        %mul3A_1387 = arith.constant 256 : i32
        %mul3A_1388 = arith.muli %add3A_1366, %mul3A_1387 : i32
        %add3A_1389 = arith.addi %squeeze3A_1044, %mul3A_1388 : i32
        %min3A_1390 = arith.constant 99744 : i32
        %min3A_1391 = arith.minsi %add3A_1389, %min3A_1390 : i32
        %broadcast_in_dim3A_1392 = arith.constant 0xFF800000 : f32
        %broadcast_in_dim3A_1393 = vector.broadcast %broadcast_in_dim3A_1392 : f32 to vector<16xf32>
        %scan3A_1394 = arith.constant 0 : i32
        %scan3A_1395 = arith.constant 0 : i32
        %scan3A_1396 = arith.constant 4 : i32
        %scan3A_1397 = arith.addi %scan3A_1395, %scan3A_1396 : i32
        %scan3A_1398 = arith.constant 1 : i32
        scf.for %scan3A_1400 = %scan3A_1395 to %scan3A_1397 step %scan3A_1398  : i32 {
          %add3A_1401 = arith.addi %mul3A_1038, %scan3A_1400 : i32
          %get3A_1402 = arith.index_cast %add3A_1401 : i32 to index
          %get3A_1403 = tpu.vector_load %arg9[%get3A_1402] {strides = array<i32>} : memref<144xi32, #tpu.memory_space<vmem>>, vector<16xi32>,
          %slice3A_1404 = vector.extract_strided_slice %get3A_1403 {offsets = [0], sizes = [1], strides = [1]} : vector<16xi32> to vector<1xi32>
          %squeeze3A_1405 = vector.extract %slice3A_1404[0] : i32 from vector<1xi32>
          %sub3A_1406 = arith.subi %squeeze3A_1405, %min3A_1391 : i32
          %max3A_1407 = arith.constant 0 : i32
          %max3A_1408 = arith.maxsi %sub3A_1406, %max3A_1407 : i32
          %add3A_1409 = arith.addi %mul3A_1038, %scan3A_1400 : i32
          %add3A_1410 = arith.constant 1 : i32
          %add3A_1411 = arith.addi %add3A_1409, %add3A_1410 : i32
          %get3A_1412 = arith.index_cast %add3A_1411 : i32 to index
          %get3A_1413 = tpu.vector_load %arg9[%get3A_1412] {strides = array<i32>} : memref<144xi32, #tpu.memory_space<vmem>>, vector<16xi32>,
          %slice3A_1414 = vector.extract_strided_slice %get3A_1413 {offsets = [0], sizes = [1], strides = [1]} : vector<16xi32> to vector<1xi32>
          %squeeze3A_1415 = vector.extract %slice3A_1414[0] : i32 from vector<1xi32>
          %sub3A_1416 = arith.subi %squeeze3A_1415, %min3A_1391 : i32
          %min3A_1417 = arith.constant 256 : i32
          %min3A_1418 = arith.minsi %sub3A_1416, %min3A_1417 : i32
          %gt3A_1419 = arith.cmpi sgt, %min3A_1418, %max3A_1408 : i32
          %convert_element_type3A_1420 = arith.extui %gt3A_1419 : i1 to i32
          %cond3A_1421 = arith.constant 0 : i32
          %cond3A_1422 = arith.cmpi ne, %convert_element_type3A_1420, %cond3A_1421 : i32
          scf.if %cond3A_1422 {
            %get3A_1423 = arith.index_cast %scan3A_1400 : i32 to index
            %get3A_1424 = arith.constant 0 : index
            %get3A_1425 = tpu.vector_load %arg13[%get3A_1423, %get3A_1424] {strides = array<i32>} : memref<4x128xf32, #tpu.memory_space<vmem>>, vector<16xf32>,
            %get3A_1426 = arith.index_cast %scan3A_1400 : i32 to index
            %get3A_1427 = arith.constant 16 : index
            %get3A_1428 = tpu.vector_load %arg13[%get3A_1426, %get3A_1427] {strides = array<i32>} : memref<4x128xf32, #tpu.memory_space<vmem>>, vector<16xf32>,
            %get3A_1429 = arith.index_cast %scan3A_1400 : i32 to index
            %get3A_1430 = arith.constant 32 : index
            %get3A_1431 = tpu.vector_load %arg13[%get3A_1429, %get3A_1430] {strides = array<i32>} : memref<4x128xf32, #tpu.memory_space<vmem>>, vector<16xf32>,
            %get3A_1432 = arith.index_cast %scan3A_1400 : i32 to index
            %get3A_1433 = arith.constant 48 : index
            %get3A_1434 = tpu.vector_load %arg13[%get3A_1432, %get3A_1433] {strides = array<i32>} : memref<4x128xf32, #tpu.memory_space<vmem>>, vector<16xf32>,
            %get3A_1435 = arith.index_cast %scan3A_1400 : i32 to index
            %get3A_1436 = arith.constant 64 : index
            %get3A_1437 = tpu.vector_load %arg13[%get3A_1435, %get3A_1436] {strides = array<i32>} : memref<4x128xf32, #tpu.memory_space<vmem>>, vector<16xf32>,
            %get3A_1438 = arith.index_cast %scan3A_1400 : i32 to index
            %get3A_1439 = arith.constant 80 : index
            %get3A_1440 = tpu.vector_load %arg13[%get3A_1438, %get3A_1439] {strides = array<i32>} : memref<4x128xf32, #tpu.memory_space<vmem>>, vector<16xf32>,
            %get3A_1441 = arith.index_cast %scan3A_1400 : i32 to index
            %get3A_1442 = arith.constant 96 : index
            %get3A_1443 = tpu.vector_load %arg13[%get3A_1441, %get3A_1442] {strides = array<i32>} : memref<4x128xf32, #tpu.memory_space<vmem>>, vector<16xf32>,
            %get3A_1444 = arith.index_cast %scan3A_1400 : i32 to index
            %get3A_1445 = arith.constant 112 : index
            %get3A_1446 = tpu.vector_load %arg13[%get3A_1444, %get3A_1445] {strides = array<i32>} : memref<4x128xf32, #tpu.memory_space<vmem>>, vector<16xf32>,
            %scan3A_1447 = arith.constant 0 : i32
            %scan3A_1448 = arith.constant 64 : i32
            %scan3A_1449 = arith.addi %scan3A_1447, %scan3A_1448 : i32
            %scan3A_1450 = arith.constant 1 : i32
            %scan3A_1451:8 = scf.for %scan3A_1477 = %scan3A_1447 to %scan3A_1449 step %scan3A_1450 iter_args(%scan3A_1478 = %get3A_1425, %scan3A_1479 = %get3A_1428, %scan3A_1480 = %get3A_1431, %scan3A_1481 = %get3A_1434, %scan3A_1482 = %get3A_1437, %scan3A_1483 = %get3A_1440, %scan3A_1484 = %get3A_1443, %scan3A_1485 = %get3A_1446) -> (vector<16xf32>, vector<16xf32>, vector<16xf32>, vector<16xf32>, vector<16xf32>, vector<16xf32>, vector<16xf32>, vector<16xf32>)  : i32 {
              %mul3A_1486 = arith.constant 4 : i32
              %mul3A_1487 = arith.muli %scan3A_1477, %mul3A_1486 : i32
              %add3A_1488 = arith.constant 0 : i32
              %add3A_1489 = arith.addi %mul3A_1487, %add3A_1488 : i32
              %ge3A = arith.cmpi sge, %add3A_1489, %max3A_1408 : i32
              %lt3A_1490 = arith.cmpi slt, %add3A_1489, %min3A_1418 : i32
              %and3A_1491 = arith.andi %ge3A, %lt3A_1490 : i1
              %get3A_1492 = arith.index_cast %add3A_1489 : i32 to index
              %get3A_1493 = arith.constant 0 : index
              %get3A_1494 = tpu.vector_load %arg12[%get3A_1492, %get3A_1493] {strides = array<i32>} : memref<256x128xf32, #tpu.memory_space<vmem>>, vector<16xf32>,
              %select_n3A_1495 = arith.select %and3A_1491, %get3A_1494, %broadcast_in_dim3A_1393 : vector<16xf32>
              %max3A_1496 = arith.maximumf %scan3A_1478, %select_n3A_1495 : vector<16xf32>
              %get3A_1497 = arith.index_cast %add3A_1489 : i32 to index
              %get3A_1498 = arith.constant 16 : index
              %get3A_1499 = tpu.vector_load %arg12[%get3A_1497, %get3A_1498] {strides = array<i32>} : memref<256x128xf32, #tpu.memory_space<vmem>>, vector<16xf32>,
              %select_n3A_1500 = arith.select %and3A_1491, %get3A_1499, %broadcast_in_dim3A_1393 : vector<16xf32>
              %max3A_1501 = arith.maximumf %scan3A_1479, %select_n3A_1500 : vector<16xf32>
              %get3A_1502 = arith.index_cast %add3A_1489 : i32 to index
              %get3A_1503 = arith.constant 32 : index
              %get3A_1504 = tpu.vector_load %arg12[%get3A_1502, %get3A_1503] {strides = array<i32>} : memref<256x128xf32, #tpu.memory_space<vmem>>, vector<16xf32>,
              %select_n3A_1505 = arith.select %and3A_1491, %get3A_1504, %broadcast_in_dim3A_1393 : vector<16xf32>
              %max3A_1506 = arith.maximumf %scan3A_1480, %select_n3A_1505 : vector<16xf32>
              %get3A_1507 = arith.index_cast %add3A_1489 : i32 to index
              %get3A_1508 = arith.constant 48 : index
              %get3A_1509 = tpu.vector_load %arg12[%get3A_1507, %get3A_1508] {strides = array<i32>} : memref<256x128xf32, #tpu.memory_space<vmem>>, vector<16xf32>,
              %select_n3A_1510 = arith.select %and3A_1491, %get3A_1509, %broadcast_in_dim3A_1393 : vector<16xf32>
              %max3A_1511 = arith.maximumf %scan3A_1481, %select_n3A_1510 : vector<16xf32>
              %get3A_1512 = arith.index_cast %add3A_1489 : i32 to index
              %get3A_1513 = arith.constant 64 : index
              %get3A_1514 = tpu.vector_load %arg12[%get3A_1512, %get3A_1513] {strides = array<i32>} : memref<256x128xf32, #tpu.memory_space<vmem>>, vector<16xf32>,
              %select_n3A_1515 = arith.select %and3A_1491, %get3A_1514, %broadcast_in_dim3A_1393 : vector<16xf32>
              %max3A_1516 = arith.maximumf %scan3A_1482, %select_n3A_1515 : vector<16xf32>
              %get3A_1517 = arith.index_cast %add3A_1489 : i32 to index
              %get3A_1518 = arith.constant 80 : index
              %get3A_1519 = tpu.vector_load %arg12[%get3A_1517, %get3A_1518] {strides = array<i32>} : memref<256x128xf32, #tpu.memory_space<vmem>>, vector<16xf32>,
              %select_n3A_1520 = arith.select %and3A_1491, %get3A_1519, %broadcast_in_dim3A_1393 : vector<16xf32>
              %max3A_1521 = arith.maximumf %scan3A_1483, %select_n3A_1520 : vector<16xf32>
              %get3A_1522 = arith.index_cast %add3A_1489 : i32 to index
              %get3A_1523 = arith.constant 96 : index
              %get3A_1524 = tpu.vector_load %arg12[%get3A_1522, %get3A_1523] {strides = array<i32>} : memref<256x128xf32, #tpu.memory_space<vmem>>, vector<16xf32>,
              %select_n3A_1525 = arith.select %and3A_1491, %get3A_1524, %broadcast_in_dim3A_1393 : vector<16xf32>
              %max3A_1526 = arith.maximumf %scan3A_1484, %select_n3A_1525 : vector<16xf32>
              %get3A_1527 = arith.index_cast %add3A_1489 : i32 to index
              %get3A_1528 = arith.constant 112 : index
              %get3A_1529 = tpu.vector_load %arg12[%get3A_1527, %get3A_1528] {strides = array<i32>} : memref<256x128xf32, #tpu.memory_space<vmem>>, vector<16xf32>,
              %select_n3A_1530 = arith.select %and3A_1491, %get3A_1529, %broadcast_in_dim3A_1393 : vector<16xf32>
              %max3A_1531 = arith.maximumf %scan3A_1485, %select_n3A_1530 : vector<16xf32>
              %mul3A_1532 = arith.constant 4 : i32
              %mul3A_1533 = arith.muli %scan3A_1477, %mul3A_1532 : i32
              %add3A_1534 = arith.constant 1 : i32
              %add3A_1535 = arith.addi %mul3A_1533, %add3A_1534 : i32
              %ge3A_1536 = arith.cmpi sge, %add3A_1535, %max3A_1408 : i32
              %lt3A_1537 = arith.cmpi slt, %add3A_1535, %min3A_1418 : i32
              %and3A_1538 = arith.andi %ge3A_1536, %lt3A_1537 : i1
              %get3A_1539 = arith.index_cast %add3A_1535 : i32 to index
              %get3A_1540 = arith.constant 0 : index
              %get3A_1541 = tpu.vector_load %arg12[%get3A_1539, %get3A_1540] {strides = array<i32>} : memref<256x128xf32, #tpu.memory_space<vmem>>, vector<16xf32>,
              %select_n3A_1542 = arith.select %and3A_1538, %get3A_1541, %broadcast_in_dim3A_1393 : vector<16xf32>
              %max3A_1543 = arith.maximumf %max3A_1496, %select_n3A_1542 : vector<16xf32>
              %get3A_1544 = arith.index_cast %add3A_1535 : i32 to index
              %get3A_1545 = arith.constant 16 : index
              %get3A_1546 = tpu.vector_load %arg12[%get3A_1544, %get3A_1545] {strides = array<i32>} : memref<256x128xf32, #tpu.memory_space<vmem>>, vector<16xf32>,
              %select_n3A_1547 = arith.select %and3A_1538, %get3A_1546, %broadcast_in_dim3A_1393 : vector<16xf32>
              %max3A_1548 = arith.maximumf %max3A_1501, %select_n3A_1547 : vector<16xf32>
              %get3A_1549 = arith.index_cast %add3A_1535 : i32 to index
              %get3A_1550 = arith.constant 32 : index
              %get3A_1551 = tpu.vector_load %arg12[%get3A_1549, %get3A_1550] {strides = array<i32>} : memref<256x128xf32, #tpu.memory_space<vmem>>, vector<16xf32>,
              %select_n3A_1552 = arith.select %and3A_1538, %get3A_1551, %broadcast_in_dim3A_1393 : vector<16xf32>
              %max3A_1553 = arith.maximumf %max3A_1506, %select_n3A_1552 : vector<16xf32>
              %get3A_1554 = arith.index_cast %add3A_1535 : i32 to index
              %get3A_1555 = arith.constant 48 : index
              %get3A_1556 = tpu.vector_load %arg12[%get3A_1554, %get3A_1555] {strides = array<i32>} : memref<256x128xf32, #tpu.memory_space<vmem>>, vector<16xf32>,
              %select_n3A_1557 = arith.select %and3A_1538, %get3A_1556, %broadcast_in_dim3A_1393 : vector<16xf32>
              %max3A_1558 = arith.maximumf %max3A_1511, %select_n3A_1557 : vector<16xf32>
              %get3A_1559 = arith.index_cast %add3A_1535 : i32 to index
              %get3A_1560 = arith.constant 64 : index
              %get3A_1561 = tpu.vector_load %arg12[%get3A_1559, %get3A_1560] {strides = array<i32>} : memref<256x128xf32, #tpu.memory_space<vmem>>, vector<16xf32>,
              %select_n3A_1562 = arith.select %and3A_1538, %get3A_1561, %broadcast_in_dim3A_1393 : vector<16xf32>
              %max3A_1563 = arith.maximumf %max3A_1516, %select_n3A_1562 : vector<16xf32>
              %get3A_1564 = arith.index_cast %add3A_1535 : i32 to index
              %get3A_1565 = arith.constant 80 : index
              %get3A_1566 = tpu.vector_load %arg12[%get3A_1564, %get3A_1565] {strides = array<i32>} : memref<256x128xf32, #tpu.memory_space<vmem>>, vector<16xf32>,
              %select_n3A_1567 = arith.select %and3A_1538, %get3A_1566, %broadcast_in_dim3A_1393 : vector<16xf32>
              %max3A_1568 = arith.maximumf %max3A_1521, %select_n3A_1567 : vector<16xf32>
              %get3A_1569 = arith.index_cast %add3A_1535 : i32 to index
              %get3A_1570 = arith.constant 96 : index
              %get3A_1571 = tpu.vector_load %arg12[%get3A_1569, %get3A_1570] {strides = array<i32>} : memref<256x128xf32, #tpu.memory_space<vmem>>, vector<16xf32>,
              %select_n3A_1572 = arith.select %and3A_1538, %get3A_1571, %broadcast_in_dim3A_1393 : vector<16xf32>
              %max3A_1573 = arith.maximumf %max3A_1526, %select_n3A_1572 : vector<16xf32>
              %get3A_1574 = arith.index_cast %add3A_1535 : i32 to index
              %get3A_1575 = arith.constant 112 : index
              %get3A_1576 = tpu.vector_load %arg12[%get3A_1574, %get3A_1575] {strides = array<i32>} : memref<256x128xf32, #tpu.memory_space<vmem>>, vector<16xf32>,
              %select_n3A_1577 = arith.select %and3A_1538, %get3A_1576, %broadcast_in_dim3A_1393 : vector<16xf32>
              %max3A_1578 = arith.maximumf %max3A_1531, %select_n3A_1577 : vector<16xf32>
              %mul3A_1579 = arith.constant 4 : i32
              %mul3A_1580 = arith.muli %scan3A_1477, %mul3A_1579 : i32
              %add3A_1581 = arith.constant 2 : i32
              %add3A_1582 = arith.addi %mul3A_1580, %add3A_1581 : i32
              %ge3A_1583 = arith.cmpi sge, %add3A_1582, %max3A_1408 : i32
              %lt3A_1584 = arith.cmpi slt, %add3A_1582, %min3A_1418 : i32
              %and3A_1585 = arith.andi %ge3A_1583, %lt3A_1584 : i1
              %get3A_1586 = arith.index_cast %add3A_1582 : i32 to index
              %get3A_1587 = arith.constant 0 : index
              %get3A_1588 = tpu.vector_load %arg12[%get3A_1586, %get3A_1587] {strides = array<i32>} : memref<256x128xf32, #tpu.memory_space<vmem>>, vector<16xf32>,
              %select_n3A_1589 = arith.select %and3A_1585, %get3A_1588, %broadcast_in_dim3A_1393 : vector<16xf32>
              %max3A_1590 = arith.maximumf %max3A_1543, %select_n3A_1589 : vector<16xf32>
              %get3A_1591 = arith.index_cast %add3A_1582 : i32 to index
              %get3A_1592 = arith.constant 16 : index
              %get3A_1593 = tpu.vector_load %arg12[%get3A_1591, %get3A_1592] {strides = array<i32>} : memref<256x128xf32, #tpu.memory_space<vmem>>, vector<16xf32>,
              %select_n3A_1594 = arith.select %and3A_1585, %get3A_1593, %broadcast_in_dim3A_1393 : vector<16xf32>
              %max3A_1595 = arith.maximumf %max3A_1548, %select_n3A_1594 : vector<16xf32>
              %get3A_1596 = arith.index_cast %add3A_1582 : i32 to index
              %get3A_1597 = arith.constant 32 : index
              %get3A_1598 = tpu.vector_load %arg12[%get3A_1596, %get3A_1597] {strides = array<i32>} : memref<256x128xf32, #tpu.memory_space<vmem>>, vector<16xf32>,
              %select_n3A_1599 = arith.select %and3A_1585, %get3A_1598, %broadcast_in_dim3A_1393 : vector<16xf32>
              %max3A_1600 = arith.maximumf %max3A_1553, %select_n3A_1599 : vector<16xf32>
              %get3A_1601 = arith.index_cast %add3A_1582 : i32 to index
              %get3A_1602 = arith.constant 48 : index
              %get3A_1603 = tpu.vector_load %arg12[%get3A_1601, %get3A_1602] {strides = array<i32>} : memref<256x128xf32, #tpu.memory_space<vmem>>, vector<16xf32>,
              %select_n3A_1604 = arith.select %and3A_1585, %get3A_1603, %broadcast_in_dim3A_1393 : vector<16xf32>
              %max3A_1605 = arith.maximumf %max3A_1558, %select_n3A_1604 : vector<16xf32>
              %get3A_1606 = arith.index_cast %add3A_1582 : i32 to index
              %get3A_1607 = arith.constant 64 : index
              %get3A_1608 = tpu.vector_load %arg12[%get3A_1606, %get3A_1607] {strides = array<i32>} : memref<256x128xf32, #tpu.memory_space<vmem>>, vector<16xf32>,
              %select_n3A_1609 = arith.select %and3A_1585, %get3A_1608, %broadcast_in_dim3A_1393 : vector<16xf32>
              %max3A_1610 = arith.maximumf %max3A_1563, %select_n3A_1609 : vector<16xf32>
              %get3A_1611 = arith.index_cast %add3A_1582 : i32 to index
              %get3A_1612 = arith.constant 80 : index
              %get3A_1613 = tpu.vector_load %arg12[%get3A_1611, %get3A_1612] {strides = array<i32>} : memref<256x128xf32, #tpu.memory_space<vmem>>, vector<16xf32>,
              %select_n3A_1614 = arith.select %and3A_1585, %get3A_1613, %broadcast_in_dim3A_1393 : vector<16xf32>
              %max3A_1615 = arith.maximumf %max3A_1568, %select_n3A_1614 : vector<16xf32>
              %get3A_1616 = arith.index_cast %add3A_1582 : i32 to index
              %get3A_1617 = arith.constant 96 : index
              %get3A_1618 = tpu.vector_load %arg12[%get3A_1616, %get3A_1617] {strides = array<i32>} : memref<256x128xf32, #tpu.memory_space<vmem>>, vector<16xf32>,
              %select_n3A_1619 = arith.select %and3A_1585, %get3A_1618, %broadcast_in_dim3A_1393 : vector<16xf32>
              %max3A_1620 = arith.maximumf %max3A_1573, %select_n3A_1619 : vector<16xf32>
              %get3A_1621 = arith.index_cast %add3A_1582 : i32 to index
              %get3A_1622 = arith.constant 112 : index
              %get3A_1623 = tpu.vector_load %arg12[%get3A_1621, %get3A_1622] {strides = array<i32>} : memref<256x128xf32, #tpu.memory_space<vmem>>, vector<16xf32>,
              %select_n3A_1624 = arith.select %and3A_1585, %get3A_1623, %broadcast_in_dim3A_1393 : vector<16xf32>
              %max3A_1625 = arith.maximumf %max3A_1578, %select_n3A_1624 : vector<16xf32>
              %mul3A_1626 = arith.constant 4 : i32
              %mul3A_1627 = arith.muli %scan3A_1477, %mul3A_1626 : i32
              %add3A_1628 = arith.constant 3 : i32
              %add3A_1629 = arith.addi %mul3A_1627, %add3A_1628 : i32
              %ge3A_1630 = arith.cmpi sge, %add3A_1629, %max3A_1408 : i32
              %lt3A_1631 = arith.cmpi slt, %add3A_1629, %min3A_1418 : i32
              %and3A_1632 = arith.andi %ge3A_1630, %lt3A_1631 : i1
              %get3A_1633 = arith.index_cast %add3A_1629 : i32 to index
              %get3A_1634 = arith.constant 0 : index
              %get3A_1635 = tpu.vector_load %arg12[%get3A_1633, %get3A_1634] {strides = array<i32>} : memref<256x128xf32, #tpu.memory_space<vmem>>, vector<16xf32>,
              %select_n3A_1636 = arith.select %and3A_1632, %get3A_1635, %broadcast_in_dim3A_1393 : vector<16xf32>
              %max3A_1637 = arith.maximumf %max3A_1590, %select_n3A_1636 : vector<16xf32>
              %get3A_1638 = arith.index_cast %add3A_1629 : i32 to index
              %get3A_1639 = arith.constant 16 : index
              %get3A_1640 = tpu.vector_load %arg12[%get3A_1638, %get3A_1639] {strides = array<i32>} : memref<256x128xf32, #tpu.memory_space<vmem>>, vector<16xf32>,
              %select_n3A_1641 = arith.select %and3A_1632, %get3A_1640, %broadcast_in_dim3A_1393 : vector<16xf32>
              %max3A_1642 = arith.maximumf %max3A_1595, %select_n3A_1641 : vector<16xf32>
              %get3A_1643 = arith.index_cast %add3A_1629 : i32 to index
              %get3A_1644 = arith.constant 32 : index
              %get3A_1645 = tpu.vector_load %arg12[%get3A_1643, %get3A_1644] {strides = array<i32>} : memref<256x128xf32, #tpu.memory_space<vmem>>, vector<16xf32>,
              %select_n3A_1646 = arith.select %and3A_1632, %get3A_1645, %broadcast_in_dim3A_1393 : vector<16xf32>
              %max3A_1647 = arith.maximumf %max3A_1600, %select_n3A_1646 : vector<16xf32>
              %get3A_1648 = arith.index_cast %add3A_1629 : i32 to index
              %get3A_1649 = arith.constant 48 : index
              %get3A_1650 = tpu.vector_load %arg12[%get3A_1648, %get3A_1649] {strides = array<i32>} : memref<256x128xf32, #tpu.memory_space<vmem>>, vector<16xf32>,
              %select_n3A_1651 = arith.select %and3A_1632, %get3A_1650, %broadcast_in_dim3A_1393 : vector<16xf32>
              %max3A_1652 = arith.maximumf %max3A_1605, %select_n3A_1651 : vector<16xf32>
              %get3A_1653 = arith.index_cast %add3A_1629 : i32 to index
              %get3A_1654 = arith.constant 64 : index
              %get3A_1655 = tpu.vector_load %arg12[%get3A_1653, %get3A_1654] {strides = array<i32>} : memref<256x128xf32, #tpu.memory_space<vmem>>, vector<16xf32>,
              %select_n3A_1656 = arith.select %and3A_1632, %get3A_1655, %broadcast_in_dim3A_1393 : vector<16xf32>
              %max3A_1657 = arith.maximumf %max3A_1610, %select_n3A_1656 : vector<16xf32>
              %get3A_1658 = arith.index_cast %add3A_1629 : i32 to index
              %get3A_1659 = arith.constant 80 : index
              %get3A_1660 = tpu.vector_load %arg12[%get3A_1658, %get3A_1659] {strides = array<i32>} : memref<256x128xf32, #tpu.memory_space<vmem>>, vector<16xf32>,
              %select_n3A_1661 = arith.select %and3A_1632, %get3A_1660, %broadcast_in_dim3A_1393 : vector<16xf32>
              %max3A_1662 = arith.maximumf %max3A_1615, %select_n3A_1661 : vector<16xf32>
              %get3A_1663 = arith.index_cast %add3A_1629 : i32 to index
              %get3A_1664 = arith.constant 96 : index
              %get3A_1665 = tpu.vector_load %arg12[%get3A_1663, %get3A_1664] {strides = array<i32>} : memref<256x128xf32, #tpu.memory_space<vmem>>, vector<16xf32>,
              %select_n3A_1666 = arith.select %and3A_1632, %get3A_1665, %broadcast_in_dim3A_1393 : vector<16xf32>
              %max3A_1667 = arith.maximumf %max3A_1620, %select_n3A_1666 : vector<16xf32>
              %get3A_1668 = arith.index_cast %add3A_1629 : i32 to index
              %get3A_1669 = arith.constant 112 : index
              %get3A_1670 = tpu.vector_load %arg12[%get3A_1668, %get3A_1669] {strides = array<i32>} : memref<256x128xf32, #tpu.memory_space<vmem>>, vector<16xf32>,
              %select_n3A_1671 = arith.select %and3A_1632, %get3A_1670, %broadcast_in_dim3A_1393 : vector<16xf32>
              %max3A_1672 = arith.maximumf %max3A_1625, %select_n3A_1671 : vector<16xf32>
              scf.yield %max3A_1637, %max3A_1642, %max3A_1647, %max3A_1652, %max3A_1657, %max3A_1662, %max3A_1667, %max3A_1672 : vector<16xf32>, vector<16xf32>, vector<16xf32>, vector<16xf32>, vector<16xf32>, vector<16xf32>, vector<16xf32>, vector<16xf32>
            }
            %scan3A_1452 = arith.constant 64 : i32
            %swap3A_1453 = arith.index_cast %scan3A_1400 : i32 to index
            %swap3A_1454 = arith.constant 0 : index
            %swap3A_1455 = tpu.vector_load %arg13[%swap3A_1453, %swap3A_1454] {strides = array<i32>} : memref<4x128xf32, #tpu.memory_space<vmem>>, vector<16xf32>,
            tpu.vector_store %arg13[%swap3A_1453, %swap3A_1454], %scan3A_1451#0 {strides = array<i32>} : memref<4x128xf32, #tpu.memory_space<vmem>>, vector<16xf32>,
            %swap3A_1456 = arith.index_cast %scan3A_1400 : i32 to index
            %swap3A_1457 = arith.constant 16 : index
            %swap3A_1458 = tpu.vector_load %arg13[%swap3A_1456, %swap3A_1457] {strides = array<i32>} : memref<4x128xf32, #tpu.memory_space<vmem>>, vector<16xf32>,
            tpu.vector_store %arg13[%swap3A_1456, %swap3A_1457], %scan3A_1451#1 {strides = array<i32>} : memref<4x128xf32, #tpu.memory_space<vmem>>, vector<16xf32>,
            %swap3A_1459 = arith.index_cast %scan3A_1400 : i32 to index
            %swap3A_1460 = arith.constant 32 : index
            %swap3A_1461 = tpu.vector_load %arg13[%swap3A_1459, %swap3A_1460] {strides = array<i32>} : memref<4x128xf32, #tpu.memory_space<vmem>>, vector<16xf32>,
            tpu.vector_store %arg13[%swap3A_1459, %swap3A_1460], %scan3A_1451#2 {strides = array<i32>} : memref<4x128xf32, #tpu.memory_space<vmem>>, vector<16xf32>,
            %swap3A_1462 = arith.index_cast %scan3A_1400 : i32 to index
            %swap3A_1463 = arith.constant 48 : index
            %swap3A_1464 = tpu.vector_load %arg13[%swap3A_1462, %swap3A_1463] {strides = array<i32>} : memref<4x128xf32, #tpu.memory_space<vmem>>, vector<16xf32>,
            tpu.vector_store %arg13[%swap3A_1462, %swap3A_1463], %scan3A_1451#3 {strides = array<i32>} : memref<4x128xf32, #tpu.memory_space<vmem>>, vector<16xf32>,
            %swap3A_1465 = arith.index_cast %scan3A_1400 : i32 to index
            %swap3A_1466 = arith.constant 64 : index
            %swap3A_1467 = tpu.vector_load %arg13[%swap3A_1465, %swap3A_1466] {strides = array<i32>} : memref<4x128xf32, #tpu.memory_space<vmem>>, vector<16xf32>,
            tpu.vector_store %arg13[%swap3A_1465, %swap3A_1466], %scan3A_1451#4 {strides = array<i32>} : memref<4x128xf32, #tpu.memory_space<vmem>>, vector<16xf32>,
            %swap3A_1468 = arith.index_cast %scan3A_1400 : i32 to index
            %swap3A_1469 = arith.constant 80 : index
            %swap3A_1470 = tpu.vector_load %arg13[%swap3A_1468, %swap3A_1469] {strides = array<i32>} : memref<4x128xf32, #tpu.memory_space<vmem>>, vector<16xf32>,
            tpu.vector_store %arg13[%swap3A_1468, %swap3A_1469], %scan3A_1451#5 {strides = array<i32>} : memref<4x128xf32, #tpu.memory_space<vmem>>, vector<16xf32>,
            %swap3A_1471 = arith.index_cast %scan3A_1400 : i32 to index
            %swap3A_1472 = arith.constant 96 : index
            %swap3A_1473 = tpu.vector_load %arg13[%swap3A_1471, %swap3A_1472] {strides = array<i32>} : memref<4x128xf32, #tpu.memory_space<vmem>>, vector<16xf32>,
            tpu.vector_store %arg13[%swap3A_1471, %swap3A_1472], %scan3A_1451#6 {strides = array<i32>} : memref<4x128xf32, #tpu.memory_space<vmem>>, vector<16xf32>,
            %swap3A_1474 = arith.index_cast %scan3A_1400 : i32 to index
            %swap3A_1475 = arith.constant 112 : index
            %swap3A_1476 = tpu.vector_load %arg13[%swap3A_1474, %swap3A_1475] {strides = array<i32>} : memref<4x128xf32, #tpu.memory_space<vmem>>, vector<16xf32>,
            tpu.vector_store %arg13[%swap3A_1474, %swap3A_1475], %scan3A_1451#7 {strides = array<i32>} : memref<4x128xf32, #tpu.memory_space<vmem>>, vector<16xf32>,
          } else {
          }
        }
        %scan3A_1399 = arith.constant 4 : i32
      } else {
      }
    }
    %while3A_1335 = arith.constant 1 : i32
    scf.for %while3A_1347 = %while3A_1333 to %while3A_1329 step %while3A_1335  : i32 {
      %mul3A_1348 = arith.constant 3 : i32
      %mul3A_1349 = arith.muli %mul3A_1348, %while3A_1347 : i32
      %add3A_1350 = arith.constant 0 : i32
      %add3A_1351 = arith.addi %mul3A_1349, %add3A_1350 : i32
      %lt3A = arith.cmpi slt, %add3A_1351, %select_n3A_1097 : i32
      %convert_element_type3A_1352 = arith.extui %lt3A : i1 to i32
      %cond3A_1353 = arith.constant 0 : i32
      %cond3A_1354 = arith.cmpi ne, %convert_element_type3A_1352, %cond3A_1353 : i32
      scf.if %cond3A_1354 {
        %mul3A_1371 = arith.constant 256 : i32
        %mul3A_1372 = arith.muli %add3A_1351, %mul3A_1371 : i32
        %add3A_1373 = arith.addi %squeeze3A_1044, %mul3A_1372 : i32
        %min3A_1374 = arith.constant 99744 : i32
        %min3A_1375 = arith.minsi %add3A_1373, %min3A_1374 : i32
        %dma_wait3A = arith.constant 0 : i32
        %dma_wait3A_1376 = tpu.memref_slice %arg2[%min3A_1375, %dma_wait3A] : memref<100000x128xf32, #tpu.memory_space<hbm>> -> memref<256x128xf32, #tpu.memory_space<hbm>>
        %dma_wait3A_1377 = arith.constant 0 : i32
        %dma_wait3A_1378 = tpu.memref_slice %arg2[%min3A_1375, %dma_wait3A_1377] : memref<100000x128xf32, #tpu.memory_space<hbm>> -> memref<256x128xf32, #tpu.memory_space<hbm>>
        tpu.wait_dma2 semaphore(%arg14 : memref<!tpu.dma_semaphore, #tpu.memory_space<semaphore_mem>>) src(%dma_wait3A_1378 : memref<256x128xf32, #tpu.memory_space<hbm>>) dst(%arg10 : memref<256x128xf32, #tpu.memory_space<vmem>>)
        %add3A_1379 = arith.constant 3 : i32
        %add3A_1380 = arith.addi %add3A_1351, %add3A_1379 : i32
        %sub3A_1381 = arith.constant 1 : i32
        %sub3A_1382 = arith.subi %add3A_1380, %sub3A_1381 : i32
        %lt3A_1383 = arith.cmpi slt, %sub3A_1382, %select_n3A_1097 : i32
        %convert_element_type3A_1384 = arith.extui %lt3A_1383 : i1 to i32
        %cond3A_1385 = arith.constant 0 : i32
        %cond3A_1386 = arith.cmpi ne, %convert_element_type3A_1384, %cond3A_1385 : i32
        scf.if %cond3A_1386 {
          %add3A_1400 = arith.constant 3 : i32
          %add3A_1401 = arith.addi %add3A_1351, %add3A_1400 : i32
          %sub3A_1402 = arith.constant 1 : i32
          %sub3A_1403 = arith.subi %add3A_1401, %sub3A_1402 : i32
          %mul3A_1404 = arith.constant 256 : i32
          %mul3A_1405 = arith.muli %sub3A_1403, %mul3A_1404 : i32
          %add3A_1406 = arith.addi %squeeze3A_1044, %mul3A_1405 : i32
          %min3A_1407 = arith.constant 99744 : i32
          %min3A_1408 = arith.minsi %add3A_1406, %min3A_1407 : i32
          %dma_start3A = arith.constant 0 : i32
          %dma_start3A_1409 = tpu.memref_slice %arg2[%min3A_1408, %dma_start3A] : memref<100000x128xf32, #tpu.memory_space<hbm>> -> memref<256x128xf32, #tpu.memory_space<hbm>>
          %dma_start3A_1410 = arith.constant 0 : i32
          %dma_start3A_1411 = tpu.memref_slice %arg2[%min3A_1408, %dma_start3A_1410] : memref<100000x128xf32, #tpu.memory_space<hbm>> -> memref<256x128xf32, #tpu.memory_space<hbm>>
          tpu.enqueue_dma source(%dma_start3A_1411 : memref<256x128xf32, #tpu.memory_space<hbm>>) target(%arg12 : memref<256x128xf32, #tpu.memory_space<vmem>>) target_semaphore(%arg16 : memref<!tpu.dma_semaphore, #tpu.memory_space<semaphore_mem>>)
        } else {
        }
        %mul3A_1387 = arith.constant 256 : i32
        %mul3A_1388 = arith.muli %add3A_1351, %mul3A_1387 : i32
        %add3A_1389 = arith.addi %squeeze3A_1044, %mul3A_1388 : i32
        %min3A_1390 = arith.constant 99744 : i32
        %min3A_1391 = arith.minsi %add3A_1389, %min3A_1390 : i32
        %broadcast_in_dim3A_1392 = arith.constant 0xFF800000 : f32
        %broadcast_in_dim3A_1393 = vector.broadcast %broadcast_in_dim3A_1392 : f32 to vector<16xf32>
        %scan3A_1394 = arith.constant 0 : i32
        %scan3A_1395 = arith.constant 0 : i32
        %scan3A_1396 = arith.constant 4 : i32
        %scan3A_1397 = arith.addi %scan3A_1395, %scan3A_1396 : i32
        %scan3A_1398 = arith.constant 1 : i32
        scf.for %scan3A_1400 = %scan3A_1395 to %scan3A_1397 step %scan3A_1398  : i32 {
          %add3A_1401 = arith.addi %mul3A_1038, %scan3A_1400 : i32
          %get3A_1402 = arith.index_cast %add3A_1401 : i32 to index
          %get3A_1403 = tpu.vector_load %arg9[%get3A_1402] {strides = array<i32>} : memref<144xi32, #tpu.memory_space<vmem>>, vector<16xi32>,
          %slice3A_1404 = vector.extract_strided_slice %get3A_1403 {offsets = [0], sizes = [1], strides = [1]} : vector<16xi32> to vector<1xi32>
          %squeeze3A_1405 = vector.extract %slice3A_1404[0] : i32 from vector<1xi32>
          %sub3A_1406 = arith.subi %squeeze3A_1405, %min3A_1391 : i32
          %max3A_1407 = arith.constant 0 : i32
          %max3A_1408 = arith.maxsi %sub3A_1406, %max3A_1407 : i32
          %add3A_1409 = arith.addi %mul3A_1038, %scan3A_1400 : i32
          %add3A_1410 = arith.constant 1 : i32
          %add3A_1411 = arith.addi %add3A_1409, %add3A_1410 : i32
          %get3A_1412 = arith.index_cast %add3A_1411 : i32 to index
          %get3A_1413 = tpu.vector_load %arg9[%get3A_1412] {strides = array<i32>} : memref<144xi32, #tpu.memory_space<vmem>>, vector<16xi32>,
          %slice3A_1414 = vector.extract_strided_slice %get3A_1413 {offsets = [0], sizes = [1], strides = [1]} : vector<16xi32> to vector<1xi32>
          %squeeze3A_1415 = vector.extract %slice3A_1414[0] : i32 from vector<1xi32>
          %sub3A_1416 = arith.subi %squeeze3A_1415, %min3A_1391 : i32
          %min3A_1417 = arith.constant 256 : i32
          %min3A_1418 = arith.minsi %sub3A_1416, %min3A_1417 : i32
          %gt3A_1419 = arith.cmpi sgt, %min3A_1418, %max3A_1408 : i32
          %convert_element_type3A_1420 = arith.extui %gt3A_1419 : i1 to i32
          %cond3A_1421 = arith.constant 0 : i32
          %cond3A_1422 = arith.cmpi ne, %convert_element_type3A_1420, %cond3A_1421 : i32
          scf.if %cond3A_1422 {
            %get3A_1423 = arith.index_cast %scan3A_1400 : i32 to index
            %get3A_1424 = arith.constant 0 : index
            %get3A_1425 = tpu.vector_load %arg13[%get3A_1423, %get3A_1424] {strides = array<i32>} : memref<4x128xf32, #tpu.memory_space<vmem>>, vector<16xf32>,
            %get3A_1426 = arith.index_cast %scan3A_1400 : i32 to index
            %get3A_1427 = arith.constant 16 : index
            %get3A_1428 = tpu.vector_load %arg13[%get3A_1426, %get3A_1427] {strides = array<i32>} : memref<4x128xf32, #tpu.memory_space<vmem>>, vector<16xf32>,
            %get3A_1429 = arith.index_cast %scan3A_1400 : i32 to index
            %get3A_1430 = arith.constant 32 : index
            %get3A_1431 = tpu.vector_load %arg13[%get3A_1429, %get3A_1430] {strides = array<i32>} : memref<4x128xf32, #tpu.memory_space<vmem>>, vector<16xf32>,
            %get3A_1432 = arith.index_cast %scan3A_1400 : i32 to index
            %get3A_1433 = arith.constant 48 : index
            %get3A_1434 = tpu.vector_load %arg13[%get3A_1432, %get3A_1433] {strides = array<i32>} : memref<4x128xf32, #tpu.memory_space<vmem>>, vector<16xf32>,
            %get3A_1435 = arith.index_cast %scan3A_1400 : i32 to index
            %get3A_1436 = arith.constant 64 : index
            %get3A_1437 = tpu.vector_load %arg13[%get3A_1435, %get3A_1436] {strides = array<i32>} : memref<4x128xf32, #tpu.memory_space<vmem>>, vector<16xf32>,
            %get3A_1438 = arith.index_cast %scan3A_1400 : i32 to index
            %get3A_1439 = arith.constant 80 : index
            %get3A_1440 = tpu.vector_load %arg13[%get3A_1438, %get3A_1439] {strides = array<i32>} : memref<4x128xf32, #tpu.memory_space<vmem>>, vector<16xf32>,
            %get3A_1441 = arith.index_cast %scan3A_1400 : i32 to index
            %get3A_1442 = arith.constant 96 : index
            %get3A_1443 = tpu.vector_load %arg13[%get3A_1441, %get3A_1442] {strides = array<i32>} : memref<4x128xf32, #tpu.memory_space<vmem>>, vector<16xf32>,
            %get3A_1444 = arith.index_cast %scan3A_1400 : i32 to index
            %get3A_1445 = arith.constant 112 : index
            %get3A_1446 = tpu.vector_load %arg13[%get3A_1444, %get3A_1445] {strides = array<i32>} : memref<4x128xf32, #tpu.memory_space<vmem>>, vector<16xf32>,
            %scan3A_1447 = arith.constant 0 : i32
            %scan3A_1448 = arith.constant 64 : i32
            %scan3A_1449 = arith.addi %scan3A_1447, %scan3A_1448 : i32
            %scan3A_1450 = arith.constant 1 : i32
            %scan3A_1451:8 = scf.for %scan3A_1477 = %scan3A_1447 to %scan3A_1449 step %scan3A_1450 iter_args(%scan3A_1478 = %get3A_1425, %scan3A_1479 = %get3A_1428, %scan3A_1480 = %get3A_1431, %scan3A_1481 = %get3A_1434, %scan3A_1482 = %get3A_1437, %scan3A_1483 = %get3A_1440, %scan3A_1484 = %get3A_1443, %scan3A_1485 = %get3A_1446) -> (vector<16xf32>, vector<16xf32>, vector<16xf32>, vector<16xf32>, vector<16xf32>, vector<16xf32>, vector<16xf32>, vector<16xf32>)  : i32 {
              %mul3A_1486 = arith.constant 4 : i32
              %mul3A_1487 = arith.muli %scan3A_1477, %mul3A_1486 : i32
              %add3A_1488 = arith.constant 0 : i32
              %add3A_1489 = arith.addi %mul3A_1487, %add3A_1488 : i32
              %ge3A = arith.cmpi sge, %add3A_1489, %max3A_1408 : i32
              %lt3A_1490 = arith.cmpi slt, %add3A_1489, %min3A_1418 : i32
              %and3A_1491 = arith.andi %ge3A, %lt3A_1490 : i1
              %get3A_1492 = arith.index_cast %add3A_1489 : i32 to index
              %get3A_1493 = arith.constant 0 : index
              %get3A_1494 = tpu.vector_load %arg10[%get3A_1492, %get3A_1493] {strides = array<i32>} : memref<256x128xf32, #tpu.memory_space<vmem>>, vector<16xf32>,
              %select_n3A_1495 = arith.select %and3A_1491, %get3A_1494, %broadcast_in_dim3A_1393 : vector<16xf32>
              %max3A_1496 = arith.maximumf %scan3A_1478, %select_n3A_1495 : vector<16xf32>
              %get3A_1497 = arith.index_cast %add3A_1489 : i32 to index
              %get3A_1498 = arith.constant 16 : index
              %get3A_1499 = tpu.vector_load %arg10[%get3A_1497, %get3A_1498] {strides = array<i32>} : memref<256x128xf32, #tpu.memory_space<vmem>>, vector<16xf32>,
              %select_n3A_1500 = arith.select %and3A_1491, %get3A_1499, %broadcast_in_dim3A_1393 : vector<16xf32>
              %max3A_1501 = arith.maximumf %scan3A_1479, %select_n3A_1500 : vector<16xf32>
              %get3A_1502 = arith.index_cast %add3A_1489 : i32 to index
              %get3A_1503 = arith.constant 32 : index
              %get3A_1504 = tpu.vector_load %arg10[%get3A_1502, %get3A_1503] {strides = array<i32>} : memref<256x128xf32, #tpu.memory_space<vmem>>, vector<16xf32>,
              %select_n3A_1505 = arith.select %and3A_1491, %get3A_1504, %broadcast_in_dim3A_1393 : vector<16xf32>
              %max3A_1506 = arith.maximumf %scan3A_1480, %select_n3A_1505 : vector<16xf32>
              %get3A_1507 = arith.index_cast %add3A_1489 : i32 to index
              %get3A_1508 = arith.constant 48 : index
              %get3A_1509 = tpu.vector_load %arg10[%get3A_1507, %get3A_1508] {strides = array<i32>} : memref<256x128xf32, #tpu.memory_space<vmem>>, vector<16xf32>,
              %select_n3A_1510 = arith.select %and3A_1491, %get3A_1509, %broadcast_in_dim3A_1393 : vector<16xf32>
              %max3A_1511 = arith.maximumf %scan3A_1481, %select_n3A_1510 : vector<16xf32>
              %get3A_1512 = arith.index_cast %add3A_1489 : i32 to index
              %get3A_1513 = arith.constant 64 : index
              %get3A_1514 = tpu.vector_load %arg10[%get3A_1512, %get3A_1513] {strides = array<i32>} : memref<256x128xf32, #tpu.memory_space<vmem>>, vector<16xf32>,
              %select_n3A_1515 = arith.select %and3A_1491, %get3A_1514, %broadcast_in_dim3A_1393 : vector<16xf32>
              %max3A_1516 = arith.maximumf %scan3A_1482, %select_n3A_1515 : vector<16xf32>
              %get3A_1517 = arith.index_cast %add3A_1489 : i32 to index
              %get3A_1518 = arith.constant 80 : index
              %get3A_1519 = tpu.vector_load %arg10[%get3A_1517, %get3A_1518] {strides = array<i32>} : memref<256x128xf32, #tpu.memory_space<vmem>>, vector<16xf32>,
              %select_n3A_1520 = arith.select %and3A_1491, %get3A_1519, %broadcast_in_dim3A_1393 : vector<16xf32>
              %max3A_1521 = arith.maximumf %scan3A_1483, %select_n3A_1520 : vector<16xf32>
              %get3A_1522 = arith.index_cast %add3A_1489 : i32 to index
              %get3A_1523 = arith.constant 96 : index
              %get3A_1524 = tpu.vector_load %arg10[%get3A_1522, %get3A_1523] {strides = array<i32>} : memref<256x128xf32, #tpu.memory_space<vmem>>, vector<16xf32>,
              %select_n3A_1525 = arith.select %and3A_1491, %get3A_1524, %broadcast_in_dim3A_1393 : vector<16xf32>
              %max3A_1526 = arith.maximumf %scan3A_1484, %select_n3A_1525 : vector<16xf32>
              %get3A_1527 = arith.index_cast %add3A_1489 : i32 to index
              %get3A_1528 = arith.constant 112 : index
              %get3A_1529 = tpu.vector_load %arg10[%get3A_1527, %get3A_1528] {strides = array<i32>} : memref<256x128xf32, #tpu.memory_space<vmem>>, vector<16xf32>,
              %select_n3A_1530 = arith.select %and3A_1491, %get3A_1529, %broadcast_in_dim3A_1393 : vector<16xf32>
              %max3A_1531 = arith.maximumf %scan3A_1485, %select_n3A_1530 : vector<16xf32>
              %mul3A_1532 = arith.constant 4 : i32
              %mul3A_1533 = arith.muli %scan3A_1477, %mul3A_1532 : i32
              %add3A_1534 = arith.constant 1 : i32
              %add3A_1535 = arith.addi %mul3A_1533, %add3A_1534 : i32
              %ge3A_1536 = arith.cmpi sge, %add3A_1535, %max3A_1408 : i32
              %lt3A_1537 = arith.cmpi slt, %add3A_1535, %min3A_1418 : i32
              %and3A_1538 = arith.andi %ge3A_1536, %lt3A_1537 : i1
              %get3A_1539 = arith.index_cast %add3A_1535 : i32 to index
              %get3A_1540 = arith.constant 0 : index
              %get3A_1541 = tpu.vector_load %arg10[%get3A_1539, %get3A_1540] {strides = array<i32>} : memref<256x128xf32, #tpu.memory_space<vmem>>, vector<16xf32>,
              %select_n3A_1542 = arith.select %and3A_1538, %get3A_1541, %broadcast_in_dim3A_1393 : vector<16xf32>
              %max3A_1543 = arith.maximumf %max3A_1496, %select_n3A_1542 : vector<16xf32>
              %get3A_1544 = arith.index_cast %add3A_1535 : i32 to index
              %get3A_1545 = arith.constant 16 : index
              %get3A_1546 = tpu.vector_load %arg10[%get3A_1544, %get3A_1545] {strides = array<i32>} : memref<256x128xf32, #tpu.memory_space<vmem>>, vector<16xf32>,
              %select_n3A_1547 = arith.select %and3A_1538, %get3A_1546, %broadcast_in_dim3A_1393 : vector<16xf32>
              %max3A_1548 = arith.maximumf %max3A_1501, %select_n3A_1547 : vector<16xf32>
              %get3A_1549 = arith.index_cast %add3A_1535 : i32 to index
              %get3A_1550 = arith.constant 32 : index
              %get3A_1551 = tpu.vector_load %arg10[%get3A_1549, %get3A_1550] {strides = array<i32>} : memref<256x128xf32, #tpu.memory_space<vmem>>, vector<16xf32>,
              %select_n3A_1552 = arith.select %and3A_1538, %get3A_1551, %broadcast_in_dim3A_1393 : vector<16xf32>
              %max3A_1553 = arith.maximumf %max3A_1506, %select_n3A_1552 : vector<16xf32>
              %get3A_1554 = arith.index_cast %add3A_1535 : i32 to index
              %get3A_1555 = arith.constant 48 : index
              %get3A_1556 = tpu.vector_load %arg10[%get3A_1554, %get3A_1555] {strides = array<i32>} : memref<256x128xf32, #tpu.memory_space<vmem>>, vector<16xf32>,
              %select_n3A_1557 = arith.select %and3A_1538, %get3A_1556, %broadcast_in_dim3A_1393 : vector<16xf32>
              %max3A_1558 = arith.maximumf %max3A_1511, %select_n3A_1557 : vector<16xf32>
              %get3A_1559 = arith.index_cast %add3A_1535 : i32 to index
              %get3A_1560 = arith.constant 64 : index
              %get3A_1561 = tpu.vector_load %arg10[%get3A_1559, %get3A_1560] {strides = array<i32>} : memref<256x128xf32, #tpu.memory_space<vmem>>, vector<16xf32>,
              %select_n3A_1562 = arith.select %and3A_1538, %get3A_1561, %broadcast_in_dim3A_1393 : vector<16xf32>
              %max3A_1563 = arith.maximumf %max3A_1516, %select_n3A_1562 : vector<16xf32>
              %get3A_1564 = arith.index_cast %add3A_1535 : i32 to index
              %get3A_1565 = arith.constant 80 : index
              %get3A_1566 = tpu.vector_load %arg10[%get3A_1564, %get3A_1565] {strides = array<i32>} : memref<256x128xf32, #tpu.memory_space<vmem>>, vector<16xf32>,
              %select_n3A_1567 = arith.select %and3A_1538, %get3A_1566, %broadcast_in_dim3A_1393 : vector<16xf32>
              %max3A_1568 = arith.maximumf %max3A_1521, %select_n3A_1567 : vector<16xf32>
              %get3A_1569 = arith.index_cast %add3A_1535 : i32 to index
              %get3A_1570 = arith.constant 96 : index
              %get3A_1571 = tpu.vector_load %arg10[%get3A_1569, %get3A_1570] {strides = array<i32>} : memref<256x128xf32, #tpu.memory_space<vmem>>, vector<16xf32>,
              %select_n3A_1572 = arith.select %and3A_1538, %get3A_1571, %broadcast_in_dim3A_1393 : vector<16xf32>
              %max3A_1573 = arith.maximumf %max3A_1526, %select_n3A_1572 : vector<16xf32>
              %get3A_1574 = arith.index_cast %add3A_1535 : i32 to index
              %get3A_1575 = arith.constant 112 : index
              %get3A_1576 = tpu.vector_load %arg10[%get3A_1574, %get3A_1575] {strides = array<i32>} : memref<256x128xf32, #tpu.memory_space<vmem>>, vector<16xf32>,
              %select_n3A_1577 = arith.select %and3A_1538, %get3A_1576, %broadcast_in_dim3A_1393 : vector<16xf32>
              %max3A_1578 = arith.maximumf %max3A_1531, %select_n3A_1577 : vector<16xf32>
              %mul3A_1579 = arith.constant 4 : i32
              %mul3A_1580 = arith.muli %scan3A_1477, %mul3A_1579 : i32
              %add3A_1581 = arith.constant 2 : i32
              %add3A_1582 = arith.addi %mul3A_1580, %add3A_1581 : i32
              %ge3A_1583 = arith.cmpi sge, %add3A_1582, %max3A_1408 : i32
              %lt3A_1584 = arith.cmpi slt, %add3A_1582, %min3A_1418 : i32
              %and3A_1585 = arith.andi %ge3A_1583, %lt3A_1584 : i1
              %get3A_1586 = arith.index_cast %add3A_1582 : i32 to index
              %get3A_1587 = arith.constant 0 : index
              %get3A_1588 = tpu.vector_load %arg10[%get3A_1586, %get3A_1587] {strides = array<i32>} : memref<256x128xf32, #tpu.memory_space<vmem>>, vector<16xf32>,
              %select_n3A_1589 = arith.select %and3A_1585, %get3A_1588, %broadcast_in_dim3A_1393 : vector<16xf32>
              %max3A_1590 = arith.maximumf %max3A_1543, %select_n3A_1589 : vector<16xf32>
              %get3A_1591 = arith.index_cast %add3A_1582 : i32 to index
              %get3A_1592 = arith.constant 16 : index
              %get3A_1593 = tpu.vector_load %arg10[%get3A_1591, %get3A_1592] {strides = array<i32>} : memref<256x128xf32, #tpu.memory_space<vmem>>, vector<16xf32>,
              %select_n3A_1594 = arith.select %and3A_1585, %get3A_1593, %broadcast_in_dim3A_1393 : vector<16xf32>
              %max3A_1595 = arith.maximumf %max3A_1548, %select_n3A_1594 : vector<16xf32>
              %get3A_1596 = arith.index_cast %add3A_1582 : i32 to index
              %get3A_1597 = arith.constant 32 : index
              %get3A_1598 = tpu.vector_load %arg10[%get3A_1596, %get3A_1597] {strides = array<i32>} : memref<256x128xf32, #tpu.memory_space<vmem>>, vector<16xf32>,
              %select_n3A_1599 = arith.select %and3A_1585, %get3A_1598, %broadcast_in_dim3A_1393 : vector<16xf32>
              %max3A_1600 = arith.maximumf %max3A_1553, %select_n3A_1599 : vector<16xf32>
              %get3A_1601 = arith.index_cast %add3A_1582 : i32 to index
              %get3A_1602 = arith.constant 48 : index
              %get3A_1603 = tpu.vector_load %arg10[%get3A_1601, %get3A_1602] {strides = array<i32>} : memref<256x128xf32, #tpu.memory_space<vmem>>, vector<16xf32>,
              %select_n3A_1604 = arith.select %and3A_1585, %get3A_1603, %broadcast_in_dim3A_1393 : vector<16xf32>
              %max3A_1605 = arith.maximumf %max3A_1558, %select_n3A_1604 : vector<16xf32>
              %get3A_1606 = arith.index_cast %add3A_1582 : i32 to index
              %get3A_1607 = arith.constant 64 : index
              %get3A_1608 = tpu.vector_load %arg10[%get3A_1606, %get3A_1607] {strides = array<i32>} : memref<256x128xf32, #tpu.memory_space<vmem>>, vector<16xf32>,
              %select_n3A_1609 = arith.select %and3A_1585, %get3A_1608, %broadcast_in_dim3A_1393 : vector<16xf32>
              %max3A_1610 = arith.maximumf %max3A_1563, %select_n3A_1609 : vector<16xf32>
              %get3A_1611 = arith.index_cast %add3A_1582 : i32 to index
              %get3A_1612 = arith.constant 80 : index
              %get3A_1613 = tpu.vector_load %arg10[%get3A_1611, %get3A_1612] {strides = array<i32>} : memref<256x128xf32, #tpu.memory_space<vmem>>, vector<16xf32>,
              %select_n3A_1614 = arith.select %and3A_1585, %get3A_1613, %broadcast_in_dim3A_1393 : vector<16xf32>
              %max3A_1615 = arith.maximumf %max3A_1568, %select_n3A_1614 : vector<16xf32>
              %get3A_1616 = arith.index_cast %add3A_1582 : i32 to index
              %get3A_1617 = arith.constant 96 : index
              %get3A_1618 = tpu.vector_load %arg10[%get3A_1616, %get3A_1617] {strides = array<i32>} : memref<256x128xf32, #tpu.memory_space<vmem>>, vector<16xf32>,
              %select_n3A_1619 = arith.select %and3A_1585, %get3A_1618, %broadcast_in_dim3A_1393 : vector<16xf32>
              %max3A_1620 = arith.maximumf %max3A_1573, %select_n3A_1619 : vector<16xf32>
              %get3A_1621 = arith.index_cast %add3A_1582 : i32 to index
              %get3A_1622 = arith.constant 112 : index
              %get3A_1623 = tpu.vector_load %arg10[%get3A_1621, %get3A_1622] {strides = array<i32>} : memref<256x128xf32, #tpu.memory_space<vmem>>, vector<16xf32>,
              %select_n3A_1624 = arith.select %and3A_1585, %get3A_1623, %broadcast_in_dim3A_1393 : vector<16xf32>
              %max3A_1625 = arith.maximumf %max3A_1578, %select_n3A_1624 : vector<16xf32>
              %mul3A_1626 = arith.constant 4 : i32
              %mul3A_1627 = arith.muli %scan3A_1477, %mul3A_1626 : i32
              %add3A_1628 = arith.constant 3 : i32
              %add3A_1629 = arith.addi %mul3A_1627, %add3A_1628 : i32
              %ge3A_1630 = arith.cmpi sge, %add3A_1629, %max3A_1408 : i32
              %lt3A_1631 = arith.cmpi slt, %add3A_1629, %min3A_1418 : i32
              %and3A_1632 = arith.andi %ge3A_1630, %lt3A_1631 : i1
              %get3A_1633 = arith.index_cast %add3A_1629 : i32 to index
              %get3A_1634 = arith.constant 0 : index
              %get3A_1635 = tpu.vector_load %arg10[%get3A_1633, %get3A_1634] {strides = array<i32>} : memref<256x128xf32, #tpu.memory_space<vmem>>, vector<16xf32>,
              %select_n3A_1636 = arith.select %and3A_1632, %get3A_1635, %broadcast_in_dim3A_1393 : vector<16xf32>
              %max3A_1637 = arith.maximumf %max3A_1590, %select_n3A_1636 : vector<16xf32>
              %get3A_1638 = arith.index_cast %add3A_1629 : i32 to index
              %get3A_1639 = arith.constant 16 : index
              %get3A_1640 = tpu.vector_load %arg10[%get3A_1638, %get3A_1639] {strides = array<i32>} : memref<256x128xf32, #tpu.memory_space<vmem>>, vector<16xf32>,
              %select_n3A_1641 = arith.select %and3A_1632, %get3A_1640, %broadcast_in_dim3A_1393 : vector<16xf32>
              %max3A_1642 = arith.maximumf %max3A_1595, %select_n3A_1641 : vector<16xf32>
              %get3A_1643 = arith.index_cast %add3A_1629 : i32 to index
              %get3A_1644 = arith.constant 32 : index
              %get3A_1645 = tpu.vector_load %arg10[%get3A_1643, %get3A_1644] {strides = array<i32>} : memref<256x128xf32, #tpu.memory_space<vmem>>, vector<16xf32>,
              %select_n3A_1646 = arith.select %and3A_1632, %get3A_1645, %broadcast_in_dim3A_1393 : vector<16xf32>
              %max3A_1647 = arith.maximumf %max3A_1600, %select_n3A_1646 : vector<16xf32>
              %get3A_1648 = arith.index_cast %add3A_1629 : i32 to index
              %get3A_1649 = arith.constant 48 : index
              %get3A_1650 = tpu.vector_load %arg10[%get3A_1648, %get3A_1649] {strides = array<i32>} : memref<256x128xf32, #tpu.memory_space<vmem>>, vector<16xf32>,
              %select_n3A_1651 = arith.select %and3A_1632, %get3A_1650, %broadcast_in_dim3A_1393 : vector<16xf32>
              %max3A_1652 = arith.maximumf %max3A_1605, %select_n3A_1651 : vector<16xf32>
              %get3A_1653 = arith.index_cast %add3A_1629 : i32 to index
              %get3A_1654 = arith.constant 64 : index
              %get3A_1655 = tpu.vector_load %arg10[%get3A_1653, %get3A_1654] {strides = array<i32>} : memref<256x128xf32, #tpu.memory_space<vmem>>, vector<16xf32>,
              %select_n3A_1656 = arith.select %and3A_1632, %get3A_1655, %broadcast_in_dim3A_1393 : vector<16xf32>
              %max3A_1657 = arith.maximumf %max3A_1610, %select_n3A_1656 : vector<16xf32>
              %get3A_1658 = arith.index_cast %add3A_1629 : i32 to index
              %get3A_1659 = arith.constant 80 : index
              %get3A_1660 = tpu.vector_load %arg10[%get3A_1658, %get3A_1659] {strides = array<i32>} : memref<256x128xf32, #tpu.memory_space<vmem>>, vector<16xf32>,
              %select_n3A_1661 = arith.select %and3A_1632, %get3A_1660, %broadcast_in_dim3A_1393 : vector<16xf32>
              %max3A_1662 = arith.maximumf %max3A_1615, %select_n3A_1661 : vector<16xf32>
              %get3A_1663 = arith.index_cast %add3A_1629 : i32 to index
              %get3A_1664 = arith.constant 96 : index
              %get3A_1665 = tpu.vector_load %arg10[%get3A_1663, %get3A_1664] {strides = array<i32>} : memref<256x128xf32, #tpu.memory_space<vmem>>, vector<16xf32>,
              %select_n3A_1666 = arith.select %and3A_1632, %get3A_1665, %broadcast_in_dim3A_1393 : vector<16xf32>
              %max3A_1667 = arith.maximumf %max3A_1620, %select_n3A_1666 : vector<16xf32>
              %get3A_1668 = arith.index_cast %add3A_1629 : i32 to index
              %get3A_1669 = arith.constant 112 : index
              %get3A_1670 = tpu.vector_load %arg10[%get3A_1668, %get3A_1669] {strides = array<i32>} : memref<256x128xf32, #tpu.memory_space<vmem>>, vector<16xf32>,
              %select_n3A_1671 = arith.select %and3A_1632, %get3A_1670, %broadcast_in_dim3A_1393 : vector<16xf32>
              %max3A_1672 = arith.maximumf %max3A_1625, %select_n3A_1671 : vector<16xf32>
              scf.yield %max3A_1637, %max3A_1642, %max3A_1647, %max3A_1652, %max3A_1657, %max3A_1662, %max3A_1667, %max3A_1672 : vector<16xf32>, vector<16xf32>, vector<16xf32>, vector<16xf32>, vector<16xf32>, vector<16xf32>, vector<16xf32>, vector<16xf32>
            }
            %scan3A_1452 = arith.constant 64 : i32
            %swap3A_1453 = arith.index_cast %scan3A_1400 : i32 to index
            %swap3A_1454 = arith.constant 0 : index
            %swap3A_1455 = tpu.vector_load %arg13[%swap3A_1453, %swap3A_1454] {strides = array<i32>} : memref<4x128xf32, #tpu.memory_space<vmem>>, vector<16xf32>,
            tpu.vector_store %arg13[%swap3A_1453, %swap3A_1454], %scan3A_1451#0 {strides = array<i32>} : memref<4x128xf32, #tpu.memory_space<vmem>>, vector<16xf32>,
            %swap3A_1456 = arith.index_cast %scan3A_1400 : i32 to index
            %swap3A_1457 = arith.constant 16 : index
            %swap3A_1458 = tpu.vector_load %arg13[%swap3A_1456, %swap3A_1457] {strides = array<i32>} : memref<4x128xf32, #tpu.memory_space<vmem>>, vector<16xf32>,
            tpu.vector_store %arg13[%swap3A_1456, %swap3A_1457], %scan3A_1451#1 {strides = array<i32>} : memref<4x128xf32, #tpu.memory_space<vmem>>, vector<16xf32>,
            %swap3A_1459 = arith.index_cast %scan3A_1400 : i32 to index
            %swap3A_1460 = arith.constant 32 : index
            %swap3A_1461 = tpu.vector_load %arg13[%swap3A_1459, %swap3A_1460] {strides = array<i32>} : memref<4x128xf32, #tpu.memory_space<vmem>>, vector<16xf32>,
            tpu.vector_store %arg13[%swap3A_1459, %swap3A_1460], %scan3A_1451#2 {strides = array<i32>} : memref<4x128xf32, #tpu.memory_space<vmem>>, vector<16xf32>,
            %swap3A_1462 = arith.index_cast %scan3A_1400 : i32 to index
            %swap3A_1463 = arith.constant 48 : index
            %swap3A_1464 = tpu.vector_load %arg13[%swap3A_1462, %swap3A_1463] {strides = array<i32>} : memref<4x128xf32, #tpu.memory_space<vmem>>, vector<16xf32>,
            tpu.vector_store %arg13[%swap3A_1462, %swap3A_1463], %scan3A_1451#3 {strides = array<i32>} : memref<4x128xf32, #tpu.memory_space<vmem>>, vector<16xf32>,
            %swap3A_1465 = arith.index_cast %scan3A_1400 : i32 to index
            %swap3A_1466 = arith.constant 64 : index
            %swap3A_1467 = tpu.vector_load %arg13[%swap3A_1465, %swap3A_1466] {strides = array<i32>} : memref<4x128xf32, #tpu.memory_space<vmem>>, vector<16xf32>,
            tpu.vector_store %arg13[%swap3A_1465, %swap3A_1466], %scan3A_1451#4 {strides = array<i32>} : memref<4x128xf32, #tpu.memory_space<vmem>>, vector<16xf32>,
            %swap3A_1468 = arith.index_cast %scan3A_1400 : i32 to index
            %swap3A_1469 = arith.constant 80 : index
            %swap3A_1470 = tpu.vector_load %arg13[%swap3A_1468, %swap3A_1469] {strides = array<i32>} : memref<4x128xf32, #tpu.memory_space<vmem>>, vector<16xf32>,
            tpu.vector_store %arg13[%swap3A_1468, %swap3A_1469], %scan3A_1451#5 {strides = array<i32>} : memref<4x128xf32, #tpu.memory_space<vmem>>, vector<16xf32>,
            %swap3A_1471 = arith.index_cast %scan3A_1400 : i32 to index
            %swap3A_1472 = arith.constant 96 : index
            %swap3A_1473 = tpu.vector_load %arg13[%swap3A_1471, %swap3A_1472] {strides = array<i32>} : memref<4x128xf32, #tpu.memory_space<vmem>>, vector<16xf32>,
            tpu.vector_store %arg13[%swap3A_1471, %swap3A_1472], %scan3A_1451#6 {strides = array<i32>} : memref<4x128xf32, #tpu.memory_space<vmem>>, vector<16xf32>,
            %swap3A_1474 = arith.index_cast %scan3A_1400 : i32 to index
            %swap3A_1475 = arith.constant 112 : index
            %swap3A_1476 = tpu.vector_load %arg13[%swap3A_1474, %swap3A_1475] {strides = array<i32>} : memref<4x128xf32, #tpu.memory_space<vmem>>, vector<16xf32>,
            tpu.vector_store %arg13[%swap3A_1474, %swap3A_1475], %scan3A_1451#7 {strides = array<i32>} : memref<4x128xf32, #tpu.memory_space<vmem>>, vector<16xf32>,
          } else {
          }
        }
        %scan3A_1399 = arith.constant 4 : i32
      } else {
      }
      %mul3A_1355 = arith.constant 3 : i32
      %mul3A_1356 = arith.muli %mul3A_1355, %while3A_1347 : i32
      %add3A_1357 = arith.constant 1 : i32
      %add3A_1358 = arith.addi %mul3A_1356, %add3A_1357 : i32
      %lt3A_1359 = arith.cmpi slt, %add3A_1358, %select_n3A_1097 : i32
      %convert_element_type3A_1360 = arith.extui %lt3A_1359 : i1 to i32
      %cond3A_1361 = arith.constant 0 : i32
      %cond3A_1362 = arith.cmpi ne, %convert_element_type3A_1360, %cond3A_1361 : i32
      scf.if %cond3A_1362 {
        %mul3A_1371 = arith.constant 256 : i32
        %mul3A_1372 = arith.muli %add3A_1358, %mul3A_1371 : i32
        %add3A_1373 = arith.addi %squeeze3A_1044, %mul3A_1372 : i32
        %min3A_1374 = arith.constant 99744 : i32
        %min3A_1375 = arith.minsi %add3A_1373, %min3A_1374 : i32
        %dma_wait3A = arith.constant 0 : i32
        %dma_wait3A_1376 = tpu.memref_slice %arg2[%min3A_1375, %dma_wait3A] : memref<100000x128xf32, #tpu.memory_space<hbm>> -> memref<256x128xf32, #tpu.memory_space<hbm>>
        %dma_wait3A_1377 = arith.constant 0 : i32
        %dma_wait3A_1378 = tpu.memref_slice %arg2[%min3A_1375, %dma_wait3A_1377] : memref<100000x128xf32, #tpu.memory_space<hbm>> -> memref<256x128xf32, #tpu.memory_space<hbm>>
        tpu.wait_dma2 semaphore(%arg15 : memref<!tpu.dma_semaphore, #tpu.memory_space<semaphore_mem>>) src(%dma_wait3A_1378 : memref<256x128xf32, #tpu.memory_space<hbm>>) dst(%arg11 : memref<256x128xf32, #tpu.memory_space<vmem>>)
        %add3A_1379 = arith.constant 3 : i32
        %add3A_1380 = arith.addi %add3A_1358, %add3A_1379 : i32
        %sub3A_1381 = arith.constant 1 : i32
        %sub3A_1382 = arith.subi %add3A_1380, %sub3A_1381 : i32
        %lt3A_1383 = arith.cmpi slt, %sub3A_1382, %select_n3A_1097 : i32
        %convert_element_type3A_1384 = arith.extui %lt3A_1383 : i1 to i32
        %cond3A_1385 = arith.constant 0 : i32
        %cond3A_1386 = arith.cmpi ne, %convert_element_type3A_1384, %cond3A_1385 : i32
        scf.if %cond3A_1386 {
          %add3A_1400 = arith.constant 3 : i32
          %add3A_1401 = arith.addi %add3A_1358, %add3A_1400 : i32
          %sub3A_1402 = arith.constant 1 : i32
          %sub3A_1403 = arith.subi %add3A_1401, %sub3A_1402 : i32
          %mul3A_1404 = arith.constant 256 : i32
          %mul3A_1405 = arith.muli %sub3A_1403, %mul3A_1404 : i32
          %add3A_1406 = arith.addi %squeeze3A_1044, %mul3A_1405 : i32
          %min3A_1407 = arith.constant 99744 : i32
          %min3A_1408 = arith.minsi %add3A_1406, %min3A_1407 : i32
          %dma_start3A = arith.constant 0 : i32
          %dma_start3A_1409 = tpu.memref_slice %arg2[%min3A_1408, %dma_start3A] : memref<100000x128xf32, #tpu.memory_space<hbm>> -> memref<256x128xf32, #tpu.memory_space<hbm>>
          %dma_start3A_1410 = arith.constant 0 : i32
          %dma_start3A_1411 = tpu.memref_slice %arg2[%min3A_1408, %dma_start3A_1410] : memref<100000x128xf32, #tpu.memory_space<hbm>> -> memref<256x128xf32, #tpu.memory_space<hbm>>
          tpu.enqueue_dma source(%dma_start3A_1411 : memref<256x128xf32, #tpu.memory_space<hbm>>) target(%arg10 : memref<256x128xf32, #tpu.memory_space<vmem>>) target_semaphore(%arg14 : memref<!tpu.dma_semaphore, #tpu.memory_space<semaphore_mem>>)
        } else {
        }
        %mul3A_1387 = arith.constant 256 : i32
        %mul3A_1388 = arith.muli %add3A_1358, %mul3A_1387 : i32
        %add3A_1389 = arith.addi %squeeze3A_1044, %mul3A_1388 : i32
        %min3A_1390 = arith.constant 99744 : i32
        %min3A_1391 = arith.minsi %add3A_1389, %min3A_1390 : i32
        %broadcast_in_dim3A_1392 = arith.constant 0xFF800000 : f32
        %broadcast_in_dim3A_1393 = vector.broadcast %broadcast_in_dim3A_1392 : f32 to vector<16xf32>
        %scan3A_1394 = arith.constant 0 : i32
        %scan3A_1395 = arith.constant 0 : i32
        %scan3A_1396 = arith.constant 4 : i32
        %scan3A_1397 = arith.addi %scan3A_1395, %scan3A_1396 : i32
        %scan3A_1398 = arith.constant 1 : i32
        scf.for %scan3A_1400 = %scan3A_1395 to %scan3A_1397 step %scan3A_1398  : i32 {
          %add3A_1401 = arith.addi %mul3A_1038, %scan3A_1400 : i32
          %get3A_1402 = arith.index_cast %add3A_1401 : i32 to index
          %get3A_1403 = tpu.vector_load %arg9[%get3A_1402] {strides = array<i32>} : memref<144xi32, #tpu.memory_space<vmem>>, vector<16xi32>,
          %slice3A_1404 = vector.extract_strided_slice %get3A_1403 {offsets = [0], sizes = [1], strides = [1]} : vector<16xi32> to vector<1xi32>
          %squeeze3A_1405 = vector.extract %slice3A_1404[0] : i32 from vector<1xi32>
          %sub3A_1406 = arith.subi %squeeze3A_1405, %min3A_1391 : i32
          %max3A_1407 = arith.constant 0 : i32
          %max3A_1408 = arith.maxsi %sub3A_1406, %max3A_1407 : i32
          %add3A_1409 = arith.addi %mul3A_1038, %scan3A_1400 : i32
          %add3A_1410 = arith.constant 1 : i32
          %add3A_1411 = arith.addi %add3A_1409, %add3A_1410 : i32
          %get3A_1412 = arith.index_cast %add3A_1411 : i32 to index
          %get3A_1413 = tpu.vector_load %arg9[%get3A_1412] {strides = array<i32>} : memref<144xi32, #tpu.memory_space<vmem>>, vector<16xi32>,
          %slice3A_1414 = vector.extract_strided_slice %get3A_1413 {offsets = [0], sizes = [1], strides = [1]} : vector<16xi32> to vector<1xi32>
          %squeeze3A_1415 = vector.extract %slice3A_1414[0] : i32 from vector<1xi32>
          %sub3A_1416 = arith.subi %squeeze3A_1415, %min3A_1391 : i32
          %min3A_1417 = arith.constant 256 : i32
          %min3A_1418 = arith.minsi %sub3A_1416, %min3A_1417 : i32
          %gt3A_1419 = arith.cmpi sgt, %min3A_1418, %max3A_1408 : i32
          %convert_element_type3A_1420 = arith.extui %gt3A_1419 : i1 to i32
          %cond3A_1421 = arith.constant 0 : i32
          %cond3A_1422 = arith.cmpi ne, %convert_element_type3A_1420, %cond3A_1421 : i32
          scf.if %cond3A_1422 {
            %get3A_1423 = arith.index_cast %scan3A_1400 : i32 to index
            %get3A_1424 = arith.constant 0 : index
            %get3A_1425 = tpu.vector_load %arg13[%get3A_1423, %get3A_1424] {strides = array<i32>} : memref<4x128xf32, #tpu.memory_space<vmem>>, vector<16xf32>,
            %get3A_1426 = arith.index_cast %scan3A_1400 : i32 to index
            %get3A_1427 = arith.constant 16 : index
            %get3A_1428 = tpu.vector_load %arg13[%get3A_1426, %get3A_1427] {strides = array<i32>} : memref<4x128xf32, #tpu.memory_space<vmem>>, vector<16xf32>,
            %get3A_1429 = arith.index_cast %scan3A_1400 : i32 to index
            %get3A_1430 = arith.constant 32 : index
            %get3A_1431 = tpu.vector_load %arg13[%get3A_1429, %get3A_1430] {strides = array<i32>} : memref<4x128xf32, #tpu.memory_space<vmem>>, vector<16xf32>,
            %get3A_1432 = arith.index_cast %scan3A_1400 : i32 to index
            %get3A_1433 = arith.constant 48 : index
            %get3A_1434 = tpu.vector_load %arg13[%get3A_1432, %get3A_1433] {strides = array<i32>} : memref<4x128xf32, #tpu.memory_space<vmem>>, vector<16xf32>,
            %get3A_1435 = arith.index_cast %scan3A_1400 : i32 to index
            %get3A_1436 = arith.constant 64 : index
            %get3A_1437 = tpu.vector_load %arg13[%get3A_1435, %get3A_1436] {strides = array<i32>} : memref<4x128xf32, #tpu.memory_space<vmem>>, vector<16xf32>,
            %get3A_1438 = arith.index_cast %scan3A_1400 : i32 to index
            %get3A_1439 = arith.constant 80 : index
            %get3A_1440 = tpu.vector_load %arg13[%get3A_1438, %get3A_1439] {strides = array<i32>} : memref<4x128xf32, #tpu.memory_space<vmem>>, vector<16xf32>,
            %get3A_1441 = arith.index_cast %scan3A_1400 : i32 to index
            %get3A_1442 = arith.constant 96 : index
            %get3A_1443 = tpu.vector_load %arg13[%get3A_1441, %get3A_1442] {strides = array<i32>} : memref<4x128xf32, #tpu.memory_space<vmem>>, vector<16xf32>,
            %get3A_1444 = arith.index_cast %scan3A_1400 : i32 to index
            %get3A_1445 = arith.constant 112 : index
            %get3A_1446 = tpu.vector_load %arg13[%get3A_1444, %get3A_1445] {strides = array<i32>} : memref<4x128xf32, #tpu.memory_space<vmem>>, vector<16xf32>,
            %scan3A_1447 = arith.constant 0 : i32
            %scan3A_1448 = arith.constant 64 : i32
            %scan3A_1449 = arith.addi %scan3A_1447, %scan3A_1448 : i32
            %scan3A_1450 = arith.constant 1 : i32
            %scan3A_1451:8 = scf.for %scan3A_1477 = %scan3A_1447 to %scan3A_1449 step %scan3A_1450 iter_args(%scan3A_1478 = %get3A_1425, %scan3A_1479 = %get3A_1428, %scan3A_1480 = %get3A_1431, %scan3A_1481 = %get3A_1434, %scan3A_1482 = %get3A_1437, %scan3A_1483 = %get3A_1440, %scan3A_1484 = %get3A_1443, %scan3A_1485 = %get3A_1446) -> (vector<16xf32>, vector<16xf32>, vector<16xf32>, vector<16xf32>, vector<16xf32>, vector<16xf32>, vector<16xf32>, vector<16xf32>)  : i32 {
              %mul3A_1486 = arith.constant 4 : i32
              %mul3A_1487 = arith.muli %scan3A_1477, %mul3A_1486 : i32
              %add3A_1488 = arith.constant 0 : i32
              %add3A_1489 = arith.addi %mul3A_1487, %add3A_1488 : i32
              %ge3A = arith.cmpi sge, %add3A_1489, %max3A_1408 : i32
              %lt3A_1490 = arith.cmpi slt, %add3A_1489, %min3A_1418 : i32
              %and3A_1491 = arith.andi %ge3A, %lt3A_1490 : i1
              %get3A_1492 = arith.index_cast %add3A_1489 : i32 to index
              %get3A_1493 = arith.constant 0 : index
              %get3A_1494 = tpu.vector_load %arg11[%get3A_1492, %get3A_1493] {strides = array<i32>} : memref<256x128xf32, #tpu.memory_space<vmem>>, vector<16xf32>,
              %select_n3A_1495 = arith.select %and3A_1491, %get3A_1494, %broadcast_in_dim3A_1393 : vector<16xf32>
              %max3A_1496 = arith.maximumf %scan3A_1478, %select_n3A_1495 : vector<16xf32>
              %get3A_1497 = arith.index_cast %add3A_1489 : i32 to index
              %get3A_1498 = arith.constant 16 : index
              %get3A_1499 = tpu.vector_load %arg11[%get3A_1497, %get3A_1498] {strides = array<i32>} : memref<256x128xf32, #tpu.memory_space<vmem>>, vector<16xf32>,
              %select_n3A_1500 = arith.select %and3A_1491, %get3A_1499, %broadcast_in_dim3A_1393 : vector<16xf32>
              %max3A_1501 = arith.maximumf %scan3A_1479, %select_n3A_1500 : vector<16xf32>
              %get3A_1502 = arith.index_cast %add3A_1489 : i32 to index
              %get3A_1503 = arith.constant 32 : index
              %get3A_1504 = tpu.vector_load %arg11[%get3A_1502, %get3A_1503] {strides = array<i32>} : memref<256x128xf32, #tpu.memory_space<vmem>>, vector<16xf32>,
              %select_n3A_1505 = arith.select %and3A_1491, %get3A_1504, %broadcast_in_dim3A_1393 : vector<16xf32>
              %max3A_1506 = arith.maximumf %scan3A_1480, %select_n3A_1505 : vector<16xf32>
              %get3A_1507 = arith.index_cast %add3A_1489 : i32 to index
              %get3A_1508 = arith.constant 48 : index
              %get3A_1509 = tpu.vector_load %arg11[%get3A_1507, %get3A_1508] {strides = array<i32>} : memref<256x128xf32, #tpu.memory_space<vmem>>, vector<16xf32>,
              %select_n3A_1510 = arith.select %and3A_1491, %get3A_1509, %broadcast_in_dim3A_1393 : vector<16xf32>
              %max3A_1511 = arith.maximumf %scan3A_1481, %select_n3A_1510 : vector<16xf32>
              %get3A_1512 = arith.index_cast %add3A_1489 : i32 to index
              %get3A_1513 = arith.constant 64 : index
              %get3A_1514 = tpu.vector_load %arg11[%get3A_1512, %get3A_1513] {strides = array<i32>} : memref<256x128xf32, #tpu.memory_space<vmem>>, vector<16xf32>,
              %select_n3A_1515 = arith.select %and3A_1491, %get3A_1514, %broadcast_in_dim3A_1393 : vector<16xf32>
              %max3A_1516 = arith.maximumf %scan3A_1482, %select_n3A_1515 : vector<16xf32>
              %get3A_1517 = arith.index_cast %add3A_1489 : i32 to index
              %get3A_1518 = arith.constant 80 : index
              %get3A_1519 = tpu.vector_load %arg11[%get3A_1517, %get3A_1518] {strides = array<i32>} : memref<256x128xf32, #tpu.memory_space<vmem>>, vector<16xf32>,
              %select_n3A_1520 = arith.select %and3A_1491, %get3A_1519, %broadcast_in_dim3A_1393 : vector<16xf32>
              %max3A_1521 = arith.maximumf %scan3A_1483, %select_n3A_1520 : vector<16xf32>
              %get3A_1522 = arith.index_cast %add3A_1489 : i32 to index
              %get3A_1523 = arith.constant 96 : index
              %get3A_1524 = tpu.vector_load %arg11[%get3A_1522, %get3A_1523] {strides = array<i32>} : memref<256x128xf32, #tpu.memory_space<vmem>>, vector<16xf32>,
              %select_n3A_1525 = arith.select %and3A_1491, %get3A_1524, %broadcast_in_dim3A_1393 : vector<16xf32>
              %max3A_1526 = arith.maximumf %scan3A_1484, %select_n3A_1525 : vector<16xf32>
              %get3A_1527 = arith.index_cast %add3A_1489 : i32 to index
              %get3A_1528 = arith.constant 112 : index
              %get3A_1529 = tpu.vector_load %arg11[%get3A_1527, %get3A_1528] {strides = array<i32>} : memref<256x128xf32, #tpu.memory_space<vmem>>, vector<16xf32>,
              %select_n3A_1530 = arith.select %and3A_1491, %get3A_1529, %broadcast_in_dim3A_1393 : vector<16xf32>
              %max3A_1531 = arith.maximumf %scan3A_1485, %select_n3A_1530 : vector<16xf32>
              %mul3A_1532 = arith.constant 4 : i32
              %mul3A_1533 = arith.muli %scan3A_1477, %mul3A_1532 : i32
              %add3A_1534 = arith.constant 1 : i32
              %add3A_1535 = arith.addi %mul3A_1533, %add3A_1534 : i32
              %ge3A_1536 = arith.cmpi sge, %add3A_1535, %max3A_1408 : i32
              %lt3A_1537 = arith.cmpi slt, %add3A_1535, %min3A_1418 : i32
              %and3A_1538 = arith.andi %ge3A_1536, %lt3A_1537 : i1
              %get3A_1539 = arith.index_cast %add3A_1535 : i32 to index
              %get3A_1540 = arith.constant 0 : index
              %get3A_1541 = tpu.vector_load %arg11[%get3A_1539, %get3A_1540] {strides = array<i32>} : memref<256x128xf32, #tpu.memory_space<vmem>>, vector<16xf32>,
              %select_n3A_1542 = arith.select %and3A_1538, %get3A_1541, %broadcast_in_dim3A_1393 : vector<16xf32>
              %max3A_1543 = arith.maximumf %max3A_1496, %select_n3A_1542 : vector<16xf32>
              %get3A_1544 = arith.index_cast %add3A_1535 : i32 to index
              %get3A_1545 = arith.constant 16 : index
              %get3A_1546 = tpu.vector_load %arg11[%get3A_1544, %get3A_1545] {strides = array<i32>} : memref<256x128xf32, #tpu.memory_space<vmem>>, vector<16xf32>,
              %select_n3A_1547 = arith.select %and3A_1538, %get3A_1546, %broadcast_in_dim3A_1393 : vector<16xf32>
              %max3A_1548 = arith.maximumf %max3A_1501, %select_n3A_1547 : vector<16xf32>
              %get3A_1549 = arith.index_cast %add3A_1535 : i32 to index
              %get3A_1550 = arith.constant 32 : index
              %get3A_1551 = tpu.vector_load %arg11[%get3A_1549, %get3A_1550] {strides = array<i32>} : memref<256x128xf32, #tpu.memory_space<vmem>>, vector<16xf32>,
              %select_n3A_1552 = arith.select %and3A_1538, %get3A_1551, %broadcast_in_dim3A_1393 : vector<16xf32>
              %max3A_1553 = arith.maximumf %max3A_1506, %select_n3A_1552 : vector<16xf32>
              %get3A_1554 = arith.index_cast %add3A_1535 : i32 to index
              %get3A_1555 = arith.constant 48 : index
              %get3A_1556 = tpu.vector_load %arg11[%get3A_1554, %get3A_1555] {strides = array<i32>} : memref<256x128xf32, #tpu.memory_space<vmem>>, vector<16xf32>,
              %select_n3A_1557 = arith.select %and3A_1538, %get3A_1556, %broadcast_in_dim3A_1393 : vector<16xf32>
              %max3A_1558 = arith.maximumf %max3A_1511, %select_n3A_1557 : vector<16xf32>
              %get3A_1559 = arith.index_cast %add3A_1535 : i32 to index
              %get3A_1560 = arith.constant 64 : index
              %get3A_1561 = tpu.vector_load %arg11[%get3A_1559, %get3A_1560] {strides = array<i32>} : memref<256x128xf32, #tpu.memory_space<vmem>>, vector<16xf32>,
              %select_n3A_1562 = arith.select %and3A_1538, %get3A_1561, %broadcast_in_dim3A_1393 : vector<16xf32>
              %max3A_1563 = arith.maximumf %max3A_1516, %select_n3A_1562 : vector<16xf32>
              %get3A_1564 = arith.index_cast %add3A_1535 : i32 to index
              %get3A_1565 = arith.constant 80 : index
              %get3A_1566 = tpu.vector_load %arg11[%get3A_1564, %get3A_1565] {strides = array<i32>} : memref<256x128xf32, #tpu.memory_space<vmem>>, vector<16xf32>,
              %select_n3A_1567 = arith.select %and3A_1538, %get3A_1566, %broadcast_in_dim3A_1393 : vector<16xf32>
              %max3A_1568 = arith.maximumf %max3A_1521, %select_n3A_1567 : vector<16xf32>
              %get3A_1569 = arith.index_cast %add3A_1535 : i32 to index
              %get3A_1570 = arith.constant 96 : index
              %get3A_1571 = tpu.vector_load %arg11[%get3A_1569, %get3A_1570] {strides = array<i32>} : memref<256x128xf32, #tpu.memory_space<vmem>>, vector<16xf32>,
              %select_n3A_1572 = arith.select %and3A_1538, %get3A_1571, %broadcast_in_dim3A_1393 : vector<16xf32>
              %max3A_1573 = arith.maximumf %max3A_1526, %select_n3A_1572 : vector<16xf32>
              %get3A_1574 = arith.index_cast %add3A_1535 : i32 to index
              %get3A_1575 = arith.constant 112 : index
              %get3A_1576 = tpu.vector_load %arg11[%get3A_1574, %get3A_1575] {strides = array<i32>} : memref<256x128xf32, #tpu.memory_space<vmem>>, vector<16xf32>,
              %select_n3A_1577 = arith.select %and3A_1538, %get3A_1576, %broadcast_in_dim3A_1393 : vector<16xf32>
              %max3A_1578 = arith.maximumf %max3A_1531, %select_n3A_1577 : vector<16xf32>
              %mul3A_1579 = arith.constant 4 : i32
              %mul3A_1580 = arith.muli %scan3A_1477, %mul3A_1579 : i32
              %add3A_1581 = arith.constant 2 : i32
              %add3A_1582 = arith.addi %mul3A_1580, %add3A_1581 : i32
              %ge3A_1583 = arith.cmpi sge, %add3A_1582, %max3A_1408 : i32
              %lt3A_1584 = arith.cmpi slt, %add3A_1582, %min3A_1418 : i32
              %and3A_1585 = arith.andi %ge3A_1583, %lt3A_1584 : i1
              %get3A_1586 = arith.index_cast %add3A_1582 : i32 to index
              %get3A_1587 = arith.constant 0 : index
              %get3A_1588 = tpu.vector_load %arg11[%get3A_1586, %get3A_1587] {strides = array<i32>} : memref<256x128xf32, #tpu.memory_space<vmem>>, vector<16xf32>,
              %select_n3A_1589 = arith.select %and3A_1585, %get3A_1588, %broadcast_in_dim3A_1393 : vector<16xf32>
              %max3A_1590 = arith.maximumf %max3A_1543, %select_n3A_1589 : vector<16xf32>
              %get3A_1591 = arith.index_cast %add3A_1582 : i32 to index
              %get3A_1592 = arith.constant 16 : index
              %get3A_1593 = tpu.vector_load %arg11[%get3A_1591, %get3A_1592] {strides = array<i32>} : memref<256x128xf32, #tpu.memory_space<vmem>>, vector<16xf32>,
              %select_n3A_1594 = arith.select %and3A_1585, %get3A_1593, %broadcast_in_dim3A_1393 : vector<16xf32>
              %max3A_1595 = arith.maximumf %max3A_1548, %select_n3A_1594 : vector<16xf32>
              %get3A_1596 = arith.index_cast %add3A_1582 : i32 to index
              %get3A_1597 = arith.constant 32 : index
              %get3A_1598 = tpu.vector_load %arg11[%get3A_1596, %get3A_1597] {strides = array<i32>} : memref<256x128xf32, #tpu.memory_space<vmem>>, vector<16xf32>,
              %select_n3A_1599 = arith.select %and3A_1585, %get3A_1598, %broadcast_in_dim3A_1393 : vector<16xf32>
              %max3A_1600 = arith.maximumf %max3A_1553, %select_n3A_1599 : vector<16xf32>
              %get3A_1601 = arith.index_cast %add3A_1582 : i32 to index
              %get3A_1602 = arith.constant 48 : index
              %get3A_1603 = tpu.vector_load %arg11[%get3A_1601, %get3A_1602] {strides = array<i32>} : memref<256x128xf32, #tpu.memory_space<vmem>>, vector<16xf32>,
              %select_n3A_1604 = arith.select %and3A_1585, %get3A_1603, %broadcast_in_dim3A_1393 : vector<16xf32>
              %max3A_1605 = arith.maximumf %max3A_1558, %select_n3A_1604 : vector<16xf32>
              %get3A_1606 = arith.index_cast %add3A_1582 : i32 to index
              %get3A_1607 = arith.constant 64 : index
              %get3A_1608 = tpu.vector_load %arg11[%get3A_1606, %get3A_1607] {strides = array<i32>} : memref<256x128xf32, #tpu.memory_space<vmem>>, vector<16xf32>,
              %select_n3A_1609 = arith.select %and3A_1585, %get3A_1608, %broadcast_in_dim3A_1393 : vector<16xf32>
              %max3A_1610 = arith.maximumf %max3A_1563, %select_n3A_1609 : vector<16xf32>
              %get3A_1611 = arith.index_cast %add3A_1582 : i32 to index
              %get3A_1612 = arith.constant 80 : index
              %get3A_1613 = tpu.vector_load %arg11[%get3A_1611, %get3A_1612] {strides = array<i32>} : memref<256x128xf32, #tpu.memory_space<vmem>>, vector<16xf32>,
              %select_n3A_1614 = arith.select %and3A_1585, %get3A_1613, %broadcast_in_dim3A_1393 : vector<16xf32>
              %max3A_1615 = arith.maximumf %max3A_1568, %select_n3A_1614 : vector<16xf32>
              %get3A_1616 = arith.index_cast %add3A_1582 : i32 to index
              %get3A_1617 = arith.constant 96 : index
              %get3A_1618 = tpu.vector_load %arg11[%get3A_1616, %get3A_1617] {strides = array<i32>} : memref<256x128xf32, #tpu.memory_space<vmem>>, vector<16xf32>,
              %select_n3A_1619 = arith.select %and3A_1585, %get3A_1618, %broadcast_in_dim3A_1393 : vector<16xf32>
              %max3A_1620 = arith.maximumf %max3A_1573, %select_n3A_1619 : vector<16xf32>
              %get3A_1621 = arith.index_cast %add3A_1582 : i32 to index
              %get3A_1622 = arith.constant 112 : index
              %get3A_1623 = tpu.vector_load %arg11[%get3A_1621, %get3A_1622] {strides = array<i32>} : memref<256x128xf32, #tpu.memory_space<vmem>>, vector<16xf32>,
              %select_n3A_1624 = arith.select %and3A_1585, %get3A_1623, %broadcast_in_dim3A_1393 : vector<16xf32>
              %max3A_1625 = arith.maximumf %max3A_1578, %select_n3A_1624 : vector<16xf32>
              %mul3A_1626 = arith.constant 4 : i32
              %mul3A_1627 = arith.muli %scan3A_1477, %mul3A_1626 : i32
              %add3A_1628 = arith.constant 3 : i32
              %add3A_1629 = arith.addi %mul3A_1627, %add3A_1628 : i32
              %ge3A_1630 = arith.cmpi sge, %add3A_1629, %max3A_1408 : i32
              %lt3A_1631 = arith.cmpi slt, %add3A_1629, %min3A_1418 : i32
              %and3A_1632 = arith.andi %ge3A_1630, %lt3A_1631 : i1
              %get3A_1633 = arith.index_cast %add3A_1629 : i32 to index
              %get3A_1634 = arith.constant 0 : index
              %get3A_1635 = tpu.vector_load %arg11[%get3A_1633, %get3A_1634] {strides = array<i32>} : memref<256x128xf32, #tpu.memory_space<vmem>>, vector<16xf32>,
              %select_n3A_1636 = arith.select %and3A_1632, %get3A_1635, %broadcast_in_dim3A_1393 : vector<16xf32>
              %max3A_1637 = arith.maximumf %max3A_1590, %select_n3A_1636 : vector<16xf32>
              %get3A_1638 = arith.index_cast %add3A_1629 : i32 to index
              %get3A_1639 = arith.constant 16 : index
              %get3A_1640 = tpu.vector_load %arg11[%get3A_1638, %get3A_1639] {strides = array<i32>} : memref<256x128xf32, #tpu.memory_space<vmem>>, vector<16xf32>,
              %select_n3A_1641 = arith.select %and3A_1632, %get3A_1640, %broadcast_in_dim3A_1393 : vector<16xf32>
              %max3A_1642 = arith.maximumf %max3A_1595, %select_n3A_1641 : vector<16xf32>
              %get3A_1643 = arith.index_cast %add3A_1629 : i32 to index
              %get3A_1644 = arith.constant 32 : index
              %get3A_1645 = tpu.vector_load %arg11[%get3A_1643, %get3A_1644] {strides = array<i32>} : memref<256x128xf32, #tpu.memory_space<vmem>>, vector<16xf32>,
              %select_n3A_1646 = arith.select %and3A_1632, %get3A_1645, %broadcast_in_dim3A_1393 : vector<16xf32>
              %max3A_1647 = arith.maximumf %max3A_1600, %select_n3A_1646 : vector<16xf32>
              %get3A_1648 = arith.index_cast %add3A_1629 : i32 to index
              %get3A_1649 = arith.constant 48 : index
              %get3A_1650 = tpu.vector_load %arg11[%get3A_1648, %get3A_1649] {strides = array<i32>} : memref<256x128xf32, #tpu.memory_space<vmem>>, vector<16xf32>,
              %select_n3A_1651 = arith.select %and3A_1632, %get3A_1650, %broadcast_in_dim3A_1393 : vector<16xf32>
              %max3A_1652 = arith.maximumf %max3A_1605, %select_n3A_1651 : vector<16xf32>
              %get3A_1653 = arith.index_cast %add3A_1629 : i32 to index
              %get3A_1654 = arith.constant 64 : index
              %get3A_1655 = tpu.vector_load %arg11[%get3A_1653, %get3A_1654] {strides = array<i32>} : memref<256x128xf32, #tpu.memory_space<vmem>>, vector<16xf32>,
              %select_n3A_1656 = arith.select %and3A_1632, %get3A_1655, %broadcast_in_dim3A_1393 : vector<16xf32>
              %max3A_1657 = arith.maximumf %max3A_1610, %select_n3A_1656 : vector<16xf32>
              %get3A_1658 = arith.index_cast %add3A_1629 : i32 to index
              %get3A_1659 = arith.constant 80 : index
              %get3A_1660 = tpu.vector_load %arg11[%get3A_1658, %get3A_1659] {strides = array<i32>} : memref<256x128xf32, #tpu.memory_space<vmem>>, vector<16xf32>,
              %select_n3A_1661 = arith.select %and3A_1632, %get3A_1660, %broadcast_in_dim3A_1393 : vector<16xf32>
              %max3A_1662 = arith.maximumf %max3A_1615, %select_n3A_1661 : vector<16xf32>
              %get3A_1663 = arith.index_cast %add3A_1629 : i32 to index
              %get3A_1664 = arith.constant 96 : index
              %get3A_1665 = tpu.vector_load %arg11[%get3A_1663, %get3A_1664] {strides = array<i32>} : memref<256x128xf32, #tpu.memory_space<vmem>>, vector<16xf32>,
              %select_n3A_1666 = arith.select %and3A_1632, %get3A_1665, %broadcast_in_dim3A_1393 : vector<16xf32>
              %max3A_1667 = arith.maximumf %max3A_1620, %select_n3A_1666 : vector<16xf32>
              %get3A_1668 = arith.index_cast %add3A_1629 : i32 to index
              %get3A_1669 = arith.constant 112 : index
              %get3A_1670 = tpu.vector_load %arg11[%get3A_1668, %get3A_1669] {strides = array<i32>} : memref<256x128xf32, #tpu.memory_space<vmem>>, vector<16xf32>,
              %select_n3A_1671 = arith.select %and3A_1632, %get3A_1670, %broadcast_in_dim3A_1393 : vector<16xf32>
              %max3A_1672 = arith.maximumf %max3A_1625, %select_n3A_1671 : vector<16xf32>
              scf.yield %max3A_1637, %max3A_1642, %max3A_1647, %max3A_1652, %max3A_1657, %max3A_1662, %max3A_1667, %max3A_1672 : vector<16xf32>, vector<16xf32>, vector<16xf32>, vector<16xf32>, vector<16xf32>, vector<16xf32>, vector<16xf32>, vector<16xf32>
            }
            %scan3A_1452 = arith.constant 64 : i32
            %swap3A_1453 = arith.index_cast %scan3A_1400 : i32 to index
            %swap3A_1454 = arith.constant 0 : index
            %swap3A_1455 = tpu.vector_load %arg13[%swap3A_1453, %swap3A_1454] {strides = array<i32>} : memref<4x128xf32, #tpu.memory_space<vmem>>, vector<16xf32>,
            tpu.vector_store %arg13[%swap3A_1453, %swap3A_1454], %scan3A_1451#0 {strides = array<i32>} : memref<4x128xf32, #tpu.memory_space<vmem>>, vector<16xf32>,
            %swap3A_1456 = arith.index_cast %scan3A_1400 : i32 to index
            %swap3A_1457 = arith.constant 16 : index
            %swap3A_1458 = tpu.vector_load %arg13[%swap3A_1456, %swap3A_1457] {strides = array<i32>} : memref<4x128xf32, #tpu.memory_space<vmem>>, vector<16xf32>,
            tpu.vector_store %arg13[%swap3A_1456, %swap3A_1457], %scan3A_1451#1 {strides = array<i32>} : memref<4x128xf32, #tpu.memory_space<vmem>>, vector<16xf32>,
            %swap3A_1459 = arith.index_cast %scan3A_1400 : i32 to index
            %swap3A_1460 = arith.constant 32 : index
            %swap3A_1461 = tpu.vector_load %arg13[%swap3A_1459, %swap3A_1460] {strides = array<i32>} : memref<4x128xf32, #tpu.memory_space<vmem>>, vector<16xf32>,
            tpu.vector_store %arg13[%swap3A_1459, %swap3A_1460], %scan3A_1451#2 {strides = array<i32>} : memref<4x128xf32, #tpu.memory_space<vmem>>, vector<16xf32>,
            %swap3A_1462 = arith.index_cast %scan3A_1400 : i32 to index
            %swap3A_1463 = arith.constant 48 : index
            %swap3A_1464 = tpu.vector_load %arg13[%swap3A_1462, %swap3A_1463] {strides = array<i32>} : memref<4x128xf32, #tpu.memory_space<vmem>>, vector<16xf32>,
            tpu.vector_store %arg13[%swap3A_1462, %swap3A_1463], %scan3A_1451#3 {strides = array<i32>} : memref<4x128xf32, #tpu.memory_space<vmem>>, vector<16xf32>,
            %swap3A_1465 = arith.index_cast %scan3A_1400 : i32 to index
            %swap3A_1466 = arith.constant 64 : index
            %swap3A_1467 = tpu.vector_load %arg13[%swap3A_1465, %swap3A_1466] {strides = array<i32>} : memref<4x128xf32, #tpu.memory_space<vmem>>, vector<16xf32>,
            tpu.vector_store %arg13[%swap3A_1465, %swap3A_1466], %scan3A_1451#4 {strides = array<i32>} : memref<4x128xf32, #tpu.memory_space<vmem>>, vector<16xf32>,
            %swap3A_1468 = arith.index_cast %scan3A_1400 : i32 to index
            %swap3A_1469 = arith.constant 80 : index
            %swap3A_1470 = tpu.vector_load %arg13[%swap3A_1468, %swap3A_1469] {strides = array<i32>} : memref<4x128xf32, #tpu.memory_space<vmem>>, vector<16xf32>,
            tpu.vector_store %arg13[%swap3A_1468, %swap3A_1469], %scan3A_1451#5 {strides = array<i32>} : memref<4x128xf32, #tpu.memory_space<vmem>>, vector<16xf32>,
            %swap3A_1471 = arith.index_cast %scan3A_1400 : i32 to index
            %swap3A_1472 = arith.constant 96 : index
            %swap3A_1473 = tpu.vector_load %arg13[%swap3A_1471, %swap3A_1472] {strides = array<i32>} : memref<4x128xf32, #tpu.memory_space<vmem>>, vector<16xf32>,
            tpu.vector_store %arg13[%swap3A_1471, %swap3A_1472], %scan3A_1451#6 {strides = array<i32>} : memref<4x128xf32, #tpu.memory_space<vmem>>, vector<16xf32>,
            %swap3A_1474 = arith.index_cast %scan3A_1400 : i32 to index
            %swap3A_1475 = arith.constant 112 : index
            %swap3A_1476 = tpu.vector_load %arg13[%swap3A_1474, %swap3A_1475] {strides = array<i32>} : memref<4x128xf32, #tpu.memory_space<vmem>>, vector<16xf32>,
            tpu.vector_store %arg13[%swap3A_1474, %swap3A_1475], %scan3A_1451#7 {strides = array<i32>} : memref<4x128xf32, #tpu.memory_space<vmem>>, vector<16xf32>,
          } else {
          }
        }
        %scan3A_1399 = arith.constant 4 : i32
      } else {
      }
      %mul3A_1363 = arith.constant 3 : i32
      %mul3A_1364 = arith.muli %mul3A_1363, %while3A_1347 : i32
      %add3A_1365 = arith.constant 2 : i32
      %add3A_1366 = arith.addi %mul3A_1364, %add3A_1365 : i32
      %lt3A_1367 = arith.cmpi slt, %add3A_1366, %select_n3A_1097 : i32
      %convert_element_type3A_1368 = arith.extui %lt3A_1367 : i1 to i32
      %cond3A_1369 = arith.constant 0 : i32
      %cond3A_1370 = arith.cmpi ne, %convert_element_type3A_1368, %cond3A_1369 : i32
      scf.if %cond3A_1370 {
        %mul3A_1371 = arith.constant 256 : i32
        %mul3A_1372 = arith.muli %add3A_1366, %mul3A_1371 : i32
        %add3A_1373 = arith.addi %squeeze3A_1044, %mul3A_1372 : i32
        %min3A_1374 = arith.constant 99744 : i32
        %min3A_1375 = arith.minsi %add3A_1373, %min3A_1374 : i32
        %dma_wait3A = arith.constant 0 : i32
        %dma_wait3A_1376 = tpu.memref_slice %arg2[%min3A_1375, %dma_wait3A] : memref<100000x128xf32, #tpu.memory_space<hbm>> -> memref<256x128xf32, #tpu.memory_space<hbm>>
        %dma_wait3A_1377 = arith.constant 0 : i32
        %dma_wait3A_1378 = tpu.memref_slice %arg2[%min3A_1375, %dma_wait3A_1377] : memref<100000x128xf32, #tpu.memory_space<hbm>> -> memref<256x128xf32, #tpu.memory_space<hbm>>
        tpu.wait_dma2 semaphore(%arg16 : memref<!tpu.dma_semaphore, #tpu.memory_space<semaphore_mem>>) src(%dma_wait3A_1378 : memref<256x128xf32, #tpu.memory_space<hbm>>) dst(%arg12 : memref<256x128xf32, #tpu.memory_space<vmem>>)
        %add3A_1379 = arith.constant 3 : i32
        %add3A_1380 = arith.addi %add3A_1366, %add3A_1379 : i32
        %sub3A_1381 = arith.constant 1 : i32
        %sub3A_1382 = arith.subi %add3A_1380, %sub3A_1381 : i32
        %lt3A_1383 = arith.cmpi slt, %sub3A_1382, %select_n3A_1097 : i32
        %convert_element_type3A_1384 = arith.extui %lt3A_1383 : i1 to i32
        %cond3A_1385 = arith.constant 0 : i32
        %cond3A_1386 = arith.cmpi ne, %convert_element_type3A_1384, %cond3A_1385 : i32
        scf.if %cond3A_1386 {
          %add3A_1400 = arith.constant 3 : i32
          %add3A_1401 = arith.addi %add3A_1366, %add3A_1400 : i32
          %sub3A_1402 = arith.constant 1 : i32
          %sub3A_1403 = arith.subi %add3A_1401, %sub3A_1402 : i32
          %mul3A_1404 = arith.constant 256 : i32
          %mul3A_1405 = arith.muli %sub3A_1403, %mul3A_1404 : i32
          %add3A_1406 = arith.addi %squeeze3A_1044, %mul3A_1405 : i32
          %min3A_1407 = arith.constant 99744 : i32
          %min3A_1408 = arith.minsi %add3A_1406, %min3A_1407 : i32
          %dma_start3A = arith.constant 0 : i32
          %dma_start3A_1409 = tpu.memref_slice %arg2[%min3A_1408, %dma_start3A] : memref<100000x128xf32, #tpu.memory_space<hbm>> -> memref<256x128xf32, #tpu.memory_space<hbm>>
          %dma_start3A_1410 = arith.constant 0 : i32
          %dma_start3A_1411 = tpu.memref_slice %arg2[%min3A_1408, %dma_start3A_1410] : memref<100000x128xf32, #tpu.memory_space<hbm>> -> memref<256x128xf32, #tpu.memory_space<hbm>>
          tpu.enqueue_dma source(%dma_start3A_1411 : memref<256x128xf32, #tpu.memory_space<hbm>>) target(%arg11 : memref<256x128xf32, #tpu.memory_space<vmem>>) target_semaphore(%arg15 : memref<!tpu.dma_semaphore, #tpu.memory_space<semaphore_mem>>)
        } else {
        }
        %mul3A_1387 = arith.constant 256 : i32
        %mul3A_1388 = arith.muli %add3A_1366, %mul3A_1387 : i32
        %add3A_1389 = arith.addi %squeeze3A_1044, %mul3A_1388 : i32
        %min3A_1390 = arith.constant 99744 : i32
        %min3A_1391 = arith.minsi %add3A_1389, %min3A_1390 : i32
        %broadcast_in_dim3A_1392 = arith.constant 0xFF800000 : f32
        %broadcast_in_dim3A_1393 = vector.broadcast %broadcast_in_dim3A_1392 : f32 to vector<16xf32>
        %scan3A_1394 = arith.constant 0 : i32
        %scan3A_1395 = arith.constant 0 : i32
        %scan3A_1396 = arith.constant 4 : i32
        %scan3A_1397 = arith.addi %scan3A_1395, %scan3A_1396 : i32
        %scan3A_1398 = arith.constant 1 : i32
        scf.for %scan3A_1400 = %scan3A_1395 to %scan3A_1397 step %scan3A_1398  : i32 {
          %add3A_1401 = arith.addi %mul3A_1038, %scan3A_1400 : i32
          %get3A_1402 = arith.index_cast %add3A_1401 : i32 to index
          %get3A_1403 = tpu.vector_load %arg9[%get3A_1402] {strides = array<i32>} : memref<144xi32, #tpu.memory_space<vmem>>, vector<16xi32>,
          %slice3A_1404 = vector.extract_strided_slice %get3A_1403 {offsets = [0], sizes = [1], strides = [1]} : vector<16xi32> to vector<1xi32>
          %squeeze3A_1405 = vector.extract %slice3A_1404[0] : i32 from vector<1xi32>
          %sub3A_1406 = arith.subi %squeeze3A_1405, %min3A_1391 : i32
          %max3A_1407 = arith.constant 0 : i32
          %max3A_1408 = arith.maxsi %sub3A_1406, %max3A_1407 : i32
          %add3A_1409 = arith.addi %mul3A_1038, %scan3A_1400 : i32
          %add3A_1410 = arith.constant 1 : i32
          %add3A_1411 = arith.addi %add3A_1409, %add3A_1410 : i32
          %get3A_1412 = arith.index_cast %add3A_1411 : i32 to index
          %get3A_1413 = tpu.vector_load %arg9[%get3A_1412] {strides = array<i32>} : memref<144xi32, #tpu.memory_space<vmem>>, vector<16xi32>,
          %slice3A_1414 = vector.extract_strided_slice %get3A_1413 {offsets = [0], sizes = [1], strides = [1]} : vector<16xi32> to vector<1xi32>
          %squeeze3A_1415 = vector.extract %slice3A_1414[0] : i32 from vector<1xi32>
          %sub3A_1416 = arith.subi %squeeze3A_1415, %min3A_1391 : i32
          %min3A_1417 = arith.constant 256 : i32
          %min3A_1418 = arith.minsi %sub3A_1416, %min3A_1417 : i32
          %gt3A_1419 = arith.cmpi sgt, %min3A_1418, %max3A_1408 : i32
          %convert_element_type3A_1420 = arith.extui %gt3A_1419 : i1 to i32
          %cond3A_1421 = arith.constant 0 : i32
          %cond3A_1422 = arith.cmpi ne, %convert_element_type3A_1420, %cond3A_1421 : i32
          scf.if %cond3A_1422 {
            %get3A_1423 = arith.index_cast %scan3A_1400 : i32 to index
            %get3A_1424 = arith.constant 0 : index
            %get3A_1425 = tpu.vector_load %arg13[%get3A_1423, %get3A_1424] {strides = array<i32>} : memref<4x128xf32, #tpu.memory_space<vmem>>, vector<16xf32>,
            %get3A_1426 = arith.index_cast %scan3A_1400 : i32 to index
            %get3A_1427 = arith.constant 16 : index
            %get3A_1428 = tpu.vector_load %arg13[%get3A_1426, %get3A_1427] {strides = array<i32>} : memref<4x128xf32, #tpu.memory_space<vmem>>, vector<16xf32>,
            %get3A_1429 = arith.index_cast %scan3A_1400 : i32 to index
            %get3A_1430 = arith.constant 32 : index
            %get3A_1431 = tpu.vector_load %arg13[%get3A_1429, %get3A_1430] {strides = array<i32>} : memref<4x128xf32, #tpu.memory_space<vmem>>, vector<16xf32>,
            %get3A_1432 = arith.index_cast %scan3A_1400 : i32 to index
            %get3A_1433 = arith.constant 48 : index
            %get3A_1434 = tpu.vector_load %arg13[%get3A_1432, %get3A_1433] {strides = array<i32>} : memref<4x128xf32, #tpu.memory_space<vmem>>, vector<16xf32>,
            %get3A_1435 = arith.index_cast %scan3A_1400 : i32 to index
            %get3A_1436 = arith.constant 64 : index
            %get3A_1437 = tpu.vector_load %arg13[%get3A_1435, %get3A_1436] {strides = array<i32>} : memref<4x128xf32, #tpu.memory_space<vmem>>, vector<16xf32>,
            %get3A_1438 = arith.index_cast %scan3A_1400 : i32 to index
            %get3A_1439 = arith.constant 80 : index
            %get3A_1440 = tpu.vector_load %arg13[%get3A_1438, %get3A_1439] {strides = array<i32>} : memref<4x128xf32, #tpu.memory_space<vmem>>, vector<16xf32>,
            %get3A_1441 = arith.index_cast %scan3A_1400 : i32 to index
            %get3A_1442 = arith.constant 96 : index
            %get3A_1443 = tpu.vector_load %arg13[%get3A_1441, %get3A_1442] {strides = array<i32>} : memref<4x128xf32, #tpu.memory_space<vmem>>, vector<16xf32>,
            %get3A_1444 = arith.index_cast %scan3A_1400 : i32 to index
            %get3A_1445 = arith.constant 112 : index
            %get3A_1446 = tpu.vector_load %arg13[%get3A_1444, %get3A_1445] {strides = array<i32>} : memref<4x128xf32, #tpu.memory_space<vmem>>, vector<16xf32>,
            %scan3A_1447 = arith.constant 0 : i32
            %scan3A_1448 = arith.constant 64 : i32
            %scan3A_1449 = arith.addi %scan3A_1447, %scan3A_1448 : i32
            %scan3A_1450 = arith.constant 1 : i32
            %scan3A_1451:8 = scf.for %scan3A_1477 = %scan3A_1447 to %scan3A_1449 step %scan3A_1450 iter_args(%scan3A_1478 = %get3A_1425, %scan3A_1479 = %get3A_1428, %scan3A_1480 = %get3A_1431, %scan3A_1481 = %get3A_1434, %scan3A_1482 = %get3A_1437, %scan3A_1483 = %get3A_1440, %scan3A_1484 = %get3A_1443, %scan3A_1485 = %get3A_1446) -> (vector<16xf32>, vector<16xf32>, vector<16xf32>, vector<16xf32>, vector<16xf32>, vector<16xf32>, vector<16xf32>, vector<16xf32>)  : i32 {
              %mul3A_1486 = arith.constant 4 : i32
              %mul3A_1487 = arith.muli %scan3A_1477, %mul3A_1486 : i32
              %add3A_1488 = arith.constant 0 : i32
              %add3A_1489 = arith.addi %mul3A_1487, %add3A_1488 : i32
              %ge3A = arith.cmpi sge, %add3A_1489, %max3A_1408 : i32
              %lt3A_1490 = arith.cmpi slt, %add3A_1489, %min3A_1418 : i32
              %and3A_1491 = arith.andi %ge3A, %lt3A_1490 : i1
              %get3A_1492 = arith.index_cast %add3A_1489 : i32 to index
              %get3A_1493 = arith.constant 0 : index
              %get3A_1494 = tpu.vector_load %arg12[%get3A_1492, %get3A_1493] {strides = array<i32>} : memref<256x128xf32, #tpu.memory_space<vmem>>, vector<16xf32>,
              %select_n3A_1495 = arith.select %and3A_1491, %get3A_1494, %broadcast_in_dim3A_1393 : vector<16xf32>
              %max3A_1496 = arith.maximumf %scan3A_1478, %select_n3A_1495 : vector<16xf32>
              %get3A_1497 = arith.index_cast %add3A_1489 : i32 to index
              %get3A_1498 = arith.constant 16 : index
              %get3A_1499 = tpu.vector_load %arg12[%get3A_1497, %get3A_1498] {strides = array<i32>} : memref<256x128xf32, #tpu.memory_space<vmem>>, vector<16xf32>,
              %select_n3A_1500 = arith.select %and3A_1491, %get3A_1499, %broadcast_in_dim3A_1393 : vector<16xf32>
              %max3A_1501 = arith.maximumf %scan3A_1479, %select_n3A_1500 : vector<16xf32>
              %get3A_1502 = arith.index_cast %add3A_1489 : i32 to index
              %get3A_1503 = arith.constant 32 : index
              %get3A_1504 = tpu.vector_load %arg12[%get3A_1502, %get3A_1503] {strides = array<i32>} : memref<256x128xf32, #tpu.memory_space<vmem>>, vector<16xf32>,
              %select_n3A_1505 = arith.select %and3A_1491, %get3A_1504, %broadcast_in_dim3A_1393 : vector<16xf32>
              %max3A_1506 = arith.maximumf %scan3A_1480, %select_n3A_1505 : vector<16xf32>
              %get3A_1507 = arith.index_cast %add3A_1489 : i32 to index
              %get3A_1508 = arith.constant 48 : index
              %get3A_1509 = tpu.vector_load %arg12[%get3A_1507, %get3A_1508] {strides = array<i32>} : memref<256x128xf32, #tpu.memory_space<vmem>>, vector<16xf32>,
              %select_n3A_1510 = arith.select %and3A_1491, %get3A_1509, %broadcast_in_dim3A_1393 : vector<16xf32>
              %max3A_1511 = arith.maximumf %scan3A_1481, %select_n3A_1510 : vector<16xf32>
              %get3A_1512 = arith.index_cast %add3A_1489 : i32 to index
              %get3A_1513 = arith.constant 64 : index
              %get3A_1514 = tpu.vector_load %arg12[%get3A_1512, %get3A_1513] {strides = array<i32>} : memref<256x128xf32, #tpu.memory_space<vmem>>, vector<16xf32>,
              %select_n3A_1515 = arith.select %and3A_1491, %get3A_1514, %broadcast_in_dim3A_1393 : vector<16xf32>
              %max3A_1516 = arith.maximumf %scan3A_1482, %select_n3A_1515 : vector<16xf32>
              %get3A_1517 = arith.index_cast %add3A_1489 : i32 to index
              %get3A_1518 = arith.constant 80 : index
              %get3A_1519 = tpu.vector_load %arg12[%get3A_1517, %get3A_1518] {strides = array<i32>} : memref<256x128xf32, #tpu.memory_space<vmem>>, vector<16xf32>,
              %select_n3A_1520 = arith.select %and3A_1491, %get3A_1519, %broadcast_in_dim3A_1393 : vector<16xf32>
              %max3A_1521 = arith.maximumf %scan3A_1483, %select_n3A_1520 : vector<16xf32>
              %get3A_1522 = arith.index_cast %add3A_1489 : i32 to index
              %get3A_1523 = arith.constant 96 : index
              %get3A_1524 = tpu.vector_load %arg12[%get3A_1522, %get3A_1523] {strides = array<i32>} : memref<256x128xf32, #tpu.memory_space<vmem>>, vector<16xf32>,
              %select_n3A_1525 = arith.select %and3A_1491, %get3A_1524, %broadcast_in_dim3A_1393 : vector<16xf32>
              %max3A_1526 = arith.maximumf %scan3A_1484, %select_n3A_1525 : vector<16xf32>
              %get3A_1527 = arith.index_cast %add3A_1489 : i32 to index
              %get3A_1528 = arith.constant 112 : index
              %get3A_1529 = tpu.vector_load %arg12[%get3A_1527, %get3A_1528] {strides = array<i32>} : memref<256x128xf32, #tpu.memory_space<vmem>>, vector<16xf32>,
              %select_n3A_1530 = arith.select %and3A_1491, %get3A_1529, %broadcast_in_dim3A_1393 : vector<16xf32>
              %max3A_1531 = arith.maximumf %scan3A_1485, %select_n3A_1530 : vector<16xf32>
              %mul3A_1532 = arith.constant 4 : i32
              %mul3A_1533 = arith.muli %scan3A_1477, %mul3A_1532 : i32
              %add3A_1534 = arith.constant 1 : i32
              %add3A_1535 = arith.addi %mul3A_1533, %add3A_1534 : i32
              %ge3A_1536 = arith.cmpi sge, %add3A_1535, %max3A_1408 : i32
              %lt3A_1537 = arith.cmpi slt, %add3A_1535, %min3A_1418 : i32
              %and3A_1538 = arith.andi %ge3A_1536, %lt3A_1537 : i1
              %get3A_1539 = arith.index_cast %add3A_1535 : i32 to index
              %get3A_1540 = arith.constant 0 : index
              %get3A_1541 = tpu.vector_load %arg12[%get3A_1539, %get3A_1540] {strides = array<i32>} : memref<256x128xf32, #tpu.memory_space<vmem>>, vector<16xf32>,
              %select_n3A_1542 = arith.select %and3A_1538, %get3A_1541, %broadcast_in_dim3A_1393 : vector<16xf32>
              %max3A_1543 = arith.maximumf %max3A_1496, %select_n3A_1542 : vector<16xf32>
              %get3A_1544 = arith.index_cast %add3A_1535 : i32 to index
              %get3A_1545 = arith.constant 16 : index
              %get3A_1546 = tpu.vector_load %arg12[%get3A_1544, %get3A_1545] {strides = array<i32>} : memref<256x128xf32, #tpu.memory_space<vmem>>, vector<16xf32>,
              %select_n3A_1547 = arith.select %and3A_1538, %get3A_1546, %broadcast_in_dim3A_1393 : vector<16xf32>
              %max3A_1548 = arith.maximumf %max3A_1501, %select_n3A_1547 : vector<16xf32>
              %get3A_1549 = arith.index_cast %add3A_1535 : i32 to index
              %get3A_1550 = arith.constant 32 : index
              %get3A_1551 = tpu.vector_load %arg12[%get3A_1549, %get3A_1550] {strides = array<i32>} : memref<256x128xf32, #tpu.memory_space<vmem>>, vector<16xf32>,
              %select_n3A_1552 = arith.select %and3A_1538, %get3A_1551, %broadcast_in_dim3A_1393 : vector<16xf32>
              %max3A_1553 = arith.maximumf %max3A_1506, %select_n3A_1552 : vector<16xf32>
              %get3A_1554 = arith.index_cast %add3A_1535 : i32 to index
              %get3A_1555 = arith.constant 48 : index
              %get3A_1556 = tpu.vector_load %arg12[%get3A_1554, %get3A_1555] {strides = array<i32>} : memref<256x128xf32, #tpu.memory_space<vmem>>, vector<16xf32>,
              %select_n3A_1557 = arith.select %and3A_1538, %get3A_1556, %broadcast_in_dim3A_1393 : vector<16xf32>
              %max3A_1558 = arith.maximumf %max3A_1511, %select_n3A_1557 : vector<16xf32>
              %get3A_1559 = arith.index_cast %add3A_1535 : i32 to index
              %get3A_1560 = arith.constant 64 : index
              %get3A_1561 = tpu.vector_load %arg12[%get3A_1559, %get3A_1560] {strides = array<i32>} : memref<256x128xf32, #tpu.memory_space<vmem>>, vector<16xf32>,
              %select_n3A_1562 = arith.select %and3A_1538, %get3A_1561, %broadcast_in_dim3A_1393 : vector<16xf32>
              %max3A_1563 = arith.maximumf %max3A_1516, %select_n3A_1562 : vector<16xf32>
              %get3A_1564 = arith.index_cast %add3A_1535 : i32 to index
              %get3A_1565 = arith.constant 80 : index
              %get3A_1566 = tpu.vector_load %arg12[%get3A_1564, %get3A_1565] {strides = array<i32>} : memref<256x128xf32, #tpu.memory_space<vmem>>, vector<16xf32>,
              %select_n3A_1567 = arith.select %and3A_1538, %get3A_1566, %broadcast_in_dim3A_1393 : vector<16xf32>
              %max3A_1568 = arith.maximumf %max3A_1521, %select_n3A_1567 : vector<16xf32>
              %get3A_1569 = arith.index_cast %add3A_1535 : i32 to index
              %get3A_1570 = arith.constant 96 : index
              %get3A_1571 = tpu.vector_load %arg12[%get3A_1569, %get3A_1570] {strides = array<i32>} : memref<256x128xf32, #tpu.memory_space<vmem>>, vector<16xf32>,
              %select_n3A_1572 = arith.select %and3A_1538, %get3A_1571, %broadcast_in_dim3A_1393 : vector<16xf32>
              %max3A_1573 = arith.maximumf %max3A_1526, %select_n3A_1572 : vector<16xf32>
              %get3A_1574 = arith.index_cast %add3A_1535 : i32 to index
              %get3A_1575 = arith.constant 112 : index
              %get3A_1576 = tpu.vector_load %arg12[%get3A_1574, %get3A_1575] {strides = array<i32>} : memref<256x128xf32, #tpu.memory_space<vmem>>, vector<16xf32>,
              %select_n3A_1577 = arith.select %and3A_1538, %get3A_1576, %broadcast_in_dim3A_1393 : vector<16xf32>
              %max3A_1578 = arith.maximumf %max3A_1531, %select_n3A_1577 : vector<16xf32>
              %mul3A_1579 = arith.constant 4 : i32
              %mul3A_1580 = arith.muli %scan3A_1477, %mul3A_1579 : i32
              %add3A_1581 = arith.constant 2 : i32
              %add3A_1582 = arith.addi %mul3A_1580, %add3A_1581 : i32
              %ge3A_1583 = arith.cmpi sge, %add3A_1582, %max3A_1408 : i32
              %lt3A_1584 = arith.cmpi slt, %add3A_1582, %min3A_1418 : i32
              %and3A_1585 = arith.andi %ge3A_1583, %lt3A_1584 : i1
              %get3A_1586 = arith.index_cast %add3A_1582 : i32 to index
              %get3A_1587 = arith.constant 0 : index
              %get3A_1588 = tpu.vector_load %arg12[%get3A_1586, %get3A_1587] {strides = array<i32>} : memref<256x128xf32, #tpu.memory_space<vmem>>, vector<16xf32>,
              %select_n3A_1589 = arith.select %and3A_1585, %get3A_1588, %broadcast_in_dim3A_1393 : vector<16xf32>
              %max3A_1590 = arith.maximumf %max3A_1543, %select_n3A_1589 : vector<16xf32>
              %get3A_1591 = arith.index_cast %add3A_1582 : i32 to index
              %get3A_1592 = arith.constant 16 : index
              %get3A_1593 = tpu.vector_load %arg12[%get3A_1591, %get3A_1592] {strides = array<i32>} : memref<256x128xf32, #tpu.memory_space<vmem>>, vector<16xf32>,
              %select_n3A_1594 = arith.select %and3A_1585, %get3A_1593, %broadcast_in_dim3A_1393 : vector<16xf32>
              %max3A_1595 = arith.maximumf %max3A_1548, %select_n3A_1594 : vector<16xf32>
              %get3A_1596 = arith.index_cast %add3A_1582 : i32 to index
              %get3A_1597 = arith.constant 32 : index
              %get3A_1598 = tpu.vector_load %arg12[%get3A_1596, %get3A_1597] {strides = array<i32>} : memref<256x128xf32, #tpu.memory_space<vmem>>, vector<16xf32>,
              %select_n3A_1599 = arith.select %and3A_1585, %get3A_1598, %broadcast_in_dim3A_1393 : vector<16xf32>
              %max3A_1600 = arith.maximumf %max3A_1553, %select_n3A_1599 : vector<16xf32>
              %get3A_1601 = arith.index_cast %add3A_1582 : i32 to index
              %get3A_1602 = arith.constant 48 : index
              %get3A_1603 = tpu.vector_load %arg12[%get3A_1601, %get3A_1602] {strides = array<i32>} : memref<256x128xf32, #tpu.memory_space<vmem>>, vector<16xf32>,
              %select_n3A_1604 = arith.select %and3A_1585, %get3A_1603, %broadcast_in_dim3A_1393 : vector<16xf32>
              %max3A_1605 = arith.maximumf %max3A_1558, %select_n3A_1604 : vector<16xf32>
              %get3A_1606 = arith.index_cast %add3A_1582 : i32 to index
              %get3A_1607 = arith.constant 64 : index
              %get3A_1608 = tpu.vector_load %arg12[%get3A_1606, %get3A_1607] {strides = array<i32>} : memref<256x128xf32, #tpu.memory_space<vmem>>, vector<16xf32>,
              %select_n3A_1609 = arith.select %and3A_1585, %get3A_1608, %broadcast_in_dim3A_1393 : vector<16xf32>
              %max3A_1610 = arith.maximumf %max3A_1563, %select_n3A_1609 : vector<16xf32>
              %get3A_1611 = arith.index_cast %add3A_1582 : i32 to index
              %get3A_1612 = arith.constant 80 : index
              %get3A_1613 = tpu.vector_load %arg12[%get3A_1611, %get3A_1612] {strides = array<i32>} : memref<256x128xf32, #tpu.memory_space<vmem>>, vector<16xf32>,
              %select_n3A_1614 = arith.select %and3A_1585, %get3A_1613, %broadcast_in_dim3A_1393 : vector<16xf32>
              %max3A_1615 = arith.maximumf %max3A_1568, %select_n3A_1614 : vector<16xf32>
              %get3A_1616 = arith.index_cast %add3A_1582 : i32 to index
              %get3A_1617 = arith.constant 96 : index
              %get3A_1618 = tpu.vector_load %arg12[%get3A_1616, %get3A_1617] {strides = array<i32>} : memref<256x128xf32, #tpu.memory_space<vmem>>, vector<16xf32>,
              %select_n3A_1619 = arith.select %and3A_1585, %get3A_1618, %broadcast_in_dim3A_1393 : vector<16xf32>
              %max3A_1620 = arith.maximumf %max3A_1573, %select_n3A_1619 : vector<16xf32>
              %get3A_1621 = arith.index_cast %add3A_1582 : i32 to index
              %get3A_1622 = arith.constant 112 : index
              %get3A_1623 = tpu.vector_load %arg12[%get3A_1621, %get3A_1622] {strides = array<i32>} : memref<256x128xf32, #tpu.memory_space<vmem>>, vector<16xf32>,
              %select_n3A_1624 = arith.select %and3A_1585, %get3A_1623, %broadcast_in_dim3A_1393 : vector<16xf32>
              %max3A_1625 = arith.maximumf %max3A_1578, %select_n3A_1624 : vector<16xf32>
              %mul3A_1626 = arith.constant 4 : i32
              %mul3A_1627 = arith.muli %scan3A_1477, %mul3A_1626 : i32
              %add3A_1628 = arith.constant 3 : i32
              %add3A_1629 = arith.addi %mul3A_1627, %add3A_1628 : i32
              %ge3A_1630 = arith.cmpi sge, %add3A_1629, %max3A_1408 : i32
              %lt3A_1631 = arith.cmpi slt, %add3A_1629, %min3A_1418 : i32
              %and3A_1632 = arith.andi %ge3A_1630, %lt3A_1631 : i1
              %get3A_1633 = arith.index_cast %add3A_1629 : i32 to index
              %get3A_1634 = arith.constant 0 : index
              %get3A_1635 = tpu.vector_load %arg12[%get3A_1633, %get3A_1634] {strides = array<i32>} : memref<256x128xf32, #tpu.memory_space<vmem>>, vector<16xf32>,
              %select_n3A_1636 = arith.select %and3A_1632, %get3A_1635, %broadcast_in_dim3A_1393 : vector<16xf32>
              %max3A_1637 = arith.maximumf %max3A_1590, %select_n3A_1636 : vector<16xf32>
              %get3A_1638 = arith.index_cast %add3A_1629 : i32 to index
              %get3A_1639 = arith.constant 16 : index
              %get3A_1640 = tpu.vector_load %arg12[%get3A_1638, %get3A_1639] {strides = array<i32>} : memref<256x128xf32, #tpu.memory_space<vmem>>, vector<16xf32>,
              %select_n3A_1641 = arith.select %and3A_1632, %get3A_1640, %broadcast_in_dim3A_1393 : vector<16xf32>
              %max3A_1642 = arith.maximumf %max3A_1595, %select_n3A_1641 : vector<16xf32>
              %get3A_1643 = arith.index_cast %add3A_1629 : i32 to index
              %get3A_1644 = arith.constant 32 : index
              %get3A_1645 = tpu.vector_load %arg12[%get3A_1643, %get3A_1644] {strides = array<i32>} : memref<256x128xf32, #tpu.memory_space<vmem>>, vector<16xf32>,
              %select_n3A_1646 = arith.select %and3A_1632, %get3A_1645, %broadcast_in_dim3A_1393 : vector<16xf32>
              %max3A_1647 = arith.maximumf %max3A_1600, %select_n3A_1646 : vector<16xf32>
              %get3A_1648 = arith.index_cast %add3A_1629 : i32 to index
              %get3A_1649 = arith.constant 48 : index
              %get3A_1650 = tpu.vector_load %arg12[%get3A_1648, %get3A_1649] {strides = array<i32>} : memref<256x128xf32, #tpu.memory_space<vmem>>, vector<16xf32>,
              %select_n3A_1651 = arith.select %and3A_1632, %get3A_1650, %broadcast_in_dim3A_1393 : vector<16xf32>
              %max3A_1652 = arith.maximumf %max3A_1605, %select_n3A_1651 : vector<16xf32>
              %get3A_1653 = arith.index_cast %add3A_1629 : i32 to index
              %get3A_1654 = arith.constant 64 : index
              %get3A_1655 = tpu.vector_load %arg12[%get3A_1653, %get3A_1654] {strides = array<i32>} : memref<256x128xf32, #tpu.memory_space<vmem>>, vector<16xf32>,
              %select_n3A_1656 = arith.select %and3A_1632, %get3A_1655, %broadcast_in_dim3A_1393 : vector<16xf32>
              %max3A_1657 = arith.maximumf %max3A_1610, %select_n3A_1656 : vector<16xf32>
              %get3A_1658 = arith.index_cast %add3A_1629 : i32 to index
              %get3A_1659 = arith.constant 80 : index
              %get3A_1660 = tpu.vector_load %arg12[%get3A_1658, %get3A_1659] {strides = array<i32>} : memref<256x128xf32, #tpu.memory_space<vmem>>, vector<16xf32>,
              %select_n3A_1661 = arith.select %and3A_1632, %get3A_1660, %broadcast_in_dim3A_1393 : vector<16xf32>
              %max3A_1662 = arith.maximumf %max3A_1615, %select_n3A_1661 : vector<16xf32>
              %get3A_1663 = arith.index_cast %add3A_1629 : i32 to index
              %get3A_1664 = arith.constant 96 : index
              %get3A_1665 = tpu.vector_load %arg12[%get3A_1663, %get3A_1664] {strides = array<i32>} : memref<256x128xf32, #tpu.memory_space<vmem>>, vector<16xf32>,
              %select_n3A_1666 = arith.select %and3A_1632, %get3A_1665, %broadcast_in_dim3A_1393 : vector<16xf32>
              %max3A_1667 = arith.maximumf %max3A_1620, %select_n3A_1666 : vector<16xf32>
              %get3A_1668 = arith.index_cast %add3A_1629 : i32 to index
              %get3A_1669 = arith.constant 112 : index
              %get3A_1670 = tpu.vector_load %arg12[%get3A_1668, %get3A_1669] {strides = array<i32>} : memref<256x128xf32, #tpu.memory_space<vmem>>, vector<16xf32>,
              %select_n3A_1671 = arith.select %and3A_1632, %get3A_1670, %broadcast_in_dim3A_1393 : vector<16xf32>
              %max3A_1672 = arith.maximumf %max3A_1625, %select_n3A_1671 : vector<16xf32>
              scf.yield %max3A_1637, %max3A_1642, %max3A_1647, %max3A_1652, %max3A_1657, %max3A_1662, %max3A_1667, %max3A_1672 : vector<16xf32>, vector<16xf32>, vector<16xf32>, vector<16xf32>, vector<16xf32>, vector<16xf32>, vector<16xf32>, vector<16xf32>
            }
            %scan3A_1452 = arith.constant 64 : i32
            %swap3A_1453 = arith.index_cast %scan3A_1400 : i32 to index
            %swap3A_1454 = arith.constant 0 : index
            %swap3A_1455 = tpu.vector_load %arg13[%swap3A_1453, %swap3A_1454] {strides = array<i32>} : memref<4x128xf32, #tpu.memory_space<vmem>>, vector<16xf32>,
            tpu.vector_store %arg13[%swap3A_1453, %swap3A_1454], %scan3A_1451#0 {strides = array<i32>} : memref<4x128xf32, #tpu.memory_space<vmem>>, vector<16xf32>,
            %swap3A_1456 = arith.index_cast %scan3A_1400 : i32 to index
            %swap3A_1457 = arith.constant 16 : index
            %swap3A_1458 = tpu.vector_load %arg13[%swap3A_1456, %swap3A_1457] {strides = array<i32>} : memref<4x128xf32, #tpu.memory_space<vmem>>, vector<16xf32>,
            tpu.vector_store %arg13[%swap3A_1456, %swap3A_1457], %scan3A_1451#1 {strides = array<i32>} : memref<4x128xf32, #tpu.memory_space<vmem>>, vector<16xf32>,
            %swap3A_1459 = arith.index_cast %scan3A_1400 : i32 to index
            %swap3A_1460 = arith.constant 32 : index
            %swap3A_1461 = tpu.vector_load %arg13[%swap3A_1459, %swap3A_1460] {strides = array<i32>} : memref<4x128xf32, #tpu.memory_space<vmem>>, vector<16xf32>,
            tpu.vector_store %arg13[%swap3A_1459, %swap3A_1460], %scan3A_1451#2 {strides = array<i32>} : memref<4x128xf32, #tpu.memory_space<vmem>>, vector<16xf32>,
            %swap3A_1462 = arith.index_cast %scan3A_1400 : i32 to index
            %swap3A_1463 = arith.constant 48 : index
            %swap3A_1464 = tpu.vector_load %arg13[%swap3A_1462, %swap3A_1463] {strides = array<i32>} : memref<4x128xf32, #tpu.memory_space<vmem>>, vector<16xf32>,
            tpu.vector_store %arg13[%swap3A_1462, %swap3A_1463], %scan3A_1451#3 {strides = array<i32>} : memref<4x128xf32, #tpu.memory_space<vmem>>, vector<16xf32>,
            %swap3A_1465 = arith.index_cast %scan3A_1400 : i32 to index
            %swap3A_1466 = arith.constant 64 : index
            %swap3A_1467 = tpu.vector_load %arg13[%swap3A_1465, %swap3A_1466] {strides = array<i32>} : memref<4x128xf32, #tpu.memory_space<vmem>>, vector<16xf32>,
            tpu.vector_store %arg13[%swap3A_1465, %swap3A_1466], %scan3A_1451#4 {strides = array<i32>} : memref<4x128xf32, #tpu.memory_space<vmem>>, vector<16xf32>,
            %swap3A_1468 = arith.index_cast %scan3A_1400 : i32 to index
            %swap3A_1469 = arith.constant 80 : index
            %swap3A_1470 = tpu.vector_load %arg13[%swap3A_1468, %swap3A_1469] {strides = array<i32>} : memref<4x128xf32, #tpu.memory_space<vmem>>, vector<16xf32>,
            tpu.vector_store %arg13[%swap3A_1468, %swap3A_1469], %scan3A_1451#5 {strides = array<i32>} : memref<4x128xf32, #tpu.memory_space<vmem>>, vector<16xf32>,
            %swap3A_1471 = arith.index_cast %scan3A_1400 : i32 to index
            %swap3A_1472 = arith.constant 96 : index
            %swap3A_1473 = tpu.vector_load %arg13[%swap3A_1471, %swap3A_1472] {strides = array<i32>} : memref<4x128xf32, #tpu.memory_space<vmem>>, vector<16xf32>,
            tpu.vector_store %arg13[%swap3A_1471, %swap3A_1472], %scan3A_1451#6 {strides = array<i32>} : memref<4x128xf32, #tpu.memory_space<vmem>>, vector<16xf32>,
            %swap3A_1474 = arith.index_cast %scan3A_1400 : i32 to index
            %swap3A_1475 = arith.constant 112 : index
            %swap3A_1476 = tpu.vector_load %arg13[%swap3A_1474, %swap3A_1475] {strides = array<i32>} : memref<4x128xf32, #tpu.memory_space<vmem>>, vector<16xf32>,
            tpu.vector_store %arg13[%swap3A_1474, %swap3A_1475], %scan3A_1451#7 {strides = array<i32>} : memref<4x128xf32, #tpu.memory_space<vmem>>, vector<16xf32>,
          } else {
          }
        }
        %scan3A_1399 = arith.constant 4 : i32
      } else {
      }
    }
    %add3A_1336 = arith.constant 0 : i32
    %add3A_1337 = arith.addi %mul3A_1038, %add3A_1336 : i32
    %run_scoped3A = arith.constant 0 : i32
    "tpu.region"() ({
      %run_scoped3A_1347 = tpu.sem_alloc : memref<!tpu.dma_semaphore, #tpu.memory_space<semaphore_mem>>
      %dma_start3A = arith.constant 0 : i32
      %dma_start3A_1348 = tpu.memref_slice %arg13[%run_scoped3A, %dma_start3A] : memref<4x128xf32, #tpu.memory_space<vmem>> -> memref<1x128xf32, #tpu.memory_space<vmem>>
      %dma_start3A_1349 = tpu.memref_squeeze %dma_start3A_1348 : memref<1x128xf32, #tpu.memory_space<vmem>> -> memref<128xf32, #tpu.memory_space<vmem>>
      %dma_start3A_1350 = arith.constant 0 : i32
      %dma_start3A_1351 = tpu.memref_slice %arg4[%add3A_1337, %dma_start3A_1350] : memref<128x128xf32, #tpu.memory_space<hbm>> -> memref<1x128xf32, #tpu.memory_space<hbm>>
      %dma_start3A_1352 = tpu.memref_squeeze %dma_start3A_1351 : memref<1x128xf32, #tpu.memory_space<hbm>> -> memref<128xf32, #tpu.memory_space<hbm>>
      %dma_start3A_1353 = arith.constant 0 : i32
      %dma_start3A_1354 = tpu.memref_slice %arg4[%add3A_1337, %dma_start3A_1353] : memref<128x128xf32, #tpu.memory_space<hbm>> -> memref<1x128xf32, #tpu.memory_space<hbm>>
      %dma_start3A_1355 = tpu.memref_squeeze %dma_start3A_1354 : memref<1x128xf32, #tpu.memory_space<hbm>> -> memref<128xf32, #tpu.memory_space<hbm>>
      %dma_start3A_1356 = arith.constant 0 : i32
      %dma_start3A_1357 = tpu.memref_slice %arg13[%run_scoped3A, %dma_start3A_1356] : memref<4x128xf32, #tpu.memory_space<vmem>> -> memref<1x128xf32, #tpu.memory_space<vmem>>
      %dma_start3A_1358 = tpu.memref_squeeze %dma_start3A_1357 : memref<1x128xf32, #tpu.memory_space<vmem>> -> memref<128xf32, #tpu.memory_space<vmem>>
      tpu.enqueue_dma source(%dma_start3A_1358 : memref<128xf32, #tpu.memory_space<vmem>>) target(%dma_start3A_1355 : memref<128xf32, #tpu.memory_space<hbm>>) target_semaphore(%run_scoped3A_1347 : memref<!tpu.dma_semaphore, #tpu.memory_space<semaphore_mem>>)
      %dma_wait3A = arith.constant 0 : i32
      %dma_wait3A_1359 = tpu.memref_slice %arg13[%run_scoped3A, %dma_wait3A] : memref<4x128xf32, #tpu.memory_space<vmem>> -> memref<1x128xf32, #tpu.memory_space<vmem>>
      %dma_wait3A_1360 = tpu.memref_squeeze %dma_wait3A_1359 : memref<1x128xf32, #tpu.memory_space<vmem>> -> memref<128xf32, #tpu.memory_space<vmem>>
      %dma_wait3A_1361 = arith.constant 0 : i32
      %dma_wait3A_1362 = tpu.memref_slice %arg4[%add3A_1337, %dma_wait3A_1361] : memref<128x128xf32, #tpu.memory_space<hbm>> -> memref<1x128xf32, #tpu.memory_space<hbm>>
      %dma_wait3A_1363 = tpu.memref_squeeze %dma_wait3A_1362 : memref<1x128xf32, #tpu.memory_space<hbm>> -> memref<128xf32, #tpu.memory_space<hbm>>
      %dma_wait3A_1364 = arith.constant 0 : i32
      %dma_wait3A_1365 = tpu.memref_slice %arg4[%add3A_1337, %dma_wait3A_1364] : memref<128x128xf32, #tpu.memory_space<hbm>> -> memref<1x128xf32, #tpu.memory_space<hbm>>
      %dma_wait3A_1366 = tpu.memref_squeeze %dma_wait3A_1365 : memref<1x128xf32, #tpu.memory_space<hbm>> -> memref<128xf32, #tpu.memory_space<hbm>>
      %dma_wait3A_1367 = arith.constant 0 : i32
      %dma_wait3A_1368 = tpu.memref_slice %arg13[%run_scoped3A, %dma_wait3A_1367] : memref<4x128xf32, #tpu.memory_space<vmem>> -> memref<1x128xf32, #tpu.memory_space<vmem>>
      %dma_wait3A_1369 = tpu.memref_squeeze %dma_wait3A_1368 : memref<1x128xf32, #tpu.memory_space<vmem>> -> memref<128xf32, #tpu.memory_space<vmem>>
      tpu.wait_dma2 semaphore(%run_scoped3A_1347 : memref<!tpu.dma_semaphore, #tpu.memory_space<semaphore_mem>>) src(%dma_wait3A_1369 : memref<128xf32, #tpu.memory_space<vmem>>) dst(%dma_wait3A_1366 : memref<128xf32, #tpu.memory_space<hbm>>)
      tpu.yield
    }) : () -> ()
    %add3A_1338 = arith.constant 1 : i32
    %add3A_1339 = arith.addi %mul3A_1038, %add3A_1338 : i32
    %run_scoped3A_1340 = arith.constant 1 : i32
    "tpu.region"() ({
      %run_scoped3A_1347 = tpu.sem_alloc : memref<!tpu.dma_semaphore, #tpu.memory_space<semaphore_mem>>
      %dma_start3A = arith.constant 0 : i32
      %dma_start3A_1348 = tpu.memref_slice %arg13[%run_scoped3A_1340, %dma_start3A] : memref<4x128xf32, #tpu.memory_space<vmem>> -> memref<1x128xf32, #tpu.memory_space<vmem>>
      %dma_start3A_1349 = tpu.memref_squeeze %dma_start3A_1348 : memref<1x128xf32, #tpu.memory_space<vmem>> -> memref<128xf32, #tpu.memory_space<vmem>>
      %dma_start3A_1350 = arith.constant 0 : i32
      %dma_start3A_1351 = tpu.memref_slice %arg4[%add3A_1339, %dma_start3A_1350] : memref<128x128xf32, #tpu.memory_space<hbm>> -> memref<1x128xf32, #tpu.memory_space<hbm>>
      %dma_start3A_1352 = tpu.memref_squeeze %dma_start3A_1351 : memref<1x128xf32, #tpu.memory_space<hbm>> -> memref<128xf32, #tpu.memory_space<hbm>>
      %dma_start3A_1353 = arith.constant 0 : i32
      %dma_start3A_1354 = tpu.memref_slice %arg4[%add3A_1339, %dma_start3A_1353] : memref<128x128xf32, #tpu.memory_space<hbm>> -> memref<1x128xf32, #tpu.memory_space<hbm>>
      %dma_start3A_1355 = tpu.memref_squeeze %dma_start3A_1354 : memref<1x128xf32, #tpu.memory_space<hbm>> -> memref<128xf32, #tpu.memory_space<hbm>>
      %dma_start3A_1356 = arith.constant 0 : i32
      %dma_start3A_1357 = tpu.memref_slice %arg13[%run_scoped3A_1340, %dma_start3A_1356] : memref<4x128xf32, #tpu.memory_space<vmem>> -> memref<1x128xf32, #tpu.memory_space<vmem>>
      %dma_start3A_1358 = tpu.memref_squeeze %dma_start3A_1357 : memref<1x128xf32, #tpu.memory_space<vmem>> -> memref<128xf32, #tpu.memory_space<vmem>>
      tpu.enqueue_dma source(%dma_start3A_1358 : memref<128xf32, #tpu.memory_space<vmem>>) target(%dma_start3A_1355 : memref<128xf32, #tpu.memory_space<hbm>>) target_semaphore(%run_scoped3A_1347 : memref<!tpu.dma_semaphore, #tpu.memory_space<semaphore_mem>>)
      %dma_wait3A = arith.constant 0 : i32
      %dma_wait3A_1359 = tpu.memref_slice %arg13[%run_scoped3A_1340, %dma_wait3A] : memref<4x128xf32, #tpu.memory_space<vmem>> -> memref<1x128xf32, #tpu.memory_space<vmem>>
      %dma_wait3A_1360 = tpu.memref_squeeze %dma_wait3A_1359 : memref<1x128xf32, #tpu.memory_space<vmem>> -> memref<128xf32, #tpu.memory_space<vmem>>
      %dma_wait3A_1361 = arith.constant 0 : i32
      %dma_wait3A_1362 = tpu.memref_slice %arg4[%add3A_1339, %dma_wait3A_1361] : memref<128x128xf32, #tpu.memory_space<hbm>> -> memref<1x128xf32, #tpu.memory_space<hbm>>
      %dma_wait3A_1363 = tpu.memref_squeeze %dma_wait3A_1362 : memref<1x128xf32, #tpu.memory_space<hbm>> -> memref<128xf32, #tpu.memory_space<hbm>>
      %dma_wait3A_1364 = arith.constant 0 : i32
      %dma_wait3A_1365 = tpu.memref_slice %arg4[%add3A_1339, %dma_wait3A_1364] : memref<128x128xf32, #tpu.memory_space<hbm>> -> memref<1x128xf32, #tpu.memory_space<hbm>>
      %dma_wait3A_1366 = tpu.memref_squeeze %dma_wait3A_1365 : memref<1x128xf32, #tpu.memory_space<hbm>> -> memref<128xf32, #tpu.memory_space<hbm>>
      %dma_wait3A_1367 = arith.constant 0 : i32
      %dma_wait3A_1368 = tpu.memref_slice %arg13[%run_scoped3A_1340, %dma_wait3A_1367] : memref<4x128xf32, #tpu.memory_space<vmem>> -> memref<1x128xf32, #tpu.memory_space<vmem>>
      %dma_wait3A_1369 = tpu.memref_squeeze %dma_wait3A_1368 : memref<1x128xf32, #tpu.memory_space<vmem>> -> memref<128xf32, #tpu.memory_space<vmem>>
      tpu.wait_dma2 semaphore(%run_scoped3A_1347 : memref<!tpu.dma_semaphore, #tpu.memory_space<semaphore_mem>>) src(%dma_wait3A_1369 : memref<128xf32, #tpu.memory_space<vmem>>) dst(%dma_wait3A_1366 : memref<128xf32, #tpu.memory_space<hbm>>)
      tpu.yield
    }) : () -> ()
    %add3A_1341 = arith.constant 2 : i32
    %add3A_1342 = arith.addi %mul3A_1038, %add3A_1341 : i32
    %run_scoped3A_1343 = arith.constant 2 : i32
    "tpu.region"() ({
      %run_scoped3A_1347 = tpu.sem_alloc : memref<!tpu.dma_semaphore, #tpu.memory_space<semaphore_mem>>
      %dma_start3A = arith.constant 0 : i32
      %dma_start3A_1348 = tpu.memref_slice %arg13[%run_scoped3A_1343, %dma_start3A] : memref<4x128xf32, #tpu.memory_space<vmem>> -> memref<1x128xf32, #tpu.memory_space<vmem>>
      %dma_start3A_1349 = tpu.memref_squeeze %dma_start3A_1348 : memref<1x128xf32, #tpu.memory_space<vmem>> -> memref<128xf32, #tpu.memory_space<vmem>>
      %dma_start3A_1350 = arith.constant 0 : i32
      %dma_start3A_1351 = tpu.memref_slice %arg4[%add3A_1342, %dma_start3A_1350] : memref<128x128xf32, #tpu.memory_space<hbm>> -> memref<1x128xf32, #tpu.memory_space<hbm>>
      %dma_start3A_1352 = tpu.memref_squeeze %dma_start3A_1351 : memref<1x128xf32, #tpu.memory_space<hbm>> -> memref<128xf32, #tpu.memory_space<hbm>>
      %dma_start3A_1353 = arith.constant 0 : i32
      %dma_start3A_1354 = tpu.memref_slice %arg4[%add3A_1342, %dma_start3A_1353] : memref<128x128xf32, #tpu.memory_space<hbm>> -> memref<1x128xf32, #tpu.memory_space<hbm>>
      %dma_start3A_1355 = tpu.memref_squeeze %dma_start3A_1354 : memref<1x128xf32, #tpu.memory_space<hbm>> -> memref<128xf32, #tpu.memory_space<hbm>>
      %dma_start3A_1356 = arith.constant 0 : i32
      %dma_start3A_1357 = tpu.memref_slice %arg13[%run_scoped3A_1343, %dma_start3A_1356] : memref<4x128xf32, #tpu.memory_space<vmem>> -> memref<1x128xf32, #tpu.memory_space<vmem>>
      %dma_start3A_1358 = tpu.memref_squeeze %dma_start3A_1357 : memref<1x128xf32, #tpu.memory_space<vmem>> -> memref<128xf32, #tpu.memory_space<vmem>>
      tpu.enqueue_dma source(%dma_start3A_1358 : memref<128xf32, #tpu.memory_space<vmem>>) target(%dma_start3A_1355 : memref<128xf32, #tpu.memory_space<hbm>>) target_semaphore(%run_scoped3A_1347 : memref<!tpu.dma_semaphore, #tpu.memory_space<semaphore_mem>>)
      %dma_wait3A = arith.constant 0 : i32
      %dma_wait3A_1359 = tpu.memref_slice %arg13[%run_scoped3A_1343, %dma_wait3A] : memref<4x128xf32, #tpu.memory_space<vmem>> -> memref<1x128xf32, #tpu.memory_space<vmem>>
      %dma_wait3A_1360 = tpu.memref_squeeze %dma_wait3A_1359 : memref<1x128xf32, #tpu.memory_space<vmem>> -> memref<128xf32, #tpu.memory_space<vmem>>
      %dma_wait3A_1361 = arith.constant 0 : i32
      %dma_wait3A_1362 = tpu.memref_slice %arg4[%add3A_1342, %dma_wait3A_1361] : memref<128x128xf32, #tpu.memory_space<hbm>> -> memref<1x128xf32, #tpu.memory_space<hbm>>
      %dma_wait3A_1363 = tpu.memref_squeeze %dma_wait3A_1362 : memref<1x128xf32, #tpu.memory_space<hbm>> -> memref<128xf32, #tpu.memory_space<hbm>>
      %dma_wait3A_1364 = arith.constant 0 : i32
      %dma_wait3A_1365 = tpu.memref_slice %arg4[%add3A_1342, %dma_wait3A_1364] : memref<128x128xf32, #tpu.memory_space<hbm>> -> memref<1x128xf32, #tpu.memory_space<hbm>>
      %dma_wait3A_1366 = tpu.memref_squeeze %dma_wait3A_1365 : memref<1x128xf32, #tpu.memory_space<hbm>> -> memref<128xf32, #tpu.memory_space<hbm>>
      %dma_wait3A_1367 = arith.constant 0 : i32
      %dma_wait3A_1368 = tpu.memref_slice %arg13[%run_scoped3A_1343, %dma_wait3A_1367] : memref<4x128xf32, #tpu.memory_space<vmem>> -> memref<1x128xf32, #tpu.memory_space<vmem>>
      %dma_wait3A_1369 = tpu.memref_squeeze %dma_wait3A_1368 : memref<1x128xf32, #tpu.memory_space<vmem>> -> memref<128xf32, #tpu.memory_space<vmem>>
      tpu.wait_dma2 semaphore(%run_scoped3A_1347 : memref<!tpu.dma_semaphore, #tpu.memory_space<semaphore_mem>>) src(%dma_wait3A_1369 : memref<128xf32, #tpu.memory_space<vmem>>) dst(%dma_wait3A_1366 : memref<128xf32, #tpu.memory_space<hbm>>)
      tpu.yield
    }) : () -> ()
    %add3A_1344 = arith.constant 3 : i32
    %add3A_1345 = arith.addi %mul3A_1038, %add3A_1344 : i32
    %run_scoped3A_1346 = arith.constant 3 : i32
    "tpu.region"() ({
      %run_scoped3A_1347 = tpu.sem_alloc : memref<!tpu.dma_semaphore, #tpu.memory_space<semaphore_mem>>
      %dma_start3A = arith.constant 0 : i32
      %dma_start3A_1348 = tpu.memref_slice %arg13[%run_scoped3A_1346, %dma_start3A] : memref<4x128xf32, #tpu.memory_space<vmem>> -> memref<1x128xf32, #tpu.memory_space<vmem>>
      %dma_start3A_1349 = tpu.memref_squeeze %dma_start3A_1348 : memref<1x128xf32, #tpu.memory_space<vmem>> -> memref<128xf32, #tpu.memory_space<vmem>>
      %dma_start3A_1350 = arith.constant 0 : i32
      %dma_start3A_1351 = tpu.memref_slice %arg4[%add3A_1345, %dma_start3A_1350] : memref<128x128xf32, #tpu.memory_space<hbm>> -> memref<1x128xf32, #tpu.memory_space<hbm>>
      %dma_start3A_1352 = tpu.memref_squeeze %dma_start3A_1351 : memref<1x128xf32, #tpu.memory_space<hbm>> -> memref<128xf32, #tpu.memory_space<hbm>>
      %dma_start3A_1353 = arith.constant 0 : i32
      %dma_start3A_1354 = tpu.memref_slice %arg4[%add3A_1345, %dma_start3A_1353] : memref<128x128xf32, #tpu.memory_space<hbm>> -> memref<1x128xf32, #tpu.memory_space<hbm>>
      %dma_start3A_1355 = tpu.memref_squeeze %dma_start3A_1354 : memref<1x128xf32, #tpu.memory_space<hbm>> -> memref<128xf32, #tpu.memory_space<hbm>>
      %dma_start3A_1356 = arith.constant 0 : i32
      %dma_start3A_1357 = tpu.memref_slice %arg13[%run_scoped3A_1346, %dma_start3A_1356] : memref<4x128xf32, #tpu.memory_space<vmem>> -> memref<1x128xf32, #tpu.memory_space<vmem>>
      %dma_start3A_1358 = tpu.memref_squeeze %dma_start3A_1357 : memref<1x128xf32, #tpu.memory_space<vmem>> -> memref<128xf32, #tpu.memory_space<vmem>>
      tpu.enqueue_dma source(%dma_start3A_1358 : memref<128xf32, #tpu.memory_space<vmem>>) target(%dma_start3A_1355 : memref<128xf32, #tpu.memory_space<hbm>>) target_semaphore(%run_scoped3A_1347 : memref<!tpu.dma_semaphore, #tpu.memory_space<semaphore_mem>>)
      %dma_wait3A = arith.constant 0 : i32
      %dma_wait3A_1359 = tpu.memref_slice %arg13[%run_scoped3A_1346, %dma_wait3A] : memref<4x128xf32, #tpu.memory_space<vmem>> -> memref<1x128xf32, #tpu.memory_space<vmem>>
      %dma_wait3A_1360 = tpu.memref_squeeze %dma_wait3A_1359 : memref<1x128xf32, #tpu.memory_space<vmem>> -> memref<128xf32, #tpu.memory_space<vmem>>
      %dma_wait3A_1361 = arith.constant 0 : i32
      %dma_wait3A_1362 = tpu.memref_slice %arg4[%add3A_1345, %dma_wait3A_1361] : memref<128x128xf32, #tpu.memory_space<hbm>> -> memref<1x128xf32, #tpu.memory_space<hbm>>
      %dma_wait3A_1363 = tpu.memref_squeeze %dma_wait3A_1362 : memref<1x128xf32, #tpu.memory_space<hbm>> -> memref<128xf32, #tpu.memory_space<hbm>>
      %dma_wait3A_1364 = arith.constant 0 : i32
      %dma_wait3A_1365 = tpu.memref_slice %arg4[%add3A_1345, %dma_wait3A_1364] : memref<128x128xf32, #tpu.memory_space<hbm>> -> memref<1x128xf32, #tpu.memory_space<hbm>>
      %dma_wait3A_1366 = tpu.memref_squeeze %dma_wait3A_1365 : memref<1x128xf32, #tpu.memory_space<hbm>> -> memref<128xf32, #tpu.memory_space<hbm>>
      %dma_wait3A_1367 = arith.constant 0 : i32
      %dma_wait3A_1368 = tpu.memref_slice %arg13[%run_scoped3A_1346, %dma_wait3A_1367] : memref<4x128xf32, #tpu.memory_space<vmem>> -> memref<1x128xf32, #tpu.memory_space<vmem>>
      %dma_wait3A_1369 = tpu.memref_squeeze %dma_wait3A_1368 : memref<1x128xf32, #tpu.memory_space<vmem>> -> memref<128xf32, #tpu.memory_space<vmem>>
      tpu.wait_dma2 semaphore(%run_scoped3A_1347 : memref<!tpu.dma_semaphore, #tpu.memory_space<semaphore_mem>>) src(%dma_wait3A_1369 : memref<128xf32, #tpu.memory_space<vmem>>) dst(%dma_wait3A_1366 : memref<128xf32, #tpu.memory_space<hbm>>)
      tpu.yield
    }) : () -> ()
    return
  }
}

</mosaic_0001>

<sc_bundles>
// kernel: kernel.3.cloned.1.call-start
scs
__scs_entry_jumppad:
0x0: {  	(pc) =	sbr.rel $0x88, $3  }
0x1: {  	(tag) =	ssettag $0x0;
	lr =	simm.s32 $0x1  }
0x2: {  	[smem:$0x3F9F] =	sst lr;
	_ =	strace $0xD0000000  }
0x3: {  	_ = 	snop  }
0x4: {  	_ = 	snop  }
0x5: {  	_ = 	snop  }
0x6: {  	_ = 	snop  }
0x7: {  	_ = 	snop  }
__scs_overlays_trampoline_lowered:
0x8: {  	[smem:$0x3FAE] =	sst s0  }
0x9: {  	[smem:$0x3FAF] =	sst s1  }
0xa: {  	[smem:$0x3FB0] =	sst s2  }
0xb: {  	[smem:$0x3FB1] =	sst s3  }
0xc: {  	[smem:$0x3FB2] =	sst s4  }
0xd: {  	[smem:$0x3FB3] =	sst s5  }
0xe: {  	[smem:$0x3FB4] =	sst s6  }
0xf: {  	[smem:$0x3FB5] =	sst s7  }
0x10: {  	[smem:$0x3FB6] =	sst s8  }
0x11: {  	[smem:$0x3FB7] =	sst s9;
	s0 =	simm.s32 @!p0 $0x0  }
0x12: {  	s1 =	sld [smem:$0x3F9D];
	s0 =	simm.s32 @p0 $0x1  }
0x13: {  	[smem:$0x3FB8] =	sst s0;
	s0 =	simm.s32 @!p1 $0x0  }
0x14: {  	s2 =	sld [smem:$0x3F9C];
	s0 =	simm.s32 @p1 $0x1  }
0x15: {  	[smem:$0x3FB9] =	sst s0;
	s0 =	simm.s32 @!p2 $0x0  }
0x16: {  	s3 =	sld [smem:$0x3FDB];
	s0 =	simm.s32 @p2 $0x1  }
0x17: {  	s4 =	simm.s32 $0x1BF5;
	[smem:$0x3FBB] =	sst s0  }
0x18: {  	s0 =	sld [smem:$0x3F9E];
	_ =	swait.ge [sflag:s4], $0x0  }
0x19: {  	s7 =	sld [smem:$0x3F9F]  }
0x1a: {  	s8 =	sadd.s32 $0xFFFFE003, lr  }
0x1b: {  	s9 =	sadd.s32 $0xFFFFFEF7, lr;
	s5 =	simm.s32 $0xFFFFFFFF;
	p2 =	slt.u32 s8, $0xFFFFF086  }
0x1c: {  	p1 =	slt.u32 s9, $0xF7A;
	s5 =	simm.s32 @!p2 $0x0  }
0x1d: {  	s5 =	simm.s32 @p1 $0x1;
	p0 =	seq.s32 s7, s2  }
0x1e: {  	s7 =	smul.u32 @!p0 $0xF7A, s2;
	p2 =	seq.s32 @!p0 s5, $0x0  }
0x1f: {  	s9 =	smul.u32 $0xF7A, s1;
	s8 =	simm.s32 @!p0 $0x1BF5;
	p2 =	por !p2, p0  }
0x20: {  	[sflag:s8] =	ssyncset.s32 @!p0 $0xFFFFF086;
	s6 =	sadd.s32 @!p0 s3, s7;
	s7 =	simm.s32 @!p0 $0x108  }
0x21: {  	s3 =	sadd.s32 s3, s9;
	s6 =	sadd.s32 @!p0 $0x88, s6;
	s7 =	simm.s32 @p2 $0x1082  }
0x22: {  	[simem:s7], [sflag:s8] =	dma.local @!p0 [hbm:s6], $0xF7A  }
0x23: {  	s9 =	sor.u32 $0xD0000000, s2;
	s6 =	simm.s32 $0x108;
	_ =	swait.ge @!p0 [sflag:s8], $0x0  }
0x24: {  	s3 =	sadd.s32 $0x88, s3;
	s6 =	simm.s32 @!p1 $0x1082;
	[sflag:s4] =	ssyncset.s32 $0xFFFFF086  }
0x25: {  	[simem:s6], [sflag:s4] =	dma.local [hbm:s3], $0xF7A  }
0x26: {  	[smem:$0x3F9F] =	sst s1;
	(tag) =	ssettag s2;
	_ =	strace s9  }
0x27: {  	s1 =	sld [smem:$0x3FAF]  }
0x28: {  	s2 =	sld [smem:$0x3FB0]  }
0x29: {  	s4 =	sld [smem:$0x3FB2]  }
0x2a: {  	p0 =	seq.s32 s5, $0x0;
	s5 =	sld [smem:$0x3FB3]  }
0x2b: {  	s6 =	sld [smem:$0x3FB4]  }
0x2c: {  	s7 =	sld [smem:$0x3FB5]  }
0x2d: {  	s3 =	simm.s32 $0x108;
	s8 =	sld [smem:$0x3FB6]  }
0x2e: {  	s3 =	simm.s32 @!p0 $0x1082;
	s9 =	sld [smem:$0x3FB7]  }
0x2f: {  	lr =	sadd.s32 s0, s3;
	s0 =	sld [smem:$0x3FAE]  }
0x30: {  	s3 =	sld [smem:$0x3FB1]  }
0x31: {  	[smem:$0x3FBA] =	sst s10  }
0x32: {  	s10 =	sld [smem:$0x3FB8];
	_ =	sdelay $0x3  }
0x33: {  	p0 =	seq.s32 s10, $0x1;
	s10 =	sld [smem:$0x3FBA];
	_ =	sdelay $0x3  }
0x34: {  	[smem:$0x3FBA] =	sst s10  }
0x35: {  	s10 =	sld [smem:$0x3FB9];
	_ =	sdelay $0x3  }
0x36: {  	p1 =	seq.s32 s10, $0x1;
	s10 =	sld [smem:$0x3FBA];
	_ =	sdelay $0x3  }
0x37: {  	[smem:$0x3FBA] =	sst s10  }
0x38: {  	s10 =	sld [smem:$0x3FBB]  }
0x39: {  	_ = 	snop;
	(pc) =	sbr.ind lr, $3  }
0x3a: {  	_ = 	snop  }
0x3b: {  	_ = 	snop  }
0x3c: {  	p2 =	seq.s32 s10, $0x1;
	s10 =	sld [smem:$0x3FBA]  }
0x3d: {  	_ =	shalt  }
0x3e: {  	_ =	shalt  }
0x3f: {  	_ =	shalt  }
0x40: {  	_ =	shalt  }
0x41: {  	_ =	shalt  }
0x42: {  	_ =	shalt  }
0x43: {  	_ =	shalt  }
0x44: {  	_ =	shalt  }
0x45: {  	_ =	shalt  }
0x46: {  	_ =	shalt  }
0x47: {  	_ =	shalt  }
0x48: {  	_ =	shalt  }
0x49: {  	_ =	shalt  }
0x4a: {  	_ =	shalt  }
0x4b: {  	_ =	shalt  }
0x4c: {  	_ =	shalt  }
0x4d: {  	_ =	shalt  }
0x4e: {  	_ =	shalt  }
0x4f: {  	_ =	shalt  }
0x50: {  	_ =	shalt  }
0x51: {  	_ =	shalt  }
0x52: {  	_ =	shalt  }
0x53: {  	_ =	shalt  }
0x54: {  	_ =	shalt  }
0x55: {  	_ =	shalt  }
0x56: {  	_ =	shalt  }
0x57: {  	_ =	shalt  }
0x58: {  	_ =	shalt  }
0x59: {  	_ =	shalt  }
0x5a: {  	_ =	shalt  }
0x5b: {  	_ =	shalt  }
0x5c: {  	_ =	shalt  }
0x5d: {  	_ =	shalt  }
0x5e: {  	_ =	shalt  }
0x5f: {  	_ =	shalt  }
0x60: {  	_ =	shalt  }
0x61: {  	_ =	shalt  }
0x62: {  	_ =	shalt  }
0x63: {  	_ =	shalt  }
0x64: {  	_ =	shalt  }
0x65: {  	_ =	shalt  }
0x66: {  	_ =	shalt  }
0x67: {  	_ =	shalt  }
0x68: {  	_ =	shalt  }
0x69: {  	_ =	shalt  }
0x6a: {  	_ =	shalt  }
0x6b: {  	_ =	shalt  }
0x6c: {  	_ =	shalt  }
0x6d: {  	_ =	shalt  }
0x6e: {  	_ =	shalt  }
0x6f: {  	_ =	shalt  }
0x70: {  	_ =	shalt  }
0x71: {  	_ =	shalt  }
0x72: {  	_ =	shalt  }
0x73: {  	_ =	shalt  }
0x74: {  	_ =	shalt  }
0x75: {  	_ =	shalt  }
0x76: {  	_ =	shalt  }
0x77: {  	_ =	shalt  }
0x78: {  	_ =	shalt  }
0x79: {  	_ =	shalt  }
0x7a: {  	_ =	shalt  }
0x7b: {  	_ =	shalt  }
0x7c: {  	_ =	shalt  }
0x7d: {  	_ =	shalt  }
0x7e: {  	_ =	shalt  }
0x7f: {  	_ =	shalt  }
0x80: {  	_ =	shalt  }
0x81: {  	_ =	shalt  }
0x82: {  	_ =	shalt  }
0x83: {  	_ =	shalt  }
0x84: {  	_ =	shalt  }
0x85: {  	_ =	shalt  }
0x86: {  	_ =	shalt  }
0x87: {  	_ =	shalt  }
.Lfunc_end0:
.L_simem_size_0:
called_computation_lowered:
.L_overlay_start_0:
0x88: {  	s2 =	sld [smem:$0x3FD9]  }
0x89: {  	s3 =	sld [smem:$0x3FFE];
	_ =	sdelay $0x1  }
0x8a: {  	s1 =	srdreg.scid  }
0x8b: {  	s0 =	sand.u32 $0x1, s1  }
0x8c: {  	s18 =	sshll.u32 s0, $0xA;
	s2 =	sadd.s32 s3, s2  }
0x8d: {  	s2 =	sadd.s32 s2, s18  }
0x8e: {  	[smem:$0x3FC6] =	sst s2  }
0x8f: {  	_ = 	snop  }
0x90: {  	s2 =	sld [smem:$0x3FC9]  }
0x91: {  	s19 =	sld [smem:$0x3FC8]  }
0x92: {  	s4 =	sld [smem:$0x3FD0];
	(tm) =	ssettm $0x1  }
0x93: {  	s5 =	sld [smem:$0x3FFB];
	_ =	sdelay $0x3  }
0x94: {  	_ =	strace s5  }
0x95: {  	s5 =	sld [smem:$0x3FFC];
	_ =	sdelay $0x3  }
0x96: {  	_ =	strace s5  }
0x97: {  	s5 =	sld [smem:$0x3FFD];
	_ =	sdelay $0x3  }
0x98: {  	_ =	strace s5  }
0x99: {  	_ =	strace $0x8FFFFFFF  }
0x9a: {  	s20 =	sld [smem:$0x3FDB];
	_ =	sdelay $0x1  }
0x9b: {  	s6 =	simm.s32 $_scs_section_size  }
0x9c: {  	s7 =	simm.s32 $_size__tile_overlayer_lowered;
	s8 =	simm.s32 $_tile_overlayer_lowered  }
0x9d: {  	s23 =	simm.s32 $0x1BFF;
	s22 =	sshll.u32 s8, $0x1;
	s5 =	sadd.s32 s6, s20  }
0x9e: {  	s9 =	simm.s32 $0x0;
	s21 =	sshll.u32 s7, $0x1;
	s7 =	sadd.s32 s22, s5  }
0x9f: {  	[timem:s9], [sflag:s23] =	dma.local [hbm:s7], s21  }
0xa0: {  	_ =	swait.ge [sflag:s23], s21  }
0xa1: {  	s6 =	ssub.s32 $0x0, s21;
	[sflag:s23] =	ssyncset.done $0x0  }
0xa2: {  	[sflag:s23] =	ssyncadd.s32 s6;
	_ =	sdelay $0x1  }
0xa3: {  	s24 =	simm.s32 $0x1B8B  }
0xa4: {  	_ =	swait.ge [sflag:s24], $0x1  }
0xa5: {  	[sflag:s24] =	ssyncset.done $0x0  }
0xa6: {  	s25 =	simm.s32 $0x1B8E;
	[sflag:s24] =	ssyncadd.s32 $0xFFFFFFFF  }
0xa7: {  	s26 =	simm.s32 $execute0_lowered;
	[smem:$0x3FD2] =	sst s25  }
0xa8: {  	s6 =	sshll.u32 s26, $0x1;
	_ =	strace $0x80000046;
	[dreg:$0x1] =	wrdreg $0xFFFFFFFF  }
0xa9: {  	s28 =	simm.s32 $_size_execute0_lowered;
	s5 =	sadd.s32 s5, s6;
	[dreg:$0x0] =	wrdreg $0x0  }
0xaa: {  	s6 =	sshll.u32 s28, $0x1;
	[dreg:$0x2] =	wrdreg s5  }
0xab: {  	[dreg:$0x3] =	wrdreg s6  }
0xac: {  	[dreg:$0x4] =	wrdreg $0xC0  }
0xad: {  	_ =	task [dreg:s9], $0x5FFFF  }
0xae: {  	[dreg:$0x1] =	wrdreg $0xFFFFFFFF  }
0xaf: {  	[dreg:$0x0] =	wrdreg $0x60  }
0xb0: {  	[dreg:$0x2] =	wrdreg s2  }
0xb1: {  	[dreg:$0x3] =	wrdreg s19  }
0xb2: {  	[dreg:$0x4] =	wrdreg s4  }
0xb3: {  	[dreg:$0x5] =	wrdreg $0x19280  }
0xb4: {  	[dreg:$0x6] =	wrdreg $0x9  }
0xb5: {  	_ =	task.clear_ibuf [dreg:s9], $0x7FFFF;
	_ =	strace $0x90000046  }
0xb6: {  	s29 =	simm.s32 $0x9;
	_ =	strace $0x80000048  }
0xb7: {  	_ =	swait.ge [sflag:s29], $0x1  }
0xb8: {  	[sflag:s29] =	ssyncadd.s32 $0xFFFFFFFF  }
0xb9: {  	_ =	strace $0x90000048  }
0xba: {  	_ =	sfence  }
0xbb: {  	s30 =	sld [smem:$0x0];
	_ =	sdelay $0x2  }
0xbc: {  	s31 =	sshll.u32 s1, $0xD;
	s1 =	sshrl.u32 s1, $0x2  }
0xbd: {  	s3 =	sand.u32 $0x4000, s31;
	s1 =	sadd.s32 s1, s30  }
0xbe: {  	s0 =	sor.u32 s3, s0;
	s1 =	sshll.u32 s1, $0x11  }
0xbf: {  	s0 =	sor.u32 s1, s0  }
0xc0: {  	s0 =	sadd.s32 $0x8F2B, s0  }
0xc1: {  	[sflag:s0] =	ssyncadd.remote.s32 $0x1  }
0xc2: {  	_ =	sfence.sel $0xFFFF  }
0xc3: {  	[dreg:$0x0] =	wrdreg $0xFFFFFFFF;
	(pc) =	sbr.abs _section_cstart, $3  }
0xc4: {  	[dreg:$0x1] =	wrdreg $0xFFFFFFFF  }
0xc5: {  	_ =	task.clear_ibuf [dreg:s9], $0x2FFFF;
	_ =	strace $0x9FFFFFFF  }
0xc6: {  	(tm) =	ssettm $0x7FFFFFFF  }
0xc7: {  	_ =	shalt  }
tec
execute0_lowered:
.L_overlay_start_1:
0x0: {  	(tag) =	ssettag $0x1  }
0x1: {  	s0 =	rddreg [dreg:$0x0]  }
0x2: {  	s5 =	rddreg [dreg:$0x1]  }
0x3: {  	s1 =	stileid.u32;
	s7 =	rddreg [dreg:$0x2]  }
0x4: {  	s10 =	rddreg [dreg:$0x3];
	s2 =	smul.u32 $0x186A, s1  }
0x5: {  	s6 =	srdreg.scid;
	s18 =	simm.s32 $0x1;
	s19 =	simm.s32 $0x2  }
0x6: {  	s20 =	simm.s32 $0x3;
	s25 =	simm.s32 $0x0;
	s13 =	smax.u32 s2, $0x1  }
0x7: {  	p0 =	seq.s32 s1, $0x0;
	s6 =	sand.u32 $0x1, s6;
	s4 =	sadd.s32 $0xFFFFFFFF, s13  }
0x8: {  	s28 =	sshll.u32 s1, $0x3;
	s30 =	smul.u32 $0x240, s1;
	s3 =	sand.u32 $0x7, s4  }
0x9: {  	s9 =	ssub.s32 $0x2, s6;
	s6 =	sshll.u32 s6, $0x2;
	p1 =	sne.s32 s3, $0x0  }
0xa: {  	s26 =	sshrl.u32 s9, $0x1;
	s2 =	sadd.s32 $0x186A, s2;
	p0 =	por !p0, !p1  }
0xb: {  	s12 =	ssub.s32 s9, s26;
	s3 =	simm.s32 $0xFFFFFFFF;
	p0 =	por !p0, !p0  }
0xc: {  	s9 =	sshrl.u32 s30, $0x2;
	s15 =	sshll.u32 s13, $0x2;
	s3 =	simm.s32 @!p0 $0x0  }
0xd: {  	s12 =	smax.u32 s12, $0x1;
	s8 =	sshll.u32 s3, $0x3;
	s3 =	simm.s32 $0x0  }
0xe: {  	s4 =	sadd.s32 s4, s8;
	[smem:$0x7FF] =	sst s3;
	s8 =	sadd.s32 s9, s10  }
0xf: {  	s14 =	sand.u32 $0xFFFFFFF8, s4;
	_ =	strace $0x80000047;
	s4 =	sor.u32 s6, s28  }
0x10: {  	s6 =	sand.u32 $0x7, s13;
	s13 =	sadd.s32 $0x10, s13;
	p0 =	slt.s32 s14, $0x16E08  }
0x11: {  	s31 =	sshll.u32 s4, $0x4;
	s17 =	sadd.s32 $0x22B8, s4;
	s14 =	simm.s32 @!p0 $0x16E08  }
.Ltmp0:
0x12: {  	s7 =	sadd.s32 s7, s31;
	s16 =	sshll.u32 s14, $0x2;
	(pc) =	sbr.rel .LBB2_1-.Ltmp0, $4  }
0x13: {  	v0 =	vlaneseq.u32;
	p0 =	sne.s32 s1, $0x0;
	s29 =	sshrl.u32 s14, $0x3;
	s15 =	ssub.s32 s15, s16  }
0x14: {  	v3 =	vmul.u32 $0xFFFFFFFF, v0;
	s9 =	sadd.s32 $0x10, s7;
	s10 =	sadd.s32 $0x20, s7;
	s21 =	sshra.s32 s15, $0x2  }
0x15: {  	v2 =	vimm.s32 $0x186A0;
	v4 =	vimm.f32 $-Inf;
	s11 =	sadd.s32 $0x30, s7;
	s14 =	ssub.s32 $0x0, s14;
	s5 =	sadd.s32 s5, s29;
	v5 =	vmov s21  }
0x16: {  	v3 =	vadd.s32 $0xF, v3;
	v1 =	vmov s2;
	v6 =	vmov s17;
	s16 =	simm.s32 $0x1898;
	[dreg:$0x5] =	wrdreg s5;
	s15 =	simm.s32 $0x4  }
.LBB2_26:
0x17: {  	s1 =	simm.s32 $0x1A348  }
0x18: {  	[hbm4b:s7+s3] =	stream.linear.scatter [tilespmem:s1], [sflag:$0x4], $0x80, $0x38;
	[tilespmem:$0x1A548] =	vst v63  }
0x19: {  	_ =	swait.ge [sflag:s15], $0x80  }
0x1a: {  	[sflag:s15] =	ssyncset.done $0x0  }
0x1b: {  	s29 =	simm.s32 $0x1A3C8;
	[sflag:s15] =	ssyncadd.s32 $0xFFFFFF80  }
0x1c: {  	[hbm4b:s9+s3] =	stream.linear.scatter [tilespmem:s29], [sflag:$0x4], $0x80, $0x38;
	[tilespmem:$0x1A548] =	vst v63  }
0x1d: {  	_ =	swait.ge [sflag:s15], $0x80  }
0x1e: {  	[sflag:s15] =	ssyncset.done $0x0  }
0x1f: {  	s30 =	simm.s32 $0x1A448;
	[sflag:s15] =	ssyncadd.s32 $0xFFFFFF80  }
0x20: {  	[hbm4b:s10+s3] =	stream.linear.scatter [tilespmem:s30], [sflag:$0x4], $0x80, $0x38;
	[tilespmem:$0x1A548] =	vst v63  }
0x21: {  	s25 =	sadd.s32 $0x1, s25;
	_ =	swait.ge [sflag:s15], $0x80  }
0x22: {  	p1 =	sne.s32 s25, s12;
	[sflag:s15] =	ssyncset.done $0x0  }
.Ltmp1:
0x23: {  	s31 =	simm.s32 $0x1A4C8;
	[sflag:s15] =	ssyncadd.s32 $0xFFFFFF80;
	(pc) =	sbr.rel @!p1 .LBB2_27-.Ltmp1, $4  }
0x24: {  	[hbm4b:s11+s3] =	stream.linear.scatter [tilespmem:s31], [sflag:$0x4], $0x80, $0x38;
	[tilespmem:$0x1A548] =	vst v63  }
0x25: {  	_ =	swait.ge [sflag:s15], $0x80  }
0x26: {  	[sflag:s15] =	ssyncset.done $0x0  }
0x27: {  	[sflag:s15] =	ssyncadd.s32 $0xFFFFFF80  }
.LBB2_1:
0x28: {  	[tilespmem:$0x1898] =	vst v2  }
0x29: {  	[tilespmem:$0x18A8] =	vst v2  }
0x2a: {  	[tilespmem:$0x18B8] =	vst v2  }
0x2b: {  	[tilespmem:$0x18C8] =	vst v2  }
0x2c: {  	[tilespmem:$0x18D8] =	vst v2  }
0x2d: {  	[tilespmem:$0x18E8] =	vst v2  }
0x2e: {  	[tilespmem:$0x18F8] =	vst v2  }
0x2f: {  	[tilespmem:$0x1908] =	vst v2  }
0x30: {  	[tilespmem:$0x1918] =	vst v2;
	s1 =	rddreg [dreg:$0x5]  }
0x31: {  	[tilespmem:s3], [sflag:$0x4] =	stream.linear.gather [hbm4b:s1+s3], $0x1898, $0x38;
	[tilespmem:$0x1A548] =	vst v63  }
0x32: {  	_ =	swait.ge [sflag:s15], $0x1898  }
0x33: {  	[sflag:s15] =	ssyncset.done $0x0  }
0x34: {  	[sflag:s15] =	ssyncadd.s32 $0xFFFFE768  }
0x35: {  	v7 =	vld @!p0 [tilespmem:$0x0];
	_ =	sdelay $0x6  }
0x36: {  	v8 =	vimm.s32 @!p0 $0x0;
	s1 =	simm.s32 @!p0 $0x1898  }
0x37: {  	s2 =	smov.u32 s13;
	[tilespmem:v7+s1+$0x0] =	vst.idx.msk @!p0 $0x1, v8;
	s1 =	simm.s32 $0xFFFFFFFC  }
.LBB2_2:
0x38: {  	s17 =	sadd.s32 s2, s14  }
0x39: {  	s21 =	sadd.s32 $0xFFFFFFF0, s17  }
0x3a: {  	s31 =	sshra.s32 s1, $0x2;
	s21 =	sand.u32 $0xFFFFFFF8, s21  }
0x3b: {  	v8 =	vld.idx.msk [tilespmem:v5+s31+$0x0 ss:$0x1], $0xffff;
	s21 =	sor.u32 s21, s6  }
0x3c: {  	v7 =	vld [tilespmem:s21+$0x0];
	_ =	sdelay $0x2  }
0x3d: {  	s22 =	sadd.s32 $0xFFFFFFF0, s2  }
0x3e: {  	v9 =	vadd.s32 s22, v0  }
0x3f: {  	vm1 =	vlt.u32 v9, v1;
	vm0 =	vne.s32 v7, v8  }
0x40: {  	vm0 =	vmand vm1, vm0;
	_ =	sdelay $0x4  }
0x41: {  	s17 =	sand.u32 $0xFFFFFFF8, s17  }
0x42: {  	s17 =	sor.u32 s17, s6;
	[tilespmem:v7+s16+$0x0] =	vst.idx.msk vm0, v9  }
0x43: {  	v7 =	vld [tilespmem:s17+$0x0]  }
0x44: {  	v8 =	vld.idx.msk [tilespmem:v5+s31+$0x10 ss:$0x1], $0xffff;
	_ =	sdelay $0x3  }
0x45: {  	v63 =	vadd.s32 s2, v0  }
0x46: {  	vm15 =	vlt.u32 v63, v1;
	vm14 =	vne.s32 v7, v8  }
0x47: {  	vm0 =	vmand vm15, vm14  }
0x48: {  	p1 =	sne.s32 s1, $0x617C  }
.Ltmp2:
0x49: {  	_ = 	snop;
	(pc) =	sbr.rel @p1 .LBB2_2-.Ltmp2, $2  }
0x4a: {  	_ =	sdelay $0x2  }
0x4b: {  	s2 =	sadd.s32 $0x20, s2;
	s1 =	sadd.s32 $0x80, s1;
	[tilespmem:v7+s16+$0x0] =	vst.idx.msk vm0, v63  }
0x4c: {  	[spmem:s8] =	stream.linear.scatter [tilespmem:s16], [sflag:$0x4], $0x90, $0x38;
	[tilespmem:$0x1A548] =	vst v63  }
0x4d: {  	_ =	swait.ge [sflag:s15], $0x90  }
0x4e: {  	[sflag:s15] =	ssyncset.done $0x0  }
0x4f: {  	[sflag:s15] =	ssyncadd.s32 $0xFFFFFF70  }
0x50: {  	[bflag:$0x0] =	sbarrier.arrive $0xFFFF  }
0x51: {  	s2 =	simm.s32 $0x19B8;
	s1 =	rddreg [dreg:$0x3]  }
0x52: {  	[tilespmem:s2], [sflag:$0x4] =	stream.linear.gather [spmem:s1], $0x900, $0x38;
	[tilespmem:$0x1A548] =	vst v63  }
0x53: {  	_ =	swait.ge [sflag:s15], $0x900  }
0x54: {  	[sflag:s15] =	ssyncset.done $0x0  }
0x55: {  	[sflag:s15] =	ssyncadd.s32 $0xFFFFF700  }
0x56: {  	v7 =	vld [tilespmem:$0x19B8]  }
0x57: {  	v8 =	vld [tilespmem:$0x19C8]  }
0x58: {  	v9 =	vld [tilespmem:$0x19D8]  }
0x59: {  	v10 =	vld [tilespmem:$0x19E8]  }
0x5a: {  	v11 =	vld [tilespmem:$0x19F8]  }
0x5b: {  	v12 =	vld [tilespmem:$0x1A08]  }
0x5c: {  	v13 =	vld [tilespmem:$0x1A18]  }
0x5d: {  	v14 =	vld [tilespmem:$0x1A28]  }
0x5e: {  	v15 =	vld [tilespmem:$0x1A38]  }
0x5f: {  	v16 =	vld [tilespmem:$0x1A48]  }
0x60: {  	v17 =	vld [tilespmem:$0x1A58]  }
0x61: {  	v18 =	vld [tilespmem:$0x1A68]  }
0x62: {  	v19 =	vld [tilespmem:$0x1A78]  }
0x63: {  	v20 =	vld [tilespmem:$0x1A88]  }
0x64: {  	v21 =	vld [tilespmem:$0x1A98]  }
0x65: {  	v22 =	vld [tilespmem:$0x1AA8]  }
0x66: {  	v23 =	vld [tilespmem:$0x1AB8]  }
0x67: {  	v24 =	vld [tilespmem:$0x1AC8]  }
0x68: {  	v25 =	vld [tilespmem:$0x1AD8]  }
0x69: {  	v26 =	vld [tilespmem:$0x1AE8]  }
0x6a: {  	v27 =	vld [tilespmem:$0x1AF8]  }
0x6b: {  	v28 =	vld [tilespmem:$0x1B08]  }
0x6c: {  	v29 =	vld [tilespmem:$0x1B18]  }
0x6d: {  	v30 =	vld [tilespmem:$0x1B28]  }
0x6e: {  	v31 =	vld [tilespmem:$0x1B38]  }
0x6f: {  	v32 =	vld [tilespmem:$0x1B48]  }
0x70: {  	v33 =	vld [tilespmem:$0x1B58]  }
0x71: {  	v34 =	vld [tilespmem:$0x1B68]  }
0x72: {  	v35 =	vld [tilespmem:$0x1B78]  }
0x73: {  	v36 =	vld [tilespmem:$0x1B88]  }
0x74: {  	v37 =	vld [tilespmem:$0x1B98]  }
0x75: {  	v38 =	vld [tilespmem:$0x1BA8]  }
0x76: {  	v39 =	vld [tilespmem:$0x1BB8]  }
0x77: {  	v40 =	vld [tilespmem:$0x1BC8]  }
0x78: {  	v41 =	vld [tilespmem:$0x1BD8]  }
0x79: {  	v42 =	vld [tilespmem:$0x1BE8]  }
0x7a: {  	v43 =	vld [tilespmem:$0x1BF8]  }
0x7b: {  	v44 =	vld [tilespmem:$0x1C08]  }
0x7c: {  	v45 =	vld [tilespmem:$0x1C18]  }
0x7d: {  	v46 =	vld [tilespmem:$0x1C28]  }
0x7e: {  	v47 =	vld [tilespmem:$0x1C38]  }
0x7f: {  	v48 =	vld [tilespmem:$0x1C48]  }
0x80: {  	v49 =	vld [tilespmem:$0x1C58]  }
0x81: {  	v50 =	vld [tilespmem:$0x1C68]  }
0x82: {  	v51 =	vld [tilespmem:$0x1C78]  }
0x83: {  	v52 =	vld [tilespmem:$0x1C88]  }
0x84: {  	v53 =	vld [tilespmem:$0x1C98]  }
0x85: {  	v54 =	vld [tilespmem:$0x1CA8]  }
0x86: {  	v55 =	vld [tilespmem:$0x1CB8]  }
0x87: {  	v56 =	vld [tilespmem:$0x1CC8]  }
0x88: {  	v57 =	vld [tilespmem:$0x1CD8]  }
0x89: {  	v58 =	vld [tilespmem:$0x1CE8]  }
0x8a: {  	v59 =	vld [tilespmem:$0x1CF8]  }
0x8b: {  	v60 =	vld [tilespmem:$0x1D08]  }
0x8c: {  	v61 =	vld [tilespmem:$0x1D18]  }
0x8d: {  	v62 =	vld [tilespmem:$0x1EB8];
	vm0 =	vlt.s32 v7, v16;
	vm15 =	vlt.s32 v8, v17  }
0x8e: {  	v63 =	vld [tilespmem:$0x1EC8];
	vm1 =	vlt.s32 v9, v18;
	vm4 =	vlt.s32 v10, v19;
	vm5 =	vlt.s32 v11, v20  }
0x8f: {  	vm6 =	vlt.s32 v12, v21;
	vm7 =	vlt.s32 v13, v22;
	v7 =	vsel vm0, v7, v16;
	v16 =	vld [tilespmem:$0x1D28]  }
0x90: {  	vm8 =	vlt.s32 v14, v23;
	vm9 =	vlt.s32 v15, v24;
	v8 =	vsel vm15, v8, v17;
	v17 =	vld [tilespmem:$0x1D38]  }
0x91: {  	v9 =	vsel vm1, v9, v18;
	v10 =	vsel vm4, v10, v19;
	v18 =	vld [tilespmem:$0x1D48];
	v11 =	vsel vm5, v11, v20  }
0x92: {  	v12 =	vsel vm6, v12, v21;
	v19 =	vld [tilespmem:$0x1D58];
	v13 =	vsel vm7, v13, v22;
	v14 =	vsel vm8, v14, v23  }
0x93: {  	v20 =	vld [tilespmem:$0x1D68];
	v15 =	vsel vm9, v15, v24;
	vm10 =	vlt.s32 v7, v25;
	vm11 =	vlt.s32 v8, v26  }
0x94: {  	v21 =	vld [tilespmem:$0x1D78];
	vm12 =	vlt.s32 v9, v27;
	vm13 =	vlt.s32 v10, v28;
	vm14 =	vlt.s32 v11, v29  }
0x95: {  	v22 =	vld [tilespmem:$0x1D88];
	vm15 =	vlt.s32 v12, v30;
	vm4 =	vlt.s32 v13, v31;
	vm5 =	vlt.s32 v14, v32  }
0x96: {  	v23 =	vld [tilespmem:$0x1D98];
	vm6 =	vlt.s32 v15, v33;
	v7 =	vsel vm10, v7, v25;
	v8 =	vsel vm11, v8, v26  }
0x97: {  	v24 =	vld [tilespmem:$0x1DA8];
	v9 =	vsel vm12, v9, v27;
	v10 =	vsel vm13, v10, v28;
	v11 =	vsel vm14, v11, v29  }
0x98: {  	v12 =	vsel vm15, v12, v30;
	v25 =	vld [tilespmem:$0x1DB8];
	v13 =	vsel vm4, v13, v31;
	v14 =	vsel vm5, v14, v32  }
0x99: {  	v26 =	vld [tilespmem:$0x1DC8];
	v15 =	vsel vm6, v15, v33;
	vm7 =	vlt.s32 v7, v34;
	vm8 =	vlt.s32 v8, v35  }
0x9a: {  	v27 =	vld [tilespmem:$0x1DD8];
	vm9 =	vlt.s32 v9, v36;
	vm10 =	vlt.s32 v10, v37;
	vm11 =	vlt.s32 v11, v38  }
0x9b: {  	v28 =	vld [tilespmem:$0x1DE8];
	vm12 =	vlt.s32 v12, v39;
	vm13 =	vlt.s32 v13, v40;
	vm14 =	vlt.s32 v14, v41  }
0x9c: {  	v29 =	vld [tilespmem:$0x1DF8];
	vm15 =	vlt.s32 v15, v42;
	v7 =	vsel vm7, v7, v34;
	v8 =	vsel vm8, v8, v35  }
0x9d: {  	v30 =	vld [tilespmem:$0x1E08];
	v9 =	vsel vm9, v9, v36;
	v10 =	vsel vm10, v10, v37;
	v11 =	vsel vm11, v11, v38  }
0x9e: {  	v31 =	vld [tilespmem:$0x1E18];
	v12 =	vsel vm12, v12, v39;
	v13 =	vsel vm13, v13, v40;
	v14 =	vsel vm14, v14, v41  }
0x9f: {  	v32 =	vld [tilespmem:$0x1E28];
	v15 =	vsel vm15, v15, v42;
	vm4 =	vlt.s32 v7, v43;
	vm5 =	vlt.s32 v8, v44  }
0xa0: {  	v33 =	vld [tilespmem:$0x1E38];
	vm6 =	vlt.s32 v9, v45;
	vm7 =	vlt.s32 v10, v46;
	vm8 =	vlt.s32 v11, v47  }
0xa1: {  	v34 =	vld [tilespmem:$0x1E48];
	vm9 =	vlt.s32 v12, v48;
	vm10 =	vlt.s32 v13, v49;
	vm11 =	vlt.s32 v14, v50  }
0xa2: {  	v35 =	vld [tilespmem:$0x1E58];
	vm12 =	vlt.s32 v15, v51;
	v7 =	vsel vm4, v7, v43;
	v8 =	vsel vm5, v8, v44  }
0xa3: {  	v36 =	vld [tilespmem:$0x1E68];
	v9 =	vsel vm6, v9, v45;
	v10 =	vsel vm7, v10, v46;
	v11 =	vsel vm8, v11, v47  }
0xa4: {  	v37 =	vld [tilespmem:$0x1E78];
	v12 =	vsel vm9, v12, v48;
	v13 =	vsel vm10, v13, v49;
	v14 =	vsel vm11, v14, v50  }
0xa5: {  	v38 =	vld [tilespmem:$0x1E88];
	v15 =	vsel vm12, v15, v51;
	vm13 =	vlt.s32 v7, v52;
	vm14 =	vlt.s32 v8, v53  }
0xa6: {  	v39 =	vld [tilespmem:$0x1E98];
	vm15 =	vlt.s32 v9, v54;
	vm4 =	vlt.s32 v10, v55;
	vm5 =	vlt.s32 v11, v56  }
0xa7: {  	v40 =	vld [tilespmem:$0x1EA8];
	vm6 =	vlt.s32 v12, v57;
	vm7 =	vlt.s32 v13, v58;
	vm8 =	vlt.s32 v14, v59  }
0xa8: {  	v41 =	vld [tilespmem:$0x2088];
	vm9 =	vlt.s32 v15, v60;
	v7 =	vsel vm13, v7, v52;
	v8 =	vsel vm14, v8, v53  }
0xa9: {  	v42 =	vld [tilespmem:$0x2098];
	v9 =	vsel vm15, v9, v54;
	v10 =	vsel vm4, v10, v55;
	v11 =	vsel vm5, v11, v56  }
0xaa: {  	v43 =	vld [tilespmem:$0x1ED8];
	v12 =	vsel vm6, v12, v57;
	v13 =	vsel vm7, v13, v58;
	v14 =	vsel vm8, v14, v59  }
0xab: {  	v44 =	vld [tilespmem:$0x1EE8];
	v15 =	vsel vm9, v15, v60;
	vm10 =	vlt.s32 v7, v61;
	vm11 =	vlt.s32 v8, v16  }
0xac: {  	v45 =	vld [tilespmem:$0x1EF8];
	vm12 =	vlt.s32 v9, v17;
	vm13 =	vlt.s32 v10, v18;
	vm14 =	vlt.s32 v11, v19  }
0xad: {  	v46 =	vld [tilespmem:$0x1F08];
	vm15 =	vlt.s32 v12, v20;
	vm4 =	vlt.s32 v13, v21;
	vm5 =	vlt.s32 v14, v22  }
0xae: {  	v47 =	vld [tilespmem:$0x1F28];
	vm6 =	vlt.s32 v15, v23;
	v7 =	vsel vm10, v7, v61;
	v8 =	vsel vm11, v8, v16  }
0xaf: {  	v48 =	vld [tilespmem:$0x1F38];
	v9 =	vsel vm12, v9, v17;
	v10 =	vsel vm13, v10, v18;
	v11 =	vsel vm14, v11, v19  }
0xb0: {  	v49 =	vld [tilespmem:$0x1F48];
	v12 =	vsel vm15, v12, v20;
	v13 =	vsel vm4, v13, v21;
	v14 =	vsel vm5, v14, v22  }
0xb1: {  	v50 =	vld [tilespmem:$0x1F58];
	v15 =	vsel vm6, v15, v23;
	vm7 =	vlt.s32 v7, v24;
	vm8 =	vlt.s32 v8, v25  }
0xb2: {  	v51 =	vld [tilespmem:$0x1F68];
	vm9 =	vlt.s32 v9, v26;
	vm10 =	vlt.s32 v10, v27;
	vm11 =	vlt.s32 v11, v28  }
0xb3: {  	v52 =	vld [tilespmem:$0x1F78];
	vm12 =	vlt.s32 v12, v29;
	vm13 =	vlt.s32 v13, v30;
	vm14 =	vlt.s32 v14, v31  }
0xb4: {  	v53 =	vld [tilespmem:$0x1F88];
	vm15 =	vlt.s32 v15, v32;
	v7 =	vsel vm7, v7, v24;
	v8 =	vsel vm8, v8, v25  }
0xb5: {  	v54 =	vld [tilespmem:$0x1F98];
	v9 =	vsel vm9, v9, v26;
	v10 =	vsel vm10, v10, v27;
	v11 =	vsel vm11, v11, v28  }
0xb6: {  	v55 =	vld [tilespmem:$0x1FA8];
	v12 =	vsel vm12, v12, v29;
	v13 =	vsel vm13, v13, v30;
	v14 =	vsel vm14, v14, v31  }
0xb7: {  	v56 =	vld [tilespmem:$0x1FB8];
	v15 =	vsel vm15, v15, v32;
	vm4 =	vlt.s32 v7, v33;
	vm5 =	vlt.s32 v8, v34  }
0xb8: {  	v57 =	vld [tilespmem:$0x1FC8];
	vm6 =	vlt.s32 v9, v35;
	vm7 =	vlt.s32 v10, v36;
	vm8 =	vlt.s32 v11, v37  }
0xb9: {  	v58 =	vld [tilespmem:$0x1FD8];
	vm9 =	vlt.s32 v12, v38;
	vm10 =	vlt.s32 v13, v39;
	vm11 =	vlt.s32 v14, v40  }
0xba: {  	v16 =	vld [tilespmem:$0x1F18];
	vm12 =	vlt.s32 v15, v62;
	v7 =	vsel vm4, v7, v33;
	v8 =	vsel vm5, v8, v34  }
0xbb: {  	v59 =	vld [tilespmem:$0x1FE8];
	v9 =	vsel vm6, v9, v35;
	v10 =	vsel vm7, v10, v36;
	v11 =	vsel vm8, v11, v37  }
0xbc: {  	v60 =	vld [tilespmem:$0x1FF8];
	v12 =	vsel vm9, v12, v38;
	v13 =	vsel vm10, v13, v39;
	v14 =	vsel vm11, v14, v40  }
0xbd: {  	v61 =	vld [tilespmem:$0x2008];
	v15 =	vsel vm12, v15, v62;
	vm13 =	vlt.s32 v7, v63;
	vm14 =	vlt.s32 v8, v43  }
0xbe: {  	v24 =	vld [tilespmem:$0x21A8];
	vm15 =	vlt.s32 v9, v44;
	vm4 =	vlt.s32 v10, v45;
	vm5 =	vlt.s32 v11, v46  }
0xbf: {  	v62 =	vld [tilespmem:$0x2018];
	vm6 =	vlt.s32 v12, v16;
	vm7 =	vlt.s32 v13, v47;
	vm8 =	vlt.s32 v14, v48  }
0xc0: {  	v36 =	vld [tilespmem:$0x2038];
	vm9 =	vlt.s32 v15, v49;
	v7 =	vsel vm13, v7, v63;
	v8 =	vsel vm14, v8, v43  }
0xc1: {  	v37 =	vld [tilespmem:$0x2048];
	v9 =	vsel vm15, v9, v44;
	v10 =	vsel vm4, v10, v45;
	v11 =	vsel vm5, v11, v46  }
0xc2: {  	v38 =	vld [tilespmem:$0x2058];
	v12 =	vsel vm6, v12, v16;
	v13 =	vsel vm7, v13, v47;
	v14 =	vsel vm8, v14, v48  }
0xc3: {  	v39 =	vld [tilespmem:$0x2068];
	v15 =	vsel vm9, v15, v49;
	vm10 =	vlt.s32 v7, v50;
	vm11 =	vlt.s32 v8, v51  }
0xc4: {  	v40 =	vld [tilespmem:$0x2078];
	vm12 =	vlt.s32 v9, v52;
	vm13 =	vlt.s32 v10, v53;
	vm14 =	vlt.s32 v11, v54  }
0xc5: {  	v63 =	vld [tilespmem:$0x2028];
	vm15 =	vlt.s32 v12, v55;
	vm4 =	vlt.s32 v13, v56;
	vm5 =	vlt.s32 v14, v57  }
0xc6: {  	v43 =	vld [tilespmem:$0x20A8];
	vm6 =	vlt.s32 v15, v58;
	v7 =	vsel vm10, v7, v50;
	v8 =	vsel vm11, v8, v51  }
0xc7: {  	v44 =	vld [tilespmem:$0x20B8];
	v9 =	vsel vm12, v9, v52;
	v10 =	vsel vm13, v10, v53;
	v11 =	vsel vm14, v11, v54  }
0xc8: {  	v45 =	vld [tilespmem:$0x20C8];
	v12 =	vsel vm15, v12, v55;
	v13 =	vsel vm4, v13, v56;
	v14 =	vsel vm5, v14, v57  }
0xc9: {  	v46 =	vld [tilespmem:$0x20D8];
	v15 =	vsel vm6, v15, v58;
	vm7 =	vlt.s32 v7, v59;
	vm8 =	vlt.s32 v8, v60  }
0xca: {  	v48 =	vld [tilespmem:$0x20F8];
	vm9 =	vlt.s32 v9, v61;
	vm10 =	vlt.s32 v10, v62;
	vm12 =	vlt.s32 v12, v36  }
0xcb: {  	v47 =	vld [tilespmem:$0x20E8];
	vm13 =	vlt.s32 v13, v37;
	vm14 =	vlt.s32 v14, v38;
	vm15 =	vlt.s32 v15, v39  }
0xcc: {  	v49 =	vld [tilespmem:$0x2118];
	v7 =	vsel vm7, v7, v59;
	v8 =	vsel vm8, v8, v60;
	v9 =	vsel vm9, v9, v61  }
0xcd: {  	v50 =	vld [tilespmem:$0x2188];
	v10 =	vsel vm10, v10, v62;
	v12 =	vsel vm12, v12, v36;
	v13 =	vsel vm13, v13, v37  }
0xce: {  	v51 =	vld [tilespmem:$0x2128];
	v14 =	vsel vm14, v14, v38;
	v15 =	vsel vm15, v15, v39;
	vm11 =	vlt.s32 v11, v63  }
0xcf: {  	v52 =	vld [tilespmem:$0x2218];
	vm4 =	vlt.s32 v7, v40;
	vm5 =	vlt.s32 v8, v41;
	vm1 =	vlt.s32 v15, v48  }
0xd0: {  	v53 =	vld [tilespmem:$0x2178];
	vm6 =	vlt.s32 v9, v42;
	vm7 =	vlt.s32 v10, v43;
	vm9 =	vlt.s32 v14, v47  }
0xd1: {  	v54 =	vld [tilespmem:$0x22A8];
	vm10 =	vlt.s32 v12, v45;
	vm2 =	vlt.s32 v13, v46;
	v15 =	vsel vm1, v15, v48  }
0xd2: {  	v56 =	vld [tilespmem:$0x2208];
	v11 =	vsel vm11, v11, v63;
	v7 =	vsel vm4, v7, v40;
	vm1 =	vlt.s32 v15, v50  }
0xd3: {  	v57 =	vld [tilespmem:$0x2168];
	v8 =	vsel vm5, v8, v41;
	v9 =	vsel vm6, v9, v42;
	v15 =	vsel vm1, v15, v50  }
0xd4: {  	v55 =	vld [tilespmem:$0x2138];
	v10 =	vsel vm7, v10, v43;
	v14 =	vsel vm9, v14, v47;
	vm1 =	vlt.s32 v15, v52  }
0xd5: {  	v58 =	vld [tilespmem:$0x2298];
	v12 =	vsel vm10, v12, v45;
	v13 =	vsel vm2, v13, v46;
	v15 =	vsel vm1, v15, v52  }
0xd6: {  	v59 =	vld [tilespmem:$0x2148];
	vm8 =	vlt.s32 v11, v44;
	vm11 =	vlt.s32 v14, v53;
	vm1 =	vlt.s32 v15, v54  }
0xd7: {  	v60 =	vld [tilespmem:$0x21F8];
	vm12 =	vlt.s32 v8, v49;
	v14 =	vsel vm11, v14, v53;
	v15 =	vsel vm1, v15, v54  }
0xd8: {  	v61 =	vld [tilespmem:$0x2158];
	vm14 =	vlt.s32 v13, v57;
	vm13 =	vlt.s32 v14, v56;
	v15 =	vperm.xlane v15, v3  }
0xd9: {  	v62 =	vld [tilespmem:$0x2288];
	vm15 =	vlt.s32 v9, v51;
	vm5 =	vlt.s32 v10, v55;
	v14 =	vsel vm13, v14, v56  }
0xda: {  	v26 =	vld [tilespmem:$0x21D8];
	v11 =	vsel vm8, v11, v44;
	vm1 =	vlt.s32 v14, v58;
	v15 =	vsub.s32 $0x80000000, v15  }
0xdb: {  	v63 =	vld [tilespmem:$0x21E8];
	v8 =	vsel vm12, v8, v49;
	v13 =	vsel vm14, v13, v57;
	v14 =	vsel vm1, v14, v58;
	(xrf0) =	vmax.scan.msk.u32 $0xffff, v15  }
0xdc: {  	v27 =	vld [tilespmem:$0x21C8];
	v9 =	vsel vm15, v9, v51;
	vm4 =	vlt.s32 v13, v60;
	v14 =	vperm.xlane v14, v3  }
0xdd: {  	v25 =	vld [tilespmem:$0x2278];
	v10 =	vsel vm5, v10, v55;
	vm6 =	vlt.s32 v12, v61;
	v13 =	vsel vm4, v13, v60  }
0xde: {  	vm9 =	vlt.s32 v11, v59;
	vm7 =	vlt.s32 v13, v62;
	v14 =	vsub.s32 $0x80000000, v14  }
0xdf: {  	v28 =	vld [tilespmem:$0x2268];
	vm10 =	vlt.s32 v8, v24;
	v12 =	vsel vm6, v12, v61;
	v13 =	vsel vm7, v13, v62;
	(xrf0) =	vmax.scan.msk.u32 $0xffff, v14  }
0xe0: {  	v31 =	vld [tilespmem:$0x21B8];
	v11 =	vsel vm9, v11, v59;
	vm8 =	vlt.s32 v12, v63;
	v13 =	vperm.xlane v13, v3  }
0xe1: {  	vm13 =	vlt.s32 v10, v27;
	vm12 =	vlt.s32 v11, v26;
	v12 =	vsel vm8, v12, v63;
	v29, _, _ =	vpop (xrf0)  }
0xe2: {  	vm11 =	vlt.s32 v12, v25;
	v13 =	vsub.s32 $0x80000000, v13;
	v30 =	vxor.u32 $0x7FFFFFFF, v29  }
0xe3: {  	v32 =	vld [tilespmem:$0x2258];
	v11 =	vsel vm12, v11, v26;
	v12 =	vsel vm11, v12, v25;
	(xrf0) =	vmax.scan.msk.u32 $0xffff, v13;
	v16 =	vadd.s32 $0x1, v30  }
0xe4: {  	vm1 =	vlt.s32 v11, v28;
	v12 =	vperm.xlane v12, v3;
	v33 =	vperm.xlane v16, v3  }
0xe5: {  	vm15 =	vlt.s32 v9, v31;
	v10 =	vsel vm13, v10, v27;
	v11 =	vsel vm1, v11, v28;
	v34, _, _ =	vpop (xrf0)  }
0xe6: {  	v37 =	vld [tilespmem:$0x2248];
	v12 =	vsub.s32 $0x80000000, v12;
	v16 =	vxor.u32 $0x7FFFFFFF, v34;
	vm14 =	vlt.s32 v33, $0x186A0  }
0xe7: {  	v40 =	vld [tilespmem:$0x2108];
	v11 =	vperm.xlane v11, v3;
	(xrf0) =	vmax.scan.msk.u32 $0xffff, v12;
	v36 =	vadd.s32 $0x1, v16;
	v35 =	vnsel vm14, $0x186A0, v33  }
0xe8: {  	v42 =	vld [tilespmem:$0x2238];
	vm4 =	vlt.s32 v10, v32;
	v15 =	vperm.xlane v36, v3;
	v38 =	vbroadcast v35, $0x0  }
0xe9: {  	v8 =	vsel vm10, v8, v24;
	v9 =	vsel vm15, v9, v31;
	v10 =	vsel vm4, v10, v32;
	v39, _, _ =	vpop (xrf0)  }
0xea: {  	v11 =	vsub.s32 $0x80000000, v11;
	v41 =	vxor.u32 $0x7FFFFFFF, v39;
	vm5 =	vlt.s32 v15, v38  }
0xeb: {  	v10 =	vperm.xlane v10, v3;
	(xrf0) =	vmax.scan.msk.u32 $0xffff, v11;
	v13 =	vadd.s32 $0x1, v41;
	v15 =	vsel vm5, v15, v38  }
0xec: {  	v44 =	vld [tilespmem:$0x2198];
	vm0 =	vlt.s32 v9, v37;
	v13 =	vperm.xlane v13, v3;
	v16 =	vbroadcast v15, $0x0  }
0xed: {  	v9 =	vsel vm0, v9, v37;
	vm7 =	vlt.s32 v7, v40;
	vm8 =	vlt.s32 v8, v42;
	v43, _, _ =	vpop (xrf0)  }
0xee: {  	v10 =	vsub.s32 $0x80000000, v10;
	v17 =	vxor.u32 $0x7FFFFFFF, v43;
	vm6 =	vlt.s32 v13, v16  }
0xef: {  	v9 =	vperm.xlane v9, v3;
	(xrf0) =	vmax.scan.msk.u32 $0xffff, v10;
	v45 =	vadd.s32 $0x1, v17;
	v46 =	vsel vm6, v13, v16  }
0xf0: {  	v48 =	vld [tilespmem:$0x2228];
	v7 =	vsel vm7, v7, v40;
	v47 =	vperm.xlane v45, v3;
	v16 =	vbroadcast v46, $0x0  }
0xf1: {  	v8 =	vsel vm8, v8, v42;
	vm10 =	vlt.s32 v7, v44;
	v49, _, _ =	vpop (xrf0)  }
0xf2: {  	v9 =	vsub.s32 $0x80000000, v9;
	v50 =	vxor.u32 $0x7FFFFFFF, v49;
	vm9 =	vlt.s32 v47, v16  }
0xf3: {  	v8 =	vperm.xlane v8, v3;
	(xrf0) =	vmax.scan.msk.u32 $0xffff, v9;
	v11 =	vadd.s32 $0x1, v50;
	v13 =	vsel vm9, v47, v16  }
0xf4: {  	v7 =	vsel vm10, v7, v44;
	v11 =	vperm.xlane v11, v3;
	v51 =	vbroadcast v13, $0x0  }
0xf5: {  	vm0 =	vlt.s32 v7, v48;
	v8 =	vsub.s32 $0x80000000, v8;
	v52, _, _ =	vpop (xrf0)  }
0xf6: {  	v7 =	vsel vm0, v7, v48;
	v16 =	vxor.u32 $0x7FFFFFFF, v52;
	vm11 =	vlt.s32 v11, v51  }
0xf7: {  	v7 =	vperm.xlane v7, v3;
	(xrf0) =	vmax.scan.msk.u32 $0xffff, v8;
	v16 =	vadd.s32 $0x1, v16;
	v9 =	vsel vm11, v11, v51  }
0xf8: {  	v53 =	vperm.xlane v16, v3;
	v8 =	vbroadcast v9, $0x0  }
0xf9: {  	v54, _, _ =	vpop (xrf0)  }
0xfa: {  	v7 =	vsub.s32 $0x80000000, v7;
	v14 =	vxor.u32 $0x7FFFFFFF, v54;
	vm12 =	vlt.s32 v53, v8  }
0xfb: {  	(xrf0) =	vmax.scan.msk.u32 $0xffff, v7;
	v55 =	vadd.s32 $0x1, v14;
	v8 =	vsel vm12, v53, v8  }
0xfc: {  	v7 =	vperm.xlane v55, v3;
	v56 =	vbroadcast v8, $0x0  }
0xfd: {  	v57, _, _ =	vpop (xrf0)  }
0xfe: {  	v14 =	vxor.u32 $0x7FFFFFFF, v57;
	vm13 =	vlt.s32 v7, v56  }
0xff: {  	v58 =	vadd.s32 $0x1, v14;
	v7 =	vsel vm13, v7, v56  }
0x100: {  	[tilespmem:$0x2338] =	vst v35;
	v11 =	vperm.xlane v58, v3;
	v59 =	vbroadcast v7, $0x0  }
0x101: {  	[tilespmem:$0x2328] =	vst v15;
	v60, _, _ =	vpop (xrf0)  }
0x102: {  	[tilespmem:$0x2318] =	vst v46;
	v61 =	vxor.u32 $0x7FFFFFFF, v60;
	vm14 =	vlt.s32 v11, v59  }
0x103: {  	[tilespmem:$0x2308] =	vst v13;
	v10 =	vadd.s32 $0x1, v61;
	v11 =	vsel vm14, v11, v59  }
0x104: {  	[tilespmem:$0x22F8] =	vst v9;
	v62 =	vperm.xlane v10, v3;
	v63 =	vbroadcast v11, $0x0  }
0x105: {  	[tilespmem:$0x22E8] =	vst v8  }
0x106: {  	[tilespmem:$0x22D8] =	vst v7;
	vm15 =	vlt.s32 v62, v63  }
0x107: {  	[tilespmem:$0x22C8] =	vst v11;
	v7 =	vsel vm15, v62, v63  }
0x108: {  	[tilespmem:$0x22B8] =	vst v7  }
0x109: {  	v7 =	vld [tilespmem:s4+$0x22B8]  }
0x10a: {  	v8 =	vld [tilespmem:s4+$0x22BC];
	_ =	sdelay $0x3  }
0x10b: {  	[tilespmem:$0x1A348] =	vst v4;
	(v2sf) =	vpush v7, $0x0  }
0x10c: {  	[tilespmem:$0x1A358] =	vst v4;
	(v2sf) =	vpush v8, $0x0  }
0x10d: {  	[tilespmem:$0x1A368] =	vst v4  }
0x10e: {  	[tilespmem:$0x1A378] =	vst v4  }
0x10f: {  	[tilespmem:$0x1A388] =	vst v4  }
0x110: {  	[tilespmem:$0x1A398] =	vst v4  }
0x111: {  	[tilespmem:$0x1A3A8] =	vst v4  }
0x112: {  	[tilespmem:$0x1A3B8] =	vst v4  }
0x113: {  	[tilespmem:$0x1A3C8] =	vst v4  }
0x114: {  	[tilespmem:$0x1A3D8] =	vst v4  }
0x115: {  	[tilespmem:$0x1A3E8] =	vst v4  }
0x116: {  	[tilespmem:$0x1A3F8] =	vst v4  }
0x117: {  	[tilespmem:$0x1A408] =	vst v4  }
0x118: {  	[tilespmem:$0x1A418] =	vst v4  }
0x119: {  	[tilespmem:$0x1A428] =	vst v4  }
0x11a: {  	[tilespmem:$0x1A438] =	vst v4;
	s26 =	spop (v2sf)  }
0x11b: {  	[tilespmem:$0x1A448] =	vst v4;
	s2 =	spop (v2sf)  }
0x11c: {  	[tilespmem:$0x1A458] =	vst v4;
	s1 =	ssub.s32 s2, s26  }
0x11d: {  	[tilespmem:$0x1A468] =	vst v4;
	s1 =	sadd.s32 $0xFF, s1  }
0x11e: {  	[tilespmem:$0x1A478] =	vst v4;
	s5 =	sand.u32 $0xFF, s1  }
0x11f: {  	[tilespmem:$0x1A488] =	vst v4;
	s17 =	sshra.s32 s1, $0x1F;
	p1 =	slt.s32 s1, $0x1;
	p2 =	sne.s32 s5, $0x0  }
0x120: {  	[tilespmem:$0x1A498] =	vst v4;
	s21 =	sshrl.u32 s17, $0x18;
	p1 =	por !p1, !p2  }
0x121: {  	[tilespmem:$0x1A4A8] =	vst v4;
	s2 =	simm.s32 $0x1;
	s1 =	sadd.s32 s21, s1;
	p1 =	por !p1, !p1  }
0x122: {  	[tilespmem:$0x1A4B8] =	vst v4;
	s1 =	sshra.s32 s1, $0x8;
	s2 =	simm.s32 @!p1 $0x0  }
0x123: {  	[tilespmem:$0x1A4C8] =	vst v4;
	s28 =	ssub.s32 s1, s2  }
0x124: {  	[tilespmem:$0x1A4D8] =	vst v4;
	p1 =	slt.s32 s28, $0x1  }
0x125: {  	[tilespmem:$0x1A4E8] =	vst v4;
	p2 =	slt.s32 @!p1 s26, $0x185A0  }
0x126: {  	[tilespmem:$0x1A4F8] =	vst v4;
	s1 =	smov.u32 s26;
	p2 =	por !p2, p1  }
0x127: {  	[tilespmem:$0x1A508] =	vst v4;
	s1 =	simm.s32 @p2 $0x185A0  }
0x128: {  	[tilespmem:$0x1A518] =	vst v4;
	s1 =	sshll.u32 @!p1 s1, $0x4  }
0x129: {  	[tilespmem:$0x1A528] =	vst v4;
	s2 =	simm.s32 @!p1 $0x0;
	p3 =	seq.s32 @!p1 s28, $0x1;
	s1 =	sand.u32 @!p1 $0x1FFFFFF0, s1  }
0x12a: {  	[tilespmem:$0x1A538] =	vst v4;
	s17 =	simm.s32 @!p1 $0x2348;
	p2 =	por p3, p1;
	s1 =	sadd.s32 @!p1 s0, s1  }
0x12b: {  	[tilespmem:s17], [sflag:$0x1] =	stream.linear.gather @!p1 [hbm4b:s1+s2], $0x8000, $0x38;
	[tilespmem:$0x1A548] =	vst v63  }
0x12c: {  	s1 =	sadd.s32 @!p2 $0x100, s26  }
0x12d: {  	p4 =	slt.s32 @!p2 s1, $0x185A0  }
0x12e: {  	s22 =	sadd.s32 $0x2, s28;
	p3 =	por @!p1 !p4, p3  }
0x12f: {  	s23 =	smulhi.u32 $0x55555556, s22;
	s2 =	sshra.s32 s22, $0x1F;
	p1 =	por !p3, p1  }
0x130: {  	s2 =	smul.u32 $0x55555556, s2;
	s1 =	simm.s32 @!p1 $0x185A0  }
0x131: {  	s1 =	sshll.u32 @!p2 s1, $0x4  }
0x132: {  	s21 =	simm.s32 @!p2 $0x0;
	s24 =	sadd.s32 s2, s23;
	s1 =	sand.u32 @!p2 $0x1FFFFFF0, s1  }
0x133: {  	s22 =	simm.s32 @!p2 $0xA348;
	s2 =	sshrl.u32 s24, $0x1F;
	s1 =	sadd.s32 @!p2 s0, s1  }
0x134: {  	[tilespmem:s22], [sflag:$0x2] =	stream.linear.gather @!p2 [hbm4b:s1+s21], $0x8000, $0x38;
	[tilespmem:$0x1A548] =	vst v63  }
0x135: {  	s1 =	sadd.s32 s2, s24  }
0x136: {  	s2 =	smul.u32 $0xFFFFFFFD, s1  }
0x137: {  	s31 =	ssub.s32 $0xFFFFFFFE, s28  }
0x138: {  	p5 =	slt.s32 s28, $0xFFFFFFFF;
	p6 =	sne.s32 s2, s31  }
0x139: {  	p1 =	por !p5, !p6  }
0x13a: {  	s2 =	simm.s32 $0x1;
	p1 =	por !p1, !p1  }
0x13b: {  	s2 =	simm.s32 @!p1 $0x0  }
0x13c: {  	s29 =	ssub.s32 s1, s2  }
0x13d: {  	p1 =	slt.s32 s29, $0x1  }
.Ltmp3:
0x13e: {  	_ = 	snop;
	(pc) =	sbr.rel @!p1 .LBB2_4-.Ltmp3, $4  }
.Ltmp4:
0x13f: {  	_ = 	snop;
	(pc) =	sbr.rel @p1 .LBB2_26-.Ltmp4, $4  }
0x140: {  	_ = 	snop  }
0x141: {  	_ = 	snop  }
0x142: {  	s30 =	simm.s32 $0x0  }
0x143: {  	_ = 	snop  }
.LBB2_25:
0x144: {  	s30 =	sadd.s32 $0x1, s30  }
0x145: {  	p1 =	sne.s32 s30, s29  }
.Ltmp5:
0x146: {  	_ = 	snop;
	(pc) =	sbr.rel @!p1 .LBB2_26-.Ltmp5, $1  }
0x147: {  	_ =	sdelay $0x3  }
.LBB2_4:
0x148: {  	s31 =	smul.u32 $0x3, s30;
	_ =	sdelay $0x1  }
0x149: {  	p1 =	sge.s32 s31, s28  }
.Ltmp6:
0x14a: {  	_ = 	snop;
	(pc) =	sbr.rel @p1 .LBB2_11-.Ltmp6, $1  }
0x14b: {  	_ =	sdelay $0x3  }
0x14c: {  	s1 =	sadd.s32 $0x2, s31  }
0x14d: {  	p1 =	sge.u32 s1, s28  }
0x14e: {  	s1 =	sshll.u32 @!p1 s1, $0x8  }
0x14f: {  	s1 =	sadd.s32 @!p1 s26, s1  }
0x150: {  	p2 =	slt.s32 @!p1 s1, $0x185A0  }
0x151: {  	_ =	swait.ge [sflag:s18], $0x8000;
	p2 =	por !p2, p1  }
0x152: {  	s2 =	smul.u32 $0x300, s30;
	[sflag:s18] =	ssyncset.done $0x0;
	s1 =	simm.s32 @p2 $0x185A0  }
0x153: {  	[sflag:s18] =	ssyncadd.s32 $0xFFFF8000;
	s17 =	sshll.u32 @!p1 s1, $0x4  }
.Ltmp7:
0x154: {  	s1 =	sadd.s32 s26, s2;
	s2 =	sand.u32 @!p1 $0x1FFFFFF0, s17;
	(pc) =	sbr.rel .LBB2_6-.Ltmp7, $4  }
0x155: {  	s21 =	simm.s32 @!p1 $0x12348;
	s17 =	simm.s32 @!p1 $0x0;
	s2 =	sadd.s32 @!p1 s0, s2  }
0x156: {  	[tilespmem:s21], [sflag:$0x3] =	stream.linear.gather @!p1 [hbm4b:s2+s17], $0x8000, $0x38;
	[tilespmem:$0x1A548] =	vst v63  }
0x157: {  	p1 =	slt.s32 s1, $0x185A0  }
0x158: {  	s17 =	simm.s32 $0x0;
	s1 =	simm.s32 @!p1 $0x185A0  }
.LBB2_9:
0x159: {  	v16 =	vmax.f32 v24, v16;
	v17 =	vmax.f32 v25, v17;
	v20 =	vmax.f32 v26, v20  }
0x15a: {  	v27 =	vld [tilespmem:s21+$0xFFFFFFE0];
	v52 =	vmax.f32 v10, v21;
	v53 =	vmax.f32 v9, v22;
	v55 =	vmax.f32 v8, v23  }
0x15b: {  	v28 =	vld [tilespmem:s21+$0xFFFFFFF0];
	v16 =	vpsel p3, v16, v24;
	v17 =	vpsel p3, v17, v25;
	v20 =	vpsel p3, v20, v26  }
0x15c: {  	v50 =	vld [tilespmem:s21+$0x60];
	v10 =	vpsel p1, v52, v10;
	v9 =	vpsel p1, v53, v9;
	v8 =	vpsel p1, v55, v8  }
0x15d: {  	v51 =	vld [tilespmem:s21+$0x70];
	v11 =	vmax.f32 v16, v11;
	v12 =	vmax.f32 v17, v12;
	v13 =	vmax.f32 v20, v13  }
0x15e: {  	v54 =	vld [tilespmem:s21+$0xE0];
	v19 =	vmax.f32 v10, v19;
	v11 =	vpsel p4, v11, v16;
	v12 =	vpsel p4, v12, v17  }
0x15f: {  	v56 =	vld [tilespmem:s21+$0xF0];
	[tilespmem:s2+$0x1A348] =	vst v15;
	v13 =	vpsel p4, v13, v20;
	v10 =	vpsel p2, v19, v10;
	v57 =	vmax.f32 v9, v27  }
0x160: {  	[tilespmem:s2+$0x1A358] =	vst v14;
	v59 =	vmax.f32 v10, v18;
	v58 =	vmax.f32 v8, v28;
	v9 =	vpsel p2, v57, v9  }
0x161: {  	[tilespmem:s2+$0x1A368] =	vst v11;
	v10 =	vpsel p3, v59, v10;
	v8 =	vpsel p2, v58, v8;
	v60 =	vmax.f32 v9, v50  }
0x162: {  	[tilespmem:s2+$0x1A378] =	vst v12;
	v7 =	vmax.f32 v10, v7;
	v61 =	vmax.f32 v8, v51;
	v9 =	vpsel p3, v60, v9  }
0x163: {  	[tilespmem:s2+$0x1A388] =	vst v13;
	v7 =	vpsel p4, v7, v10;
	v8 =	vpsel p3, v61, v8;
	v62 =	vmax.f32 v9, v54  }
0x164: {  	[tilespmem:s2+$0x1A398] =	vst v7;
	v63 =	vmax.f32 v8, v56;
	v9 =	vpsel p4, v62, v9  }
0x165: {  	v7 =	vpsel p4, v63, v8;
	[tilespmem:s2+$0x1A3A8] =	vst v9  }
0x166: {  	[tilespmem:s2+$0x1A3B8] =	vst v7  }
.LBB2_10:
0x167: {  	s17 =	sadd.s32 $0x1, s17  }
0x168: {  	p1 =	sne.s32 s17, $0x4  }
.Ltmp8:
0x169: {  	_ = 	snop;
	(pc) =	sbr.rel @!p1 .LBB2_11-.Ltmp8, $1  }
0x16a: {  	_ =	sdelay $0x3  }
.LBB2_6:
0x16b: {  	_ =	sdelay $0x3  }
0x16c: {  	v7 =	vld.idx.msk [tilespmem:v6+s17+$0x0 ss:$0x1], $0xffff  }
0x16d: {  	v8 =	vld.idx.msk [tilespmem:v6+s17+$0x1 ss:$0x1], $0xffff;
	_ =	sdelay $0x3  }
0x16e: {  	(v2sf) =	vpush v7, $0x0  }
0x16f: {  	(v2sf) =	vpush v8, $0x0;
	_ =	sdelay $0xd  }
0x170: {  	s2 =	spop (v2sf)  }
0x171: {  	s21 =	spop (v2sf)  }
0x172: {  	s22 =	ssub.s32 s2, s1;
	s23 =	ssub.s32 s21, s1  }
0x173: {  	p1 =	sgt.s32 s22, $0x0;
	s2 =	smov.u32 s22;
	p2 =	slt.s32 s23, $0x100  }
0x174: {  	s2 =	simm.s32 @!p1 $0x0;
	s23 =	simm.s32 @!p2 $0x100  }
0x175: {  	p1 =	sle.s32 s23, s2  }
.Ltmp9:
0x176: {  	_ = 	snop;
	(pc) =	sbr.rel @p1 .LBB2_10-.Ltmp9, $1  }
0x177: {  	_ =	sdelay $0x3  }
0x178: {  	s21 =	simm.s32 $0x2448  }
0x179: {  	v18 =	vld [tilespmem:s21+$0x80]  }
0x17a: {  	v19 =	vld [tilespmem:s21+$0x90]  }
0x17b: {  	v11 =	vld [tilespmem:s21+$0xA0]  }
0x17c: {  	v12 =	vld [tilespmem:s21+$0xB0]  }
0x17d: {  	v13 =	vld [tilespmem:s21+$0xC0]  }
0x17e: {  	v7 =	vld [tilespmem:s21+$0xD0]  }
0x17f: {  	v20 =	vld [tilespmem:s21+$0x0]  }
0x180: {  	v24 =	vld [tilespmem:s21+$0x10]  }
0x181: {  	v25 =	vld [tilespmem:s21+$0xFFFFFF00]  }
0x182: {  	v26 =	vld [tilespmem:s21+$0xFFFFFF10]  }
0x183: {  	v27 =	vld [tilespmem:s21+$0xFFFFFF80]  }
0x184: {  	v28 =	vld [tilespmem:s21+$0xFFFFFF90]  }
0x185: {  	v16 =	vld [tilespmem:s21+$0x20]  }
0x186: {  	v17 =	vld [tilespmem:s21+$0x30]  }
0x187: {  	s2 =	sshll.u32 s17, $0x7;
	v29 =	vld [tilespmem:s21+$0xFFFFFFA0]  }
0x188: {  	s2 =	sand.u32 $0x3FFFFF80, s2;
	v30 =	vld [tilespmem:s21+$0xFFFFFF40]  }
0x189: {  	v14 =	vld [tilespmem:s2+$0x1A348]  }
0x18a: {  	v15 =	vld [tilespmem:s2+$0x1A358]  }
0x18b: {  	v63 =	vld [tilespmem:s21+$0xFFFFFFC0]  }
0x18c: {  	v21 =	vld [tilespmem:s2+$0x1A368]  }
0x18d: {  	p1 =	sle.s32 s22, $0x0;
	p2 =	sgt.s32 s23, $0x0;
	v22 =	vld [tilespmem:s2+$0x1A378]  }
0x18e: {  	p1 =	por !p1, !p2;
	v23 =	vld [tilespmem:s2+$0x1A388]  }
0x18f: {  	p4 =	sle.s32 s22, $0x1;
	p3 =	sgt.s32 s23, $0x1;
	v10 =	vld [tilespmem:s2+$0x1A398];
	p1 =	por !p1, !p1;
	v25 =	vmax.f32 v14, v25;
	v26 =	vmax.f32 v15, v26  }
0x190: {  	p2 =	por !p4, !p3;
	v9 =	vld [tilespmem:s2+$0x1A3A8];
	v14 =	vpsel p1, v25, v14;
	v15 =	vpsel p1, v26, v15  }
0x191: {  	p5 =	sle.s32 s22, $0x2;
	p4 =	sgt.s32 s23, $0x2;
	p2 =	por !p2, !p2;
	v25 =	vld [tilespmem:s21+$0xFFFFFF20];
	v27 =	vmax.f32 v14, v27;
	v28 =	vmax.f32 v15, v28  }
0x192: {  	p3 =	por !p5, !p4;
	v26 =	vld [tilespmem:s21+$0xFFFFFF30];
	v14 =	vpsel p2, v27, v14;
	v15 =	vpsel p2, v28, v15  }
0x193: {  	p6 =	sle.s32 s22, $0x3;
	v8 =	vld [tilespmem:s2+$0x1A3B8];
	p5 =	sgt.s32 s23, $0x3;
	p3 =	por !p3, !p3;
	v20 =	vmax.f32 v14, v20;
	v24 =	vmax.f32 v15, v24  }
0x194: {  	p4 =	por !p6, !p5;
	v27 =	vld [tilespmem:s21+$0xFFFFFFB0];
	v14 =	vpsel p3, v20, v14;
	v24 =	vpsel p3, v24, v15  }
0x195: {  	p4 =	por !p4, !p4;
	v20 =	vld [tilespmem:s21+$0x40];
	v15 =	vmax.f32 v14, v18;
	v19 =	vmax.f32 v24, v19  }
0x196: {  	v18 =	vld [tilespmem:s21+$0x50];
	v15 =	vpsel p4, v15, v14;
	v14 =	vpsel p4, v19, v24  }
0x197: {  	v24 =	vmax.f32 v21, v25;
	v25 =	vmax.f32 v22, v26;
	v26 =	vmax.f32 v23, v30;
	v19 =	vld [tilespmem:s21+$0xFFFFFFD0]  }
0x198: {  	v24 =	vpsel p1, v24, v21;
	v25 =	vpsel p1, v25, v22;
	v26 =	vpsel p1, v26, v23;
	v21 =	vld [tilespmem:s21+$0xFFFFFF50]  }
0x199: {  	v22 =	vld [tilespmem:s21+$0xFFFFFF60];
	v29 =	vmax.f32 v24, v29;
	v27 =	vmax.f32 v25, v27;
	v28 =	vmax.f32 v26, v63  }
0x19a: {  	s24 =	simm.s32 $0x4;
	v23 =	vld [tilespmem:s21+$0xFFFFFF70];
	v24 =	vpsel p2, v29, v24;
	v25 =	vpsel p2, v27, v25;
	v26 =	vpsel p2, v28, v26  }
.LBB2_8:
0x19b: {  	p5 =	sne.s32 s24, $0xFC;
	v27 =	vld [tilespmem:s21+$0xFFFFFFE0];
	v16 =	vmax.f32 v24, v16;
	v17 =	vmax.f32 v25, v17;
	v20 =	vmax.f32 v26, v20  }
0x19c: {  	v28 =	vld [tilespmem:s21+$0xFFFFFFF0];
	v16 =	vpsel p3, v16, v24;
	v17 =	vpsel p3, v17, v25;
	v20 =	vpsel p3, v20, v26  }
0x19d: {  	v24 =	vld [tilespmem:s21+$0x60];
	v11 =	vmax.f32 v16, v11;
	v12 =	vmax.f32 v17, v12;
	v13 =	vmax.f32 v20, v13  }
0x19e: {  	v25 =	vld [tilespmem:s21+$0x70];
	v26 =	vpsel p4, v11, v16;
	v29 =	vpsel p4, v12, v17;
	v30 =	vpsel p4, v13, v20  }
0x19f: {  	v11 =	vmax.f32 v10, v21;
	v12 =	vmax.f32 v9, v22;
	v13 =	vmax.f32 v8, v23;
	v16 =	vld [tilespmem:s21+$0xE0]  }
0x1a0: {  	v10 =	vpsel p1, v11, v10;
	v9 =	vpsel p1, v12, v9;
	v8 =	vpsel p1, v13, v8;
	v17 =	vld [tilespmem:s21+$0xF0];
	s21 =	sadd.s32 $0x200, s21  }
0x1a1: {  	v11 =	vmax.f32 v10, v19;
	v12 =	vmax.f32 v9, v27;
	v21 =	vld [tilespmem:s21+$0x80];
	v13 =	vmax.f32 v8, v28  }
0x1a2: {  	v10 =	vpsel p2, v11, v10;
	v9 =	vpsel p2, v12, v9;
	v19 =	vld [tilespmem:s21+$0x90];
	v8 =	vpsel p2, v13, v8  }
0x1a3: {  	v13 =	vmax.f32 v10, v18;
	v18 =	vmax.f32 v9, v24;
	v11 =	vld [tilespmem:s21+$0xA0];
	v20 =	vmax.f32 v8, v25  }
0x1a4: {  	v10 =	vpsel p3, v13, v10;
	v9 =	vpsel p3, v18, v9;
	v12 =	vld [tilespmem:s21+$0xB0];
	v8 =	vpsel p3, v20, v8  }
0x1a5: {  	v18 =	vmax.f32 v10, v7;
	v16 =	vmax.f32 v9, v16;
	v13 =	vld [tilespmem:s21+$0xC0];
	v17 =	vmax.f32 v8, v17  }
0x1a6: {  	v10 =	vpsel p4, v18, v10;
	v9 =	vpsel p4, v16, v9;
	v7 =	vld [tilespmem:s21+$0xD0];
	v8 =	vpsel p4, v17, v8  }
0x1a7: {  	v18 =	vld [tilespmem:s21+$0x0]  }
0x1a8: {  	v20 =	vld [tilespmem:s21+$0x10]  }
0x1a9: {  	v22 =	vld [tilespmem:s21+$0xFFFFFF00]  }
0x1aa: {  	v23 =	vld [tilespmem:s21+$0xFFFFFF10]  }
0x1ab: {  	v24 =	vld [tilespmem:s21+$0xFFFFFF80]  }
0x1ac: {  	v25 =	vld [tilespmem:s21+$0xFFFFFF90]  }
0x1ad: {  	p1 =	sle.s32 s22, s24;
	p2 =	slt.s32 s24, s23;
	v16 =	vld [tilespmem:s21+$0x20]  }
0x1ae: {  	s5 =	sadd.s32 $0x1, s24;
	p1 =	por !p1, !p2;
	v17 =	vld [tilespmem:s21+$0x30]  }
0x1af: {  	p2 =	sle.s32 s22, s5;
	p1 =	por !p1, !p1;
	p3 =	slt.s32 s5, s23;
	v22 =	vmax.f32 v15, v22;
	v23 =	vmax.f32 v14, v23;
	v27 =	vld [tilespmem:s21+$0xFFFFFFA0]  }
0x1b0: {  	s5 =	sadd.s32 $0x2, s24;
	p2 =	por !p2, !p3;
	v15 =	vpsel p1, v22, v15;
	v14 =	vpsel p1, v23, v14;
	v22 =	vld [tilespmem:s21+$0xFFFFFF20]  }
0x1b1: {  	p3 =	sle.s32 s22, s5;
	p2 =	por !p2, !p2;
	p4 =	slt.s32 s5, s23;
	v24 =	vmax.f32 v15, v24;
	v23 =	vld [tilespmem:s21+$0xFFFFFF30];
	v25 =	vmax.f32 v14, v25  }
0x1b2: {  	s5 =	sadd.s32 $0x3, s24;
	p3 =	por !p3, !p4;
	v15 =	vpsel p2, v24, v15;
	v28 =	vld [tilespmem:s21+$0xFFFFFF40];
	v14 =	vpsel p2, v25, v14  }
0x1b3: {  	p4 =	sle.s32 s22, s5;
	p6 =	slt.s32 s5, s23;
	p3 =	por !p3, !p3;
	v18 =	vmax.f32 v15, v18;
	v24 =	vld [tilespmem:s21+$0xFFFFFFB0];
	v20 =	vmax.f32 v14, v20  }
0x1b4: {  	p4 =	por !p4, !p6;
	v15 =	vpsel p3, v18, v15;
	v25 =	vld [tilespmem:s21+$0xFFFFFFC0];
	v14 =	vpsel p3, v20, v14  }
0x1b5: {  	p4 =	por !p4, !p4;
	v21 =	vmax.f32 v15, v21;
	v20 =	vld [tilespmem:s21+$0x40];
	v19 =	vmax.f32 v14, v19  }
.Ltmp10:
0x1b6: {  	v15 =	vpsel p4, v21, v15;
	v18 =	vld [tilespmem:s21+$0x50];
	v14 =	vpsel p4, v19, v14;
	(pc) =	sbr.rel @p5 .LBB2_8-.Ltmp10, $4  }
0x1b7: {  	v21 =	vmax.f32 v26, v22;
	v22 =	vmax.f32 v29, v23;
	v23 =	vmax.f32 v30, v28;
	v19 =	vld [tilespmem:s21+$0xFFFFFFD0]  }
0x1b8: {  	v26 =	vpsel p1, v21, v26;
	v28 =	vpsel p1, v22, v29;
	v29 =	vpsel p1, v23, v30;
	v21 =	vld [tilespmem:s21+$0xFFFFFF50]  }
0x1b9: {  	v27 =	vmax.f32 v26, v27;
	v30 =	vmax.f32 v28, v24;
	v22 =	vld [tilespmem:s21+$0xFFFFFF60];
	v31 =	vmax.f32 v29, v25  }
0x1ba: {  	s24 =	sadd.s32 $0x4, s24;
	v24 =	vpsel p2, v27, v26;
	v25 =	vpsel p2, v30, v28;
	v23 =	vld [tilespmem:s21+$0xFFFFFF70];
	v26 =	vpsel p2, v31, v29  }
.Ltmp11:
0x1bb: {  	_ = 	snop;
	(pc) =	sbr.rel .LBB2_9-.Ltmp11, $1  }
0x1bc: {  	_ =	sdelay $0x3  }
.LBB2_11:
0x1bd: {  	s1 =	sadd.s32 $0x1, s31  }
0x1be: {  	p1 =	sge.s32 s1, s28  }
.Ltmp12:
0x1bf: {  	_ = 	snop;
	(pc) =	sbr.rel @p1 .LBB2_18-.Ltmp12, $1  }
0x1c0: {  	_ =	sdelay $0x3  }
0x1c1: {  	s2 =	sadd.s32 $0x3, s31  }
0x1c2: {  	p1 =	sge.s32 s2, s28  }
0x1c3: {  	s2 =	sshll.u32 @!p1 s2, $0x8  }
0x1c4: {  	s2 =	sadd.s32 @!p1 s26, s2  }
0x1c5: {  	p2 =	slt.s32 @!p1 s2, $0x185A0  }
0x1c6: {  	p2 =	por !p2, p1  }
0x1c7: {  	_ =	swait.ge [sflag:s19], $0x8000;
	s1 =	sshll.u32 s1, $0x8;
	s2 =	simm.s32 @p2 $0x185A0  }
0x1c8: {  	[sflag:s19] =	ssyncset.done $0x0;
	s1 =	sadd.s32 s26, s1;
	s2 =	sshll.u32 @!p1 s2, $0x4  }
.Ltmp13:
0x1c9: {  	[sflag:s19] =	ssyncadd.s32 $0xFFFF8000;
	s2 =	sand.u32 @!p1 $0x1FFFFFF0, s2;
	(pc) =	sbr.rel .LBB2_13-.Ltmp13, $4  }
0x1ca: {  	s5 =	simm.s32 @!p1 $0x0;
	s17 =	simm.s32 @!p1 $0x2348;
	s2 =	sadd.s32 @!p1 s0, s2  }
0x1cb: {  	[tilespmem:s17], [sflag:$0x1] =	stream.linear.gather @!p1 [hbm4b:s2+s5], $0x8000, $0x38;
	[tilespmem:$0x1A548] =	vst v63  }
0x1cc: {  	p1 =	slt.s32 s1, $0x185A0  }
0x1cd: {  	s17 =	simm.s32 $0x0;
	s1 =	simm.s32 @!p1 $0x185A0  }
.LBB2_16:
0x1ce: {  	v16 =	vmax.f32 v24, v16;
	v17 =	vmax.f32 v25, v17;
	v20 =	vmax.f32 v26, v20  }
0x1cf: {  	v27 =	vld [tilespmem:s21+$0xFFFFFFE0];
	v52 =	vmax.f32 v10, v21;
	v53 =	vmax.f32 v9, v22;
	v55 =	vmax.f32 v8, v23  }
0x1d0: {  	v28 =	vld [tilespmem:s21+$0xFFFFFFF0];
	v16 =	vpsel p3, v16, v24;
	v17 =	vpsel p3, v17, v25;
	v20 =	vpsel p3, v20, v26  }
0x1d1: {  	v50 =	vld [tilespmem:s21+$0x60];
	v10 =	vpsel p1, v52, v10;
	v9 =	vpsel p1, v53, v9;
	v8 =	vpsel p1, v55, v8  }
0x1d2: {  	v51 =	vld [tilespmem:s21+$0x70];
	v11 =	vmax.f32 v16, v11;
	v12 =	vmax.f32 v17, v12;
	v13 =	vmax.f32 v20, v13  }
0x1d3: {  	v54 =	vld [tilespmem:s21+$0xE0];
	v19 =	vmax.f32 v10, v19;
	v11 =	vpsel p4, v11, v16;
	v12 =	vpsel p4, v12, v17  }
0x1d4: {  	v56 =	vld [tilespmem:s21+$0xF0];
	[tilespmem:s2+$0x1A348] =	vst v15;
	v13 =	vpsel p4, v13, v20;
	v10 =	vpsel p2, v19, v10;
	v57 =	vmax.f32 v9, v27  }
0x1d5: {  	[tilespmem:s2+$0x1A358] =	vst v14;
	v59 =	vmax.f32 v10, v18;
	v58 =	vmax.f32 v8, v28;
	v9 =	vpsel p2, v57, v9  }
0x1d6: {  	[tilespmem:s2+$0x1A368] =	vst v11;
	v10 =	vpsel p3, v59, v10;
	v8 =	vpsel p2, v58, v8;
	v60 =	vmax.f32 v9, v50  }
0x1d7: {  	[tilespmem:s2+$0x1A378] =	vst v12;
	v7 =	vmax.f32 v10, v7;
	v61 =	vmax.f32 v8, v51;
	v9 =	vpsel p3, v60, v9  }
0x1d8: {  	[tilespmem:s2+$0x1A388] =	vst v13;
	v7 =	vpsel p4, v7, v10;
	v8 =	vpsel p3, v61, v8;
	v62 =	vmax.f32 v9, v54  }
0x1d9: {  	[tilespmem:s2+$0x1A398] =	vst v7;
	v63 =	vmax.f32 v8, v56;
	v9 =	vpsel p4, v62, v9  }
0x1da: {  	v7 =	vpsel p4, v63, v8;
	[tilespmem:s2+$0x1A3A8] =	vst v9  }
0x1db: {  	[tilespmem:s2+$0x1A3B8] =	vst v7  }
.LBB2_17:
0x1dc: {  	s17 =	sadd.s32 $0x1, s17  }
0x1dd: {  	p1 =	sne.s32 s17, $0x4  }
.Ltmp14:
0x1de: {  	_ = 	snop;
	(pc) =	sbr.rel @!p1 .LBB2_18-.Ltmp14, $1  }
0x1df: {  	_ =	sdelay $0x3  }
.LBB2_13:
0x1e0: {  	_ =	sdelay $0x3  }
0x1e1: {  	v7 =	vld.idx.msk [tilespmem:v6+s17+$0x0 ss:$0x1], $0xffff  }
0x1e2: {  	v8 =	vld.idx.msk [tilespmem:v6+s17+$0x1 ss:$0x1], $0xffff;
	_ =	sdelay $0x3  }
0x1e3: {  	(v2sf) =	vpush v7, $0x0  }
0x1e4: {  	(v2sf) =	vpush v8, $0x0;
	_ =	sdelay $0xd  }
0x1e5: {  	s2 =	spop (v2sf)  }
0x1e6: {  	s5 =	spop (v2sf)  }
0x1e7: {  	s22 =	ssub.s32 s2, s1;
	s23 =	ssub.s32 s5, s1  }
0x1e8: {  	p1 =	sgt.s32 s22, $0x0;
	s2 =	smov.u32 s22;
	p2 =	slt.s32 s23, $0x100  }
0x1e9: {  	s2 =	simm.s32 @!p1 $0x0;
	s23 =	simm.s32 @!p2 $0x100  }
0x1ea: {  	p1 =	sle.s32 s23, s2  }
.Ltmp15:
0x1eb: {  	_ = 	snop;
	(pc) =	sbr.rel @p1 .LBB2_17-.Ltmp15, $1  }
0x1ec: {  	_ =	sdelay $0x3  }
0x1ed: {  	s21 =	simm.s32 $0xA448  }
0x1ee: {  	v18 =	vld [tilespmem:s21+$0x80]  }
0x1ef: {  	v19 =	vld [tilespmem:s21+$0x90]  }
0x1f0: {  	v11 =	vld [tilespmem:s21+$0xA0]  }
0x1f1: {  	v12 =	vld [tilespmem:s21+$0xB0]  }
0x1f2: {  	v13 =	vld [tilespmem:s21+$0xC0]  }
0x1f3: {  	v7 =	vld [tilespmem:s21+$0xD0]  }
0x1f4: {  	v20 =	vld [tilespmem:s21+$0x0]  }
0x1f5: {  	v24 =	vld [tilespmem:s21+$0x10]  }
0x1f6: {  	v25 =	vld [tilespmem:s21+$0xFFFFFF00]  }
0x1f7: {  	v26 =	vld [tilespmem:s21+$0xFFFFFF10]  }
0x1f8: {  	v27 =	vld [tilespmem:s21+$0xFFFFFF80]  }
0x1f9: {  	v28 =	vld [tilespmem:s21+$0xFFFFFF90]  }
0x1fa: {  	v16 =	vld [tilespmem:s21+$0x20]  }
0x1fb: {  	v17 =	vld [tilespmem:s21+$0x30]  }
0x1fc: {  	s2 =	sshll.u32 s17, $0x7;
	v29 =	vld [tilespmem:s21+$0xFFFFFFA0]  }
0x1fd: {  	s2 =	sand.u32 $0x3FFFFF80, s2;
	v30 =	vld [tilespmem:s21+$0xFFFFFF40]  }
0x1fe: {  	v14 =	vld [tilespmem:s2+$0x1A348]  }
0x1ff: {  	v15 =	vld [tilespmem:s2+$0x1A358]  }
0x200: {  	v63 =	vld [tilespmem:s21+$0xFFFFFFC0]  }
0x201: {  	v21 =	vld [tilespmem:s2+$0x1A368]  }
0x202: {  	p1 =	sle.s32 s22, $0x0;
	p2 =	sgt.s32 s23, $0x0;
	v22 =	vld [tilespmem:s2+$0x1A378]  }
0x203: {  	p1 =	por !p1, !p2;
	v23 =	vld [tilespmem:s2+$0x1A388]  }
0x204: {  	p4 =	sle.s32 s22, $0x1;
	p3 =	sgt.s32 s23, $0x1;
	v10 =	vld [tilespmem:s2+$0x1A398];
	p1 =	por !p1, !p1;
	v25 =	vmax.f32 v14, v25;
	v26 =	vmax.f32 v15, v26  }
0x205: {  	p2 =	por !p4, !p3;
	v9 =	vld [tilespmem:s2+$0x1A3A8];
	v14 =	vpsel p1, v25, v14;
	v15 =	vpsel p1, v26, v15  }
0x206: {  	p5 =	sle.s32 s22, $0x2;
	p4 =	sgt.s32 s23, $0x2;
	p2 =	por !p2, !p2;
	v25 =	vld [tilespmem:s21+$0xFFFFFF20];
	v27 =	vmax.f32 v14, v27;
	v28 =	vmax.f32 v15, v28  }
0x207: {  	p3 =	por !p5, !p4;
	v26 =	vld [tilespmem:s21+$0xFFFFFF30];
	v14 =	vpsel p2, v27, v14;
	v15 =	vpsel p2, v28, v15  }
0x208: {  	p6 =	sle.s32 s22, $0x3;
	v8 =	vld [tilespmem:s2+$0x1A3B8];
	p5 =	sgt.s32 s23, $0x3;
	p3 =	por !p3, !p3;
	v20 =	vmax.f32 v14, v20;
	v24 =	vmax.f32 v15, v24  }
0x209: {  	p4 =	por !p6, !p5;
	v27 =	vld [tilespmem:s21+$0xFFFFFFB0];
	v14 =	vpsel p3, v20, v14;
	v24 =	vpsel p3, v24, v15  }
0x20a: {  	p4 =	por !p4, !p4;
	v20 =	vld [tilespmem:s21+$0x40];
	v15 =	vmax.f32 v14, v18;
	v19 =	vmax.f32 v24, v19  }
0x20b: {  	v18 =	vld [tilespmem:s21+$0x50];
	v15 =	vpsel p4, v15, v14;
	v14 =	vpsel p4, v19, v24  }
0x20c: {  	v24 =	vmax.f32 v21, v25;
	v25 =	vmax.f32 v22, v26;
	v26 =	vmax.f32 v23, v30;
	v19 =	vld [tilespmem:s21+$0xFFFFFFD0]  }
0x20d: {  	v24 =	vpsel p1, v24, v21;
	v25 =	vpsel p1, v25, v22;
	v26 =	vpsel p1, v26, v23;
	v21 =	vld [tilespmem:s21+$0xFFFFFF50]  }
0x20e: {  	v22 =	vld [tilespmem:s21+$0xFFFFFF60];
	v29 =	vmax.f32 v24, v29;
	v27 =	vmax.f32 v25, v27;
	v28 =	vmax.f32 v26, v63  }
0x20f: {  	s24 =	simm.s32 $0x4;
	v23 =	vld [tilespmem:s21+$0xFFFFFF70];
	v24 =	vpsel p2, v29, v24;
	v25 =	vpsel p2, v27, v25;
	v26 =	vpsel p2, v28, v26  }
.LBB2_15:
0x210: {  	p5 =	sne.s32 s24, $0xFC;
	v27 =	vld [tilespmem:s21+$0xFFFFFFE0];
	v16 =	vmax.f32 v24, v16;
	v17 =	vmax.f32 v25, v17;
	v20 =	vmax.f32 v26, v20  }
0x211: {  	v28 =	vld [tilespmem:s21+$0xFFFFFFF0];
	v16 =	vpsel p3, v16, v24;
	v17 =	vpsel p3, v17, v25;
	v20 =	vpsel p3, v20, v26  }
0x212: {  	v24 =	vld [tilespmem:s21+$0x60];
	v11 =	vmax.f32 v16, v11;
	v12 =	vmax.f32 v17, v12;
	v13 =	vmax.f32 v20, v13  }
0x213: {  	v25 =	vld [tilespmem:s21+$0x70];
	v26 =	vpsel p4, v11, v16;
	v29 =	vpsel p4, v12, v17;
	v30 =	vpsel p4, v13, v20  }
0x214: {  	v11 =	vmax.f32 v10, v21;
	v12 =	vmax.f32 v9, v22;
	v13 =	vmax.f32 v8, v23;
	v16 =	vld [tilespmem:s21+$0xE0]  }
0x215: {  	v10 =	vpsel p1, v11, v10;
	v9 =	vpsel p1, v12, v9;
	v8 =	vpsel p1, v13, v8;
	v17 =	vld [tilespmem:s21+$0xF0];
	s21 =	sadd.s32 $0x200, s21  }
0x216: {  	v11 =	vmax.f32 v10, v19;
	v12 =	vmax.f32 v9, v27;
	v21 =	vld [tilespmem:s21+$0x80];
	v13 =	vmax.f32 v8, v28  }
0x217: {  	v10 =	vpsel p2, v11, v10;
	v9 =	vpsel p2, v12, v9;
	v19 =	vld [tilespmem:s21+$0x90];
	v8 =	vpsel p2, v13, v8  }
0x218: {  	v13 =	vmax.f32 v10, v18;
	v18 =	vmax.f32 v9, v24;
	v11 =	vld [tilespmem:s21+$0xA0];
	v20 =	vmax.f32 v8, v25  }
0x219: {  	v10 =	vpsel p3, v13, v10;
	v9 =	vpsel p3, v18, v9;
	v12 =	vld [tilespmem:s21+$0xB0];
	v8 =	vpsel p3, v20, v8  }
0x21a: {  	v18 =	vmax.f32 v10, v7;
	v16 =	vmax.f32 v9, v16;
	v13 =	vld [tilespmem:s21+$0xC0];
	v17 =	vmax.f32 v8, v17  }
0x21b: {  	v10 =	vpsel p4, v18, v10;
	v9 =	vpsel p4, v16, v9;
	v7 =	vld [tilespmem:s21+$0xD0];
	v8 =	vpsel p4, v17, v8  }
0x21c: {  	v18 =	vld [tilespmem:s21+$0x0]  }
0x21d: {  	v20 =	vld [tilespmem:s21+$0x10]  }
0x21e: {  	v22 =	vld [tilespmem:s21+$0xFFFFFF00]  }
0x21f: {  	v23 =	vld [tilespmem:s21+$0xFFFFFF10]  }
0x220: {  	v24 =	vld [tilespmem:s21+$0xFFFFFF80]  }
0x221: {  	v25 =	vld [tilespmem:s21+$0xFFFFFF90]  }
0x222: {  	p1 =	sle.s32 s22, s24;
	p2 =	slt.s32 s24, s23;
	v16 =	vld [tilespmem:s21+$0x20]  }
0x223: {  	s5 =	sadd.s32 $0x1, s24;
	p1 =	por !p1, !p2;
	v17 =	vld [tilespmem:s21+$0x30]  }
0x224: {  	p2 =	sle.s32 s22, s5;
	p1 =	por !p1, !p1;
	p3 =	slt.s32 s5, s23;
	v22 =	vmax.f32 v15, v22;
	v23 =	vmax.f32 v14, v23;
	v27 =	vld [tilespmem:s21+$0xFFFFFFA0]  }
0x225: {  	s5 =	sadd.s32 $0x2, s24;
	p2 =	por !p2, !p3;
	v15 =	vpsel p1, v22, v15;
	v14 =	vpsel p1, v23, v14;
	v22 =	vld [tilespmem:s21+$0xFFFFFF20]  }
0x226: {  	p3 =	sle.s32 s22, s5;
	p2 =	por !p2, !p2;
	p4 =	slt.s32 s5, s23;
	v24 =	vmax.f32 v15, v24;
	v23 =	vld [tilespmem:s21+$0xFFFFFF30];
	v25 =	vmax.f32 v14, v25  }
0x227: {  	s5 =	sadd.s32 $0x3, s24;
	p3 =	por !p3, !p4;
	v15 =	vpsel p2, v24, v15;
	v28 =	vld [tilespmem:s21+$0xFFFFFF40];
	v14 =	vpsel p2, v25, v14  }
0x228: {  	p4 =	sle.s32 s22, s5;
	p6 =	slt.s32 s5, s23;
	p3 =	por !p3, !p3;
	v18 =	vmax.f32 v15, v18;
	v24 =	vld [tilespmem:s21+$0xFFFFFFB0];
	v20 =	vmax.f32 v14, v20  }
0x229: {  	p4 =	por !p4, !p6;
	v15 =	vpsel p3, v18, v15;
	v25 =	vld [tilespmem:s21+$0xFFFFFFC0];
	v14 =	vpsel p3, v20, v14  }
0x22a: {  	p4 =	por !p4, !p4;
	v21 =	vmax.f32 v15, v21;
	v20 =	vld [tilespmem:s21+$0x40];
	v19 =	vmax.f32 v14, v19  }
.Ltmp16:
0x22b: {  	v15 =	vpsel p4, v21, v15;
	v18 =	vld [tilespmem:s21+$0x50];
	v14 =	vpsel p4, v19, v14;
	(pc) =	sbr.rel @p5 .LBB2_15-.Ltmp16, $4  }
0x22c: {  	v21 =	vmax.f32 v26, v22;
	v22 =	vmax.f32 v29, v23;
	v23 =	vmax.f32 v30, v28;
	v19 =	vld [tilespmem:s21+$0xFFFFFFD0]  }
0x22d: {  	v26 =	vpsel p1, v21, v26;
	v28 =	vpsel p1, v22, v29;
	v29 =	vpsel p1, v23, v30;
	v21 =	vld [tilespmem:s21+$0xFFFFFF50]  }
0x22e: {  	v27 =	vmax.f32 v26, v27;
	v30 =	vmax.f32 v28, v24;
	v22 =	vld [tilespmem:s21+$0xFFFFFF60];
	v31 =	vmax.f32 v29, v25  }
0x22f: {  	s24 =	sadd.s32 $0x4, s24;
	v24 =	vpsel p2, v27, v26;
	v25 =	vpsel p2, v30, v28;
	v23 =	vld [tilespmem:s21+$0xFFFFFF70];
	v26 =	vpsel p2, v31, v29  }
.Ltmp17:
0x230: {  	_ = 	snop;
	(pc) =	sbr.rel .LBB2_16-.Ltmp17, $1  }
0x231: {  	_ =	sdelay $0x3  }
.LBB2_18:
0x232: {  	s1 =	sadd.s32 $0x2, s31  }
0x233: {  	p1 =	sge.s32 s1, s28  }
.Ltmp18:
0x234: {  	_ = 	snop;
	(pc) =	sbr.rel @p1 .LBB2_25-.Ltmp18, $1  }
0x235: {  	_ =	sdelay $0x3  }
0x236: {  	s2 =	sadd.s32 $0x4, s31  }
0x237: {  	p1 =	sge.s32 s2, s28  }
0x238: {  	s2 =	sshll.u32 @!p1 s2, $0x8  }
0x239: {  	s2 =	sadd.s32 @!p1 s26, s2  }
0x23a: {  	p2 =	slt.s32 @!p1 s2, $0x185A0  }
0x23b: {  	p2 =	por !p2, p1  }
0x23c: {  	_ =	swait.ge [sflag:s20], $0x8000;
	s1 =	sshll.u32 s1, $0x8;
	s2 =	simm.s32 @p2 $0x185A0  }
0x23d: {  	[sflag:s20] =	ssyncset.done $0x0;
	s1 =	sadd.s32 s26, s1;
	s2 =	sshll.u32 @!p1 s2, $0x4  }
.Ltmp19:
0x23e: {  	[sflag:s20] =	ssyncadd.s32 $0xFFFF8000;
	s2 =	sand.u32 @!p1 $0x1FFFFFF0, s2;
	(pc) =	sbr.rel .LBB2_20-.Ltmp19, $4  }
0x23f: {  	s5 =	simm.s32 @!p1 $0x0;
	s17 =	simm.s32 @!p1 $0xA348;
	s2 =	sadd.s32 @!p1 s0, s2  }
0x240: {  	[tilespmem:s17], [sflag:$0x2] =	stream.linear.gather @!p1 [hbm4b:s2+s5], $0x8000, $0x38;
	[tilespmem:$0x1A548] =	vst v63  }
0x241: {  	p1 =	slt.s32 s1, $0x185A0  }
0x242: {  	s17 =	simm.s32 $0x0;
	s1 =	simm.s32 @!p1 $0x185A0  }
.LBB2_23:
0x243: {  	v16 =	vmax.f32 v24, v16;
	v17 =	vmax.f32 v25, v17;
	v20 =	vmax.f32 v26, v20  }
0x244: {  	v27 =	vld [tilespmem:s21+$0xFFFFFFE0];
	v52 =	vmax.f32 v10, v21;
	v53 =	vmax.f32 v9, v22;
	v55 =	vmax.f32 v8, v23  }
0x245: {  	v28 =	vld [tilespmem:s21+$0xFFFFFFF0];
	v16 =	vpsel p3, v16, v24;
	v17 =	vpsel p3, v17, v25;
	v20 =	vpsel p3, v20, v26  }
0x246: {  	v50 =	vld [tilespmem:s21+$0x60];
	v10 =	vpsel p1, v52, v10;
	v9 =	vpsel p1, v53, v9;
	v8 =	vpsel p1, v55, v8  }
0x247: {  	v51 =	vld [tilespmem:s21+$0x70];
	v11 =	vmax.f32 v16, v11;
	v12 =	vmax.f32 v17, v12;
	v13 =	vmax.f32 v20, v13  }
0x248: {  	v54 =	vld [tilespmem:s21+$0xE0];
	v19 =	vmax.f32 v10, v19;
	v11 =	vpsel p4, v11, v16;
	v12 =	vpsel p4, v12, v17  }
0x249: {  	v56 =	vld [tilespmem:s21+$0xF0];
	[tilespmem:s2+$0x1A348] =	vst v15;
	v13 =	vpsel p4, v13, v20;
	v10 =	vpsel p2, v19, v10;
	v57 =	vmax.f32 v9, v27  }
0x24a: {  	[tilespmem:s2+$0x1A358] =	vst v14;
	v59 =	vmax.f32 v10, v18;
	v58 =	vmax.f32 v8, v28;
	v9 =	vpsel p2, v57, v9  }
0x24b: {  	[tilespmem:s2+$0x1A368] =	vst v11;
	v10 =	vpsel p3, v59, v10;
	v8 =	vpsel p2, v58, v8;
	v60 =	vmax.f32 v9, v50  }
0x24c: {  	[tilespmem:s2+$0x1A378] =	vst v12;
	v7 =	vmax.f32 v10, v7;
	v61 =	vmax.f32 v8, v51;
	v9 =	vpsel p3, v60, v9  }
0x24d: {  	[tilespmem:s2+$0x1A388] =	vst v13;
	v7 =	vpsel p4, v7, v10;
	v8 =	vpsel p3, v61, v8;
	v62 =	vmax.f32 v9, v54  }
0x24e: {  	[tilespmem:s2+$0x1A398] =	vst v7;
	v63 =	vmax.f32 v8, v56;
	v9 =	vpsel p4, v62, v9  }
0x24f: {  	v7 =	vpsel p4, v63, v8;
	[tilespmem:s2+$0x1A3A8] =	vst v9  }
0x250: {  	[tilespmem:s2+$0x1A3B8] =	vst v7  }
.LBB2_24:
0x251: {  	s17 =	sadd.s32 $0x1, s17  }
0x252: {  	p1 =	sne.s32 s17, $0x4  }
.Ltmp20:
0x253: {  	_ = 	snop;
	(pc) =	sbr.rel @!p1 .LBB2_25-.Ltmp20, $1  }
0x254: {  	_ =	sdelay $0x3  }
.LBB2_20:
0x255: {  	_ =	sdelay $0x3  }
0x256: {  	v7 =	vld.idx.msk [tilespmem:v6+s17+$0x0 ss:$0x1], $0xffff  }
0x257: {  	v8 =	vld.idx.msk [tilespmem:v6+s17+$0x1 ss:$0x1], $0xffff;
	_ =	sdelay $0x3  }
0x258: {  	(v2sf) =	vpush v7, $0x0  }
0x259: {  	(v2sf) =	vpush v8, $0x0;
	_ =	sdelay $0xd  }
0x25a: {  	s2 =	spop (v2sf)  }
0x25b: {  	s5 =	spop (v2sf)  }
0x25c: {  	s22 =	ssub.s32 s2, s1;
	s23 =	ssub.s32 s5, s1  }
0x25d: {  	p1 =	sgt.s32 s22, $0x0;
	s2 =	smov.u32 s22;
	p2 =	slt.s32 s23, $0x100  }
0x25e: {  	s2 =	simm.s32 @!p1 $0x0;
	s23 =	simm.s32 @!p2 $0x100  }
0x25f: {  	p1 =	sle.s32 s23, s2  }
.Ltmp21:
0x260: {  	_ = 	snop;
	(pc) =	sbr.rel @p1 .LBB2_24-.Ltmp21, $1  }
0x261: {  	_ =	sdelay $0x3  }
0x262: {  	s21 =	simm.s32 $0x12448  }
0x263: {  	v18 =	vld [tilespmem:s21+$0x80]  }
0x264: {  	v19 =	vld [tilespmem:s21+$0x90]  }
0x265: {  	v11 =	vld [tilespmem:s21+$0xA0]  }
0x266: {  	v12 =	vld [tilespmem:s21+$0xB0]  }
0x267: {  	v13 =	vld [tilespmem:s21+$0xC0]  }
0x268: {  	v7 =	vld [tilespmem:s21+$0xD0]  }
0x269: {  	v20 =	vld [tilespmem:s21+$0x0]  }
0x26a: {  	v24 =	vld [tilespmem:s21+$0x10]  }
0x26b: {  	v25 =	vld [tilespmem:s21+$0xFFFFFF00]  }
0x26c: {  	v26 =	vld [tilespmem:s21+$0xFFFFFF10]  }
0x26d: {  	v27 =	vld [tilespmem:s21+$0xFFFFFF80]  }
0x26e: {  	v28 =	vld [tilespmem:s21+$0xFFFFFF90]  }
0x26f: {  	v16 =	vld [tilespmem:s21+$0x20]  }
0x270: {  	v17 =	vld [tilespmem:s21+$0x30]  }
0x271: {  	s2 =	sshll.u32 s17, $0x7;
	v29 =	vld [tilespmem:s21+$0xFFFFFFA0]  }
0x272: {  	s2 =	sand.u32 $0x3FFFFF80, s2;
	v30 =	vld [tilespmem:s21+$0xFFFFFF40]  }
0x273: {  	v14 =	vld [tilespmem:s2+$0x1A348]  }
0x274: {  	v15 =	vld [tilespmem:s2+$0x1A358]  }
0x275: {  	v63 =	vld [tilespmem:s21+$0xFFFFFFC0]  }
0x276: {  	v21 =	vld [tilespmem:s2+$0x1A368]  }
0x277: {  	p1 =	sle.s32 s22, $0x0;
	p2 =	sgt.s32 s23, $0x0;
	v22 =	vld [tilespmem:s2+$0x1A378]  }
0x278: {  	p1 =	por !p1, !p2;
	v23 =	vld [tilespmem:s2+$0x1A388]  }
0x279: {  	p4 =	sle.s32 s22, $0x1;
	p3 =	sgt.s32 s23, $0x1;
	v10 =	vld [tilespmem:s2+$0x1A398];
	p1 =	por !p1, !p1;
	v25 =	vmax.f32 v14, v25;
	v26 =	vmax.f32 v15, v26  }
0x27a: {  	p2 =	por !p4, !p3;
	v9 =	vld [tilespmem:s2+$0x1A3A8];
	v14 =	vpsel p1, v25, v14;
	v15 =	vpsel p1, v26, v15  }
0x27b: {  	p5 =	sle.s32 s22, $0x2;
	p4 =	sgt.s32 s23, $0x2;
	p2 =	por !p2, !p2;
	v25 =	vld [tilespmem:s21+$0xFFFFFF20];
	v27 =	vmax.f32 v14, v27;
	v28 =	vmax.f32 v15, v28  }
0x27c: {  	p3 =	por !p5, !p4;
	v26 =	vld [tilespmem:s21+$0xFFFFFF30];
	v14 =	vpsel p2, v27, v14;
	v15 =	vpsel p2, v28, v15  }
0x27d: {  	p6 =	sle.s32 s22, $0x3;
	v8 =	vld [tilespmem:s2+$0x1A3B8];
	p5 =	sgt.s32 s23, $0x3;
	p3 =	por !p3, !p3;
	v20 =	vmax.f32 v14, v20;
	v24 =	vmax.f32 v15, v24  }
0x27e: {  	p4 =	por !p6, !p5;
	v27 =	vld [tilespmem:s21+$0xFFFFFFB0];
	v14 =	vpsel p3, v20, v14;
	v24 =	vpsel p3, v24, v15  }
0x27f: {  	p4 =	por !p4, !p4;
	v20 =	vld [tilespmem:s21+$0x40];
	v15 =	vmax.f32 v14, v18;
	v19 =	vmax.f32 v24, v19  }
0x280: {  	v18 =	vld [tilespmem:s21+$0x50];
	v15 =	vpsel p4, v15, v14;
	v14 =	vpsel p4, v19, v24  }
0x281: {  	v24 =	vmax.f32 v21, v25;
	v25 =	vmax.f32 v22, v26;
	v26 =	vmax.f32 v23, v30;
	v19 =	vld [tilespmem:s21+$0xFFFFFFD0]  }
0x282: {  	v24 =	vpsel p1, v24, v21;
	v25 =	vpsel p1, v25, v22;
	v26 =	vpsel p1, v26, v23;
	v21 =	vld [tilespmem:s21+$0xFFFFFF50]  }
0x283: {  	v22 =	vld [tilespmem:s21+$0xFFFFFF60];
	v29 =	vmax.f32 v24, v29;
	v27 =	vmax.f32 v25, v27;
	v28 =	vmax.f32 v26, v63  }
0x284: {  	s24 =	simm.s32 $0x4;
	v23 =	vld [tilespmem:s21+$0xFFFFFF70];
	v24 =	vpsel p2, v29, v24;
	v25 =	vpsel p2, v27, v25;
	v26 =	vpsel p2, v28, v26  }
.LBB2_22:
0x285: {  	p5 =	sne.s32 s24, $0xFC;
	v27 =	vld [tilespmem:s21+$0xFFFFFFE0];
	v16 =	vmax.f32 v24, v16;
	v17 =	vmax.f32 v25, v17;
	v20 =	vmax.f32 v26, v20  }
0x286: {  	v28 =	vld [tilespmem:s21+$0xFFFFFFF0];
	v16 =	vpsel p3, v16, v24;
	v17 =	vpsel p3, v17, v25;
	v20 =	vpsel p3, v20, v26  }
0x287: {  	v24 =	vld [tilespmem:s21+$0x60];
	v11 =	vmax.f32 v16, v11;
	v12 =	vmax.f32 v17, v12;
	v13 =	vmax.f32 v20, v13  }
0x288: {  	v25 =	vld [tilespmem:s21+$0x70];
	v26 =	vpsel p4, v11, v16;
	v29 =	vpsel p4, v12, v17;
	v30 =	vpsel p4, v13, v20  }
0x289: {  	v11 =	vmax.f32 v10, v21;
	v12 =	vmax.f32 v9, v22;
	v13 =	vmax.f32 v8, v23;
	v16 =	vld [tilespmem:s21+$0xE0]  }
0x28a: {  	v10 =	vpsel p1, v11, v10;
	v9 =	vpsel p1, v12, v9;
	v8 =	vpsel p1, v13, v8;
	v17 =	vld [tilespmem:s21+$0xF0];
	s21 =	sadd.s32 $0x200, s21  }
0x28b: {  	v11 =	vmax.f32 v10, v19;
	v12 =	vmax.f32 v9, v27;
	v21 =	vld [tilespmem:s21+$0x80];
	v13 =	vmax.f32 v8, v28  }
0x28c: {  	v10 =	vpsel p2, v11, v10;
	v9 =	vpsel p2, v12, v9;
	v19 =	vld [tilespmem:s21+$0x90];
	v8 =	vpsel p2, v13, v8  }
0x28d: {  	v13 =	vmax.f32 v10, v18;
	v18 =	vmax.f32 v9, v24;
	v11 =	vld [tilespmem:s21+$0xA0];
	v20 =	vmax.f32 v8, v25  }
0x28e: {  	v10 =	vpsel p3, v13, v10;
	v9 =	vpsel p3, v18, v9;
	v12 =	vld [tilespmem:s21+$0xB0];
	v8 =	vpsel p3, v20, v8  }
0x28f: {  	v18 =	vmax.f32 v10, v7;
	v16 =	vmax.f32 v9, v16;
	v13 =	vld [tilespmem:s21+$0xC0];
	v17 =	vmax.f32 v8, v17  }
0x290: {  	v10 =	vpsel p4, v18, v10;
	v9 =	vpsel p4, v16, v9;
	v7 =	vld [tilespmem:s21+$0xD0];
	v8 =	vpsel p4, v17, v8  }
0x291: {  	v18 =	vld [tilespmem:s21+$0x0]  }
0x292: {  	v20 =	vld [tilespmem:s21+$0x10]  }
0x293: {  	v22 =	vld [tilespmem:s21+$0xFFFFFF00]  }
0x294: {  	v23 =	vld [tilespmem:s21+$0xFFFFFF10]  }
0x295: {  	v24 =	vld [tilespmem:s21+$0xFFFFFF80]  }
0x296: {  	v25 =	vld [tilespmem:s21+$0xFFFFFF90]  }
0x297: {  	p1 =	sle.s32 s22, s24;
	p2 =	slt.s32 s24, s23;
	v16 =	vld [tilespmem:s21+$0x20]  }
0x298: {  	s5 =	sadd.s32 $0x1, s24;
	p1 =	por !p1, !p2;
	v17 =	vld [tilespmem:s21+$0x30]  }
0x299: {  	p2 =	sle.s32 s22, s5;
	p1 =	por !p1, !p1;
	p3 =	slt.s32 s5, s23;
	v22 =	vmax.f32 v15, v22;
	v23 =	vmax.f32 v14, v23;
	v27 =	vld [tilespmem:s21+$0xFFFFFFA0]  }
0x29a: {  	s5 =	sadd.s32 $0x2, s24;
	p2 =	por !p2, !p3;
	v15 =	vpsel p1, v22, v15;
	v14 =	vpsel p1, v23, v14;
	v22 =	vld [tilespmem:s21+$0xFFFFFF20]  }
0x29b: {  	p3 =	sle.s32 s22, s5;
	p2 =	por !p2, !p2;
	p4 =	slt.s32 s5, s23;
	v24 =	vmax.f32 v15, v24;
	v23 =	vld [tilespmem:s21+$0xFFFFFF30];
	v25 =	vmax.f32 v14, v25  }
0x29c: {  	s5 =	sadd.s32 $0x3, s24;
	p3 =	por !p3, !p4;
	v15 =	vpsel p2, v24, v15;
	v28 =	vld [tilespmem:s21+$0xFFFFFF40];
	v14 =	vpsel p2, v25, v14  }
0x29d: {  	p4 =	sle.s32 s22, s5;
	p6 =	slt.s32 s5, s23;
	p3 =	por !p3, !p3;
	v18 =	vmax.f32 v15, v18;
	v24 =	vld [tilespmem:s21+$0xFFFFFFB0];
	v20 =	vmax.f32 v14, v20  }
0x29e: {  	p4 =	por !p4, !p6;
	v15 =	vpsel p3, v18, v15;
	v25 =	vld [tilespmem:s21+$0xFFFFFFC0];
	v14 =	vpsel p3, v20, v14  }
0x29f: {  	p4 =	por !p4, !p4;
	v21 =	vmax.f32 v15, v21;
	v20 =	vld [tilespmem:s21+$0x40];
	v19 =	vmax.f32 v14, v19  }
.Ltmp22:
0x2a0: {  	v15 =	vpsel p4, v21, v15;
	v18 =	vld [tilespmem:s21+$0x50];
	v14 =	vpsel p4, v19, v14;
	(pc) =	sbr.rel @p5 .LBB2_22-.Ltmp22, $4  }
0x2a1: {  	v21 =	vmax.f32 v26, v22;
	v22 =	vmax.f32 v29, v23;
	v23 =	vmax.f32 v30, v28;
	v19 =	vld [tilespmem:s21+$0xFFFFFFD0]  }
0x2a2: {  	v26 =	vpsel p1, v21, v26;
	v28 =	vpsel p1, v22, v29;
	v29 =	vpsel p1, v23, v30;
	v21 =	vld [tilespmem:s21+$0xFFFFFF50]  }
0x2a3: {  	v27 =	vmax.f32 v26, v27;
	v30 =	vmax.f32 v28, v24;
	v22 =	vld [tilespmem:s21+$0xFFFFFF60];
	v31 =	vmax.f32 v29, v25  }
0x2a4: {  	s24 =	sadd.s32 $0x4, s24;
	v24 =	vpsel p2, v27, v26;
	v25 =	vpsel p2, v30, v28;
	v23 =	vld [tilespmem:s21+$0xFFFFFF70];
	v26 =	vpsel p2, v31, v29  }
.Ltmp23:
0x2a5: {  	_ = 	snop;
	(pc) =	sbr.rel .LBB2_23-.Ltmp23, $1  }
0x2a6: {  	_ =	sdelay $0x3  }
.LBB2_27:
0x2a7: {  	_ =	sfence.sel $0x180000  }
0x2a8: {  	[bflag:$0x0] =	sbarrier.arrive $0xFFFF  }
0x2a9: {  	_ =	strace $0x90000047  }
0x2aa: {  	[bflag:$0x2] =	sbarrier.arrive $0xFFFF  }
0x2ab: {  	s0 =	rddreg [dreg:$0x4]  }
0x2ac: {  	s0 =	sadd.s32 @!p0 $0x100000, s0  }
0x2ad: {  	[sflag:s0] =	ssyncadd.tile.s32 @!p0 $0x1;
	_ =	shalt  }
.Lfunc_end2:
_tile_overlayer_lowered:
.L_overlay_start_2:
0x2ae: {  	(tag) =	ssettag $0x2  }
0x2af: {  	s0 =	rddreg [dreg:$0x0];
	s2 =	stileid.u32  }
0x2b0: {  	s1 =	rddreg [dreg:$0x1];
	p0 =	sne.s32 s2, $0x0  }
0x2b1: {  	s3 =	rddreg [dreg:$0x2];
	[bflag:$0x3] =	sbarrier.arrive $0xFFFF;
	s2 =	simm.s32 @!p0 $0x1C04  }
0x2b2: {  	[timem:s3], [sflag:s2] =	dma.local @!p0 [hbm:s0], s1  }
0x2b3: {  	s0 =	simm.s32 @!p0 $0x4  }
0x2b4: {  	_ =	swait.ge @!p0 [sflag:s0], s1  }
0x2b5: {  	s1 =	ssub.s32 @!p0 $0x0, s1;
	[sflag:s0] =	ssyncset.done @!p0 $0x0  }
0x2b6: {  	[sflag:s0] =	ssyncadd.s32 @!p0 s1  }
0x2b7: {  	[bflag:$0x3] =	sbarrier.arrive $0xFFFF  }
0x2b8: {  	_ =	shalt  }

</sc_bundles>
